<compile_context>
chip_gen: v7x
topology: tpu7x:2x2x1
jax: 0.10.2.dev20260603
libtpu: 0.0.44.dev20260713+nightly
codegen_flags: <defaults>
</compile_context>

<pallas_src>
import functools

import jax
import jax.numpy as jnp
from jax import lax
from jax.experimental import pallas as pl
from jax.experimental.pallas import tpu as pltpu
from jax.experimental.pallas import tpu_sc as plsc

NC = 2
NS = 16
LANES = 16
BBD = 128
BBM = 80


def _deg_body(nb, npad, per_tile, dst_hbm, ew_hbm, out_hbm, ewv, dstb, zbuf,
              acc, dsem, ssem):
    c = lax.axis_index("c")
    s = lax.axis_index("s")
    wid = c * NS + s
    gbase = wid * nb
    stripe = npad // NS
    soff = pl.multiple_of(s * stripe, 128)
    pltpu.sync_copy(ew_hbm.at[pl.ds(pl.multiple_of(wid * per_tile, 8),
                                    per_tile)], ewv)
    z = jnp.zeros((LANES,), jnp.float32)

    def zrow(r, _):
        zbuf[pl.ds(pl.multiple_of(r * LANES, LANES), LANES)] = z
        return 0

    lax.fori_loop(0, stripe // LANES, zrow, 0)
    pltpu.sync_copy(zbuf, acc.at[pl.ds(soff, stripe)])
    plsc.subcore_barrier()

    def fetch(b):
        sl = lax.rem(b, 4)
        pltpu.async_copy(dst_hbm.at[gbase + b], dstb.at[sl], dsem.at[sl])

    def ew_slice(b):
        return ewv.at[pl.ds(pl.multiple_of(b * BBD, 8), BBD)]

    def wait_scatter(b):
        pltpu.make_async_copy(ew_slice(b), acc.at[dstb.at[lax.rem(b, 4), 0]],
                              ssem.at[lax.rem(b, 2)]).wait()

    fetch(0)
    fetch(1)

    def batch(b, _):
        dsl = lax.rem(b, 4)
        pltpu.make_async_copy(dst_hbm.at[gbase + b], dstb.at[dsl],
                              dsem.at[dsl]).wait()

        @pl.when(b >= 2)
        def _():
            wait_scatter(b - 2)

        @pl.when(b + 2 < nb)
        def _():
            fetch(b + 2)

        pltpu.async_copy(ew_slice(b), acc.at[dstb.at[dsl, 0]],
                         ssem.at[lax.rem(b, 2)], add=True)
        return 0

    lax.fori_loop(0, nb, batch, 0)
    wait_scatter(nb - 2)
    wait_scatter(nb - 1)
    plsc.subcore_barrier()
    pltpu.sync_copy(acc.at[pl.ds(soff, stripe)], zbuf)
    pltpu.sync_copy(zbuf, out_hbm.at[c, pl.ds(soff, stripe)])


def _msg_body(nb, npad, d, hws_hbm, src_hbm, dst_hbm, ew_hbm,
              out_hbm, srcb, dstb, ewb, rows3, acc, esem, gsem,
              ssem):
    c = lax.axis_index("c")
    s = lax.axis_index("s")
    wid = c * NS + s
    gbase = wid * nb
    stripe = npad // NS
    nchunk = stripe // BBM
    nvec = d // LANES
    z = jnp.zeros((LANES,), jnp.float32)

    def zrow(r, _):
        for j in range(nvec):
            rows3[0, r, pl.ds(j * LANES, LANES)] = z
        return 0

    lax.fori_loop(0, BBM, zrow, 0)
    for kk in range(nchunk):
        pltpu.sync_copy(
            rows3.at[0],
            acc.at[pl.ds(pl.multiple_of(s * stripe + kk * BBM, 8), BBM)])
    plsc.subcore_barrier()

    def fetch_edges(b):
        sl = lax.rem(b, 3)
        pltpu.async_copy(src_hbm.at[gbase + b], srcb.at[sl], esem.at[sl])
        pltpu.async_copy(dst_hbm.at[gbase + b], dstb.at[sl], esem.at[sl])
        pltpu.async_copy(ew_hbm.at[gbase + b], ewb.at[sl], esem.at[sl])

    def wait_edges(b):
        sl = lax.rem(b, 3)
        pltpu.make_async_copy(src_hbm.at[gbase + b], srcb.at[sl],
                              esem.at[sl]).wait()
        pltpu.make_async_copy(dst_hbm.at[gbase + b], dstb.at[sl],
                              esem.at[sl]).wait()
        pltpu.make_async_copy(ew_hbm.at[gbase + b], ewb.at[sl],
                              esem.at[sl]).wait()

    def issue_gather(b, rslot):
        pltpu.async_copy(hws_hbm.at[srcb.at[lax.rem(b, 3), 0]],
                         rows3.at[rslot], gsem.at[rslot])

    fetch_edges(0)
    fetch_edges(1)
    wait_edges(0)
    issue_gather(0, 0)

    def batch(b, _):
        rslot = lax.rem(b, 2)
        other = 1 - rslot
        eslot = lax.rem(b, 3)

        @pl.when(b >= 1)
        def _():
            pltpu.make_async_copy(rows3.at[other],
                                  acc.at[dstb.at[lax.rem(b - 1, 3), 0]],
                                  ssem.at[other]).wait()

        @pl.when(b + 1 < nb)
        def _():
            wait_edges(b + 1)
            issue_gather(b + 1, other)

        pltpu.make_async_copy(hws_hbm.at[srcb.at[eslot, 0]], rows3.at[rslot],
                              gsem.at[rslot]).wait()
        zi = jnp.zeros((LANES,), jnp.int32)
        esl16 = jnp.broadcast_to(eslot, (LANES,))

        def scale(e8, _):
            base = e8 * 8
            scs = [plsc.load_gather(
                ewb, [esl16, zi, jnp.broadcast_to(base + u, (LANES,))])
                for u in range(8)]
            for u in range(8):
                for j2 in range(nvec):
                    sl2 = pl.ds(j2 * LANES, LANES)
                    rows3[rslot, base + u, sl2] = (
                        rows3[rslot, base + u, sl2] * scs[u])
            return 0

        lax.fori_loop(0, BBM // 8, scale, 0)

        @pl.when(b + 2 < nb)
        def _():
            fetch_edges(b + 2)

        pltpu.async_copy(rows3.at[rslot], acc.at[dstb.at[eslot, 0]],
                         ssem.at[rslot], add=True)
        return 0

    lax.fori_loop(0, nb, batch, 0)
    lastslot = (nb - 1) % 2
    pltpu.make_async_copy(rows3.at[lastslot],
                          acc.at[dstb.at[(nb - 1) % 3, 0]],
                          ssem.at[lastslot]).wait()
    plsc.subcore_barrier()
    for kk in range(nchunk):
        off = pl.multiple_of(s * stripe + kk * BBM, 8)
        pltpu.sync_copy(acc.at[pl.ds(off, BBM)], rows3.at[0])
        pltpu.sync_copy(rows3.at[0], out_hbm.at[c, pl.ds(off, BBM)])


def _dense_body(n, npad, d, h_ref, p_ref, w_ref, wih_ref, whh_ref, bih_ref,
                bhh_ref, pdegt_ref, hws_ref, dinv_ref, score_s, sel_s):
    f32 = jnp.float32
    nl = npad // 8
    p2 = p_ref[...]
    pn = jnp.sqrt(jnp.sum(p2 * p2, axis=1, keepdims=True))
    h = h_ref[...]
    sc0 = lax.dot_general(p2, h, (((1,), (1,)), ((), ())),
                          preferred_element_type=f32)
    iota1 = lax.broadcasted_iota(jnp.int32, (1, npad), 1)
    sc1 = jnp.where(iota1 < n, sc0 / pn, -jnp.inf)
    for r in range(8):
        score_s[r:r + 1, :] = sc1[:, r * nl:(r + 1) * nl]
    iota2 = (lax.broadcasted_iota(jnp.int32, (8, nl), 0) * nl
             + lax.broadcasted_iota(jnp.int32, (8, nl), 1))

    def step(i, _):
        sv = score_s[...]
        m = jnp.max(jnp.max(sv, axis=1, keepdims=True), axis=0,
                    keepdims=True)
        first = jnp.min(jnp.min(jnp.where(sv == m, iota2, npad), axis=1,
                                keepdims=True), axis=0, keepdims=True)
        sel = iota2 == first
        t = jnp.tanh(m)
        v = jnp.where(sel, t, 0.0).astype(f32)
        for r in range(8):
            sel_s[pl.ds(i, 1), r * nl:(r + 1) * nl] = v[r:r + 1, :]
        score_s[...] = jnp.where(sel, -jnp.inf, sv)
        return 0

    lax.fori_loop(0, d, step, 0)
    x = lax.dot_general(sel_s[...], h, (((1,), (0,)), ((), ())),
                        preferred_element_type=f32)
    gi = lax.dot_general(x, wih_ref[...], (((1,), (1,)), ((), ())),
                         preferred_element_type=f32) + bih_ref[...]
    gh = lax.dot_general(w_ref[...], whh_ref[...], (((1,), (1,)), ((), ())),
                         preferred_element_type=f32) + bhh_ref[...]
    i_r, i_z, i_n = gi[:, :d], gi[:, d:2 * d], gi[:, 2 * d:]
    h_r, h_z, h_n = gh[:, :d], gh[:, d:2 * d], gh[:, 2 * d:]
    r = jax.nn.sigmoid(i_r + h_r)
    zg = jax.nn.sigmoid(i_z + h_z)
    ng = jnp.tanh(i_n + r * h_n)
    wn = (1.0 - zg) * ng + zg * w_ref[...]
    hw = lax.dot_general(h, wn, (((1,), (0,)), ((), ())),
                         preferred_element_type=f32)
    pt = pdegt_ref[...]
    deg = 1.0 + pt[:, 0:1] + pt[:, 1:2]
    dinv = lax.rsqrt(deg)
    dinv_ref[...] = dinv
    hws_ref[...] = hw * dinv


def _comb_body(parts_ref, hws_ref, dinv_ref, out_ref):
    p = parts_ref[...]
    out_ref[...] = (p[0] + p[1] + hws_ref[...]) * dinv_ref[...]


def kernel(H, edge_index, edge_weight, W, p, W_ih, W_hh, b_ih, b_hh):
    f32 = jnp.float32
    n, d = H.shape
    e = edge_weight.shape[0]
    nw = NC * NS
    nbd = (e + nw * BBD - 1) // (nw * BBD)
    per_tile_d = nbd * BBD
    e_pad = nw * per_tile_d
    nbm = e // (nw * BBM)
    npad = ((n + NS * BBM - 1) // (NS * BBM)) * (NS * BBM)

    dst_p = jnp.concatenate(
        [edge_index[1], jnp.zeros((e_pad - e,), jnp.int32)])
    ew_p = jnp.concatenate([edge_weight, jnp.zeros((e_pad - e,), f32)])
    dstd3 = dst_p.reshape(nw * nbd, 1, BBD)
    ew1 = ew_p

    mesh = plsc.VectorSubcoreMesh(core_axis_name="c", subcore_axis_name="s",
                                  num_cores=NC, num_subcores=NS)
    sc_params = pltpu.CompilerParams(needs_layout_passes=False)

    deg_call = pl.kernel(
        functools.partial(_deg_body, nbd, npad, per_tile_d),
        out_type=jax.ShapeDtypeStruct((NC, npad), f32),
        mesh=mesh,
        scratch_types=[
            pltpu.VMEM((per_tile_d,), f32),
            pltpu.VMEM((4, 1, BBD), jnp.int32),
            pltpu.VMEM((npad // NS,), f32),
            pltpu.VMEM_SHARED((npad,), f32),
            pltpu.SemaphoreType.DMA((4,)),
            pltpu.SemaphoreType.DMA((2,)),
        ],
        compiler_params=sc_params,
    )
    pdeg = deg_call(dstd3, ew1)
    pdegt = jnp.transpose(pdeg)

    dense_call = pl.pallas_call(
        functools.partial(_dense_body, n, npad, d),
        out_shape=[
            jax.ShapeDtypeStruct((npad, d), f32),
            jax.ShapeDtypeStruct((npad, 1), f32),
        ],
        scratch_shapes=[
            pltpu.VMEM((8, npad // 8), f32),
            pltpu.VMEM((d, npad), f32),
        ],
    )
    h_pad = jnp.pad(H, ((0, npad - n), (0, 0)))
    hws, dinv = dense_call(h_pad, p.reshape(1, d), W, W_ih, W_hh,
                           b_ih.reshape(1, 3 * d), b_hh.reshape(1, 3 * d),
                           pdegt)

    src3 = edge_index[0].reshape(nw * nbm, 1, BBM)
    dst3 = edge_index[1].reshape(nw * nbm, 1, BBM)
    ew3 = edge_weight.reshape(nw * nbm, 1, BBM)
    msg_call = pl.kernel(
        functools.partial(_msg_body, nbm, npad, d),
        out_type=jax.ShapeDtypeStruct((NC, npad, d), f32),
        mesh=mesh,
        scratch_types=[
            pltpu.VMEM((3, 1, BBM), jnp.int32),
            pltpu.VMEM((3, 1, BBM), jnp.int32),
            pltpu.VMEM((3, 1, BBM), f32),
            pltpu.VMEM((2, BBM, d), f32),
            pltpu.VMEM_SHARED((npad, d), f32),
            pltpu.SemaphoreType.DMA((3,)),
            pltpu.SemaphoreType.DMA((2,)),
            pltpu.SemaphoreType.DMA((2,)),
        ],
        compiler_params=sc_params,
    )
    parts = msg_call(hws, src3, dst3, ew3)

    rb = 400
    comb_call = pl.pallas_call(
        _comb_body,
        grid=(n // rb,),
        in_specs=[
            pl.BlockSpec((NC, rb, d), lambda i: (0, i, 0)),
            pl.BlockSpec((rb, d), lambda i: (i, 0)),
            pl.BlockSpec((rb, 1), lambda i: (i, 0)),
        ],
        out_specs=pl.BlockSpec((rb, d), lambda i: (i, 0)),
        out_shape=jax.ShapeDtypeStruct((n, d), f32),
    )
    return comb_call(parts, hws, dinv)

# --- scband reference (transcript-rebuilt; emitter-appended) ---
"""Pipeline reference for scband-evolve-gcnh-60679297958238 (READ-ONLY COPY).

The authoritative reference and input builder live on the scoring server;
editing this copy changes nothing except your own understanding.
"""

import jax, jax.numpy as jnp
import numpy as np

N = 10000
D = 128
E = 320000

def setup_inputs(seed: int = 0):
    key = jax.random.key(seed)
    ks = jax.random.split(key, 9)
    H = jax.random.normal(ks[0], (N, D), dtype=jnp.float32)
    edge_index = jax.random.randint(ks[1], (2, E), 0, N, dtype=jnp.int32)
    edge_weight = jax.random.uniform(ks[2], (E,), dtype=jnp.float32)
    W = jax.random.normal(ks[3], (D, D), dtype=jnp.float32) * 0.05
    s = 1.0 / np.sqrt(D)
    p = jax.random.normal(ks[4], (D,), dtype=jnp.float32)
    W_ih = jax.random.uniform(ks[5], (3 * D, D), minval=-s, maxval=s, dtype=jnp.float32)
    W_hh = jax.random.uniform(ks[6], (3 * D, D), minval=-s, maxval=s, dtype=jnp.float32)
    b_ih = jax.random.uniform(ks[7], (3 * D,), minval=-s, maxval=s, dtype=jnp.float32)
    b_hh = jax.random.uniform(ks[8], (3 * D,), minval=-s, maxval=s, dtype=jnp.float32)
    return {"H": H, "edge_index": edge_index, "edge_weight": edge_weight, "W": W,
            "p": p, "W_ih": W_ih, "W_hh": W_hh, "b_ih": b_ih, "b_hh": b_hh}

def _gru_cell(x, h, W_ih, W_hh, b_ih, b_hh):
    gi = x @ W_ih.T + b_ih
    gh = h @ W_hh.T + b_hh
    i_r, i_z, i_n = jnp.split(gi, 3, axis=-1)
    h_r, h_z, h_n = jnp.split(gh, 3, axis=-1)
    r = jax.nn.sigmoid(i_r + h_r)
    z = jax.nn.sigmoid(i_z + h_z)
    n = jnp.tanh(i_n + r * h_n)
    return (1.0 - z) * n + z * h

def reference(H, edge_index, edge_weight, W, p, W_ih, W_hh, b_ih, b_hh):
    n, d = H.shape
    # TopK pooling: select k = in_channels nodes by learned score p
    score = (H @ p) / jnp.linalg.norm(p)
    vals, perm = jax.lax.top_k(score, d)
    X_tilde = H[perm] * jnp.tanh(vals)[:, None]  # [d, d]
    # Evolve GCN weight with one GRU step: input X_tilde, hidden = previous weight W
    W_new = _gru_cell(X_tilde, W, W_ih, W_hh, b_ih, b_hh)  # [d, d]
    # GCNConv with fixed (evolved) weight, add self-loops + symmetric norm
    src = edge_index[0]
    dst = edge_index[1]
    loop = jnp.arange(n, dtype=src.dtype)
    src2 = jnp.concatenate([src, loop])
    dst2 = jnp.concatenate([dst, loop])
    ew2 = jnp.concatenate([edge_weight, jnp.ones((n,), edge_weight.dtype)])
    deg = jax.ops.segment_sum(ew2, dst2, num_segments=n)
    dinv = jnp.where(deg > 0, 1.0 / jnp.sqrt(jnp.where(deg > 0, deg, 1.0)), 0.0)
    norm = dinv[src2] * ew2 * dinv[dst2]
    HW = H @ W_new
    msgs = HW[src2] * norm[:, None]
    H_tilde = jax.ops.segment_sum(msgs, dst2, num_segments=n)
    return H_tilde

if __name__ == "__main__":
    import jax
    _d = setup_inputs()
    print(jax.jit(kernel)(*tuple(_d.values())))

</pallas_src>

<mosaic_0001>
#map = affine_map<(d0, d1) -> (0, 0, 0)>
#map1 = affine_map<(d0, d1) -> (0)>
#map2 = affine_map<(d0, d1) -> (0, 0)>
module attributes {stable_mosaic.version = 14 : i64} {
  func.func @_deg_body(%arg0: i32, %arg1: i32, %arg2: memref<2528x1x128xi32, #tpu.memory_space<hbm>>, %arg3: memref<323584xf32, #tpu.memory_space<hbm>>, %arg4: memref<2x10240xf32, #tpu.memory_space<hbm>>, %arg5: memref<10112xf32, #tpu.memory_space<vmem>>, %arg6: memref<4x1x128xi32, #tpu.memory_space<vmem>>, %arg7: memref<640xf32, #tpu.memory_space<vmem>>, %arg8: memref<10240xf32, #tpu.memory_space<vmem_shared>>, %arg9: memref<4x!tpu.dma_semaphore, #tpu.memory_space<semaphore_mem>>, %arg10: memref<2x!tpu.dma_semaphore, #tpu.memory_space<semaphore_mem>>) attributes {dimension_semantics = [#tpu.dimension_semantics<core_parallel>, #tpu.dimension_semantics<subcore_parallel>], iteration_bounds = array<i64: 2, 16>, scalar_prefetch = 0 : i64, scratch_operands = 6 : i64, tpu.core_type = #tpu.core_type<sc_vector_subcore>, window_params = [{transform_indices = #map}, {transform_indices = #map1}, {transform_indices = #map2}]} {
    %mul3A = arith.constant 16 : i32
    %mul3A_0 = arith.muli %arg0, %mul3A : i32
    %add3A = arith.addi %mul3A_0, %arg1 : i32
    %mul3A_1 = arith.constant 79 : i32
    %mul3A_2 = arith.muli %add3A, %mul3A_1 : i32
    %mul3A_3 = arith.constant 640 : i32
    %mul3A_4 = arith.muli %arg1, %mul3A_3 : i32
    %multiple_of3A = tpu.assume_multiple %mul3A_4, 128 : i32
    %mul3A_5 = arith.constant 10112 : i32
    %mul3A_6 = arith.muli %add3A, %mul3A_5 : i32
    %multiple_of3A_7 = tpu.assume_multiple %mul3A_6, 8 : i32
    "tpu.region"() ({
      %run_scoped3A = tpu.sem_alloc : memref<!tpu.dma_semaphore, #tpu.memory_space<semaphore_mem>>
      %dma_start3A_100 = tpu.memref_slice %arg3[%multiple_of3A_7] : memref<323584xf32, #tpu.memory_space<hbm>> -> memref<10112xf32, #tpu.memory_space<hbm>>
      %dma_start3A_101 = tpu.memref_slice %arg3[%multiple_of3A_7] : memref<323584xf32, #tpu.memory_space<hbm>> -> memref<10112xf32, #tpu.memory_space<hbm>>
      tpu.enqueue_dma source(%dma_start3A_101 : memref<10112xf32, #tpu.memory_space<hbm>>) target(%arg5 : memref<10112xf32, #tpu.memory_space<vmem>>) target_semaphore(%run_scoped3A : memref<!tpu.dma_semaphore, #tpu.memory_space<semaphore_mem>>)
      %dma_wait3A_102 = tpu.memref_slice %arg3[%multiple_of3A_7] : memref<323584xf32, #tpu.memory_space<hbm>> -> memref<10112xf32, #tpu.memory_space<hbm>>
      %dma_wait3A_103 = tpu.memref_slice %arg3[%multiple_of3A_7] : memref<323584xf32, #tpu.memory_space<hbm>> -> memref<10112xf32, #tpu.memory_space<hbm>>
      tpu.wait_dma2 semaphore(%run_scoped3A : memref<!tpu.dma_semaphore, #tpu.memory_space<semaphore_mem>>) src(%dma_wait3A_103 : memref<10112xf32, #tpu.memory_space<hbm>>) dst(%arg5 : memref<10112xf32, #tpu.memory_space<vmem>>)
      tpu.yield
    }) : () -> ()
    %broadcast_in_dim3A = arith.constant 0.000000e+00 : f32
    %broadcast_in_dim3A_8 = vector.broadcast %broadcast_in_dim3A : f32 to vector<16xf32>
    %scan3A = arith.constant 0 : i32
    %scan3A_9 = arith.constant 0 : i32
    %scan3A_10 = arith.constant 40 : i32
    %scan3A_11 = arith.addi %scan3A_9, %scan3A_10 : i32
    %scan3A_12 = arith.constant 1 : i32
    %scan3A_13 = scf.for %scan3A_100 = %scan3A_9 to %scan3A_11 step %scan3A_12 iter_args(%scan3A_101 = %scan3A) -> (i32)  : i32 {
      %mul3A_102 = arith.constant 16 : i32
      %mul3A_103 = arith.muli %scan3A_100, %mul3A_102 : i32
      %multiple_of3A_104 = tpu.assume_multiple %mul3A_103, 16 : i32
      %swap3A = arith.index_cast %multiple_of3A_104 : i32 to index
      %swap3A_105 = tpu.vector_load %arg7[%swap3A] {strides = array<i32>} : memref<640xf32, #tpu.memory_space<vmem>>, vector<16xf32>,
      tpu.vector_store %arg7[%swap3A], %broadcast_in_dim3A_8 {strides = array<i32>} : memref<640xf32, #tpu.memory_space<vmem>>, vector<16xf32>,
      %scan3A_106 = arith.constant 0 : i32
      scf.yield %scan3A_106 : i32
    }
    %scan3A_14 = arith.constant 40 : i32
    "tpu.region"() ({
      %run_scoped3A = tpu.sem_alloc : memref<!tpu.dma_semaphore, #tpu.memory_space<semaphore_mem>>
      %dma_start3A_100 = tpu.memref_slice %arg8[%multiple_of3A] : memref<10240xf32, #tpu.memory_space<vmem_shared>> -> memref<640xf32, #tpu.memory_space<vmem_shared>>
      %dma_start3A_101 = tpu.memref_slice %arg8[%multiple_of3A] : memref<10240xf32, #tpu.memory_space<vmem_shared>> -> memref<640xf32, #tpu.memory_space<vmem_shared>>
      tpu.enqueue_dma source(%arg7 : memref<640xf32, #tpu.memory_space<vmem>>) target(%dma_start3A_101 : memref<640xf32, #tpu.memory_space<vmem_shared>>) target_semaphore(%run_scoped3A : memref<!tpu.dma_semaphore, #tpu.memory_space<semaphore_mem>>)
      %dma_wait3A_102 = tpu.memref_slice %arg8[%multiple_of3A] : memref<10240xf32, #tpu.memory_space<vmem_shared>> -> memref<640xf32, #tpu.memory_space<vmem_shared>>
      %dma_wait3A_103 = tpu.memref_slice %arg8[%multiple_of3A] : memref<10240xf32, #tpu.memory_space<vmem_shared>> -> memref<640xf32, #tpu.memory_space<vmem_shared>>
      tpu.wait_dma2 semaphore(%run_scoped3A : memref<!tpu.dma_semaphore, #tpu.memory_space<semaphore_mem>>) src(%arg7 : memref<640xf32, #tpu.memory_space<vmem>>) dst(%dma_wait3A_103 : memref<640xf32, #tpu.memory_space<vmem_shared>>)
      tpu.yield
    }) : () -> ()
    %barrier3A = arith.constant 0 : index
    tpu.barrier barrier_id(%barrier3A)
    %rem3A = arith.constant 0 : i32
    %rem3A_15 = arith.constant 4 : i32
    %rem3A_16 = arith.remsi %rem3A, %rem3A_15 : i32
    %add3A_17 = arith.constant 0 : i32
    %add3A_18 = arith.addi %mul3A_2, %add3A_17 : i32
    %dma_start3A = arith.constant 0 : i32
    %dma_start3A_19 = arith.constant 0 : i32
    %dma_start3A_20 = tpu.memref_slice %arg6[%rem3A_16, %dma_start3A, %dma_start3A_19] : memref<4x1x128xi32, #tpu.memory_space<vmem>> -> memref<1x1x128xi32, #tpu.memory_space<vmem>>
    %dma_start3A_21 = tpu.memref_squeeze %dma_start3A_20 : memref<1x1x128xi32, #tpu.memory_space<vmem>> -> memref<1x128xi32, #tpu.memory_space<vmem>>
    %dma_start3A_22 = arith.constant 0 : i32
    %dma_start3A_23 = arith.constant 0 : i32
    %dma_start3A_24 = tpu.memref_slice %arg2[%add3A_18, %dma_start3A_22, %dma_start3A_23] : memref<2528x1x128xi32, #tpu.memory_space<hbm>> -> memref<1x1x128xi32, #tpu.memory_space<hbm>>
    %dma_start3A_25 = tpu.memref_squeeze %dma_start3A_24 : memref<1x1x128xi32, #tpu.memory_space<hbm>> -> memref<1x128xi32, #tpu.memory_space<hbm>>
    %dma_start3A_26 = tpu.memref_slice %arg9[%rem3A_16] : memref<4x!tpu.dma_semaphore, #tpu.memory_space<semaphore_mem>> -> memref<1x!tpu.dma_semaphore, #tpu.memory_space<semaphore_mem>>
    %dma_start3A_27 = tpu.memref_squeeze %dma_start3A_26 : memref<1x!tpu.dma_semaphore, #tpu.memory_space<semaphore_mem>> -> memref<!tpu.dma_semaphore, #tpu.memory_space<semaphore_mem>>
    %dma_start3A_28 = arith.constant 0 : i32
    %dma_start3A_29 = arith.constant 0 : i32
    %dma_start3A_30 = tpu.memref_slice %arg6[%rem3A_16, %dma_start3A_28, %dma_start3A_29] : memref<4x1x128xi32, #tpu.memory_space<vmem>> -> memref<1x1x128xi32, #tpu.memory_space<vmem>>
    %dma_start3A_31 = tpu.memref_squeeze %dma_start3A_30 : memref<1x1x128xi32, #tpu.memory_space<vmem>> -> memref<1x128xi32, #tpu.memory_space<vmem>>
    %dma_start3A_32 = arith.constant 0 : i32
    %dma_start3A_33 = arith.constant 0 : i32
    %dma_start3A_34 = tpu.memref_slice %arg2[%add3A_18, %dma_start3A_32, %dma_start3A_33] : memref<2528x1x128xi32, #tpu.memory_space<hbm>> -> memref<1x1x128xi32, #tpu.memory_space<hbm>>
    %dma_start3A_35 = tpu.memref_squeeze %dma_start3A_34 : memref<1x1x128xi32, #tpu.memory_space<hbm>> -> memref<1x128xi32, #tpu.memory_space<hbm>>
    tpu.enqueue_dma source(%dma_start3A_35 : memref<1x128xi32, #tpu.memory_space<hbm>>) target(%dma_start3A_31 : memref<1x128xi32, #tpu.memory_space<vmem>>) target_semaphore(%dma_start3A_27 : memref<!tpu.dma_semaphore, #tpu.memory_space<semaphore_mem>>)
    %rem3A_36 = arith.constant 1 : i32
    %rem3A_37 = arith.constant 4 : i32
    %rem3A_38 = arith.remsi %rem3A_36, %rem3A_37 : i32
    %add3A_39 = arith.constant 1 : i32
    %add3A_40 = arith.addi %mul3A_2, %add3A_39 : i32
    %dma_start3A_41 = arith.constant 0 : i32
    %dma_start3A_42 = arith.constant 0 : i32
    %dma_start3A_43 = tpu.memref_slice %arg6[%rem3A_38, %dma_start3A_41, %dma_start3A_42] : memref<4x1x128xi32, #tpu.memory_space<vmem>> -> memref<1x1x128xi32, #tpu.memory_space<vmem>>
    %dma_start3A_44 = tpu.memref_squeeze %dma_start3A_43 : memref<1x1x128xi32, #tpu.memory_space<vmem>> -> memref<1x128xi32, #tpu.memory_space<vmem>>
    %dma_start3A_45 = arith.constant 0 : i32
    %dma_start3A_46 = arith.constant 0 : i32
    %dma_start3A_47 = tpu.memref_slice %arg2[%add3A_40, %dma_start3A_45, %dma_start3A_46] : memref<2528x1x128xi32, #tpu.memory_space<hbm>> -> memref<1x1x128xi32, #tpu.memory_space<hbm>>
    %dma_start3A_48 = tpu.memref_squeeze %dma_start3A_47 : memref<1x1x128xi32, #tpu.memory_space<hbm>> -> memref<1x128xi32, #tpu.memory_space<hbm>>
    %dma_start3A_49 = tpu.memref_slice %arg9[%rem3A_38] : memref<4x!tpu.dma_semaphore, #tpu.memory_space<semaphore_mem>> -> memref<1x!tpu.dma_semaphore, #tpu.memory_space<semaphore_mem>>
    %dma_start3A_50 = tpu.memref_squeeze %dma_start3A_49 : memref<1x!tpu.dma_semaphore, #tpu.memory_space<semaphore_mem>> -> memref<!tpu.dma_semaphore, #tpu.memory_space<semaphore_mem>>
    %dma_start3A_51 = arith.constant 0 : i32
    %dma_start3A_52 = arith.constant 0 : i32
    %dma_start3A_53 = tpu.memref_slice %arg6[%rem3A_38, %dma_start3A_51, %dma_start3A_52] : memref<4x1x128xi32, #tpu.memory_space<vmem>> -> memref<1x1x128xi32, #tpu.memory_space<vmem>>
    %dma_start3A_54 = tpu.memref_squeeze %dma_start3A_53 : memref<1x1x128xi32, #tpu.memory_space<vmem>> -> memref<1x128xi32, #tpu.memory_space<vmem>>
    %dma_start3A_55 = arith.constant 0 : i32
    %dma_start3A_56 = arith.constant 0 : i32
    %dma_start3A_57 = tpu.memref_slice %arg2[%add3A_40, %dma_start3A_55, %dma_start3A_56] : memref<2528x1x128xi32, #tpu.memory_space<hbm>> -> memref<1x1x128xi32, #tpu.memory_space<hbm>>
    %dma_start3A_58 = tpu.memref_squeeze %dma_start3A_57 : memref<1x1x128xi32, #tpu.memory_space<hbm>> -> memref<1x128xi32, #tpu.memory_space<hbm>>
    tpu.enqueue_dma source(%dma_start3A_58 : memref<1x128xi32, #tpu.memory_space<hbm>>) target(%dma_start3A_54 : memref<1x128xi32, #tpu.memory_space<vmem>>) target_semaphore(%dma_start3A_50 : memref<!tpu.dma_semaphore, #tpu.memory_space<semaphore_mem>>)
    %scan3A_59 = arith.constant 0 : i32
    %scan3A_60 = arith.constant 0 : i32
    %scan3A_61 = arith.constant 79 : i32
    %scan3A_62 = arith.addi %scan3A_60, %scan3A_61 : i32
    %scan3A_63 = arith.constant 1 : i32
    %scan3A_64 = scf.for %scan3A_100 = %scan3A_60 to %scan3A_62 step %scan3A_63 iter_args(%scan3A_101 = %scan3A_59) -> (i32)  : i32 {
      %rem3A_102 = arith.constant 4 : i32
      %rem3A_103 = arith.remsi %scan3A_100, %rem3A_102 : i32
      %add3A_104 = arith.addi %mul3A_2, %scan3A_100 : i32
      %dma_wait3A_105 = arith.constant 0 : i32
      %dma_wait3A_106 = arith.constant 0 : i32
      %dma_wait3A_107 = tpu.memref_slice %arg6[%rem3A_103, %dma_wait3A_105, %dma_wait3A_106] : memref<4x1x128xi32, #tpu.memory_space<vmem>> -> memref<1x1x128xi32, #tpu.memory_space<vmem>>
      %dma_wait3A_108 = tpu.memref_squeeze %dma_wait3A_107 : memref<1x1x128xi32, #tpu.memory_space<vmem>> -> memref<1x128xi32, #tpu.memory_space<vmem>>
      %dma_wait3A_109 = arith.constant 0 : i32
      %dma_wait3A_110 = arith.constant 0 : i32
      %dma_wait3A_111 = tpu.memref_slice %arg2[%add3A_104, %dma_wait3A_109, %dma_wait3A_110] : memref<2528x1x128xi32, #tpu.memory_space<hbm>> -> memref<1x1x128xi32, #tpu.memory_space<hbm>>
      %dma_wait3A_112 = tpu.memref_squeeze %dma_wait3A_111 : memref<1x1x128xi32, #tpu.memory_space<hbm>> -> memref<1x128xi32, #tpu.memory_space<hbm>>
      %dma_wait3A_113 = tpu.memref_slice %arg9[%rem3A_103] : memref<4x!tpu.dma_semaphore, #tpu.memory_space<semaphore_mem>> -> memref<1x!tpu.dma_semaphore, #tpu.memory_space<semaphore_mem>>
      %dma_wait3A_114 = tpu.memref_squeeze %dma_wait3A_113 : memref<1x!tpu.dma_semaphore, #tpu.memory_space<semaphore_mem>> -> memref<!tpu.dma_semaphore, #tpu.memory_space<semaphore_mem>>
      %dma_wait3A_115 = arith.constant 0 : i32
      %dma_wait3A_116 = arith.constant 0 : i32
      %dma_wait3A_117 = tpu.memref_slice %arg6[%rem3A_103, %dma_wait3A_115, %dma_wait3A_116] : memref<4x1x128xi32, #tpu.memory_space<vmem>> -> memref<1x1x128xi32, #tpu.memory_space<vmem>>
      %dma_wait3A_118 = tpu.memref_squeeze %dma_wait3A_117 : memref<1x1x128xi32, #tpu.memory_space<vmem>> -> memref<1x128xi32, #tpu.memory_space<vmem>>
      %dma_wait3A_119 = arith.constant 0 : i32
      %dma_wait3A_120 = arith.constant 0 : i32
      %dma_wait3A_121 = tpu.memref_slice %arg2[%add3A_104, %dma_wait3A_119, %dma_wait3A_120] : memref<2528x1x128xi32, #tpu.memory_space<hbm>> -> memref<1x1x128xi32, #tpu.memory_space<hbm>>
      %dma_wait3A_122 = tpu.memref_squeeze %dma_wait3A_121 : memref<1x1x128xi32, #tpu.memory_space<hbm>> -> memref<1x128xi32, #tpu.memory_space<hbm>>
      tpu.wait_dma2 semaphore(%dma_wait3A_114 : memref<!tpu.dma_semaphore, #tpu.memory_space<semaphore_mem>>) src(%dma_wait3A_122 : memref<1x128xi32, #tpu.memory_space<hbm>>) dst(%dma_wait3A_118 : memref<1x128xi32, #tpu.memory_space<vmem>>)
      %ge3A = arith.constant 2 : i32
      %ge3A_123 = arith.cmpi sge, %scan3A_100, %ge3A : i32
      %convert_element_type3A = arith.extui %ge3A_123 : i1 to i32
      %cond3A = arith.constant 0 : i32
      %cond3A_124 = arith.cmpi ne, %convert_element_type3A, %cond3A : i32
      scf.if %cond3A_124 {
        %sub3A = arith.constant 2 : i32
        %sub3A_146 = arith.subi %scan3A_100, %sub3A : i32
        %mul3A_147 = arith.constant 128 : i32
        %mul3A_148 = arith.muli %sub3A_146, %mul3A_147 : i32
        %multiple_of3A_149 = tpu.assume_multiple %mul3A_148, 8 : i32
        %rem3A_150 = arith.constant 4 : i32
        %rem3A_151 = arith.remsi %sub3A_146, %rem3A_150 : i32
        %rem3A_152 = arith.constant 2 : i32
        %rem3A_153 = arith.remsi %sub3A_146, %rem3A_152 : i32
        %dma_wait3A_154 = arith.constant 0 : i32
        %dma_wait3A_155 = tpu.memref_slice %arg5[%multiple_of3A_149] : memref<10112xf32, #tpu.memory_space<vmem>> -> memref<128xf32, #tpu.memory_space<vmem>>
        %dma_wait3A_156 = arith.constant 0 : i32
        %dma_wait3A_157 = tpu.memref_slice %arg6[%rem3A_151, %dma_wait3A_154, %dma_wait3A_156] : memref<4x1x128xi32, #tpu.memory_space<vmem>> -> memref<1x1x128xi32, #tpu.memory_space<vmem>>
        %dma_wait3A_158 = tpu.memref_squeeze %dma_wait3A_157 : memref<1x1x128xi32, #tpu.memory_space<vmem>> -> memref<128xi32, #tpu.memory_space<vmem>>
        %dma_wait3A_159 = arith.constant 0 : i32
        %dma_wait3A_160 = tpu.memref_slice %arg8[%dma_wait3A_159] : memref<10240xf32, #tpu.memory_space<vmem_shared>> -> memref<10240xf32, #tpu.memory_space<vmem_shared>>
        %dma_wait3A_161 = tpu.memref_slice %arg10[%rem3A_153] : memref<2x!tpu.dma_semaphore, #tpu.memory_space<semaphore_mem>> -> memref<1x!tpu.dma_semaphore, #tpu.memory_space<semaphore_mem>>
        %dma_wait3A_162 = tpu.memref_squeeze %dma_wait3A_161 : memref<1x!tpu.dma_semaphore, #tpu.memory_space<semaphore_mem>> -> memref<!tpu.dma_semaphore, #tpu.memory_space<semaphore_mem>>
        tpu.wait_indirect_dma semaphore(%dma_wait3A_162 : memref<!tpu.dma_semaphore, #tpu.memory_space<semaphore_mem>>) src(%dma_wait3A_155 : memref<128xf32, #tpu.memory_space<vmem>>) dst(%dma_wait3A_160 : memref<10240xf32, #tpu.memory_space<vmem_shared>>)
      } else {
      }
      %add3A_125 = arith.constant 2 : i32
      %add3A_126 = arith.addi %scan3A_100, %add3A_125 : i32
      %lt3A = arith.constant 79 : i32
      %lt3A_127 = arith.cmpi slt, %add3A_126, %lt3A : i32
      %convert_element_type3A_128 = arith.extui %lt3A_127 : i1 to i32
      %cond3A_129 = arith.constant 0 : i32
      %cond3A_130 = arith.cmpi ne, %convert_element_type3A_128, %cond3A_129 : i32
      scf.if %cond3A_130 {
        %add3A_146 = arith.constant 2 : i32
        %add3A_147 = arith.addi %scan3A_100, %add3A_146 : i32
        %rem3A_148 = arith.constant 4 : i32
        %rem3A_149 = arith.remsi %add3A_147, %rem3A_148 : i32
        %add3A_150 = arith.addi %mul3A_2, %add3A_147 : i32
        %dma_start3A_151 = arith.constant 0 : i32
        %dma_start3A_152 = arith.constant 0 : i32
        %dma_start3A_153 = tpu.memref_slice %arg6[%rem3A_149, %dma_start3A_151, %dma_start3A_152] : memref<4x1x128xi32, #tpu.memory_space<vmem>> -> memref<1x1x128xi32, #tpu.memory_space<vmem>>
        %dma_start3A_154 = tpu.memref_squeeze %dma_start3A_153 : memref<1x1x128xi32, #tpu.memory_space<vmem>> -> memref<1x128xi32, #tpu.memory_space<vmem>>
        %dma_start3A_155 = arith.constant 0 : i32
        %dma_start3A_156 = arith.constant 0 : i32
        %dma_start3A_157 = tpu.memref_slice %arg2[%add3A_150, %dma_start3A_155, %dma_start3A_156] : memref<2528x1x128xi32, #tpu.memory_space<hbm>> -> memref<1x1x128xi32, #tpu.memory_space<hbm>>
        %dma_start3A_158 = tpu.memref_squeeze %dma_start3A_157 : memref<1x1x128xi32, #tpu.memory_space<hbm>> -> memref<1x128xi32, #tpu.memory_space<hbm>>
        %dma_start3A_159 = tpu.memref_slice %arg9[%rem3A_149] : memref<4x!tpu.dma_semaphore, #tpu.memory_space<semaphore_mem>> -> memref<1x!tpu.dma_semaphore, #tpu.memory_space<semaphore_mem>>
        %dma_start3A_160 = tpu.memref_squeeze %dma_start3A_159 : memref<1x!tpu.dma_semaphore, #tpu.memory_space<semaphore_mem>> -> memref<!tpu.dma_semaphore, #tpu.memory_space<semaphore_mem>>
        %dma_start3A_161 = arith.constant 0 : i32
        %dma_start3A_162 = arith.constant 0 : i32
        %dma_start3A_163 = tpu.memref_slice %arg6[%rem3A_149, %dma_start3A_161, %dma_start3A_162] : memref<4x1x128xi32, #tpu.memory_space<vmem>> -> memref<1x1x128xi32, #tpu.memory_space<vmem>>
        %dma_start3A_164 = tpu.memref_squeeze %dma_start3A_163 : memref<1x1x128xi32, #tpu.memory_space<vmem>> -> memref<1x128xi32, #tpu.memory_space<vmem>>
        %dma_start3A_165 = arith.constant 0 : i32
        %dma_start3A_166 = arith.constant 0 : i32
        %dma_start3A_167 = tpu.memref_slice %arg2[%add3A_150, %dma_start3A_165, %dma_start3A_166] : memref<2528x1x128xi32, #tpu.memory_space<hbm>> -> memref<1x1x128xi32, #tpu.memory_space<hbm>>
        %dma_start3A_168 = tpu.memref_squeeze %dma_start3A_167 : memref<1x1x128xi32, #tpu.memory_space<hbm>> -> memref<1x128xi32, #tpu.memory_space<hbm>>
        tpu.enqueue_dma source(%dma_start3A_168 : memref<1x128xi32, #tpu.memory_space<hbm>>) target(%dma_start3A_164 : memref<1x128xi32, #tpu.memory_space<vmem>>) target_semaphore(%dma_start3A_160 : memref<!tpu.dma_semaphore, #tpu.memory_space<semaphore_mem>>)
      } else {
      }
      %mul3A_131 = arith.constant 128 : i32
      %mul3A_132 = arith.muli %scan3A_100, %mul3A_131 : i32
      %multiple_of3A_133 = tpu.assume_multiple %mul3A_132, 8 : i32
      %rem3A_134 = arith.constant 2 : i32
      %rem3A_135 = arith.remsi %scan3A_100, %rem3A_134 : i32
      %dma_start3A_136 = arith.constant 0 : i32
      %dma_start3A_137 = tpu.memref_slice %arg5[%multiple_of3A_133] : memref<10112xf32, #tpu.memory_space<vmem>> -> memref<128xf32, #tpu.memory_space<vmem>>
      %dma_start3A_138 = arith.constant 0 : i32
      %dma_start3A_139 = tpu.memref_slice %arg6[%rem3A_103, %dma_start3A_136, %dma_start3A_138] : memref<4x1x128xi32, #tpu.memory_space<vmem>> -> memref<1x1x128xi32, #tpu.memory_space<vmem>>
      %dma_start3A_140 = tpu.memref_squeeze %dma_start3A_139 : memref<1x1x128xi32, #tpu.memory_space<vmem>> -> memref<128xi32, #tpu.memory_space<vmem>>
      %dma_start3A_141 = arith.constant 0 : i32
      %dma_start3A_142 = tpu.memref_slice %arg8[%dma_start3A_141] : memref<10240xf32, #tpu.memory_space<vmem_shared>> -> memref<10240xf32, #tpu.memory_space<vmem_shared>>
      %dma_start3A_143 = tpu.memref_slice %arg10[%rem3A_135] : memref<2x!tpu.dma_semaphore, #tpu.memory_space<semaphore_mem>> -> memref<1x!tpu.dma_semaphore, #tpu.memory_space<semaphore_mem>>
      %dma_start3A_144 = tpu.memref_squeeze %dma_start3A_143 : memref<1x!tpu.dma_semaphore, #tpu.memory_space<semaphore_mem>> -> memref<!tpu.dma_semaphore, #tpu.memory_space<semaphore_mem>>
      tpu.enqueue_indirect_dma source(%dma_start3A_137 : memref<128xf32, #tpu.memory_space<vmem>>) target(%dma_start3A_142 : memref<10240xf32, #tpu.memory_space<vmem_shared>>) offsets(%dma_start3A_140 : memref<128xi32, #tpu.memory_space<vmem>>) semaphore(%dma_start3A_144 : memref<!tpu.dma_semaphore, #tpu.memory_space<semaphore_mem>>) {add = true}
      %scan3A_145 = arith.constant 0 : i32
      scf.yield %scan3A_145 : i32
    }
    %scan3A_65 = arith.constant 79 : i32
    %multiple_of3A_66 = arith.constant 9856 : i32
    %multiple_of3A_67 = tpu.assume_multiple %multiple_of3A_66, 8 : i32
    %rem3A_68 = arith.constant 77 : i32
    %rem3A_69 = arith.constant 4 : i32
    %rem3A_70 = arith.remsi %rem3A_68, %rem3A_69 : i32
    %rem3A_71 = arith.constant 77 : i32
    %rem3A_72 = arith.constant 2 : i32
    %rem3A_73 = arith.remsi %rem3A_71, %rem3A_72 : i32
    %dma_wait3A = arith.constant 0 : i32
    %dma_wait3A_74 = tpu.memref_slice %arg5[%multiple_of3A_67] : memref<10112xf32, #tpu.memory_space<vmem>> -> memref<128xf32, #tpu.memory_space<vmem>>
    %dma_wait3A_75 = arith.constant 0 : i32
    %dma_wait3A_76 = tpu.memref_slice %arg6[%rem3A_70, %dma_wait3A, %dma_wait3A_75] : memref<4x1x128xi32, #tpu.memory_space<vmem>> -> memref<1x1x128xi32, #tpu.memory_space<vmem>>
    %dma_wait3A_77 = tpu.memref_squeeze %dma_wait3A_76 : memref<1x1x128xi32, #tpu.memory_space<vmem>> -> memref<128xi32, #tpu.memory_space<vmem>>
    %dma_wait3A_78 = arith.constant 0 : i32
    %dma_wait3A_79 = tpu.memref_slice %arg8[%dma_wait3A_78] : memref<10240xf32, #tpu.memory_space<vmem_shared>> -> memref<10240xf32, #tpu.memory_space<vmem_shared>>
    %dma_wait3A_80 = tpu.memref_slice %arg10[%rem3A_73] : memref<2x!tpu.dma_semaphore, #tpu.memory_space<semaphore_mem>> -> memref<1x!tpu.dma_semaphore, #tpu.memory_space<semaphore_mem>>
    %dma_wait3A_81 = tpu.memref_squeeze %dma_wait3A_80 : memref<1x!tpu.dma_semaphore, #tpu.memory_space<semaphore_mem>> -> memref<!tpu.dma_semaphore, #tpu.memory_space<semaphore_mem>>
    tpu.wait_indirect_dma semaphore(%dma_wait3A_81 : memref<!tpu.dma_semaphore, #tpu.memory_space<semaphore_mem>>) src(%dma_wait3A_74 : memref<128xf32, #tpu.memory_space<vmem>>) dst(%dma_wait3A_79 : memref<10240xf32, #tpu.memory_space<vmem_shared>>)
    %multiple_of3A_82 = arith.constant 9984 : i32
    %multiple_of3A_83 = tpu.assume_multiple %multiple_of3A_82, 8 : i32
    %rem3A_84 = arith.constant 78 : i32
    %rem3A_85 = arith.constant 4 : i32
    %rem3A_86 = arith.remsi %rem3A_84, %rem3A_85 : i32
    %rem3A_87 = arith.constant 78 : i32
    %rem3A_88 = arith.constant 2 : i32
    %rem3A_89 = arith.remsi %rem3A_87, %rem3A_88 : i32
    %dma_wait3A_90 = arith.constant 0 : i32
    %dma_wait3A_91 = tpu.memref_slice %arg5[%multiple_of3A_83] : memref<10112xf32, #tpu.memory_space<vmem>> -> memref<128xf32, #tpu.memory_space<vmem>>
    %dma_wait3A_92 = arith.constant 0 : i32
    %dma_wait3A_93 = tpu.memref_slice %arg6[%rem3A_86, %dma_wait3A_90, %dma_wait3A_92] : memref<4x1x128xi32, #tpu.memory_space<vmem>> -> memref<1x1x128xi32, #tpu.memory_space<vmem>>
    %dma_wait3A_94 = tpu.memref_squeeze %dma_wait3A_93 : memref<1x1x128xi32, #tpu.memory_space<vmem>> -> memref<128xi32, #tpu.memory_space<vmem>>
    %dma_wait3A_95 = arith.constant 0 : i32
    %dma_wait3A_96 = tpu.memref_slice %arg8[%dma_wait3A_95] : memref<10240xf32, #tpu.memory_space<vmem_shared>> -> memref<10240xf32, #tpu.memory_space<vmem_shared>>
    %dma_wait3A_97 = tpu.memref_slice %arg10[%rem3A_89] : memref<2x!tpu.dma_semaphore, #tpu.memory_space<semaphore_mem>> -> memref<1x!tpu.dma_semaphore, #tpu.memory_space<semaphore_mem>>
    %dma_wait3A_98 = tpu.memref_squeeze %dma_wait3A_97 : memref<1x!tpu.dma_semaphore, #tpu.memory_space<semaphore_mem>> -> memref<!tpu.dma_semaphore, #tpu.memory_space<semaphore_mem>>
    tpu.wait_indirect_dma semaphore(%dma_wait3A_98 : memref<!tpu.dma_semaphore, #tpu.memory_space<semaphore_mem>>) src(%dma_wait3A_91 : memref<128xf32, #tpu.memory_space<vmem>>) dst(%dma_wait3A_96 : memref<10240xf32, #tpu.memory_space<vmem_shared>>)
    %barrier3A_99 = arith.constant 0 : index
    tpu.barrier barrier_id(%barrier3A_99)
    "tpu.region"() ({
      %run_scoped3A = tpu.sem_alloc : memref<!tpu.dma_semaphore, #tpu.memory_space<semaphore_mem>>
      %dma_start3A_100 = tpu.memref_slice %arg8[%multiple_of3A] : memref<10240xf32, #tpu.memory_space<vmem_shared>> -> memref<640xf32, #tpu.memory_space<vmem_shared>>
      %dma_start3A_101 = tpu.memref_slice %arg8[%multiple_of3A] : memref<10240xf32, #tpu.memory_space<vmem_shared>> -> memref<640xf32, #tpu.memory_space<vmem_shared>>
      tpu.enqueue_dma source(%dma_start3A_101 : memref<640xf32, #tpu.memory_space<vmem_shared>>) target(%arg7 : memref<640xf32, #tpu.memory_space<vmem>>) target_semaphore(%run_scoped3A : memref<!tpu.dma_semaphore, #tpu.memory_space<semaphore_mem>>)
      %dma_wait3A_102 = tpu.memref_slice %arg8[%multiple_of3A] : memref<10240xf32, #tpu.memory_space<vmem_shared>> -> memref<640xf32, #tpu.memory_space<vmem_shared>>
      %dma_wait3A_103 = tpu.memref_slice %arg8[%multiple_of3A] : memref<10240xf32, #tpu.memory_space<vmem_shared>> -> memref<640xf32, #tpu.memory_space<vmem_shared>>
      tpu.wait_dma2 semaphore(%run_scoped3A : memref<!tpu.dma_semaphore, #tpu.memory_space<semaphore_mem>>) src(%dma_wait3A_103 : memref<640xf32, #tpu.memory_space<vmem_shared>>) dst(%arg7 : memref<640xf32, #tpu.memory_space<vmem>>)
      tpu.yield
    }) : () -> ()
    "tpu.region"() ({
      %run_scoped3A = tpu.sem_alloc : memref<!tpu.dma_semaphore, #tpu.memory_space<semaphore_mem>>
      %dma_start3A_100 = tpu.memref_slice %arg4[%arg0, %multiple_of3A] : memref<2x10240xf32, #tpu.memory_space<hbm>> -> memref<1x640xf32, #tpu.memory_space<hbm>>
      %dma_start3A_101 = tpu.memref_squeeze %dma_start3A_100 : memref<1x640xf32, #tpu.memory_space<hbm>> -> memref<640xf32, #tpu.memory_space<hbm>>
      %dma_start3A_102 = tpu.memref_slice %arg4[%arg0, %multiple_of3A] : memref<2x10240xf32, #tpu.memory_space<hbm>> -> memref<1x640xf32, #tpu.memory_space<hbm>>
      %dma_start3A_103 = tpu.memref_squeeze %dma_start3A_102 : memref<1x640xf32, #tpu.memory_space<hbm>> -> memref<640xf32, #tpu.memory_space<hbm>>
      tpu.enqueue_dma source(%arg7 : memref<640xf32, #tpu.memory_space<vmem>>) target(%dma_start3A_103 : memref<640xf32, #tpu.memory_space<hbm>>) target_semaphore(%run_scoped3A : memref<!tpu.dma_semaphore, #tpu.memory_space<semaphore_mem>>)
      %dma_wait3A_104 = tpu.memref_slice %arg4[%arg0, %multiple_of3A] : memref<2x10240xf32, #tpu.memory_space<hbm>> -> memref<1x640xf32, #tpu.memory_space<hbm>>
      %dma_wait3A_105 = tpu.memref_squeeze %dma_wait3A_104 : memref<1x640xf32, #tpu.memory_space<hbm>> -> memref<640xf32, #tpu.memory_space<hbm>>
      %dma_wait3A_106 = tpu.memref_slice %arg4[%arg0, %multiple_of3A] : memref<2x10240xf32, #tpu.memory_space<hbm>> -> memref<1x640xf32, #tpu.memory_space<hbm>>
      %dma_wait3A_107 = tpu.memref_squeeze %dma_wait3A_106 : memref<1x640xf32, #tpu.memory_space<hbm>> -> memref<640xf32, #tpu.memory_space<hbm>>
      tpu.wait_dma2 semaphore(%run_scoped3A : memref<!tpu.dma_semaphore, #tpu.memory_space<semaphore_mem>>) src(%arg7 : memref<640xf32, #tpu.memory_space<vmem>>) dst(%dma_wait3A_107 : memref<640xf32, #tpu.memory_space<hbm>>)
      tpu.yield
    }) : () -> ()
    return
  }
}

#map = affine_map<(d0, d1) -> (0, 0)>
#map1 = affine_map<(d0, d1) -> (0, 0, 0)>
module attributes {stable_mosaic.version = 14 : i64} {
  func.func @_msg_body(%arg0: i32, %arg1: i32, %arg2: memref<10240x128xf32, #tpu.memory_space<hbm>>, %arg3: memref<4000x1x80xi32, #tpu.memory_space<hbm>>, %arg4: memref<4000x1x80xi32, #tpu.memory_space<hbm>>, %arg5: memref<4000x1x80xf32, #tpu.memory_space<hbm>>, %arg6: memref<2x10240x128xf32, #tpu.memory_space<hbm>>, %arg7: memref<3x1x80xi32, #tpu.memory_space<vmem>>, %arg8: memref<3x1x80xi32, #tpu.memory_space<vmem>>, %arg9: memref<3x1x80xf32, #tpu.memory_space<vmem>>, %arg10: memref<2x80x128xf32, #tpu.memory_space<vmem>>, %arg11: memref<10240x128xf32, #tpu.memory_space<vmem_shared>>, %arg12: memref<3x!tpu.dma_semaphore, #tpu.memory_space<semaphore_mem>>, %arg13: memref<2x!tpu.dma_semaphore, #tpu.memory_space<semaphore_mem>>, %arg14: memref<2x!tpu.dma_semaphore, #tpu.memory_space<semaphore_mem>>) attributes {dimension_semantics = [#tpu.dimension_semantics<core_parallel>, #tpu.dimension_semantics<subcore_parallel>], iteration_bounds = array<i64: 2, 16>, scalar_prefetch = 0 : i64, scratch_operands = 8 : i64, tpu.core_type = #tpu.core_type<sc_vector_subcore>, window_params = [{transform_indices = #map}, {transform_indices = #map1}, {transform_indices = #map1}, {transform_indices = #map1}, {transform_indices = #map1}]} {
    %mul3A = arith.constant 16 : i32
    %mul3A_0 = arith.muli %arg0, %mul3A : i32
    %add3A = arith.addi %mul3A_0, %arg1 : i32
    %mul3A_1 = arith.constant 125 : i32
    %mul3A_2 = arith.muli %add3A, %mul3A_1 : i32
    %broadcast_in_dim3A = arith.constant 0.000000e+00 : f32
    %broadcast_in_dim3A_3 = vector.broadcast %broadcast_in_dim3A : f32 to vector<16xf32>
    %scan3A = arith.constant 0 : i32
    %scan3A_4 = arith.constant 0 : i32
    %scan3A_5 = arith.constant 80 : i32
    %scan3A_6 = arith.addi %scan3A_4, %scan3A_5 : i32
    %scan3A_7 = arith.constant 1 : i32
    %scan3A_8 = scf.for %scan3A_340 = %scan3A_4 to %scan3A_6 step %scan3A_7 iter_args(%scan3A_341 = %scan3A) -> (i32)  : i32 {
      %swap3A = arith.constant 0 : i32
      %swap3A_342 = arith.index_cast %swap3A : i32 to index
      %swap3A_343 = arith.index_cast %scan3A_340 : i32 to index
      %swap3A_344 = arith.constant 0 : index
      %swap3A_345 = tpu.vector_load %arg10[%swap3A_342, %swap3A_343, %swap3A_344] {strides = array<i32>} : memref<2x80x128xf32, #tpu.memory_space<vmem>>, vector<16xf32>,
      tpu.vector_store %arg10[%swap3A_342, %swap3A_343, %swap3A_344], %broadcast_in_dim3A_3 {strides = array<i32>} : memref<2x80x128xf32, #tpu.memory_space<vmem>>, vector<16xf32>,
      %swap3A_346 = arith.constant 0 : i32
      %swap3A_347 = arith.index_cast %swap3A_346 : i32 to index
      %swap3A_348 = arith.index_cast %scan3A_340 : i32 to index
      %swap3A_349 = arith.constant 16 : index
      %swap3A_350 = tpu.vector_load %arg10[%swap3A_347, %swap3A_348, %swap3A_349] {strides = array<i32>} : memref<2x80x128xf32, #tpu.memory_space<vmem>>, vector<16xf32>,
      tpu.vector_store %arg10[%swap3A_347, %swap3A_348, %swap3A_349], %broadcast_in_dim3A_3 {strides = array<i32>} : memref<2x80x128xf32, #tpu.memory_space<vmem>>, vector<16xf32>,
      %swap3A_351 = arith.constant 0 : i32
      %swap3A_352 = arith.index_cast %swap3A_351 : i32 to index
      %swap3A_353 = arith.index_cast %scan3A_340 : i32 to index
      %swap3A_354 = arith.constant 32 : index
      %swap3A_355 = tpu.vector_load %arg10[%swap3A_352, %swap3A_353, %swap3A_354] {strides = array<i32>} : memref<2x80x128xf32, #tpu.memory_space<vmem>>, vector<16xf32>,
      tpu.vector_store %arg10[%swap3A_352, %swap3A_353, %swap3A_354], %broadcast_in_dim3A_3 {strides = array<i32>} : memref<2x80x128xf32, #tpu.memory_space<vmem>>, vector<16xf32>,
      %swap3A_356 = arith.constant 0 : i32
      %swap3A_357 = arith.index_cast %swap3A_356 : i32 to index
      %swap3A_358 = arith.index_cast %scan3A_340 : i32 to index
      %swap3A_359 = arith.constant 48 : index
      %swap3A_360 = tpu.vector_load %arg10[%swap3A_357, %swap3A_358, %swap3A_359] {strides = array<i32>} : memref<2x80x128xf32, #tpu.memory_space<vmem>>, vector<16xf32>,
      tpu.vector_store %arg10[%swap3A_357, %swap3A_358, %swap3A_359], %broadcast_in_dim3A_3 {strides = array<i32>} : memref<2x80x128xf32, #tpu.memory_space<vmem>>, vector<16xf32>,
      %swap3A_361 = arith.constant 0 : i32
      %swap3A_362 = arith.index_cast %swap3A_361 : i32 to index
      %swap3A_363 = arith.index_cast %scan3A_340 : i32 to index
      %swap3A_364 = arith.constant 64 : index
      %swap3A_365 = tpu.vector_load %arg10[%swap3A_362, %swap3A_363, %swap3A_364] {strides = array<i32>} : memref<2x80x128xf32, #tpu.memory_space<vmem>>, vector<16xf32>,
      tpu.vector_store %arg10[%swap3A_362, %swap3A_363, %swap3A_364], %broadcast_in_dim3A_3 {strides = array<i32>} : memref<2x80x128xf32, #tpu.memory_space<vmem>>, vector<16xf32>,
      %swap3A_366 = arith.constant 0 : i32
      %swap3A_367 = arith.index_cast %swap3A_366 : i32 to index
      %swap3A_368 = arith.index_cast %scan3A_340 : i32 to index
      %swap3A_369 = arith.constant 80 : index
      %swap3A_370 = tpu.vector_load %arg10[%swap3A_367, %swap3A_368, %swap3A_369] {strides = array<i32>} : memref<2x80x128xf32, #tpu.memory_space<vmem>>, vector<16xf32>,
      tpu.vector_store %arg10[%swap3A_367, %swap3A_368, %swap3A_369], %broadcast_in_dim3A_3 {strides = array<i32>} : memref<2x80x128xf32, #tpu.memory_space<vmem>>, vector<16xf32>,
      %swap3A_371 = arith.constant 0 : i32
      %swap3A_372 = arith.index_cast %swap3A_371 : i32 to index
      %swap3A_373 = arith.index_cast %scan3A_340 : i32 to index
      %swap3A_374 = arith.constant 96 : index
      %swap3A_375 = tpu.vector_load %arg10[%swap3A_372, %swap3A_373, %swap3A_374] {strides = array<i32>} : memref<2x80x128xf32, #tpu.memory_space<vmem>>, vector<16xf32>,
      tpu.vector_store %arg10[%swap3A_372, %swap3A_373, %swap3A_374], %broadcast_in_dim3A_3 {strides = array<i32>} : memref<2x80x128xf32, #tpu.memory_space<vmem>>, vector<16xf32>,
      %swap3A_376 = arith.constant 0 : i32
      %swap3A_377 = arith.index_cast %swap3A_376 : i32 to index
      %swap3A_378 = arith.index_cast %scan3A_340 : i32 to index
      %swap3A_379 = arith.constant 112 : index
      %swap3A_380 = tpu.vector_load %arg10[%swap3A_377, %swap3A_378, %swap3A_379] {strides = array<i32>} : memref<2x80x128xf32, #tpu.memory_space<vmem>>, vector<16xf32>,
      tpu.vector_store %arg10[%swap3A_377, %swap3A_378, %swap3A_379], %broadcast_in_dim3A_3 {strides = array<i32>} : memref<2x80x128xf32, #tpu.memory_space<vmem>>, vector<16xf32>,
      %scan3A_381 = arith.constant 0 : i32
      scf.yield %scan3A_381 : i32
    }
    %scan3A_9 = arith.constant 80 : i32
    %mul3A_10 = arith.constant 640 : i32
    %mul3A_11 = arith.muli %arg1, %mul3A_10 : i32
    %add3A_12 = arith.constant 0 : i32
    %add3A_13 = arith.addi %mul3A_11, %add3A_12 : i32
    %multiple_of3A = tpu.assume_multiple %add3A_13, 8 : i32
    %run_scoped3A = arith.constant 0 : i32
    "tpu.region"() ({
      %run_scoped3A_340 = tpu.sem_alloc : memref<!tpu.dma_semaphore, #tpu.memory_space<semaphore_mem>>
      %dma_start3A_341 = arith.constant 0 : i32
      %dma_start3A_342 = arith.constant 0 : i32
      %dma_start3A_343 = tpu.memref_slice %arg10[%run_scoped3A, %dma_start3A_341, %dma_start3A_342] : memref<2x80x128xf32, #tpu.memory_space<vmem>> -> memref<1x80x128xf32, #tpu.memory_space<vmem>>
      %dma_start3A_344 = tpu.memref_squeeze %dma_start3A_343 : memref<1x80x128xf32, #tpu.memory_space<vmem>> -> memref<80x128xf32, #tpu.memory_space<vmem>>
      %dma_start3A_345 = arith.constant 0 : i32
      %dma_start3A_346 = tpu.memref_slice %arg11[%multiple_of3A, %dma_start3A_345] : memref<10240x128xf32, #tpu.memory_space<vmem_shared>> -> memref<80x128xf32, #tpu.memory_space<vmem_shared>>
      %dma_start3A_347 = arith.constant 0 : i32
      %dma_start3A_348 = tpu.memref_slice %arg11[%multiple_of3A, %dma_start3A_347] : memref<10240x128xf32, #tpu.memory_space<vmem_shared>> -> memref<80x128xf32, #tpu.memory_space<vmem_shared>>
      %dma_start3A_349 = arith.constant 0 : i32
      %dma_start3A_350 = arith.constant 0 : i32
      %dma_start3A_351 = tpu.memref_slice %arg10[%run_scoped3A, %dma_start3A_349, %dma_start3A_350] : memref<2x80x128xf32, #tpu.memory_space<vmem>> -> memref<1x80x128xf32, #tpu.memory_space<vmem>>
      %dma_start3A_352 = tpu.memref_squeeze %dma_start3A_351 : memref<1x80x128xf32, #tpu.memory_space<vmem>> -> memref<80x128xf32, #tpu.memory_space<vmem>>
      tpu.enqueue_dma source(%dma_start3A_352 : memref<80x128xf32, #tpu.memory_space<vmem>>) target(%dma_start3A_348 : memref<80x128xf32, #tpu.memory_space<vmem_shared>>) target_semaphore(%run_scoped3A_340 : memref<!tpu.dma_semaphore, #tpu.memory_space<semaphore_mem>>)
      %dma_wait3A_353 = arith.constant 0 : i32
      %dma_wait3A_354 = arith.constant 0 : i32
      %dma_wait3A_355 = tpu.memref_slice %arg10[%run_scoped3A, %dma_wait3A_353, %dma_wait3A_354] : memref<2x80x128xf32, #tpu.memory_space<vmem>> -> memref<1x80x128xf32, #tpu.memory_space<vmem>>
      %dma_wait3A_356 = tpu.memref_squeeze %dma_wait3A_355 : memref<1x80x128xf32, #tpu.memory_space<vmem>> -> memref<80x128xf32, #tpu.memory_space<vmem>>
      %dma_wait3A_357 = arith.constant 0 : i32
      %dma_wait3A_358 = tpu.memref_slice %arg11[%multiple_of3A, %dma_wait3A_357] : memref<10240x128xf32, #tpu.memory_space<vmem_shared>> -> memref<80x128xf32, #tpu.memory_space<vmem_shared>>
      %dma_wait3A_359 = arith.constant 0 : i32
      %dma_wait3A_360 = tpu.memref_slice %arg11[%multiple_of3A, %dma_wait3A_359] : memref<10240x128xf32, #tpu.memory_space<vmem_shared>> -> memref<80x128xf32, #tpu.memory_space<vmem_shared>>
      %dma_wait3A_361 = arith.constant 0 : i32
      %dma_wait3A_362 = arith.constant 0 : i32
      %dma_wait3A_363 = tpu.memref_slice %arg10[%run_scoped3A, %dma_wait3A_361, %dma_wait3A_362] : memref<2x80x128xf32, #tpu.memory_space<vmem>> -> memref<1x80x128xf32, #tpu.memory_space<vmem>>
      %dma_wait3A_364 = tpu.memref_squeeze %dma_wait3A_363 : memref<1x80x128xf32, #tpu.memory_space<vmem>> -> memref<80x128xf32, #tpu.memory_space<vmem>>
      tpu.wait_dma2 semaphore(%run_scoped3A_340 : memref<!tpu.dma_semaphore, #tpu.memory_space<semaphore_mem>>) src(%dma_wait3A_364 : memref<80x128xf32, #tpu.memory_space<vmem>>) dst(%dma_wait3A_360 : memref<80x128xf32, #tpu.memory_space<vmem_shared>>)
      tpu.yield
    }) : () -> ()
    %mul3A_14 = arith.constant 640 : i32
    %mul3A_15 = arith.muli %arg1, %mul3A_14 : i32
    %add3A_16 = arith.constant 80 : i32
    %add3A_17 = arith.addi %mul3A_15, %add3A_16 : i32
    %multiple_of3A_18 = tpu.assume_multiple %add3A_17, 8 : i32
    %run_scoped3A_19 = arith.constant 0 : i32
    "tpu.region"() ({
      %run_scoped3A_340 = tpu.sem_alloc : memref<!tpu.dma_semaphore, #tpu.memory_space<semaphore_mem>>
      %dma_start3A_341 = arith.constant 0 : i32
      %dma_start3A_342 = arith.constant 0 : i32
      %dma_start3A_343 = tpu.memref_slice %arg10[%run_scoped3A_19, %dma_start3A_341, %dma_start3A_342] : memref<2x80x128xf32, #tpu.memory_space<vmem>> -> memref<1x80x128xf32, #tpu.memory_space<vmem>>
      %dma_start3A_344 = tpu.memref_squeeze %dma_start3A_343 : memref<1x80x128xf32, #tpu.memory_space<vmem>> -> memref<80x128xf32, #tpu.memory_space<vmem>>
      %dma_start3A_345 = arith.constant 0 : i32
      %dma_start3A_346 = tpu.memref_slice %arg11[%multiple_of3A_18, %dma_start3A_345] : memref<10240x128xf32, #tpu.memory_space<vmem_shared>> -> memref<80x128xf32, #tpu.memory_space<vmem_shared>>
      %dma_start3A_347 = arith.constant 0 : i32
      %dma_start3A_348 = tpu.memref_slice %arg11[%multiple_of3A_18, %dma_start3A_347] : memref<10240x128xf32, #tpu.memory_space<vmem_shared>> -> memref<80x128xf32, #tpu.memory_space<vmem_shared>>
      %dma_start3A_349 = arith.constant 0 : i32
      %dma_start3A_350 = arith.constant 0 : i32
      %dma_start3A_351 = tpu.memref_slice %arg10[%run_scoped3A_19, %dma_start3A_349, %dma_start3A_350] : memref<2x80x128xf32, #tpu.memory_space<vmem>> -> memref<1x80x128xf32, #tpu.memory_space<vmem>>
      %dma_start3A_352 = tpu.memref_squeeze %dma_start3A_351 : memref<1x80x128xf32, #tpu.memory_space<vmem>> -> memref<80x128xf32, #tpu.memory_space<vmem>>
      tpu.enqueue_dma source(%dma_start3A_352 : memref<80x128xf32, #tpu.memory_space<vmem>>) target(%dma_start3A_348 : memref<80x128xf32, #tpu.memory_space<vmem_shared>>) target_semaphore(%run_scoped3A_340 : memref<!tpu.dma_semaphore, #tpu.memory_space<semaphore_mem>>)
      %dma_wait3A_353 = arith.constant 0 : i32
      %dma_wait3A_354 = arith.constant 0 : i32
      %dma_wait3A_355 = tpu.memref_slice %arg10[%run_scoped3A_19, %dma_wait3A_353, %dma_wait3A_354] : memref<2x80x128xf32, #tpu.memory_space<vmem>> -> memref<1x80x128xf32, #tpu.memory_space<vmem>>
      %dma_wait3A_356 = tpu.memref_squeeze %dma_wait3A_355 : memref<1x80x128xf32, #tpu.memory_space<vmem>> -> memref<80x128xf32, #tpu.memory_space<vmem>>
      %dma_wait3A_357 = arith.constant 0 : i32
      %dma_wait3A_358 = tpu.memref_slice %arg11[%multiple_of3A_18, %dma_wait3A_357] : memref<10240x128xf32, #tpu.memory_space<vmem_shared>> -> memref<80x128xf32, #tpu.memory_space<vmem_shared>>
      %dma_wait3A_359 = arith.constant 0 : i32
      %dma_wait3A_360 = tpu.memref_slice %arg11[%multiple_of3A_18, %dma_wait3A_359] : memref<10240x128xf32, #tpu.memory_space<vmem_shared>> -> memref<80x128xf32, #tpu.memory_space<vmem_shared>>
      %dma_wait3A_361 = arith.constant 0 : i32
      %dma_wait3A_362 = arith.constant 0 : i32
      %dma_wait3A_363 = tpu.memref_slice %arg10[%run_scoped3A_19, %dma_wait3A_361, %dma_wait3A_362] : memref<2x80x128xf32, #tpu.memory_space<vmem>> -> memref<1x80x128xf32, #tpu.memory_space<vmem>>
      %dma_wait3A_364 = tpu.memref_squeeze %dma_wait3A_363 : memref<1x80x128xf32, #tpu.memory_space<vmem>> -> memref<80x128xf32, #tpu.memory_space<vmem>>
      tpu.wait_dma2 semaphore(%run_scoped3A_340 : memref<!tpu.dma_semaphore, #tpu.memory_space<semaphore_mem>>) src(%dma_wait3A_364 : memref<80x128xf32, #tpu.memory_space<vmem>>) dst(%dma_wait3A_360 : memref<80x128xf32, #tpu.memory_space<vmem_shared>>)
      tpu.yield
    }) : () -> ()
    %mul3A_20 = arith.constant 640 : i32
    %mul3A_21 = arith.muli %arg1, %mul3A_20 : i32
    %add3A_22 = arith.constant 160 : i32
    %add3A_23 = arith.addi %mul3A_21, %add3A_22 : i32
    %multiple_of3A_24 = tpu.assume_multiple %add3A_23, 8 : i32
    %run_scoped3A_25 = arith.constant 0 : i32
    "tpu.region"() ({
      %run_scoped3A_340 = tpu.sem_alloc : memref<!tpu.dma_semaphore, #tpu.memory_space<semaphore_mem>>
      %dma_start3A_341 = arith.constant 0 : i32
      %dma_start3A_342 = arith.constant 0 : i32
      %dma_start3A_343 = tpu.memref_slice %arg10[%run_scoped3A_25, %dma_start3A_341, %dma_start3A_342] : memref<2x80x128xf32, #tpu.memory_space<vmem>> -> memref<1x80x128xf32, #tpu.memory_space<vmem>>
      %dma_start3A_344 = tpu.memref_squeeze %dma_start3A_343 : memref<1x80x128xf32, #tpu.memory_space<vmem>> -> memref<80x128xf32, #tpu.memory_space<vmem>>
      %dma_start3A_345 = arith.constant 0 : i32
      %dma_start3A_346 = tpu.memref_slice %arg11[%multiple_of3A_24, %dma_start3A_345] : memref<10240x128xf32, #tpu.memory_space<vmem_shared>> -> memref<80x128xf32, #tpu.memory_space<vmem_shared>>
      %dma_start3A_347 = arith.constant 0 : i32
      %dma_start3A_348 = tpu.memref_slice %arg11[%multiple_of3A_24, %dma_start3A_347] : memref<10240x128xf32, #tpu.memory_space<vmem_shared>> -> memref<80x128xf32, #tpu.memory_space<vmem_shared>>
      %dma_start3A_349 = arith.constant 0 : i32
      %dma_start3A_350 = arith.constant 0 : i32
      %dma_start3A_351 = tpu.memref_slice %arg10[%run_scoped3A_25, %dma_start3A_349, %dma_start3A_350] : memref<2x80x128xf32, #tpu.memory_space<vmem>> -> memref<1x80x128xf32, #tpu.memory_space<vmem>>
      %dma_start3A_352 = tpu.memref_squeeze %dma_start3A_351 : memref<1x80x128xf32, #tpu.memory_space<vmem>> -> memref<80x128xf32, #tpu.memory_space<vmem>>
      tpu.enqueue_dma source(%dma_start3A_352 : memref<80x128xf32, #tpu.memory_space<vmem>>) target(%dma_start3A_348 : memref<80x128xf32, #tpu.memory_space<vmem_shared>>) target_semaphore(%run_scoped3A_340 : memref<!tpu.dma_semaphore, #tpu.memory_space<semaphore_mem>>)
      %dma_wait3A_353 = arith.constant 0 : i32
      %dma_wait3A_354 = arith.constant 0 : i32
      %dma_wait3A_355 = tpu.memref_slice %arg10[%run_scoped3A_25, %dma_wait3A_353, %dma_wait3A_354] : memref<2x80x128xf32, #tpu.memory_space<vmem>> -> memref<1x80x128xf32, #tpu.memory_space<vmem>>
      %dma_wait3A_356 = tpu.memref_squeeze %dma_wait3A_355 : memref<1x80x128xf32, #tpu.memory_space<vmem>> -> memref<80x128xf32, #tpu.memory_space<vmem>>
      %dma_wait3A_357 = arith.constant 0 : i32
      %dma_wait3A_358 = tpu.memref_slice %arg11[%multiple_of3A_24, %dma_wait3A_357] : memref<10240x128xf32, #tpu.memory_space<vmem_shared>> -> memref<80x128xf32, #tpu.memory_space<vmem_shared>>
      %dma_wait3A_359 = arith.constant 0 : i32
      %dma_wait3A_360 = tpu.memref_slice %arg11[%multiple_of3A_24, %dma_wait3A_359] : memref<10240x128xf32, #tpu.memory_space<vmem_shared>> -> memref<80x128xf32, #tpu.memory_space<vmem_shared>>
      %dma_wait3A_361 = arith.constant 0 : i32
      %dma_wait3A_362 = arith.constant 0 : i32
      %dma_wait3A_363 = tpu.memref_slice %arg10[%run_scoped3A_25, %dma_wait3A_361, %dma_wait3A_362] : memref<2x80x128xf32, #tpu.memory_space<vmem>> -> memref<1x80x128xf32, #tpu.memory_space<vmem>>
      %dma_wait3A_364 = tpu.memref_squeeze %dma_wait3A_363 : memref<1x80x128xf32, #tpu.memory_space<vmem>> -> memref<80x128xf32, #tpu.memory_space<vmem>>
      tpu.wait_dma2 semaphore(%run_scoped3A_340 : memref<!tpu.dma_semaphore, #tpu.memory_space<semaphore_mem>>) src(%dma_wait3A_364 : memref<80x128xf32, #tpu.memory_space<vmem>>) dst(%dma_wait3A_360 : memref<80x128xf32, #tpu.memory_space<vmem_shared>>)
      tpu.yield
    }) : () -> ()
    %mul3A_26 = arith.constant 640 : i32
    %mul3A_27 = arith.muli %arg1, %mul3A_26 : i32
    %add3A_28 = arith.constant 240 : i32
    %add3A_29 = arith.addi %mul3A_27, %add3A_28 : i32
    %multiple_of3A_30 = tpu.assume_multiple %add3A_29, 8 : i32
    %run_scoped3A_31 = arith.constant 0 : i32
    "tpu.region"() ({
      %run_scoped3A_340 = tpu.sem_alloc : memref<!tpu.dma_semaphore, #tpu.memory_space<semaphore_mem>>
      %dma_start3A_341 = arith.constant 0 : i32
      %dma_start3A_342 = arith.constant 0 : i32
      %dma_start3A_343 = tpu.memref_slice %arg10[%run_scoped3A_31, %dma_start3A_341, %dma_start3A_342] : memref<2x80x128xf32, #tpu.memory_space<vmem>> -> memref<1x80x128xf32, #tpu.memory_space<vmem>>
      %dma_start3A_344 = tpu.memref_squeeze %dma_start3A_343 : memref<1x80x128xf32, #tpu.memory_space<vmem>> -> memref<80x128xf32, #tpu.memory_space<vmem>>
      %dma_start3A_345 = arith.constant 0 : i32
      %dma_start3A_346 = tpu.memref_slice %arg11[%multiple_of3A_30, %dma_start3A_345] : memref<10240x128xf32, #tpu.memory_space<vmem_shared>> -> memref<80x128xf32, #tpu.memory_space<vmem_shared>>
      %dma_start3A_347 = arith.constant 0 : i32
      %dma_start3A_348 = tpu.memref_slice %arg11[%multiple_of3A_30, %dma_start3A_347] : memref<10240x128xf32, #tpu.memory_space<vmem_shared>> -> memref<80x128xf32, #tpu.memory_space<vmem_shared>>
      %dma_start3A_349 = arith.constant 0 : i32
      %dma_start3A_350 = arith.constant 0 : i32
      %dma_start3A_351 = tpu.memref_slice %arg10[%run_scoped3A_31, %dma_start3A_349, %dma_start3A_350] : memref<2x80x128xf32, #tpu.memory_space<vmem>> -> memref<1x80x128xf32, #tpu.memory_space<vmem>>
      %dma_start3A_352 = tpu.memref_squeeze %dma_start3A_351 : memref<1x80x128xf32, #tpu.memory_space<vmem>> -> memref<80x128xf32, #tpu.memory_space<vmem>>
      tpu.enqueue_dma source(%dma_start3A_352 : memref<80x128xf32, #tpu.memory_space<vmem>>) target(%dma_start3A_348 : memref<80x128xf32, #tpu.memory_space<vmem_shared>>) target_semaphore(%run_scoped3A_340 : memref<!tpu.dma_semaphore, #tpu.memory_space<semaphore_mem>>)
      %dma_wait3A_353 = arith.constant 0 : i32
      %dma_wait3A_354 = arith.constant 0 : i32
      %dma_wait3A_355 = tpu.memref_slice %arg10[%run_scoped3A_31, %dma_wait3A_353, %dma_wait3A_354] : memref<2x80x128xf32, #tpu.memory_space<vmem>> -> memref<1x80x128xf32, #tpu.memory_space<vmem>>
      %dma_wait3A_356 = tpu.memref_squeeze %dma_wait3A_355 : memref<1x80x128xf32, #tpu.memory_space<vmem>> -> memref<80x128xf32, #tpu.memory_space<vmem>>
      %dma_wait3A_357 = arith.constant 0 : i32
      %dma_wait3A_358 = tpu.memref_slice %arg11[%multiple_of3A_30, %dma_wait3A_357] : memref<10240x128xf32, #tpu.memory_space<vmem_shared>> -> memref<80x128xf32, #tpu.memory_space<vmem_shared>>
      %dma_wait3A_359 = arith.constant 0 : i32
      %dma_wait3A_360 = tpu.memref_slice %arg11[%multiple_of3A_30, %dma_wait3A_359] : memref<10240x128xf32, #tpu.memory_space<vmem_shared>> -> memref<80x128xf32, #tpu.memory_space<vmem_shared>>
      %dma_wait3A_361 = arith.constant 0 : i32
      %dma_wait3A_362 = arith.constant 0 : i32
      %dma_wait3A_363 = tpu.memref_slice %arg10[%run_scoped3A_31, %dma_wait3A_361, %dma_wait3A_362] : memref<2x80x128xf32, #tpu.memory_space<vmem>> -> memref<1x80x128xf32, #tpu.memory_space<vmem>>
      %dma_wait3A_364 = tpu.memref_squeeze %dma_wait3A_363 : memref<1x80x128xf32, #tpu.memory_space<vmem>> -> memref<80x128xf32, #tpu.memory_space<vmem>>
      tpu.wait_dma2 semaphore(%run_scoped3A_340 : memref<!tpu.dma_semaphore, #tpu.memory_space<semaphore_mem>>) src(%dma_wait3A_364 : memref<80x128xf32, #tpu.memory_space<vmem>>) dst(%dma_wait3A_360 : memref<80x128xf32, #tpu.memory_space<vmem_shared>>)
      tpu.yield
    }) : () -> ()
    %mul3A_32 = arith.constant 640 : i32
    %mul3A_33 = arith.muli %arg1, %mul3A_32 : i32
    %add3A_34 = arith.constant 320 : i32
    %add3A_35 = arith.addi %mul3A_33, %add3A_34 : i32
    %multiple_of3A_36 = tpu.assume_multiple %add3A_35, 8 : i32
    %run_scoped3A_37 = arith.constant 0 : i32
    "tpu.region"() ({
      %run_scoped3A_340 = tpu.sem_alloc : memref<!tpu.dma_semaphore, #tpu.memory_space<semaphore_mem>>
      %dma_start3A_341 = arith.constant 0 : i32
      %dma_start3A_342 = arith.constant 0 : i32
      %dma_start3A_343 = tpu.memref_slice %arg10[%run_scoped3A_37, %dma_start3A_341, %dma_start3A_342] : memref<2x80x128xf32, #tpu.memory_space<vmem>> -> memref<1x80x128xf32, #tpu.memory_space<vmem>>
      %dma_start3A_344 = tpu.memref_squeeze %dma_start3A_343 : memref<1x80x128xf32, #tpu.memory_space<vmem>> -> memref<80x128xf32, #tpu.memory_space<vmem>>
      %dma_start3A_345 = arith.constant 0 : i32
      %dma_start3A_346 = tpu.memref_slice %arg11[%multiple_of3A_36, %dma_start3A_345] : memref<10240x128xf32, #tpu.memory_space<vmem_shared>> -> memref<80x128xf32, #tpu.memory_space<vmem_shared>>
      %dma_start3A_347 = arith.constant 0 : i32
      %dma_start3A_348 = tpu.memref_slice %arg11[%multiple_of3A_36, %dma_start3A_347] : memref<10240x128xf32, #tpu.memory_space<vmem_shared>> -> memref<80x128xf32, #tpu.memory_space<vmem_shared>>
      %dma_start3A_349 = arith.constant 0 : i32
      %dma_start3A_350 = arith.constant 0 : i32
      %dma_start3A_351 = tpu.memref_slice %arg10[%run_scoped3A_37, %dma_start3A_349, %dma_start3A_350] : memref<2x80x128xf32, #tpu.memory_space<vmem>> -> memref<1x80x128xf32, #tpu.memory_space<vmem>>
      %dma_start3A_352 = tpu.memref_squeeze %dma_start3A_351 : memref<1x80x128xf32, #tpu.memory_space<vmem>> -> memref<80x128xf32, #tpu.memory_space<vmem>>
      tpu.enqueue_dma source(%dma_start3A_352 : memref<80x128xf32, #tpu.memory_space<vmem>>) target(%dma_start3A_348 : memref<80x128xf32, #tpu.memory_space<vmem_shared>>) target_semaphore(%run_scoped3A_340 : memref<!tpu.dma_semaphore, #tpu.memory_space<semaphore_mem>>)
      %dma_wait3A_353 = arith.constant 0 : i32
      %dma_wait3A_354 = arith.constant 0 : i32
      %dma_wait3A_355 = tpu.memref_slice %arg10[%run_scoped3A_37, %dma_wait3A_353, %dma_wait3A_354] : memref<2x80x128xf32, #tpu.memory_space<vmem>> -> memref<1x80x128xf32, #tpu.memory_space<vmem>>
      %dma_wait3A_356 = tpu.memref_squeeze %dma_wait3A_355 : memref<1x80x128xf32, #tpu.memory_space<vmem>> -> memref<80x128xf32, #tpu.memory_space<vmem>>
      %dma_wait3A_357 = arith.constant 0 : i32
      %dma_wait3A_358 = tpu.memref_slice %arg11[%multiple_of3A_36, %dma_wait3A_357] : memref<10240x128xf32, #tpu.memory_space<vmem_shared>> -> memref<80x128xf32, #tpu.memory_space<vmem_shared>>
      %dma_wait3A_359 = arith.constant 0 : i32
      %dma_wait3A_360 = tpu.memref_slice %arg11[%multiple_of3A_36, %dma_wait3A_359] : memref<10240x128xf32, #tpu.memory_space<vmem_shared>> -> memref<80x128xf32, #tpu.memory_space<vmem_shared>>
      %dma_wait3A_361 = arith.constant 0 : i32
      %dma_wait3A_362 = arith.constant 0 : i32
      %dma_wait3A_363 = tpu.memref_slice %arg10[%run_scoped3A_37, %dma_wait3A_361, %dma_wait3A_362] : memref<2x80x128xf32, #tpu.memory_space<vmem>> -> memref<1x80x128xf32, #tpu.memory_space<vmem>>
      %dma_wait3A_364 = tpu.memref_squeeze %dma_wait3A_363 : memref<1x80x128xf32, #tpu.memory_space<vmem>> -> memref<80x128xf32, #tpu.memory_space<vmem>>
      tpu.wait_dma2 semaphore(%run_scoped3A_340 : memref<!tpu.dma_semaphore, #tpu.memory_space<semaphore_mem>>) src(%dma_wait3A_364 : memref<80x128xf32, #tpu.memory_space<vmem>>) dst(%dma_wait3A_360 : memref<80x128xf32, #tpu.memory_space<vmem_shared>>)
      tpu.yield
    }) : () -> ()
    %mul3A_38 = arith.constant 640 : i32
    %mul3A_39 = arith.muli %arg1, %mul3A_38 : i32
    %add3A_40 = arith.constant 400 : i32
    %add3A_41 = arith.addi %mul3A_39, %add3A_40 : i32
    %multiple_of3A_42 = tpu.assume_multiple %add3A_41, 8 : i32
    %run_scoped3A_43 = arith.constant 0 : i32
    "tpu.region"() ({
      %run_scoped3A_340 = tpu.sem_alloc : memref<!tpu.dma_semaphore, #tpu.memory_space<semaphore_mem>>
      %dma_start3A_341 = arith.constant 0 : i32
      %dma_start3A_342 = arith.constant 0 : i32
      %dma_start3A_343 = tpu.memref_slice %arg10[%run_scoped3A_43, %dma_start3A_341, %dma_start3A_342] : memref<2x80x128xf32, #tpu.memory_space<vmem>> -> memref<1x80x128xf32, #tpu.memory_space<vmem>>
      %dma_start3A_344 = tpu.memref_squeeze %dma_start3A_343 : memref<1x80x128xf32, #tpu.memory_space<vmem>> -> memref<80x128xf32, #tpu.memory_space<vmem>>
      %dma_start3A_345 = arith.constant 0 : i32
      %dma_start3A_346 = tpu.memref_slice %arg11[%multiple_of3A_42, %dma_start3A_345] : memref<10240x128xf32, #tpu.memory_space<vmem_shared>> -> memref<80x128xf32, #tpu.memory_space<vmem_shared>>
      %dma_start3A_347 = arith.constant 0 : i32
      %dma_start3A_348 = tpu.memref_slice %arg11[%multiple_of3A_42, %dma_start3A_347] : memref<10240x128xf32, #tpu.memory_space<vmem_shared>> -> memref<80x128xf32, #tpu.memory_space<vmem_shared>>
      %dma_start3A_349 = arith.constant 0 : i32
      %dma_start3A_350 = arith.constant 0 : i32
      %dma_start3A_351 = tpu.memref_slice %arg10[%run_scoped3A_43, %dma_start3A_349, %dma_start3A_350] : memref<2x80x128xf32, #tpu.memory_space<vmem>> -> memref<1x80x128xf32, #tpu.memory_space<vmem>>
      %dma_start3A_352 = tpu.memref_squeeze %dma_start3A_351 : memref<1x80x128xf32, #tpu.memory_space<vmem>> -> memref<80x128xf32, #tpu.memory_space<vmem>>
      tpu.enqueue_dma source(%dma_start3A_352 : memref<80x128xf32, #tpu.memory_space<vmem>>) target(%dma_start3A_348 : memref<80x128xf32, #tpu.memory_space<vmem_shared>>) target_semaphore(%run_scoped3A_340 : memref<!tpu.dma_semaphore, #tpu.memory_space<semaphore_mem>>)
      %dma_wait3A_353 = arith.constant 0 : i32
      %dma_wait3A_354 = arith.constant 0 : i32
      %dma_wait3A_355 = tpu.memref_slice %arg10[%run_scoped3A_43, %dma_wait3A_353, %dma_wait3A_354] : memref<2x80x128xf32, #tpu.memory_space<vmem>> -> memref<1x80x128xf32, #tpu.memory_space<vmem>>
      %dma_wait3A_356 = tpu.memref_squeeze %dma_wait3A_355 : memref<1x80x128xf32, #tpu.memory_space<vmem>> -> memref<80x128xf32, #tpu.memory_space<vmem>>
      %dma_wait3A_357 = arith.constant 0 : i32
      %dma_wait3A_358 = tpu.memref_slice %arg11[%multiple_of3A_42, %dma_wait3A_357] : memref<10240x128xf32, #tpu.memory_space<vmem_shared>> -> memref<80x128xf32, #tpu.memory_space<vmem_shared>>
      %dma_wait3A_359 = arith.constant 0 : i32
      %dma_wait3A_360 = tpu.memref_slice %arg11[%multiple_of3A_42, %dma_wait3A_359] : memref<10240x128xf32, #tpu.memory_space<vmem_shared>> -> memref<80x128xf32, #tpu.memory_space<vmem_shared>>
      %dma_wait3A_361 = arith.constant 0 : i32
      %dma_wait3A_362 = arith.constant 0 : i32
      %dma_wait3A_363 = tpu.memref_slice %arg10[%run_scoped3A_43, %dma_wait3A_361, %dma_wait3A_362] : memref<2x80x128xf32, #tpu.memory_space<vmem>> -> memref<1x80x128xf32, #tpu.memory_space<vmem>>
      %dma_wait3A_364 = tpu.memref_squeeze %dma_wait3A_363 : memref<1x80x128xf32, #tpu.memory_space<vmem>> -> memref<80x128xf32, #tpu.memory_space<vmem>>
      tpu.wait_dma2 semaphore(%run_scoped3A_340 : memref<!tpu.dma_semaphore, #tpu.memory_space<semaphore_mem>>) src(%dma_wait3A_364 : memref<80x128xf32, #tpu.memory_space<vmem>>) dst(%dma_wait3A_360 : memref<80x128xf32, #tpu.memory_space<vmem_shared>>)
      tpu.yield
    }) : () -> ()
    %mul3A_44 = arith.constant 640 : i32
    %mul3A_45 = arith.muli %arg1, %mul3A_44 : i32
    %add3A_46 = arith.constant 480 : i32
    %add3A_47 = arith.addi %mul3A_45, %add3A_46 : i32
    %multiple_of3A_48 = tpu.assume_multiple %add3A_47, 8 : i32
    %run_scoped3A_49 = arith.constant 0 : i32
    "tpu.region"() ({
      %run_scoped3A_340 = tpu.sem_alloc : memref<!tpu.dma_semaphore, #tpu.memory_space<semaphore_mem>>
      %dma_start3A_341 = arith.constant 0 : i32
      %dma_start3A_342 = arith.constant 0 : i32
      %dma_start3A_343 = tpu.memref_slice %arg10[%run_scoped3A_49, %dma_start3A_341, %dma_start3A_342] : memref<2x80x128xf32, #tpu.memory_space<vmem>> -> memref<1x80x128xf32, #tpu.memory_space<vmem>>
      %dma_start3A_344 = tpu.memref_squeeze %dma_start3A_343 : memref<1x80x128xf32, #tpu.memory_space<vmem>> -> memref<80x128xf32, #tpu.memory_space<vmem>>
      %dma_start3A_345 = arith.constant 0 : i32
      %dma_start3A_346 = tpu.memref_slice %arg11[%multiple_of3A_48, %dma_start3A_345] : memref<10240x128xf32, #tpu.memory_space<vmem_shared>> -> memref<80x128xf32, #tpu.memory_space<vmem_shared>>
      %dma_start3A_347 = arith.constant 0 : i32
      %dma_start3A_348 = tpu.memref_slice %arg11[%multiple_of3A_48, %dma_start3A_347] : memref<10240x128xf32, #tpu.memory_space<vmem_shared>> -> memref<80x128xf32, #tpu.memory_space<vmem_shared>>
      %dma_start3A_349 = arith.constant 0 : i32
      %dma_start3A_350 = arith.constant 0 : i32
      %dma_start3A_351 = tpu.memref_slice %arg10[%run_scoped3A_49, %dma_start3A_349, %dma_start3A_350] : memref<2x80x128xf32, #tpu.memory_space<vmem>> -> memref<1x80x128xf32, #tpu.memory_space<vmem>>
      %dma_start3A_352 = tpu.memref_squeeze %dma_start3A_351 : memref<1x80x128xf32, #tpu.memory_space<vmem>> -> memref<80x128xf32, #tpu.memory_space<vmem>>
      tpu.enqueue_dma source(%dma_start3A_352 : memref<80x128xf32, #tpu.memory_space<vmem>>) target(%dma_start3A_348 : memref<80x128xf32, #tpu.memory_space<vmem_shared>>) target_semaphore(%run_scoped3A_340 : memref<!tpu.dma_semaphore, #tpu.memory_space<semaphore_mem>>)
      %dma_wait3A_353 = arith.constant 0 : i32
      %dma_wait3A_354 = arith.constant 0 : i32
      %dma_wait3A_355 = tpu.memref_slice %arg10[%run_scoped3A_49, %dma_wait3A_353, %dma_wait3A_354] : memref<2x80x128xf32, #tpu.memory_space<vmem>> -> memref<1x80x128xf32, #tpu.memory_space<vmem>>
      %dma_wait3A_356 = tpu.memref_squeeze %dma_wait3A_355 : memref<1x80x128xf32, #tpu.memory_space<vmem>> -> memref<80x128xf32, #tpu.memory_space<vmem>>
      %dma_wait3A_357 = arith.constant 0 : i32
      %dma_wait3A_358 = tpu.memref_slice %arg11[%multiple_of3A_48, %dma_wait3A_357] : memref<10240x128xf32, #tpu.memory_space<vmem_shared>> -> memref<80x128xf32, #tpu.memory_space<vmem_shared>>
      %dma_wait3A_359 = arith.constant 0 : i32
      %dma_wait3A_360 = tpu.memref_slice %arg11[%multiple_of3A_48, %dma_wait3A_359] : memref<10240x128xf32, #tpu.memory_space<vmem_shared>> -> memref<80x128xf32, #tpu.memory_space<vmem_shared>>
      %dma_wait3A_361 = arith.constant 0 : i32
      %dma_wait3A_362 = arith.constant 0 : i32
      %dma_wait3A_363 = tpu.memref_slice %arg10[%run_scoped3A_49, %dma_wait3A_361, %dma_wait3A_362] : memref<2x80x128xf32, #tpu.memory_space<vmem>> -> memref<1x80x128xf32, #tpu.memory_space<vmem>>
      %dma_wait3A_364 = tpu.memref_squeeze %dma_wait3A_363 : memref<1x80x128xf32, #tpu.memory_space<vmem>> -> memref<80x128xf32, #tpu.memory_space<vmem>>
      tpu.wait_dma2 semaphore(%run_scoped3A_340 : memref<!tpu.dma_semaphore, #tpu.memory_space<semaphore_mem>>) src(%dma_wait3A_364 : memref<80x128xf32, #tpu.memory_space<vmem>>) dst(%dma_wait3A_360 : memref<80x128xf32, #tpu.memory_space<vmem_shared>>)
      tpu.yield
    }) : () -> ()
    %mul3A_50 = arith.constant 640 : i32
    %mul3A_51 = arith.muli %arg1, %mul3A_50 : i32
    %add3A_52 = arith.constant 560 : i32
    %add3A_53 = arith.addi %mul3A_51, %add3A_52 : i32
    %multiple_of3A_54 = tpu.assume_multiple %add3A_53, 8 : i32
    %run_scoped3A_55 = arith.constant 0 : i32
    "tpu.region"() ({
      %run_scoped3A_340 = tpu.sem_alloc : memref<!tpu.dma_semaphore, #tpu.memory_space<semaphore_mem>>
      %dma_start3A_341 = arith.constant 0 : i32
      %dma_start3A_342 = arith.constant 0 : i32
      %dma_start3A_343 = tpu.memref_slice %arg10[%run_scoped3A_55, %dma_start3A_341, %dma_start3A_342] : memref<2x80x128xf32, #tpu.memory_space<vmem>> -> memref<1x80x128xf32, #tpu.memory_space<vmem>>
      %dma_start3A_344 = tpu.memref_squeeze %dma_start3A_343 : memref<1x80x128xf32, #tpu.memory_space<vmem>> -> memref<80x128xf32, #tpu.memory_space<vmem>>
      %dma_start3A_345 = arith.constant 0 : i32
      %dma_start3A_346 = tpu.memref_slice %arg11[%multiple_of3A_54, %dma_start3A_345] : memref<10240x128xf32, #tpu.memory_space<vmem_shared>> -> memref<80x128xf32, #tpu.memory_space<vmem_shared>>
      %dma_start3A_347 = arith.constant 0 : i32
      %dma_start3A_348 = tpu.memref_slice %arg11[%multiple_of3A_54, %dma_start3A_347] : memref<10240x128xf32, #tpu.memory_space<vmem_shared>> -> memref<80x128xf32, #tpu.memory_space<vmem_shared>>
      %dma_start3A_349 = arith.constant 0 : i32
      %dma_start3A_350 = arith.constant 0 : i32
      %dma_start3A_351 = tpu.memref_slice %arg10[%run_scoped3A_55, %dma_start3A_349, %dma_start3A_350] : memref<2x80x128xf32, #tpu.memory_space<vmem>> -> memref<1x80x128xf32, #tpu.memory_space<vmem>>
      %dma_start3A_352 = tpu.memref_squeeze %dma_start3A_351 : memref<1x80x128xf32, #tpu.memory_space<vmem>> -> memref<80x128xf32, #tpu.memory_space<vmem>>
      tpu.enqueue_dma source(%dma_start3A_352 : memref<80x128xf32, #tpu.memory_space<vmem>>) target(%dma_start3A_348 : memref<80x128xf32, #tpu.memory_space<vmem_shared>>) target_semaphore(%run_scoped3A_340 : memref<!tpu.dma_semaphore, #tpu.memory_space<semaphore_mem>>)
      %dma_wait3A_353 = arith.constant 0 : i32
      %dma_wait3A_354 = arith.constant 0 : i32
      %dma_wait3A_355 = tpu.memref_slice %arg10[%run_scoped3A_55, %dma_wait3A_353, %dma_wait3A_354] : memref<2x80x128xf32, #tpu.memory_space<vmem>> -> memref<1x80x128xf32, #tpu.memory_space<vmem>>
      %dma_wait3A_356 = tpu.memref_squeeze %dma_wait3A_355 : memref<1x80x128xf32, #tpu.memory_space<vmem>> -> memref<80x128xf32, #tpu.memory_space<vmem>>
      %dma_wait3A_357 = arith.constant 0 : i32
      %dma_wait3A_358 = tpu.memref_slice %arg11[%multiple_of3A_54, %dma_wait3A_357] : memref<10240x128xf32, #tpu.memory_space<vmem_shared>> -> memref<80x128xf32, #tpu.memory_space<vmem_shared>>
      %dma_wait3A_359 = arith.constant 0 : i32
      %dma_wait3A_360 = tpu.memref_slice %arg11[%multiple_of3A_54, %dma_wait3A_359] : memref<10240x128xf32, #tpu.memory_space<vmem_shared>> -> memref<80x128xf32, #tpu.memory_space<vmem_shared>>
      %dma_wait3A_361 = arith.constant 0 : i32
      %dma_wait3A_362 = arith.constant 0 : i32
      %dma_wait3A_363 = tpu.memref_slice %arg10[%run_scoped3A_55, %dma_wait3A_361, %dma_wait3A_362] : memref<2x80x128xf32, #tpu.memory_space<vmem>> -> memref<1x80x128xf32, #tpu.memory_space<vmem>>
      %dma_wait3A_364 = tpu.memref_squeeze %dma_wait3A_363 : memref<1x80x128xf32, #tpu.memory_space<vmem>> -> memref<80x128xf32, #tpu.memory_space<vmem>>
      tpu.wait_dma2 semaphore(%run_scoped3A_340 : memref<!tpu.dma_semaphore, #tpu.memory_space<semaphore_mem>>) src(%dma_wait3A_364 : memref<80x128xf32, #tpu.memory_space<vmem>>) dst(%dma_wait3A_360 : memref<80x128xf32, #tpu.memory_space<vmem_shared>>)
      tpu.yield
    }) : () -> ()
    %barrier3A = arith.constant 0 : index
    tpu.barrier barrier_id(%barrier3A)
    %rem3A = arith.constant 0 : i32
    %rem3A_56 = arith.constant 3 : i32
    %rem3A_57 = arith.remsi %rem3A, %rem3A_56 : i32
    %add3A_58 = arith.constant 0 : i32
    %add3A_59 = arith.addi %mul3A_2, %add3A_58 : i32
    %dma_start3A = arith.constant 0 : i32
    %dma_start3A_60 = arith.constant 0 : i32
    %dma_start3A_61 = tpu.memref_slice %arg7[%rem3A_57, %dma_start3A, %dma_start3A_60] : memref<3x1x80xi32, #tpu.memory_space<vmem>> -> memref<1x1x80xi32, #tpu.memory_space<vmem>>
    %dma_start3A_62 = tpu.memref_squeeze %dma_start3A_61 : memref<1x1x80xi32, #tpu.memory_space<vmem>> -> memref<1x80xi32, #tpu.memory_space<vmem>>
    %dma_start3A_63 = arith.constant 0 : i32
    %dma_start3A_64 = arith.constant 0 : i32
    %dma_start3A_65 = tpu.memref_slice %arg3[%add3A_59, %dma_start3A_63, %dma_start3A_64] : memref<4000x1x80xi32, #tpu.memory_space<hbm>> -> memref<1x1x80xi32, #tpu.memory_space<hbm>>
    %dma_start3A_66 = tpu.memref_squeeze %dma_start3A_65 : memref<1x1x80xi32, #tpu.memory_space<hbm>> -> memref<1x80xi32, #tpu.memory_space<hbm>>
    %dma_start3A_67 = tpu.memref_slice %arg12[%rem3A_57] : memref<3x!tpu.dma_semaphore, #tpu.memory_space<semaphore_mem>> -> memref<1x!tpu.dma_semaphore, #tpu.memory_space<semaphore_mem>>
    %dma_start3A_68 = tpu.memref_squeeze %dma_start3A_67 : memref<1x!tpu.dma_semaphore, #tpu.memory_space<semaphore_mem>> -> memref<!tpu.dma_semaphore, #tpu.memory_space<semaphore_mem>>
    %dma_start3A_69 = arith.constant 0 : i32
    %dma_start3A_70 = arith.constant 0 : i32
    %dma_start3A_71 = tpu.memref_slice %arg7[%rem3A_57, %dma_start3A_69, %dma_start3A_70] : memref<3x1x80xi32, #tpu.memory_space<vmem>> -> memref<1x1x80xi32, #tpu.memory_space<vmem>>
    %dma_start3A_72 = tpu.memref_squeeze %dma_start3A_71 : memref<1x1x80xi32, #tpu.memory_space<vmem>> -> memref<1x80xi32, #tpu.memory_space<vmem>>
    %dma_start3A_73 = arith.constant 0 : i32
    %dma_start3A_74 = arith.constant 0 : i32
    %dma_start3A_75 = tpu.memref_slice %arg3[%add3A_59, %dma_start3A_73, %dma_start3A_74] : memref<4000x1x80xi32, #tpu.memory_space<hbm>> -> memref<1x1x80xi32, #tpu.memory_space<hbm>>
    %dma_start3A_76 = tpu.memref_squeeze %dma_start3A_75 : memref<1x1x80xi32, #tpu.memory_space<hbm>> -> memref<1x80xi32, #tpu.memory_space<hbm>>
    tpu.enqueue_dma source(%dma_start3A_76 : memref<1x80xi32, #tpu.memory_space<hbm>>) target(%dma_start3A_72 : memref<1x80xi32, #tpu.memory_space<vmem>>) target_semaphore(%dma_start3A_68 : memref<!tpu.dma_semaphore, #tpu.memory_space<semaphore_mem>>)
    %add3A_77 = arith.constant 0 : i32
    %add3A_78 = arith.addi %mul3A_2, %add3A_77 : i32
    %dma_start3A_79 = arith.constant 0 : i32
    %dma_start3A_80 = arith.constant 0 : i32
    %dma_start3A_81 = tpu.memref_slice %arg8[%rem3A_57, %dma_start3A_79, %dma_start3A_80] : memref<3x1x80xi32, #tpu.memory_space<vmem>> -> memref<1x1x80xi32, #tpu.memory_space<vmem>>
    %dma_start3A_82 = tpu.memref_squeeze %dma_start3A_81 : memref<1x1x80xi32, #tpu.memory_space<vmem>> -> memref<1x80xi32, #tpu.memory_space<vmem>>
    %dma_start3A_83 = arith.constant 0 : i32
    %dma_start3A_84 = arith.constant 0 : i32
    %dma_start3A_85 = tpu.memref_slice %arg4[%add3A_78, %dma_start3A_83, %dma_start3A_84] : memref<4000x1x80xi32, #tpu.memory_space<hbm>> -> memref<1x1x80xi32, #tpu.memory_space<hbm>>
    %dma_start3A_86 = tpu.memref_squeeze %dma_start3A_85 : memref<1x1x80xi32, #tpu.memory_space<hbm>> -> memref<1x80xi32, #tpu.memory_space<hbm>>
    %dma_start3A_87 = tpu.memref_slice %arg12[%rem3A_57] : memref<3x!tpu.dma_semaphore, #tpu.memory_space<semaphore_mem>> -> memref<1x!tpu.dma_semaphore, #tpu.memory_space<semaphore_mem>>
    %dma_start3A_88 = tpu.memref_squeeze %dma_start3A_87 : memref<1x!tpu.dma_semaphore, #tpu.memory_space<semaphore_mem>> -> memref<!tpu.dma_semaphore, #tpu.memory_space<semaphore_mem>>
    %dma_start3A_89 = arith.constant 0 : i32
    %dma_start3A_90 = arith.constant 0 : i32
    %dma_start3A_91 = tpu.memref_slice %arg8[%rem3A_57, %dma_start3A_89, %dma_start3A_90] : memref<3x1x80xi32, #tpu.memory_space<vmem>> -> memref<1x1x80xi32, #tpu.memory_space<vmem>>
    %dma_start3A_92 = tpu.memref_squeeze %dma_start3A_91 : memref<1x1x80xi32, #tpu.memory_space<vmem>> -> memref<1x80xi32, #tpu.memory_space<vmem>>
    %dma_start3A_93 = arith.constant 0 : i32
    %dma_start3A_94 = arith.constant 0 : i32
    %dma_start3A_95 = tpu.memref_slice %arg4[%add3A_78, %dma_start3A_93, %dma_start3A_94] : memref<4000x1x80xi32, #tpu.memory_space<hbm>> -> memref<1x1x80xi32, #tpu.memory_space<hbm>>
    %dma_start3A_96 = tpu.memref_squeeze %dma_start3A_95 : memref<1x1x80xi32, #tpu.memory_space<hbm>> -> memref<1x80xi32, #tpu.memory_space<hbm>>
    tpu.enqueue_dma source(%dma_start3A_96 : memref<1x80xi32, #tpu.memory_space<hbm>>) target(%dma_start3A_92 : memref<1x80xi32, #tpu.memory_space<vmem>>) target_semaphore(%dma_start3A_88 : memref<!tpu.dma_semaphore, #tpu.memory_space<semaphore_mem>>)
    %add3A_97 = arith.constant 0 : i32
    %add3A_98 = arith.addi %mul3A_2, %add3A_97 : i32
    %dma_start3A_99 = arith.constant 0 : i32
    %dma_start3A_100 = arith.constant 0 : i32
    %dma_start3A_101 = tpu.memref_slice %arg9[%rem3A_57, %dma_start3A_99, %dma_start3A_100] : memref<3x1x80xf32, #tpu.memory_space<vmem>> -> memref<1x1x80xf32, #tpu.memory_space<vmem>>
    %dma_start3A_102 = tpu.memref_squeeze %dma_start3A_101 : memref<1x1x80xf32, #tpu.memory_space<vmem>> -> memref<1x80xf32, #tpu.memory_space<vmem>>
    %dma_start3A_103 = arith.constant 0 : i32
    %dma_start3A_104 = arith.constant 0 : i32
    %dma_start3A_105 = tpu.memref_slice %arg5[%add3A_98, %dma_start3A_103, %dma_start3A_104] : memref<4000x1x80xf32, #tpu.memory_space<hbm>> -> memref<1x1x80xf32, #tpu.memory_space<hbm>>
    %dma_start3A_106 = tpu.memref_squeeze %dma_start3A_105 : memref<1x1x80xf32, #tpu.memory_space<hbm>> -> memref<1x80xf32, #tpu.memory_space<hbm>>
    %dma_start3A_107 = tpu.memref_slice %arg12[%rem3A_57] : memref<3x!tpu.dma_semaphore, #tpu.memory_space<semaphore_mem>> -> memref<1x!tpu.dma_semaphore, #tpu.memory_space<semaphore_mem>>
    %dma_start3A_108 = tpu.memref_squeeze %dma_start3A_107 : memref<1x!tpu.dma_semaphore, #tpu.memory_space<semaphore_mem>> -> memref<!tpu.dma_semaphore, #tpu.memory_space<semaphore_mem>>
    %dma_start3A_109 = arith.constant 0 : i32
    %dma_start3A_110 = arith.constant 0 : i32
    %dma_start3A_111 = tpu.memref_slice %arg9[%rem3A_57, %dma_start3A_109, %dma_start3A_110] : memref<3x1x80xf32, #tpu.memory_space<vmem>> -> memref<1x1x80xf32, #tpu.memory_space<vmem>>
    %dma_start3A_112 = tpu.memref_squeeze %dma_start3A_111 : memref<1x1x80xf32, #tpu.memory_space<vmem>> -> memref<1x80xf32, #tpu.memory_space<vmem>>
    %dma_start3A_113 = arith.constant 0 : i32
    %dma_start3A_114 = arith.constant 0 : i32
    %dma_start3A_115 = tpu.memref_slice %arg5[%add3A_98, %dma_start3A_113, %dma_start3A_114] : memref<4000x1x80xf32, #tpu.memory_space<hbm>> -> memref<1x1x80xf32, #tpu.memory_space<hbm>>
    %dma_start3A_116 = tpu.memref_squeeze %dma_start3A_115 : memref<1x1x80xf32, #tpu.memory_space<hbm>> -> memref<1x80xf32, #tpu.memory_space<hbm>>
    tpu.enqueue_dma source(%dma_start3A_116 : memref<1x80xf32, #tpu.memory_space<hbm>>) target(%dma_start3A_112 : memref<1x80xf32, #tpu.memory_space<vmem>>) target_semaphore(%dma_start3A_108 : memref<!tpu.dma_semaphore, #tpu.memory_space<semaphore_mem>>)
    %rem3A_117 = arith.constant 1 : i32
    %rem3A_118 = arith.constant 3 : i32
    %rem3A_119 = arith.remsi %rem3A_117, %rem3A_118 : i32
    %add3A_120 = arith.constant 1 : i32
    %add3A_121 = arith.addi %mul3A_2, %add3A_120 : i32
    %dma_start3A_122 = arith.constant 0 : i32
    %dma_start3A_123 = arith.constant 0 : i32
    %dma_start3A_124 = tpu.memref_slice %arg7[%rem3A_119, %dma_start3A_122, %dma_start3A_123] : memref<3x1x80xi32, #tpu.memory_space<vmem>> -> memref<1x1x80xi32, #tpu.memory_space<vmem>>
    %dma_start3A_125 = tpu.memref_squeeze %dma_start3A_124 : memref<1x1x80xi32, #tpu.memory_space<vmem>> -> memref<1x80xi32, #tpu.memory_space<vmem>>
    %dma_start3A_126 = arith.constant 0 : i32
    %dma_start3A_127 = arith.constant 0 : i32
    %dma_start3A_128 = tpu.memref_slice %arg3[%add3A_121, %dma_start3A_126, %dma_start3A_127] : memref<4000x1x80xi32, #tpu.memory_space<hbm>> -> memref<1x1x80xi32, #tpu.memory_space<hbm>>
    %dma_start3A_129 = tpu.memref_squeeze %dma_start3A_128 : memref<1x1x80xi32, #tpu.memory_space<hbm>> -> memref<1x80xi32, #tpu.memory_space<hbm>>
    %dma_start3A_130 = tpu.memref_slice %arg12[%rem3A_119] : memref<3x!tpu.dma_semaphore, #tpu.memory_space<semaphore_mem>> -> memref<1x!tpu.dma_semaphore, #tpu.memory_space<semaphore_mem>>
    %dma_start3A_131 = tpu.memref_squeeze %dma_start3A_130 : memref<1x!tpu.dma_semaphore, #tpu.memory_space<semaphore_mem>> -> memref<!tpu.dma_semaphore, #tpu.memory_space<semaphore_mem>>
    %dma_start3A_132 = arith.constant 0 : i32
    %dma_start3A_133 = arith.constant 0 : i32
    %dma_start3A_134 = tpu.memref_slice %arg7[%rem3A_119, %dma_start3A_132, %dma_start3A_133] : memref<3x1x80xi32, #tpu.memory_space<vmem>> -> memref<1x1x80xi32, #tpu.memory_space<vmem>>
    %dma_start3A_135 = tpu.memref_squeeze %dma_start3A_134 : memref<1x1x80xi32, #tpu.memory_space<vmem>> -> memref<1x80xi32, #tpu.memory_space<vmem>>
    %dma_start3A_136 = arith.constant 0 : i32
    %dma_start3A_137 = arith.constant 0 : i32
    %dma_start3A_138 = tpu.memref_slice %arg3[%add3A_121, %dma_start3A_136, %dma_start3A_137] : memref<4000x1x80xi32, #tpu.memory_space<hbm>> -> memref<1x1x80xi32, #tpu.memory_space<hbm>>
    %dma_start3A_139 = tpu.memref_squeeze %dma_start3A_138 : memref<1x1x80xi32, #tpu.memory_space<hbm>> -> memref<1x80xi32, #tpu.memory_space<hbm>>
    tpu.enqueue_dma source(%dma_start3A_139 : memref<1x80xi32, #tpu.memory_space<hbm>>) target(%dma_start3A_135 : memref<1x80xi32, #tpu.memory_space<vmem>>) target_semaphore(%dma_start3A_131 : memref<!tpu.dma_semaphore, #tpu.memory_space<semaphore_mem>>)
    %add3A_140 = arith.constant 1 : i32
    %add3A_141 = arith.addi %mul3A_2, %add3A_140 : i32
    %dma_start3A_142 = arith.constant 0 : i32
    %dma_start3A_143 = arith.constant 0 : i32
    %dma_start3A_144 = tpu.memref_slice %arg8[%rem3A_119, %dma_start3A_142, %dma_start3A_143] : memref<3x1x80xi32, #tpu.memory_space<vmem>> -> memref<1x1x80xi32, #tpu.memory_space<vmem>>
    %dma_start3A_145 = tpu.memref_squeeze %dma_start3A_144 : memref<1x1x80xi32, #tpu.memory_space<vmem>> -> memref<1x80xi32, #tpu.memory_space<vmem>>
    %dma_start3A_146 = arith.constant 0 : i32
    %dma_start3A_147 = arith.constant 0 : i32
    %dma_start3A_148 = tpu.memref_slice %arg4[%add3A_141, %dma_start3A_146, %dma_start3A_147] : memref<4000x1x80xi32, #tpu.memory_space<hbm>> -> memref<1x1x80xi32, #tpu.memory_space<hbm>>
    %dma_start3A_149 = tpu.memref_squeeze %dma_start3A_148 : memref<1x1x80xi32, #tpu.memory_space<hbm>> -> memref<1x80xi32, #tpu.memory_space<hbm>>
    %dma_start3A_150 = tpu.memref_slice %arg12[%rem3A_119] : memref<3x!tpu.dma_semaphore, #tpu.memory_space<semaphore_mem>> -> memref<1x!tpu.dma_semaphore, #tpu.memory_space<semaphore_mem>>
    %dma_start3A_151 = tpu.memref_squeeze %dma_start3A_150 : memref<1x!tpu.dma_semaphore, #tpu.memory_space<semaphore_mem>> -> memref<!tpu.dma_semaphore, #tpu.memory_space<semaphore_mem>>
    %dma_start3A_152 = arith.constant 0 : i32
    %dma_start3A_153 = arith.constant 0 : i32
    %dma_start3A_154 = tpu.memref_slice %arg8[%rem3A_119, %dma_start3A_152, %dma_start3A_153] : memref<3x1x80xi32, #tpu.memory_space<vmem>> -> memref<1x1x80xi32, #tpu.memory_space<vmem>>
    %dma_start3A_155 = tpu.memref_squeeze %dma_start3A_154 : memref<1x1x80xi32, #tpu.memory_space<vmem>> -> memref<1x80xi32, #tpu.memory_space<vmem>>
    %dma_start3A_156 = arith.constant 0 : i32
    %dma_start3A_157 = arith.constant 0 : i32
    %dma_start3A_158 = tpu.memref_slice %arg4[%add3A_141, %dma_start3A_156, %dma_start3A_157] : memref<4000x1x80xi32, #tpu.memory_space<hbm>> -> memref<1x1x80xi32, #tpu.memory_space<hbm>>
    %dma_start3A_159 = tpu.memref_squeeze %dma_start3A_158 : memref<1x1x80xi32, #tpu.memory_space<hbm>> -> memref<1x80xi32, #tpu.memory_space<hbm>>
    tpu.enqueue_dma source(%dma_start3A_159 : memref<1x80xi32, #tpu.memory_space<hbm>>) target(%dma_start3A_155 : memref<1x80xi32, #tpu.memory_space<vmem>>) target_semaphore(%dma_start3A_151 : memref<!tpu.dma_semaphore, #tpu.memory_space<semaphore_mem>>)
    %add3A_160 = arith.constant 1 : i32
    %add3A_161 = arith.addi %mul3A_2, %add3A_160 : i32
    %dma_start3A_162 = arith.constant 0 : i32
    %dma_start3A_163 = arith.constant 0 : i32
    %dma_start3A_164 = tpu.memref_slice %arg9[%rem3A_119, %dma_start3A_162, %dma_start3A_163] : memref<3x1x80xf32, #tpu.memory_space<vmem>> -> memref<1x1x80xf32, #tpu.memory_space<vmem>>
    %dma_start3A_165 = tpu.memref_squeeze %dma_start3A_164 : memref<1x1x80xf32, #tpu.memory_space<vmem>> -> memref<1x80xf32, #tpu.memory_space<vmem>>
    %dma_start3A_166 = arith.constant 0 : i32
    %dma_start3A_167 = arith.constant 0 : i32
    %dma_start3A_168 = tpu.memref_slice %arg5[%add3A_161, %dma_start3A_166, %dma_start3A_167] : memref<4000x1x80xf32, #tpu.memory_space<hbm>> -> memref<1x1x80xf32, #tpu.memory_space<hbm>>
    %dma_start3A_169 = tpu.memref_squeeze %dma_start3A_168 : memref<1x1x80xf32, #tpu.memory_space<hbm>> -> memref<1x80xf32, #tpu.memory_space<hbm>>
    %dma_start3A_170 = tpu.memref_slice %arg12[%rem3A_119] : memref<3x!tpu.dma_semaphore, #tpu.memory_space<semaphore_mem>> -> memref<1x!tpu.dma_semaphore, #tpu.memory_space<semaphore_mem>>
    %dma_start3A_171 = tpu.memref_squeeze %dma_start3A_170 : memref<1x!tpu.dma_semaphore, #tpu.memory_space<semaphore_mem>> -> memref<!tpu.dma_semaphore, #tpu.memory_space<semaphore_mem>>
    %dma_start3A_172 = arith.constant 0 : i32
    %dma_start3A_173 = arith.constant 0 : i32
    %dma_start3A_174 = tpu.memref_slice %arg9[%rem3A_119, %dma_start3A_172, %dma_start3A_173] : memref<3x1x80xf32, #tpu.memory_space<vmem>> -> memref<1x1x80xf32, #tpu.memory_space<vmem>>
    %dma_start3A_175 = tpu.memref_squeeze %dma_start3A_174 : memref<1x1x80xf32, #tpu.memory_space<vmem>> -> memref<1x80xf32, #tpu.memory_space<vmem>>
    %dma_start3A_176 = arith.constant 0 : i32
    %dma_start3A_177 = arith.constant 0 : i32
    %dma_start3A_178 = tpu.memref_slice %arg5[%add3A_161, %dma_start3A_176, %dma_start3A_177] : memref<4000x1x80xf32, #tpu.memory_space<hbm>> -> memref<1x1x80xf32, #tpu.memory_space<hbm>>
    %dma_start3A_179 = tpu.memref_squeeze %dma_start3A_178 : memref<1x1x80xf32, #tpu.memory_space<hbm>> -> memref<1x80xf32, #tpu.memory_space<hbm>>
    tpu.enqueue_dma source(%dma_start3A_179 : memref<1x80xf32, #tpu.memory_space<hbm>>) target(%dma_start3A_175 : memref<1x80xf32, #tpu.memory_space<vmem>>) target_semaphore(%dma_start3A_171 : memref<!tpu.dma_semaphore, #tpu.memory_space<semaphore_mem>>)
    %rem3A_180 = arith.constant 0 : i32
    %rem3A_181 = arith.constant 3 : i32
    %rem3A_182 = arith.remsi %rem3A_180, %rem3A_181 : i32
    %add3A_183 = arith.constant 0 : i32
    %add3A_184 = arith.addi %mul3A_2, %add3A_183 : i32
    %dma_wait3A = arith.constant 0 : i32
    %dma_wait3A_185 = arith.constant 0 : i32
    %dma_wait3A_186 = tpu.memref_slice %arg7[%rem3A_182, %dma_wait3A, %dma_wait3A_185] : memref<3x1x80xi32, #tpu.memory_space<vmem>> -> memref<1x1x80xi32, #tpu.memory_space<vmem>>
    %dma_wait3A_187 = tpu.memref_squeeze %dma_wait3A_186 : memref<1x1x80xi32, #tpu.memory_space<vmem>> -> memref<1x80xi32, #tpu.memory_space<vmem>>
    %dma_wait3A_188 = arith.constant 0 : i32
    %dma_wait3A_189 = arith.constant 0 : i32
    %dma_wait3A_190 = tpu.memref_slice %arg3[%add3A_184, %dma_wait3A_188, %dma_wait3A_189] : memref<4000x1x80xi32, #tpu.memory_space<hbm>> -> memref<1x1x80xi32, #tpu.memory_space<hbm>>
    %dma_wait3A_191 = tpu.memref_squeeze %dma_wait3A_190 : memref<1x1x80xi32, #tpu.memory_space<hbm>> -> memref<1x80xi32, #tpu.memory_space<hbm>>
    %dma_wait3A_192 = tpu.memref_slice %arg12[%rem3A_182] : memref<3x!tpu.dma_semaphore, #tpu.memory_space<semaphore_mem>> -> memref<1x!tpu.dma_semaphore, #tpu.memory_space<semaphore_mem>>
    %dma_wait3A_193 = tpu.memref_squeeze %dma_wait3A_192 : memref<1x!tpu.dma_semaphore, #tpu.memory_space<semaphore_mem>> -> memref<!tpu.dma_semaphore, #tpu.memory_space<semaphore_mem>>
    %dma_wait3A_194 = arith.constant 0 : i32
    %dma_wait3A_195 = arith.constant 0 : i32
    %dma_wait3A_196 = tpu.memref_slice %arg7[%rem3A_182, %dma_wait3A_194, %dma_wait3A_195] : memref<3x1x80xi32, #tpu.memory_space<vmem>> -> memref<1x1x80xi32, #tpu.memory_space<vmem>>
    %dma_wait3A_197 = tpu.memref_squeeze %dma_wait3A_196 : memref<1x1x80xi32, #tpu.memory_space<vmem>> -> memref<1x80xi32, #tpu.memory_space<vmem>>
    %dma_wait3A_198 = arith.constant 0 : i32
    %dma_wait3A_199 = arith.constant 0 : i32
    %dma_wait3A_200 = tpu.memref_slice %arg3[%add3A_184, %dma_wait3A_198, %dma_wait3A_199] : memref<4000x1x80xi32, #tpu.memory_space<hbm>> -> memref<1x1x80xi32, #tpu.memory_space<hbm>>
    %dma_wait3A_201 = tpu.memref_squeeze %dma_wait3A_200 : memref<1x1x80xi32, #tpu.memory_space<hbm>> -> memref<1x80xi32, #tpu.memory_space<hbm>>
    tpu.wait_dma2 semaphore(%dma_wait3A_193 : memref<!tpu.dma_semaphore, #tpu.memory_space<semaphore_mem>>) src(%dma_wait3A_201 : memref<1x80xi32, #tpu.memory_space<hbm>>) dst(%dma_wait3A_197 : memref<1x80xi32, #tpu.memory_space<vmem>>)
    %add3A_202 = arith.constant 0 : i32
    %add3A_203 = arith.addi %mul3A_2, %add3A_202 : i32
    %dma_wait3A_204 = arith.constant 0 : i32
    %dma_wait3A_205 = arith.constant 0 : i32
    %dma_wait3A_206 = tpu.memref_slice %arg8[%rem3A_182, %dma_wait3A_204, %dma_wait3A_205] : memref<3x1x80xi32, #tpu.memory_space<vmem>> -> memref<1x1x80xi32, #tpu.memory_space<vmem>>
    %dma_wait3A_207 = tpu.memref_squeeze %dma_wait3A_206 : memref<1x1x80xi32, #tpu.memory_space<vmem>> -> memref<1x80xi32, #tpu.memory_space<vmem>>
    %dma_wait3A_208 = arith.constant 0 : i32
    %dma_wait3A_209 = arith.constant 0 : i32
    %dma_wait3A_210 = tpu.memref_slice %arg4[%add3A_203, %dma_wait3A_208, %dma_wait3A_209] : memref<4000x1x80xi32, #tpu.memory_space<hbm>> -> memref<1x1x80xi32, #tpu.memory_space<hbm>>
    %dma_wait3A_211 = tpu.memref_squeeze %dma_wait3A_210 : memref<1x1x80xi32, #tpu.memory_space<hbm>> -> memref<1x80xi32, #tpu.memory_space<hbm>>
    %dma_wait3A_212 = tpu.memref_slice %arg12[%rem3A_182] : memref<3x!tpu.dma_semaphore, #tpu.memory_space<semaphore_mem>> -> memref<1x!tpu.dma_semaphore, #tpu.memory_space<semaphore_mem>>
    %dma_wait3A_213 = tpu.memref_squeeze %dma_wait3A_212 : memref<1x!tpu.dma_semaphore, #tpu.memory_space<semaphore_mem>> -> memref<!tpu.dma_semaphore, #tpu.memory_space<semaphore_mem>>
    %dma_wait3A_214 = arith.constant 0 : i32
    %dma_wait3A_215 = arith.constant 0 : i32
    %dma_wait3A_216 = tpu.memref_slice %arg8[%rem3A_182, %dma_wait3A_214, %dma_wait3A_215] : memref<3x1x80xi32, #tpu.memory_space<vmem>> -> memref<1x1x80xi32, #tpu.memory_space<vmem>>
    %dma_wait3A_217 = tpu.memref_squeeze %dma_wait3A_216 : memref<1x1x80xi32, #tpu.memory_space<vmem>> -> memref<1x80xi32, #tpu.memory_space<vmem>>
    %dma_wait3A_218 = arith.constant 0 : i32
    %dma_wait3A_219 = arith.constant 0 : i32
    %dma_wait3A_220 = tpu.memref_slice %arg4[%add3A_203, %dma_wait3A_218, %dma_wait3A_219] : memref<4000x1x80xi32, #tpu.memory_space<hbm>> -> memref<1x1x80xi32, #tpu.memory_space<hbm>>
    %dma_wait3A_221 = tpu.memref_squeeze %dma_wait3A_220 : memref<1x1x80xi32, #tpu.memory_space<hbm>> -> memref<1x80xi32, #tpu.memory_space<hbm>>
    tpu.wait_dma2 semaphore(%dma_wait3A_213 : memref<!tpu.dma_semaphore, #tpu.memory_space<semaphore_mem>>) src(%dma_wait3A_221 : memref<1x80xi32, #tpu.memory_space<hbm>>) dst(%dma_wait3A_217 : memref<1x80xi32, #tpu.memory_space<vmem>>)
    %add3A_222 = arith.constant 0 : i32
    %add3A_223 = arith.addi %mul3A_2, %add3A_222 : i32
    %dma_wait3A_224 = arith.constant 0 : i32
    %dma_wait3A_225 = arith.constant 0 : i32
    %dma_wait3A_226 = tpu.memref_slice %arg9[%rem3A_182, %dma_wait3A_224, %dma_wait3A_225] : memref<3x1x80xf32, #tpu.memory_space<vmem>> -> memref<1x1x80xf32, #tpu.memory_space<vmem>>
    %dma_wait3A_227 = tpu.memref_squeeze %dma_wait3A_226 : memref<1x1x80xf32, #tpu.memory_space<vmem>> -> memref<1x80xf32, #tpu.memory_space<vmem>>
    %dma_wait3A_228 = arith.constant 0 : i32
    %dma_wait3A_229 = arith.constant 0 : i32
    %dma_wait3A_230 = tpu.memref_slice %arg5[%add3A_223, %dma_wait3A_228, %dma_wait3A_229] : memref<4000x1x80xf32, #tpu.memory_space<hbm>> -> memref<1x1x80xf32, #tpu.memory_space<hbm>>
    %dma_wait3A_231 = tpu.memref_squeeze %dma_wait3A_230 : memref<1x1x80xf32, #tpu.memory_space<hbm>> -> memref<1x80xf32, #tpu.memory_space<hbm>>
    %dma_wait3A_232 = tpu.memref_slice %arg12[%rem3A_182] : memref<3x!tpu.dma_semaphore, #tpu.memory_space<semaphore_mem>> -> memref<1x!tpu.dma_semaphore, #tpu.memory_space<semaphore_mem>>
    %dma_wait3A_233 = tpu.memref_squeeze %dma_wait3A_232 : memref<1x!tpu.dma_semaphore, #tpu.memory_space<semaphore_mem>> -> memref<!tpu.dma_semaphore, #tpu.memory_space<semaphore_mem>>
    %dma_wait3A_234 = arith.constant 0 : i32
    %dma_wait3A_235 = arith.constant 0 : i32
    %dma_wait3A_236 = tpu.memref_slice %arg9[%rem3A_182, %dma_wait3A_234, %dma_wait3A_235] : memref<3x1x80xf32, #tpu.memory_space<vmem>> -> memref<1x1x80xf32, #tpu.memory_space<vmem>>
    %dma_wait3A_237 = tpu.memref_squeeze %dma_wait3A_236 : memref<1x1x80xf32, #tpu.memory_space<vmem>> -> memref<1x80xf32, #tpu.memory_space<vmem>>
    %dma_wait3A_238 = arith.constant 0 : i32
    %dma_wait3A_239 = arith.constant 0 : i32
    %dma_wait3A_240 = tpu.memref_slice %arg5[%add3A_223, %dma_wait3A_238, %dma_wait3A_239] : memref<4000x1x80xf32, #tpu.memory_space<hbm>> -> memref<1x1x80xf32, #tpu.memory_space<hbm>>
    %dma_wait3A_241 = tpu.memref_squeeze %dma_wait3A_240 : memref<1x1x80xf32, #tpu.memory_space<hbm>> -> memref<1x80xf32, #tpu.memory_space<hbm>>
    tpu.wait_dma2 semaphore(%dma_wait3A_233 : memref<!tpu.dma_semaphore, #tpu.memory_space<semaphore_mem>>) src(%dma_wait3A_241 : memref<1x80xf32, #tpu.memory_space<hbm>>) dst(%dma_wait3A_237 : memref<1x80xf32, #tpu.memory_space<vmem>>)
    %rem3A_242 = arith.constant 0 : i32
    %rem3A_243 = arith.constant 3 : i32
    %rem3A_244 = arith.remsi %rem3A_242, %rem3A_243 : i32
    %dma_start3A_245 = arith.constant 0 : i32
    %dma_start3A_246 = arith.constant 0 : i32
    %dma_start3A_247 = arith.constant 0 : i32
    %dma_start3A_248 = arith.constant 0 : i32
    %dma_start3A_249 = arith.constant 0 : i32
    %dma_start3A_250 = tpu.memref_slice %arg10[%dma_start3A_246, %dma_start3A_248, %dma_start3A_249] : memref<2x80x128xf32, #tpu.memory_space<vmem>> -> memref<1x80x128xf32, #tpu.memory_space<vmem>>
    %dma_start3A_251 = tpu.memref_squeeze %dma_start3A_250 : memref<1x80x128xf32, #tpu.memory_space<vmem>> -> memref<80x128xf32, #tpu.memory_space<vmem>>
    %dma_start3A_252 = arith.constant 0 : i32
    %dma_start3A_253 = tpu.memref_slice %arg7[%rem3A_244, %dma_start3A_245, %dma_start3A_252] : memref<3x1x80xi32, #tpu.memory_space<vmem>> -> memref<1x1x80xi32, #tpu.memory_space<vmem>>
    %dma_start3A_254 = tpu.memref_squeeze %dma_start3A_253 : memref<1x1x80xi32, #tpu.memory_space<vmem>> -> memref<80xi32, #tpu.memory_space<vmem>>
    %dma_start3A_255 = arith.constant 0 : i32
    %dma_start3A_256 = arith.constant 0 : i32
    %dma_start3A_257 = tpu.memref_slice %arg2[%dma_start3A_255, %dma_start3A_256] : memref<10240x128xf32, #tpu.memory_space<hbm>> -> memref<10240x128xf32, #tpu.memory_space<hbm>>
    %dma_start3A_258 = tpu.memref_slice %arg13[%dma_start3A_247] : memref<2x!tpu.dma_semaphore, #tpu.memory_space<semaphore_mem>> -> memref<1x!tpu.dma_semaphore, #tpu.memory_space<semaphore_mem>>
    %dma_start3A_259 = tpu.memref_squeeze %dma_start3A_258 : memref<1x!tpu.dma_semaphore, #tpu.memory_space<semaphore_mem>> -> memref<!tpu.dma_semaphore, #tpu.memory_space<semaphore_mem>>
    tpu.enqueue_indirect_dma source(%dma_start3A_257 : memref<10240x128xf32, #tpu.memory_space<hbm>>) target(%dma_start3A_251 : memref<80x128xf32, #tpu.memory_space<vmem>>) offsets(%dma_start3A_254 : memref<80xi32, #tpu.memory_space<vmem>>) semaphore(%dma_start3A_259 : memref<!tpu.dma_semaphore, #tpu.memory_space<semaphore_mem>>)
    %scan3A_260 = arith.constant 0 : i32
    %scan3A_261 = arith.constant 0 : i32
    %scan3A_262 = arith.constant 125 : i32
    %scan3A_263 = arith.addi %scan3A_261, %scan3A_262 : i32
    %scan3A_264 = arith.constant 1 : i32
    %scan3A_265 = scf.for %scan3A_340 = %scan3A_261 to %scan3A_263 step %scan3A_264 iter_args(%scan3A_341 = %scan3A_260) -> (i32)  : i32 {
      %rem3A_342 = arith.constant 2 : i32
      %rem3A_343 = arith.remsi %scan3A_340, %rem3A_342 : i32
      %sub3A = arith.constant 1 : i32
      %sub3A_344 = arith.subi %sub3A, %rem3A_343 : i32
      %rem3A_345 = arith.constant 3 : i32
      %rem3A_346 = arith.remsi %scan3A_340, %rem3A_345 : i32
      %ge3A = arith.constant 1 : i32
      %ge3A_347 = arith.cmpi sge, %scan3A_340, %ge3A : i32
      %convert_element_type3A = arith.extui %ge3A_347 : i1 to i32
      %cond3A = arith.constant 0 : i32
      %cond3A_348 = arith.cmpi ne, %convert_element_type3A, %cond3A : i32
      scf.if %cond3A_348 {
        %sub3A_399 = arith.constant 1 : i32
        %sub3A_400 = arith.subi %scan3A_340, %sub3A_399 : i32
        %rem3A_401 = arith.constant 3 : i32
        %rem3A_402 = arith.remsi %sub3A_400, %rem3A_401 : i32
        %dma_wait3A_403 = arith.constant 0 : i32
        %dma_wait3A_404 = arith.constant 0 : i32
        %dma_wait3A_405 = arith.constant 0 : i32
        %dma_wait3A_406 = tpu.memref_slice %arg10[%sub3A_344, %dma_wait3A_404, %dma_wait3A_405] : memref<2x80x128xf32, #tpu.memory_space<vmem>> -> memref<1x80x128xf32, #tpu.memory_space<vmem>>
        %dma_wait3A_407 = tpu.memref_squeeze %dma_wait3A_406 : memref<1x80x128xf32, #tpu.memory_space<vmem>> -> memref<80x128xf32, #tpu.memory_space<vmem>>
        %dma_wait3A_408 = arith.constant 0 : i32
        %dma_wait3A_409 = tpu.memref_slice %arg8[%rem3A_402, %dma_wait3A_403, %dma_wait3A_408] : memref<3x1x80xi32, #tpu.memory_space<vmem>> -> memref<1x1x80xi32, #tpu.memory_space<vmem>>
        %dma_wait3A_410 = tpu.memref_squeeze %dma_wait3A_409 : memref<1x1x80xi32, #tpu.memory_space<vmem>> -> memref<80xi32, #tpu.memory_space<vmem>>
        %dma_wait3A_411 = arith.constant 0 : i32
        %dma_wait3A_412 = arith.constant 0 : i32
        %dma_wait3A_413 = tpu.memref_slice %arg11[%dma_wait3A_411, %dma_wait3A_412] : memref<10240x128xf32, #tpu.memory_space<vmem_shared>> -> memref<10240x128xf32, #tpu.memory_space<vmem_shared>>
        %dma_wait3A_414 = tpu.memref_slice %arg14[%sub3A_344] : memref<2x!tpu.dma_semaphore, #tpu.memory_space<semaphore_mem>> -> memref<1x!tpu.dma_semaphore, #tpu.memory_space<semaphore_mem>>
        %dma_wait3A_415 = tpu.memref_squeeze %dma_wait3A_414 : memref<1x!tpu.dma_semaphore, #tpu.memory_space<semaphore_mem>> -> memref<!tpu.dma_semaphore, #tpu.memory_space<semaphore_mem>>
        tpu.wait_indirect_dma semaphore(%dma_wait3A_415 : memref<!tpu.dma_semaphore, #tpu.memory_space<semaphore_mem>>) src(%dma_wait3A_407 : memref<80x128xf32, #tpu.memory_space<vmem>>) dst(%dma_wait3A_413 : memref<10240x128xf32, #tpu.memory_space<vmem_shared>>)
      } else {
      }
      %add3A_349 = arith.constant 1 : i32
      %add3A_350 = arith.addi %scan3A_340, %add3A_349 : i32
      %lt3A = arith.constant 125 : i32
      %lt3A_351 = arith.cmpi slt, %add3A_350, %lt3A : i32
      %convert_element_type3A_352 = arith.extui %lt3A_351 : i1 to i32
      %cond3A_353 = arith.constant 0 : i32
      %cond3A_354 = arith.cmpi ne, %convert_element_type3A_352, %cond3A_353 : i32
      scf.if %cond3A_354 {
        %add3A_399 = arith.constant 1 : i32
        %add3A_400 = arith.addi %scan3A_340, %add3A_399 : i32
        %rem3A_401 = arith.constant 3 : i32
        %rem3A_402 = arith.remsi %add3A_400, %rem3A_401 : i32
        %add3A_403 = arith.addi %mul3A_2, %add3A_400 : i32
        %dma_wait3A_404 = arith.constant 0 : i32
        %dma_wait3A_405 = arith.constant 0 : i32
        %dma_wait3A_406 = tpu.memref_slice %arg7[%rem3A_402, %dma_wait3A_404, %dma_wait3A_405] : memref<3x1x80xi32, #tpu.memory_space<vmem>> -> memref<1x1x80xi32, #tpu.memory_space<vmem>>
        %dma_wait3A_407 = tpu.memref_squeeze %dma_wait3A_406 : memref<1x1x80xi32, #tpu.memory_space<vmem>> -> memref<1x80xi32, #tpu.memory_space<vmem>>
        %dma_wait3A_408 = arith.constant 0 : i32
        %dma_wait3A_409 = arith.constant 0 : i32
        %dma_wait3A_410 = tpu.memref_slice %arg3[%add3A_403, %dma_wait3A_408, %dma_wait3A_409] : memref<4000x1x80xi32, #tpu.memory_space<hbm>> -> memref<1x1x80xi32, #tpu.memory_space<hbm>>
        %dma_wait3A_411 = tpu.memref_squeeze %dma_wait3A_410 : memref<1x1x80xi32, #tpu.memory_space<hbm>> -> memref<1x80xi32, #tpu.memory_space<hbm>>
        %dma_wait3A_412 = tpu.memref_slice %arg12[%rem3A_402] : memref<3x!tpu.dma_semaphore, #tpu.memory_space<semaphore_mem>> -> memref<1x!tpu.dma_semaphore, #tpu.memory_space<semaphore_mem>>
        %dma_wait3A_413 = tpu.memref_squeeze %dma_wait3A_412 : memref<1x!tpu.dma_semaphore, #tpu.memory_space<semaphore_mem>> -> memref<!tpu.dma_semaphore, #tpu.memory_space<semaphore_mem>>
        %dma_wait3A_414 = arith.constant 0 : i32
        %dma_wait3A_415 = arith.constant 0 : i32
        %dma_wait3A_416 = tpu.memref_slice %arg7[%rem3A_402, %dma_wait3A_414, %dma_wait3A_415] : memref<3x1x80xi32, #tpu.memory_space<vmem>> -> memref<1x1x80xi32, #tpu.memory_space<vmem>>
        %dma_wait3A_417 = tpu.memref_squeeze %dma_wait3A_416 : memref<1x1x80xi32, #tpu.memory_space<vmem>> -> memref<1x80xi32, #tpu.memory_space<vmem>>
        %dma_wait3A_418 = arith.constant 0 : i32
        %dma_wait3A_419 = arith.constant 0 : i32
        %dma_wait3A_420 = tpu.memref_slice %arg3[%add3A_403, %dma_wait3A_418, %dma_wait3A_419] : memref<4000x1x80xi32, #tpu.memory_space<hbm>> -> memref<1x1x80xi32, #tpu.memory_space<hbm>>
        %dma_wait3A_421 = tpu.memref_squeeze %dma_wait3A_420 : memref<1x1x80xi32, #tpu.memory_space<hbm>> -> memref<1x80xi32, #tpu.memory_space<hbm>>
        tpu.wait_dma2 semaphore(%dma_wait3A_413 : memref<!tpu.dma_semaphore, #tpu.memory_space<semaphore_mem>>) src(%dma_wait3A_421 : memref<1x80xi32, #tpu.memory_space<hbm>>) dst(%dma_wait3A_417 : memref<1x80xi32, #tpu.memory_space<vmem>>)
        %add3A_422 = arith.addi %mul3A_2, %add3A_400 : i32
        %dma_wait3A_423 = arith.constant 0 : i32
        %dma_wait3A_424 = arith.constant 0 : i32
        %dma_wait3A_425 = tpu.memref_slice %arg8[%rem3A_402, %dma_wait3A_423, %dma_wait3A_424] : memref<3x1x80xi32, #tpu.memory_space<vmem>> -> memref<1x1x80xi32, #tpu.memory_space<vmem>>
        %dma_wait3A_426 = tpu.memref_squeeze %dma_wait3A_425 : memref<1x1x80xi32, #tpu.memory_space<vmem>> -> memref<1x80xi32, #tpu.memory_space<vmem>>
        %dma_wait3A_427 = arith.constant 0 : i32
        %dma_wait3A_428 = arith.constant 0 : i32
        %dma_wait3A_429 = tpu.memref_slice %arg4[%add3A_422, %dma_wait3A_427, %dma_wait3A_428] : memref<4000x1x80xi32, #tpu.memory_space<hbm>> -> memref<1x1x80xi32, #tpu.memory_space<hbm>>
        %dma_wait3A_430 = tpu.memref_squeeze %dma_wait3A_429 : memref<1x1x80xi32, #tpu.memory_space<hbm>> -> memref<1x80xi32, #tpu.memory_space<hbm>>
        %dma_wait3A_431 = tpu.memref_slice %arg12[%rem3A_402] : memref<3x!tpu.dma_semaphore, #tpu.memory_space<semaphore_mem>> -> memref<1x!tpu.dma_semaphore, #tpu.memory_space<semaphore_mem>>
        %dma_wait3A_432 = tpu.memref_squeeze %dma_wait3A_431 : memref<1x!tpu.dma_semaphore, #tpu.memory_space<semaphore_mem>> -> memref<!tpu.dma_semaphore, #tpu.memory_space<semaphore_mem>>
        %dma_wait3A_433 = arith.constant 0 : i32
        %dma_wait3A_434 = arith.constant 0 : i32
        %dma_wait3A_435 = tpu.memref_slice %arg8[%rem3A_402, %dma_wait3A_433, %dma_wait3A_434] : memref<3x1x80xi32, #tpu.memory_space<vmem>> -> memref<1x1x80xi32, #tpu.memory_space<vmem>>
        %dma_wait3A_436 = tpu.memref_squeeze %dma_wait3A_435 : memref<1x1x80xi32, #tpu.memory_space<vmem>> -> memref<1x80xi32, #tpu.memory_space<vmem>>
        %dma_wait3A_437 = arith.constant 0 : i32
        %dma_wait3A_438 = arith.constant 0 : i32
        %dma_wait3A_439 = tpu.memref_slice %arg4[%add3A_422, %dma_wait3A_437, %dma_wait3A_438] : memref<4000x1x80xi32, #tpu.memory_space<hbm>> -> memref<1x1x80xi32, #tpu.memory_space<hbm>>
        %dma_wait3A_440 = tpu.memref_squeeze %dma_wait3A_439 : memref<1x1x80xi32, #tpu.memory_space<hbm>> -> memref<1x80xi32, #tpu.memory_space<hbm>>
        tpu.wait_dma2 semaphore(%dma_wait3A_432 : memref<!tpu.dma_semaphore, #tpu.memory_space<semaphore_mem>>) src(%dma_wait3A_440 : memref<1x80xi32, #tpu.memory_space<hbm>>) dst(%dma_wait3A_436 : memref<1x80xi32, #tpu.memory_space<vmem>>)
        %add3A_441 = arith.addi %mul3A_2, %add3A_400 : i32
        %dma_wait3A_442 = arith.constant 0 : i32
        %dma_wait3A_443 = arith.constant 0 : i32
        %dma_wait3A_444 = tpu.memref_slice %arg9[%rem3A_402, %dma_wait3A_442, %dma_wait3A_443] : memref<3x1x80xf32, #tpu.memory_space<vmem>> -> memref<1x1x80xf32, #tpu.memory_space<vmem>>
        %dma_wait3A_445 = tpu.memref_squeeze %dma_wait3A_444 : memref<1x1x80xf32, #tpu.memory_space<vmem>> -> memref<1x80xf32, #tpu.memory_space<vmem>>
        %dma_wait3A_446 = arith.constant 0 : i32
        %dma_wait3A_447 = arith.constant 0 : i32
        %dma_wait3A_448 = tpu.memref_slice %arg5[%add3A_441, %dma_wait3A_446, %dma_wait3A_447] : memref<4000x1x80xf32, #tpu.memory_space<hbm>> -> memref<1x1x80xf32, #tpu.memory_space<hbm>>
        %dma_wait3A_449 = tpu.memref_squeeze %dma_wait3A_448 : memref<1x1x80xf32, #tpu.memory_space<hbm>> -> memref<1x80xf32, #tpu.memory_space<hbm>>
        %dma_wait3A_450 = tpu.memref_slice %arg12[%rem3A_402] : memref<3x!tpu.dma_semaphore, #tpu.memory_space<semaphore_mem>> -> memref<1x!tpu.dma_semaphore, #tpu.memory_space<semaphore_mem>>
        %dma_wait3A_451 = tpu.memref_squeeze %dma_wait3A_450 : memref<1x!tpu.dma_semaphore, #tpu.memory_space<semaphore_mem>> -> memref<!tpu.dma_semaphore, #tpu.memory_space<semaphore_mem>>
        %dma_wait3A_452 = arith.constant 0 : i32
        %dma_wait3A_453 = arith.constant 0 : i32
        %dma_wait3A_454 = tpu.memref_slice %arg9[%rem3A_402, %dma_wait3A_452, %dma_wait3A_453] : memref<3x1x80xf32, #tpu.memory_space<vmem>> -> memref<1x1x80xf32, #tpu.memory_space<vmem>>
        %dma_wait3A_455 = tpu.memref_squeeze %dma_wait3A_454 : memref<1x1x80xf32, #tpu.memory_space<vmem>> -> memref<1x80xf32, #tpu.memory_space<vmem>>
        %dma_wait3A_456 = arith.constant 0 : i32
        %dma_wait3A_457 = arith.constant 0 : i32
        %dma_wait3A_458 = tpu.memref_slice %arg5[%add3A_441, %dma_wait3A_456, %dma_wait3A_457] : memref<4000x1x80xf32, #tpu.memory_space<hbm>> -> memref<1x1x80xf32, #tpu.memory_space<hbm>>
        %dma_wait3A_459 = tpu.memref_squeeze %dma_wait3A_458 : memref<1x1x80xf32, #tpu.memory_space<hbm>> -> memref<1x80xf32, #tpu.memory_space<hbm>>
        tpu.wait_dma2 semaphore(%dma_wait3A_451 : memref<!tpu.dma_semaphore, #tpu.memory_space<semaphore_mem>>) src(%dma_wait3A_459 : memref<1x80xf32, #tpu.memory_space<hbm>>) dst(%dma_wait3A_455 : memref<1x80xf32, #tpu.memory_space<vmem>>)
        %add3A_460 = arith.constant 1 : i32
        %add3A_461 = arith.addi %scan3A_340, %add3A_460 : i32
        %rem3A_462 = arith.constant 3 : i32
        %rem3A_463 = arith.remsi %add3A_461, %rem3A_462 : i32
        %dma_start3A_464 = arith.constant 0 : i32
        %dma_start3A_465 = arith.constant 0 : i32
        %dma_start3A_466 = arith.constant 0 : i32
        %dma_start3A_467 = tpu.memref_slice %arg10[%sub3A_344, %dma_start3A_465, %dma_start3A_466] : memref<2x80x128xf32, #tpu.memory_space<vmem>> -> memref<1x80x128xf32, #tpu.memory_space<vmem>>
        %dma_start3A_468 = tpu.memref_squeeze %dma_start3A_467 : memref<1x80x128xf32, #tpu.memory_space<vmem>> -> memref<80x128xf32, #tpu.memory_space<vmem>>
        %dma_start3A_469 = arith.constant 0 : i32
        %dma_start3A_470 = tpu.memref_slice %arg7[%rem3A_463, %dma_start3A_464, %dma_start3A_469] : memref<3x1x80xi32, #tpu.memory_space<vmem>> -> memref<1x1x80xi32, #tpu.memory_space<vmem>>
        %dma_start3A_471 = tpu.memref_squeeze %dma_start3A_470 : memref<1x1x80xi32, #tpu.memory_space<vmem>> -> memref<80xi32, #tpu.memory_space<vmem>>
        %dma_start3A_472 = arith.constant 0 : i32
        %dma_start3A_473 = arith.constant 0 : i32
        %dma_start3A_474 = tpu.memref_slice %arg2[%dma_start3A_472, %dma_start3A_473] : memref<10240x128xf32, #tpu.memory_space<hbm>> -> memref<10240x128xf32, #tpu.memory_space<hbm>>
        %dma_start3A_475 = tpu.memref_slice %arg13[%sub3A_344] : memref<2x!tpu.dma_semaphore, #tpu.memory_space<semaphore_mem>> -> memref<1x!tpu.dma_semaphore, #tpu.memory_space<semaphore_mem>>
        %dma_start3A_476 = tpu.memref_squeeze %dma_start3A_475 : memref<1x!tpu.dma_semaphore, #tpu.memory_space<semaphore_mem>> -> memref<!tpu.dma_semaphore, #tpu.memory_space<semaphore_mem>>
        tpu.enqueue_indirect_dma source(%dma_start3A_474 : memref<10240x128xf32, #tpu.memory_space<hbm>>) target(%dma_start3A_468 : memref<80x128xf32, #tpu.memory_space<vmem>>) offsets(%dma_start3A_471 : memref<80xi32, #tpu.memory_space<vmem>>) semaphore(%dma_start3A_476 : memref<!tpu.dma_semaphore, #tpu.memory_space<semaphore_mem>>)
      } else {
      }
      %dma_wait3A_355 = arith.constant 0 : i32
      %dma_wait3A_356 = arith.constant 0 : i32
      %dma_wait3A_357 = arith.constant 0 : i32
      %dma_wait3A_358 = tpu.memref_slice %arg10[%rem3A_343, %dma_wait3A_356, %dma_wait3A_357] : memref<2x80x128xf32, #tpu.memory_space<vmem>> -> memref<1x80x128xf32, #tpu.memory_space<vmem>>
      %dma_wait3A_359 = tpu.memref_squeeze %dma_wait3A_358 : memref<1x80x128xf32, #tpu.memory_space<vmem>> -> memref<80x128xf32, #tpu.memory_space<vmem>>
      %dma_wait3A_360 = arith.constant 0 : i32
      %dma_wait3A_361 = tpu.memref_slice %arg7[%rem3A_346, %dma_wait3A_355, %dma_wait3A_360] : memref<3x1x80xi32, #tpu.memory_space<vmem>> -> memref<1x1x80xi32, #tpu.memory_space<vmem>>
      %dma_wait3A_362 = tpu.memref_squeeze %dma_wait3A_361 : memref<1x1x80xi32, #tpu.memory_space<vmem>> -> memref<80xi32, #tpu.memory_space<vmem>>
      %dma_wait3A_363 = arith.constant 0 : i32
      %dma_wait3A_364 = arith.constant 0 : i32
      %dma_wait3A_365 = tpu.memref_slice %arg2[%dma_wait3A_363, %dma_wait3A_364] : memref<10240x128xf32, #tpu.memory_space<hbm>> -> memref<10240x128xf32, #tpu.memory_space<hbm>>
      %dma_wait3A_366 = tpu.memref_slice %arg13[%rem3A_343] : memref<2x!tpu.dma_semaphore, #tpu.memory_space<semaphore_mem>> -> memref<1x!tpu.dma_semaphore, #tpu.memory_space<semaphore_mem>>
      %dma_wait3A_367 = tpu.memref_squeeze %dma_wait3A_366 : memref<1x!tpu.dma_semaphore, #tpu.memory_space<semaphore_mem>> -> memref<!tpu.dma_semaphore, #tpu.memory_space<semaphore_mem>>
      tpu.wait_indirect_dma semaphore(%dma_wait3A_367 : memref<!tpu.dma_semaphore, #tpu.memory_space<semaphore_mem>>) src(%dma_wait3A_365 : memref<10240x128xf32, #tpu.memory_space<hbm>>) dst(%dma_wait3A_359 : memref<80x128xf32, #tpu.memory_space<vmem>>)
      %broadcast_in_dim3A_368 = arith.constant 0 : i32
      %broadcast_in_dim3A_369 = vector.broadcast %broadcast_in_dim3A_368 : i32 to vector<16xi32>
      %broadcast_in_dim3A_370 = vector.broadcast %rem3A_346 : i32 to vector<16xi32>
      %scan3A_371 = arith.constant 0 : i32
      %scan3A_372 = arith.constant 0 : i32
      %scan3A_373 = arith.constant 10 : i32
      %scan3A_374 = arith.addi %scan3A_372, %scan3A_373 : i32
      %scan3A_375 = arith.constant 1 : i32
      %scan3A_376 = scf.for %scan3A_399 = %scan3A_372 to %scan3A_374 step %scan3A_375 iter_args(%scan3A_400 = %scan3A_371) -> (i32)  : i32 {
        %mul3A_401 = arith.constant 8 : i32
        %mul3A_402 = arith.muli %scan3A_399, %mul3A_401 : i32
        %add3A_403 = arith.constant 0 : i32
        %add3A_404 = arith.addi %mul3A_402, %add3A_403 : i32
        %broadcast_in_dim3A_405 = vector.broadcast %add3A_404 : i32 to vector<16xi32>
        %gather3A = tpu.vector_load_idx %arg9[%broadcast_in_dim3A_370, %broadcast_in_dim3A_369, %broadcast_in_dim3A_405] : memref<3x1x80xf32, #tpu.memory_space<vmem>>[vector<16xi32>, vector<16xi32>, vector<16xi32>], vector<16xf32>,
        %add3A_406 = arith.constant 1 : i32
        %add3A_407 = arith.addi %mul3A_402, %add3A_406 : i32
        %broadcast_in_dim3A_408 = vector.broadcast %add3A_407 : i32 to vector<16xi32>
        %gather3A_409 = tpu.vector_load_idx %arg9[%broadcast_in_dim3A_370, %broadcast_in_dim3A_369, %broadcast_in_dim3A_408] : memref<3x1x80xf32, #tpu.memory_space<vmem>>[vector<16xi32>, vector<16xi32>, vector<16xi32>], vector<16xf32>,
        %add3A_410 = arith.constant 2 : i32
        %add3A_411 = arith.addi %mul3A_402, %add3A_410 : i32
        %broadcast_in_dim3A_412 = vector.broadcast %add3A_411 : i32 to vector<16xi32>
        %gather3A_413 = tpu.vector_load_idx %arg9[%broadcast_in_dim3A_370, %broadcast_in_dim3A_369, %broadcast_in_dim3A_412] : memref<3x1x80xf32, #tpu.memory_space<vmem>>[vector<16xi32>, vector<16xi32>, vector<16xi32>], vector<16xf32>,
        %add3A_414 = arith.constant 3 : i32
        %add3A_415 = arith.addi %mul3A_402, %add3A_414 : i32
        %broadcast_in_dim3A_416 = vector.broadcast %add3A_415 : i32 to vector<16xi32>
        %gather3A_417 = tpu.vector_load_idx %arg9[%broadcast_in_dim3A_370, %broadcast_in_dim3A_369, %broadcast_in_dim3A_416] : memref<3x1x80xf32, #tpu.memory_space<vmem>>[vector<16xi32>, vector<16xi32>, vector<16xi32>], vector<16xf32>,
        %add3A_418 = arith.constant 4 : i32
        %add3A_419 = arith.addi %mul3A_402, %add3A_418 : i32
        %broadcast_in_dim3A_420 = vector.broadcast %add3A_419 : i32 to vector<16xi32>
        %gather3A_421 = tpu.vector_load_idx %arg9[%broadcast_in_dim3A_370, %broadcast_in_dim3A_369, %broadcast_in_dim3A_420] : memref<3x1x80xf32, #tpu.memory_space<vmem>>[vector<16xi32>, vector<16xi32>, vector<16xi32>], vector<16xf32>,
        %add3A_422 = arith.constant 5 : i32
        %add3A_423 = arith.addi %mul3A_402, %add3A_422 : i32
        %broadcast_in_dim3A_424 = vector.broadcast %add3A_423 : i32 to vector<16xi32>
        %gather3A_425 = tpu.vector_load_idx %arg9[%broadcast_in_dim3A_370, %broadcast_in_dim3A_369, %broadcast_in_dim3A_424] : memref<3x1x80xf32, #tpu.memory_space<vmem>>[vector<16xi32>, vector<16xi32>, vector<16xi32>], vector<16xf32>,
        %add3A_426 = arith.constant 6 : i32
        %add3A_427 = arith.addi %mul3A_402, %add3A_426 : i32
        %broadcast_in_dim3A_428 = vector.broadcast %add3A_427 : i32 to vector<16xi32>
        %gather3A_429 = tpu.vector_load_idx %arg9[%broadcast_in_dim3A_370, %broadcast_in_dim3A_369, %broadcast_in_dim3A_428] : memref<3x1x80xf32, #tpu.memory_space<vmem>>[vector<16xi32>, vector<16xi32>, vector<16xi32>], vector<16xf32>,
        %add3A_430 = arith.constant 7 : i32
        %add3A_431 = arith.addi %mul3A_402, %add3A_430 : i32
        %broadcast_in_dim3A_432 = vector.broadcast %add3A_431 : i32 to vector<16xi32>
        %gather3A_433 = tpu.vector_load_idx %arg9[%broadcast_in_dim3A_370, %broadcast_in_dim3A_369, %broadcast_in_dim3A_432] : memref<3x1x80xf32, #tpu.memory_space<vmem>>[vector<16xi32>, vector<16xi32>, vector<16xi32>], vector<16xf32>,
        %add3A_434 = arith.constant 0 : i32
        %add3A_435 = arith.addi %mul3A_402, %add3A_434 : i32
        %get3A = arith.index_cast %rem3A_343 : i32 to index
        %get3A_436 = arith.index_cast %add3A_435 : i32 to index
        %get3A_437 = arith.constant 0 : index
        %get3A_438 = tpu.vector_load %arg10[%get3A, %get3A_436, %get3A_437] {strides = array<i32>} : memref<2x80x128xf32, #tpu.memory_space<vmem>>, vector<16xf32>,
        %mul3A_439 = arith.mulf %get3A_438, %gather3A : vector<16xf32>
        %add3A_440 = arith.constant 0 : i32
        %add3A_441 = arith.addi %mul3A_402, %add3A_440 : i32
        %swap3A = arith.index_cast %rem3A_343 : i32 to index
        %swap3A_442 = arith.index_cast %add3A_441 : i32 to index
        %swap3A_443 = arith.constant 0 : index
        %swap3A_444 = tpu.vector_load %arg10[%swap3A, %swap3A_442, %swap3A_443] {strides = array<i32>} : memref<2x80x128xf32, #tpu.memory_space<vmem>>, vector<16xf32>,
        tpu.vector_store %arg10[%swap3A, %swap3A_442, %swap3A_443], %mul3A_439 {strides = array<i32>} : memref<2x80x128xf32, #tpu.memory_space<vmem>>, vector<16xf32>,
        %add3A_445 = arith.constant 0 : i32
        %add3A_446 = arith.addi %mul3A_402, %add3A_445 : i32
        %get3A_447 = arith.index_cast %rem3A_343 : i32 to index
        %get3A_448 = arith.index_cast %add3A_446 : i32 to index
        %get3A_449 = arith.constant 16 : index
        %get3A_450 = tpu.vector_load %arg10[%get3A_447, %get3A_448, %get3A_449] {strides = array<i32>} : memref<2x80x128xf32, #tpu.memory_space<vmem>>, vector<16xf32>,
        %mul3A_451 = arith.mulf %get3A_450, %gather3A : vector<16xf32>
        %add3A_452 = arith.constant 0 : i32
        %add3A_453 = arith.addi %mul3A_402, %add3A_452 : i32
        %swap3A_454 = arith.index_cast %rem3A_343 : i32 to index
        %swap3A_455 = arith.index_cast %add3A_453 : i32 to index
        %swap3A_456 = arith.constant 16 : index
        %swap3A_457 = tpu.vector_load %arg10[%swap3A_454, %swap3A_455, %swap3A_456] {strides = array<i32>} : memref<2x80x128xf32, #tpu.memory_space<vmem>>, vector<16xf32>,
        tpu.vector_store %arg10[%swap3A_454, %swap3A_455, %swap3A_456], %mul3A_451 {strides = array<i32>} : memref<2x80x128xf32, #tpu.memory_space<vmem>>, vector<16xf32>,
        %add3A_458 = arith.constant 0 : i32
        %add3A_459 = arith.addi %mul3A_402, %add3A_458 : i32
        %get3A_460 = arith.index_cast %rem3A_343 : i32 to index
        %get3A_461 = arith.index_cast %add3A_459 : i32 to index
        %get3A_462 = arith.constant 32 : index
        %get3A_463 = tpu.vector_load %arg10[%get3A_460, %get3A_461, %get3A_462] {strides = array<i32>} : memref<2x80x128xf32, #tpu.memory_space<vmem>>, vector<16xf32>,
        %mul3A_464 = arith.mulf %get3A_463, %gather3A : vector<16xf32>
        %add3A_465 = arith.constant 0 : i32
        %add3A_466 = arith.addi %mul3A_402, %add3A_465 : i32
        %swap3A_467 = arith.index_cast %rem3A_343 : i32 to index
        %swap3A_468 = arith.index_cast %add3A_466 : i32 to index
        %swap3A_469 = arith.constant 32 : index
        %swap3A_470 = tpu.vector_load %arg10[%swap3A_467, %swap3A_468, %swap3A_469] {strides = array<i32>} : memref<2x80x128xf32, #tpu.memory_space<vmem>>, vector<16xf32>,
        tpu.vector_store %arg10[%swap3A_467, %swap3A_468, %swap3A_469], %mul3A_464 {strides = array<i32>} : memref<2x80x128xf32, #tpu.memory_space<vmem>>, vector<16xf32>,
        %add3A_471 = arith.constant 0 : i32
        %add3A_472 = arith.addi %mul3A_402, %add3A_471 : i32
        %get3A_473 = arith.index_cast %rem3A_343 : i32 to index
        %get3A_474 = arith.index_cast %add3A_472 : i32 to index
        %get3A_475 = arith.constant 48 : index
        %get3A_476 = tpu.vector_load %arg10[%get3A_473, %get3A_474, %get3A_475] {strides = array<i32>} : memref<2x80x128xf32, #tpu.memory_space<vmem>>, vector<16xf32>,
        %mul3A_477 = arith.mulf %get3A_476, %gather3A : vector<16xf32>
        %add3A_478 = arith.constant 0 : i32
        %add3A_479 = arith.addi %mul3A_402, %add3A_478 : i32
        %swap3A_480 = arith.index_cast %rem3A_343 : i32 to index
        %swap3A_481 = arith.index_cast %add3A_479 : i32 to index
        %swap3A_482 = arith.constant 48 : index
        %swap3A_483 = tpu.vector_load %arg10[%swap3A_480, %swap3A_481, %swap3A_482] {strides = array<i32>} : memref<2x80x128xf32, #tpu.memory_space<vmem>>, vector<16xf32>,
        tpu.vector_store %arg10[%swap3A_480, %swap3A_481, %swap3A_482], %mul3A_477 {strides = array<i32>} : memref<2x80x128xf32, #tpu.memory_space<vmem>>, vector<16xf32>,
        %add3A_484 = arith.constant 0 : i32
        %add3A_485 = arith.addi %mul3A_402, %add3A_484 : i32
        %get3A_486 = arith.index_cast %rem3A_343 : i32 to index
        %get3A_487 = arith.index_cast %add3A_485 : i32 to index
        %get3A_488 = arith.constant 64 : index
        %get3A_489 = tpu.vector_load %arg10[%get3A_486, %get3A_487, %get3A_488] {strides = array<i32>} : memref<2x80x128xf32, #tpu.memory_space<vmem>>, vector<16xf32>,
        %mul3A_490 = arith.mulf %get3A_489, %gather3A : vector<16xf32>
        %add3A_491 = arith.constant 0 : i32
        %add3A_492 = arith.addi %mul3A_402, %add3A_491 : i32
        %swap3A_493 = arith.index_cast %rem3A_343 : i32 to index
        %swap3A_494 = arith.index_cast %add3A_492 : i32 to index
        %swap3A_495 = arith.constant 64 : index
        %swap3A_496 = tpu.vector_load %arg10[%swap3A_493, %swap3A_494, %swap3A_495] {strides = array<i32>} : memref<2x80x128xf32, #tpu.memory_space<vmem>>, vector<16xf32>,
        tpu.vector_store %arg10[%swap3A_493, %swap3A_494, %swap3A_495], %mul3A_490 {strides = array<i32>} : memref<2x80x128xf32, #tpu.memory_space<vmem>>, vector<16xf32>,
        %add3A_497 = arith.constant 0 : i32
        %add3A_498 = arith.addi %mul3A_402, %add3A_497 : i32
        %get3A_499 = arith.index_cast %rem3A_343 : i32 to index
        %get3A_500 = arith.index_cast %add3A_498 : i32 to index
        %get3A_501 = arith.constant 80 : index
        %get3A_502 = tpu.vector_load %arg10[%get3A_499, %get3A_500, %get3A_501] {strides = array<i32>} : memref<2x80x128xf32, #tpu.memory_space<vmem>>, vector<16xf32>,
        %mul3A_503 = arith.mulf %get3A_502, %gather3A : vector<16xf32>
        %add3A_504 = arith.constant 0 : i32
        %add3A_505 = arith.addi %mul3A_402, %add3A_504 : i32
        %swap3A_506 = arith.index_cast %rem3A_343 : i32 to index
        %swap3A_507 = arith.index_cast %add3A_505 : i32 to index
        %swap3A_508 = arith.constant 80 : index
        %swap3A_509 = tpu.vector_load %arg10[%swap3A_506, %swap3A_507, %swap3A_508] {strides = array<i32>} : memref<2x80x128xf32, #tpu.memory_space<vmem>>, vector<16xf32>,
        tpu.vector_store %arg10[%swap3A_506, %swap3A_507, %swap3A_508], %mul3A_503 {strides = array<i32>} : memref<2x80x128xf32, #tpu.memory_space<vmem>>, vector<16xf32>,
        %add3A_510 = arith.constant 0 : i32
        %add3A_511 = arith.addi %mul3A_402, %add3A_510 : i32
        %get3A_512 = arith.index_cast %rem3A_343 : i32 to index
        %get3A_513 = arith.index_cast %add3A_511 : i32 to index
        %get3A_514 = arith.constant 96 : index
        %get3A_515 = tpu.vector_load %arg10[%get3A_512, %get3A_513, %get3A_514] {strides = array<i32>} : memref<2x80x128xf32, #tpu.memory_space<vmem>>, vector<16xf32>,
        %mul3A_516 = arith.mulf %get3A_515, %gather3A : vector<16xf32>
        %add3A_517 = arith.constant 0 : i32
        %add3A_518 = arith.addi %mul3A_402, %add3A_517 : i32
        %swap3A_519 = arith.index_cast %rem3A_343 : i32 to index
        %swap3A_520 = arith.index_cast %add3A_518 : i32 to index
        %swap3A_521 = arith.constant 96 : index
        %swap3A_522 = tpu.vector_load %arg10[%swap3A_519, %swap3A_520, %swap3A_521] {strides = array<i32>} : memref<2x80x128xf32, #tpu.memory_space<vmem>>, vector<16xf32>,
        tpu.vector_store %arg10[%swap3A_519, %swap3A_520, %swap3A_521], %mul3A_516 {strides = array<i32>} : memref<2x80x128xf32, #tpu.memory_space<vmem>>, vector<16xf32>,
        %add3A_523 = arith.constant 0 : i32
        %add3A_524 = arith.addi %mul3A_402, %add3A_523 : i32
        %get3A_525 = arith.index_cast %rem3A_343 : i32 to index
        %get3A_526 = arith.index_cast %add3A_524 : i32 to index
        %get3A_527 = arith.constant 112 : index
        %get3A_528 = tpu.vector_load %arg10[%get3A_525, %get3A_526, %get3A_527] {strides = array<i32>} : memref<2x80x128xf32, #tpu.memory_space<vmem>>, vector<16xf32>,
        %mul3A_529 = arith.mulf %get3A_528, %gather3A : vector<16xf32>
        %add3A_530 = arith.constant 0 : i32
        %add3A_531 = arith.addi %mul3A_402, %add3A_530 : i32
        %swap3A_532 = arith.index_cast %rem3A_343 : i32 to index
        %swap3A_533 = arith.index_cast %add3A_531 : i32 to index
        %swap3A_534 = arith.constant 112 : index
        %swap3A_535 = tpu.vector_load %arg10[%swap3A_532, %swap3A_533, %swap3A_534] {strides = array<i32>} : memref<2x80x128xf32, #tpu.memory_space<vmem>>, vector<16xf32>,
        tpu.vector_store %arg10[%swap3A_532, %swap3A_533, %swap3A_534], %mul3A_529 {strides = array<i32>} : memref<2x80x128xf32, #tpu.memory_space<vmem>>, vector<16xf32>,
        %add3A_536 = arith.constant 1 : i32
        %add3A_537 = arith.addi %mul3A_402, %add3A_536 : i32
        %get3A_538 = arith.index_cast %rem3A_343 : i32 to index
        %get3A_539 = arith.index_cast %add3A_537 : i32 to index
        %get3A_540 = arith.constant 0 : index
        %get3A_541 = tpu.vector_load %arg10[%get3A_538, %get3A_539, %get3A_540] {strides = array<i32>} : memref<2x80x128xf32, #tpu.memory_space<vmem>>, vector<16xf32>,
        %mul3A_542 = arith.mulf %get3A_541, %gather3A_409 : vector<16xf32>
        %add3A_543 = arith.constant 1 : i32
        %add3A_544 = arith.addi %mul3A_402, %add3A_543 : i32
        %swap3A_545 = arith.index_cast %rem3A_343 : i32 to index
        %swap3A_546 = arith.index_cast %add3A_544 : i32 to index
        %swap3A_547 = arith.constant 0 : index
        %swap3A_548 = tpu.vector_load %arg10[%swap3A_545, %swap3A_546, %swap3A_547] {strides = array<i32>} : memref<2x80x128xf32, #tpu.memory_space<vmem>>, vector<16xf32>,
        tpu.vector_store %arg10[%swap3A_545, %swap3A_546, %swap3A_547], %mul3A_542 {strides = array<i32>} : memref<2x80x128xf32, #tpu.memory_space<vmem>>, vector<16xf32>,
        %add3A_549 = arith.constant 1 : i32
        %add3A_550 = arith.addi %mul3A_402, %add3A_549 : i32
        %get3A_551 = arith.index_cast %rem3A_343 : i32 to index
        %get3A_552 = arith.index_cast %add3A_550 : i32 to index
        %get3A_553 = arith.constant 16 : index
        %get3A_554 = tpu.vector_load %arg10[%get3A_551, %get3A_552, %get3A_553] {strides = array<i32>} : memref<2x80x128xf32, #tpu.memory_space<vmem>>, vector<16xf32>,
        %mul3A_555 = arith.mulf %get3A_554, %gather3A_409 : vector<16xf32>
        %add3A_556 = arith.constant 1 : i32
        %add3A_557 = arith.addi %mul3A_402, %add3A_556 : i32
        %swap3A_558 = arith.index_cast %rem3A_343 : i32 to index
        %swap3A_559 = arith.index_cast %add3A_557 : i32 to index
        %swap3A_560 = arith.constant 16 : index
        %swap3A_561 = tpu.vector_load %arg10[%swap3A_558, %swap3A_559, %swap3A_560] {strides = array<i32>} : memref<2x80x128xf32, #tpu.memory_space<vmem>>, vector<16xf32>,
        tpu.vector_store %arg10[%swap3A_558, %swap3A_559, %swap3A_560], %mul3A_555 {strides = array<i32>} : memref<2x80x128xf32, #tpu.memory_space<vmem>>, vector<16xf32>,
        %add3A_562 = arith.constant 1 : i32
        %add3A_563 = arith.addi %mul3A_402, %add3A_562 : i32
        %get3A_564 = arith.index_cast %rem3A_343 : i32 to index
        %get3A_565 = arith.index_cast %add3A_563 : i32 to index
        %get3A_566 = arith.constant 32 : index
        %get3A_567 = tpu.vector_load %arg10[%get3A_564, %get3A_565, %get3A_566] {strides = array<i32>} : memref<2x80x128xf32, #tpu.memory_space<vmem>>, vector<16xf32>,
        %mul3A_568 = arith.mulf %get3A_567, %gather3A_409 : vector<16xf32>
        %add3A_569 = arith.constant 1 : i32
        %add3A_570 = arith.addi %mul3A_402, %add3A_569 : i32
        %swap3A_571 = arith.index_cast %rem3A_343 : i32 to index
        %swap3A_572 = arith.index_cast %add3A_570 : i32 to index
        %swap3A_573 = arith.constant 32 : index
        %swap3A_574 = tpu.vector_load %arg10[%swap3A_571, %swap3A_572, %swap3A_573] {strides = array<i32>} : memref<2x80x128xf32, #tpu.memory_space<vmem>>, vector<16xf32>,
        tpu.vector_store %arg10[%swap3A_571, %swap3A_572, %swap3A_573], %mul3A_568 {strides = array<i32>} : memref<2x80x128xf32, #tpu.memory_space<vmem>>, vector<16xf32>,
        %add3A_575 = arith.constant 1 : i32
        %add3A_576 = arith.addi %mul3A_402, %add3A_575 : i32
        %get3A_577 = arith.index_cast %rem3A_343 : i32 to index
        %get3A_578 = arith.index_cast %add3A_576 : i32 to index
        %get3A_579 = arith.constant 48 : index
        %get3A_580 = tpu.vector_load %arg10[%get3A_577, %get3A_578, %get3A_579] {strides = array<i32>} : memref<2x80x128xf32, #tpu.memory_space<vmem>>, vector<16xf32>,
        %mul3A_581 = arith.mulf %get3A_580, %gather3A_409 : vector<16xf32>
        %add3A_582 = arith.constant 1 : i32
        %add3A_583 = arith.addi %mul3A_402, %add3A_582 : i32
        %swap3A_584 = arith.index_cast %rem3A_343 : i32 to index
        %swap3A_585 = arith.index_cast %add3A_583 : i32 to index
        %swap3A_586 = arith.constant 48 : index
        %swap3A_587 = tpu.vector_load %arg10[%swap3A_584, %swap3A_585, %swap3A_586] {strides = array<i32>} : memref<2x80x128xf32, #tpu.memory_space<vmem>>, vector<16xf32>,
        tpu.vector_store %arg10[%swap3A_584, %swap3A_585, %swap3A_586], %mul3A_581 {strides = array<i32>} : memref<2x80x128xf32, #tpu.memory_space<vmem>>, vector<16xf32>,
        %add3A_588 = arith.constant 1 : i32
        %add3A_589 = arith.addi %mul3A_402, %add3A_588 : i32
        %get3A_590 = arith.index_cast %rem3A_343 : i32 to index
        %get3A_591 = arith.index_cast %add3A_589 : i32 to index
        %get3A_592 = arith.constant 64 : index
        %get3A_593 = tpu.vector_load %arg10[%get3A_590, %get3A_591, %get3A_592] {strides = array<i32>} : memref<2x80x128xf32, #tpu.memory_space<vmem>>, vector<16xf32>,
        %mul3A_594 = arith.mulf %get3A_593, %gather3A_409 : vector<16xf32>
        %add3A_595 = arith.constant 1 : i32
        %add3A_596 = arith.addi %mul3A_402, %add3A_595 : i32
        %swap3A_597 = arith.index_cast %rem3A_343 : i32 to index
        %swap3A_598 = arith.index_cast %add3A_596 : i32 to index
        %swap3A_599 = arith.constant 64 : index
        %swap3A_600 = tpu.vector_load %arg10[%swap3A_597, %swap3A_598, %swap3A_599] {strides = array<i32>} : memref<2x80x128xf32, #tpu.memory_space<vmem>>, vector<16xf32>,
        tpu.vector_store %arg10[%swap3A_597, %swap3A_598, %swap3A_599], %mul3A_594 {strides = array<i32>} : memref<2x80x128xf32, #tpu.memory_space<vmem>>, vector<16xf32>,
        %add3A_601 = arith.constant 1 : i32
        %add3A_602 = arith.addi %mul3A_402, %add3A_601 : i32
        %get3A_603 = arith.index_cast %rem3A_343 : i32 to index
        %get3A_604 = arith.index_cast %add3A_602 : i32 to index
        %get3A_605 = arith.constant 80 : index
        %get3A_606 = tpu.vector_load %arg10[%get3A_603, %get3A_604, %get3A_605] {strides = array<i32>} : memref<2x80x128xf32, #tpu.memory_space<vmem>>, vector<16xf32>,
        %mul3A_607 = arith.mulf %get3A_606, %gather3A_409 : vector<16xf32>
        %add3A_608 = arith.constant 1 : i32
        %add3A_609 = arith.addi %mul3A_402, %add3A_608 : i32
        %swap3A_610 = arith.index_cast %rem3A_343 : i32 to index
        %swap3A_611 = arith.index_cast %add3A_609 : i32 to index
        %swap3A_612 = arith.constant 80 : index
        %swap3A_613 = tpu.vector_load %arg10[%swap3A_610, %swap3A_611, %swap3A_612] {strides = array<i32>} : memref<2x80x128xf32, #tpu.memory_space<vmem>>, vector<16xf32>,
        tpu.vector_store %arg10[%swap3A_610, %swap3A_611, %swap3A_612], %mul3A_607 {strides = array<i32>} : memref<2x80x128xf32, #tpu.memory_space<vmem>>, vector<16xf32>,
        %add3A_614 = arith.constant 1 : i32
        %add3A_615 = arith.addi %mul3A_402, %add3A_614 : i32
        %get3A_616 = arith.index_cast %rem3A_343 : i32 to index
        %get3A_617 = arith.index_cast %add3A_615 : i32 to index
        %get3A_618 = arith.constant 96 : index
        %get3A_619 = tpu.vector_load %arg10[%get3A_616, %get3A_617, %get3A_618] {strides = array<i32>} : memref<2x80x128xf32, #tpu.memory_space<vmem>>, vector<16xf32>,
        %mul3A_620 = arith.mulf %get3A_619, %gather3A_409 : vector<16xf32>
        %add3A_621 = arith.constant 1 : i32
        %add3A_622 = arith.addi %mul3A_402, %add3A_621 : i32
        %swap3A_623 = arith.index_cast %rem3A_343 : i32 to index
        %swap3A_624 = arith.index_cast %add3A_622 : i32 to index
        %swap3A_625 = arith.constant 96 : index
        %swap3A_626 = tpu.vector_load %arg10[%swap3A_623, %swap3A_624, %swap3A_625] {strides = array<i32>} : memref<2x80x128xf32, #tpu.memory_space<vmem>>, vector<16xf32>,
        tpu.vector_store %arg10[%swap3A_623, %swap3A_624, %swap3A_625], %mul3A_620 {strides = array<i32>} : memref<2x80x128xf32, #tpu.memory_space<vmem>>, vector<16xf32>,
        %add3A_627 = arith.constant 1 : i32
        %add3A_628 = arith.addi %mul3A_402, %add3A_627 : i32
        %get3A_629 = arith.index_cast %rem3A_343 : i32 to index
        %get3A_630 = arith.index_cast %add3A_628 : i32 to index
        %get3A_631 = arith.constant 112 : index
        %get3A_632 = tpu.vector_load %arg10[%get3A_629, %get3A_630, %get3A_631] {strides = array<i32>} : memref<2x80x128xf32, #tpu.memory_space<vmem>>, vector<16xf32>,
        %mul3A_633 = arith.mulf %get3A_632, %gather3A_409 : vector<16xf32>
        %add3A_634 = arith.constant 1 : i32
        %add3A_635 = arith.addi %mul3A_402, %add3A_634 : i32
        %swap3A_636 = arith.index_cast %rem3A_343 : i32 to index
        %swap3A_637 = arith.index_cast %add3A_635 : i32 to index
        %swap3A_638 = arith.constant 112 : index
        %swap3A_639 = tpu.vector_load %arg10[%swap3A_636, %swap3A_637, %swap3A_638] {strides = array<i32>} : memref<2x80x128xf32, #tpu.memory_space<vmem>>, vector<16xf32>,
        tpu.vector_store %arg10[%swap3A_636, %swap3A_637, %swap3A_638], %mul3A_633 {strides = array<i32>} : memref<2x80x128xf32, #tpu.memory_space<vmem>>, vector<16xf32>,
        %add3A_640 = arith.constant 2 : i32
        %add3A_641 = arith.addi %mul3A_402, %add3A_640 : i32
        %get3A_642 = arith.index_cast %rem3A_343 : i32 to index
        %get3A_643 = arith.index_cast %add3A_641 : i32 to index
        %get3A_644 = arith.constant 0 : index
        %get3A_645 = tpu.vector_load %arg10[%get3A_642, %get3A_643, %get3A_644] {strides = array<i32>} : memref<2x80x128xf32, #tpu.memory_space<vmem>>, vector<16xf32>,
        %mul3A_646 = arith.mulf %get3A_645, %gather3A_413 : vector<16xf32>
        %add3A_647 = arith.constant 2 : i32
        %add3A_648 = arith.addi %mul3A_402, %add3A_647 : i32
        %swap3A_649 = arith.index_cast %rem3A_343 : i32 to index
        %swap3A_650 = arith.index_cast %add3A_648 : i32 to index
        %swap3A_651 = arith.constant 0 : index
        %swap3A_652 = tpu.vector_load %arg10[%swap3A_649, %swap3A_650, %swap3A_651] {strides = array<i32>} : memref<2x80x128xf32, #tpu.memory_space<vmem>>, vector<16xf32>,
        tpu.vector_store %arg10[%swap3A_649, %swap3A_650, %swap3A_651], %mul3A_646 {strides = array<i32>} : memref<2x80x128xf32, #tpu.memory_space<vmem>>, vector<16xf32>,
        %add3A_653 = arith.constant 2 : i32
        %add3A_654 = arith.addi %mul3A_402, %add3A_653 : i32
        %get3A_655 = arith.index_cast %rem3A_343 : i32 to index
        %get3A_656 = arith.index_cast %add3A_654 : i32 to index
        %get3A_657 = arith.constant 16 : index
        %get3A_658 = tpu.vector_load %arg10[%get3A_655, %get3A_656, %get3A_657] {strides = array<i32>} : memref<2x80x128xf32, #tpu.memory_space<vmem>>, vector<16xf32>,
        %mul3A_659 = arith.mulf %get3A_658, %gather3A_413 : vector<16xf32>
        %add3A_660 = arith.constant 2 : i32
        %add3A_661 = arith.addi %mul3A_402, %add3A_660 : i32
        %swap3A_662 = arith.index_cast %rem3A_343 : i32 to index
        %swap3A_663 = arith.index_cast %add3A_661 : i32 to index
        %swap3A_664 = arith.constant 16 : index
        %swap3A_665 = tpu.vector_load %arg10[%swap3A_662, %swap3A_663, %swap3A_664] {strides = array<i32>} : memref<2x80x128xf32, #tpu.memory_space<vmem>>, vector<16xf32>,
        tpu.vector_store %arg10[%swap3A_662, %swap3A_663, %swap3A_664], %mul3A_659 {strides = array<i32>} : memref<2x80x128xf32, #tpu.memory_space<vmem>>, vector<16xf32>,
        %add3A_666 = arith.constant 2 : i32
        %add3A_667 = arith.addi %mul3A_402, %add3A_666 : i32
        %get3A_668 = arith.index_cast %rem3A_343 : i32 to index
        %get3A_669 = arith.index_cast %add3A_667 : i32 to index
        %get3A_670 = arith.constant 32 : index
        %get3A_671 = tpu.vector_load %arg10[%get3A_668, %get3A_669, %get3A_670] {strides = array<i32>} : memref<2x80x128xf32, #tpu.memory_space<vmem>>, vector<16xf32>,
        %mul3A_672 = arith.mulf %get3A_671, %gather3A_413 : vector<16xf32>
        %add3A_673 = arith.constant 2 : i32
        %add3A_674 = arith.addi %mul3A_402, %add3A_673 : i32
        %swap3A_675 = arith.index_cast %rem3A_343 : i32 to index
        %swap3A_676 = arith.index_cast %add3A_674 : i32 to index
        %swap3A_677 = arith.constant 32 : index
        %swap3A_678 = tpu.vector_load %arg10[%swap3A_675, %swap3A_676, %swap3A_677] {strides = array<i32>} : memref<2x80x128xf32, #tpu.memory_space<vmem>>, vector<16xf32>,
        tpu.vector_store %arg10[%swap3A_675, %swap3A_676, %swap3A_677], %mul3A_672 {strides = array<i32>} : memref<2x80x128xf32, #tpu.memory_space<vmem>>, vector<16xf32>,
        %add3A_679 = arith.constant 2 : i32
        %add3A_680 = arith.addi %mul3A_402, %add3A_679 : i32
        %get3A_681 = arith.index_cast %rem3A_343 : i32 to index
        %get3A_682 = arith.index_cast %add3A_680 : i32 to index
        %get3A_683 = arith.constant 48 : index
        %get3A_684 = tpu.vector_load %arg10[%get3A_681, %get3A_682, %get3A_683] {strides = array<i32>} : memref<2x80x128xf32, #tpu.memory_space<vmem>>, vector<16xf32>,
        %mul3A_685 = arith.mulf %get3A_684, %gather3A_413 : vector<16xf32>
        %add3A_686 = arith.constant 2 : i32
        %add3A_687 = arith.addi %mul3A_402, %add3A_686 : i32
        %swap3A_688 = arith.index_cast %rem3A_343 : i32 to index
        %swap3A_689 = arith.index_cast %add3A_687 : i32 to index
        %swap3A_690 = arith.constant 48 : index
        %swap3A_691 = tpu.vector_load %arg10[%swap3A_688, %swap3A_689, %swap3A_690] {strides = array<i32>} : memref<2x80x128xf32, #tpu.memory_space<vmem>>, vector<16xf32>,
        tpu.vector_store %arg10[%swap3A_688, %swap3A_689, %swap3A_690], %mul3A_685 {strides = array<i32>} : memref<2x80x128xf32, #tpu.memory_space<vmem>>, vector<16xf32>,
        %add3A_692 = arith.constant 2 : i32
        %add3A_693 = arith.addi %mul3A_402, %add3A_692 : i32
        %get3A_694 = arith.index_cast %rem3A_343 : i32 to index
        %get3A_695 = arith.index_cast %add3A_693 : i32 to index
        %get3A_696 = arith.constant 64 : index
        %get3A_697 = tpu.vector_load %arg10[%get3A_694, %get3A_695, %get3A_696] {strides = array<i32>} : memref<2x80x128xf32, #tpu.memory_space<vmem>>, vector<16xf32>,
        %mul3A_698 = arith.mulf %get3A_697, %gather3A_413 : vector<16xf32>
        %add3A_699 = arith.constant 2 : i32
        %add3A_700 = arith.addi %mul3A_402, %add3A_699 : i32
        %swap3A_701 = arith.index_cast %rem3A_343 : i32 to index
        %swap3A_702 = arith.index_cast %add3A_700 : i32 to index
        %swap3A_703 = arith.constant 64 : index
        %swap3A_704 = tpu.vector_load %arg10[%swap3A_701, %swap3A_702, %swap3A_703] {strides = array<i32>} : memref<2x80x128xf32, #tpu.memory_space<vmem>>, vector<16xf32>,
        tpu.vector_store %arg10[%swap3A_701, %swap3A_702, %swap3A_703], %mul3A_698 {strides = array<i32>} : memref<2x80x128xf32, #tpu.memory_space<vmem>>, vector<16xf32>,
        %add3A_705 = arith.constant 2 : i32
        %add3A_706 = arith.addi %mul3A_402, %add3A_705 : i32
        %get3A_707 = arith.index_cast %rem3A_343 : i32 to index
        %get3A_708 = arith.index_cast %add3A_706 : i32 to index
        %get3A_709 = arith.constant 80 : index
        %get3A_710 = tpu.vector_load %arg10[%get3A_707, %get3A_708, %get3A_709] {strides = array<i32>} : memref<2x80x128xf32, #tpu.memory_space<vmem>>, vector<16xf32>,
        %mul3A_711 = arith.mulf %get3A_710, %gather3A_413 : vector<16xf32>
        %add3A_712 = arith.constant 2 : i32
        %add3A_713 = arith.addi %mul3A_402, %add3A_712 : i32
        %swap3A_714 = arith.index_cast %rem3A_343 : i32 to index
        %swap3A_715 = arith.index_cast %add3A_713 : i32 to index
        %swap3A_716 = arith.constant 80 : index
        %swap3A_717 = tpu.vector_load %arg10[%swap3A_714, %swap3A_715, %swap3A_716] {strides = array<i32>} : memref<2x80x128xf32, #tpu.memory_space<vmem>>, vector<16xf32>,
        tpu.vector_store %arg10[%swap3A_714, %swap3A_715, %swap3A_716], %mul3A_711 {strides = array<i32>} : memref<2x80x128xf32, #tpu.memory_space<vmem>>, vector<16xf32>,
        %add3A_718 = arith.constant 2 : i32
        %add3A_719 = arith.addi %mul3A_402, %add3A_718 : i32
        %get3A_720 = arith.index_cast %rem3A_343 : i32 to index
        %get3A_721 = arith.index_cast %add3A_719 : i32 to index
        %get3A_722 = arith.constant 96 : index
        %get3A_723 = tpu.vector_load %arg10[%get3A_720, %get3A_721, %get3A_722] {strides = array<i32>} : memref<2x80x128xf32, #tpu.memory_space<vmem>>, vector<16xf32>,
        %mul3A_724 = arith.mulf %get3A_723, %gather3A_413 : vector<16xf32>
        %add3A_725 = arith.constant 2 : i32
        %add3A_726 = arith.addi %mul3A_402, %add3A_725 : i32
        %swap3A_727 = arith.index_cast %rem3A_343 : i32 to index
        %swap3A_728 = arith.index_cast %add3A_726 : i32 to index
        %swap3A_729 = arith.constant 96 : index
        %swap3A_730 = tpu.vector_load %arg10[%swap3A_727, %swap3A_728, %swap3A_729] {strides = array<i32>} : memref<2x80x128xf32, #tpu.memory_space<vmem>>, vector<16xf32>,
        tpu.vector_store %arg10[%swap3A_727, %swap3A_728, %swap3A_729], %mul3A_724 {strides = array<i32>} : memref<2x80x128xf32, #tpu.memory_space<vmem>>, vector<16xf32>,
        %add3A_731 = arith.constant 2 : i32
        %add3A_732 = arith.addi %mul3A_402, %add3A_731 : i32
        %get3A_733 = arith.index_cast %rem3A_343 : i32 to index
        %get3A_734 = arith.index_cast %add3A_732 : i32 to index
        %get3A_735 = arith.constant 112 : index
        %get3A_736 = tpu.vector_load %arg10[%get3A_733, %get3A_734, %get3A_735] {strides = array<i32>} : memref<2x80x128xf32, #tpu.memory_space<vmem>>, vector<16xf32>,
        %mul3A_737 = arith.mulf %get3A_736, %gather3A_413 : vector<16xf32>
        %add3A_738 = arith.constant 2 : i32
        %add3A_739 = arith.addi %mul3A_402, %add3A_738 : i32
        %swap3A_740 = arith.index_cast %rem3A_343 : i32 to index
        %swap3A_741 = arith.index_cast %add3A_739 : i32 to index
        %swap3A_742 = arith.constant 112 : index
        %swap3A_743 = tpu.vector_load %arg10[%swap3A_740, %swap3A_741, %swap3A_742] {strides = array<i32>} : memref<2x80x128xf32, #tpu.memory_space<vmem>>, vector<16xf32>,
        tpu.vector_store %arg10[%swap3A_740, %swap3A_741, %swap3A_742], %mul3A_737 {strides = array<i32>} : memref<2x80x128xf32, #tpu.memory_space<vmem>>, vector<16xf32>,
        %add3A_744 = arith.constant 3 : i32
        %add3A_745 = arith.addi %mul3A_402, %add3A_744 : i32
        %get3A_746 = arith.index_cast %rem3A_343 : i32 to index
        %get3A_747 = arith.index_cast %add3A_745 : i32 to index
        %get3A_748 = arith.constant 0 : index
        %get3A_749 = tpu.vector_load %arg10[%get3A_746, %get3A_747, %get3A_748] {strides = array<i32>} : memref<2x80x128xf32, #tpu.memory_space<vmem>>, vector<16xf32>,
        %mul3A_750 = arith.mulf %get3A_749, %gather3A_417 : vector<16xf32>
        %add3A_751 = arith.constant 3 : i32
        %add3A_752 = arith.addi %mul3A_402, %add3A_751 : i32
        %swap3A_753 = arith.index_cast %rem3A_343 : i32 to index
        %swap3A_754 = arith.index_cast %add3A_752 : i32 to index
        %swap3A_755 = arith.constant 0 : index
        %swap3A_756 = tpu.vector_load %arg10[%swap3A_753, %swap3A_754, %swap3A_755] {strides = array<i32>} : memref<2x80x128xf32, #tpu.memory_space<vmem>>, vector<16xf32>,
        tpu.vector_store %arg10[%swap3A_753, %swap3A_754, %swap3A_755], %mul3A_750 {strides = array<i32>} : memref<2x80x128xf32, #tpu.memory_space<vmem>>, vector<16xf32>,
        %add3A_757 = arith.constant 3 : i32
        %add3A_758 = arith.addi %mul3A_402, %add3A_757 : i32
        %get3A_759 = arith.index_cast %rem3A_343 : i32 to index
        %get3A_760 = arith.index_cast %add3A_758 : i32 to index
        %get3A_761 = arith.constant 16 : index
        %get3A_762 = tpu.vector_load %arg10[%get3A_759, %get3A_760, %get3A_761] {strides = array<i32>} : memref<2x80x128xf32, #tpu.memory_space<vmem>>, vector<16xf32>,
        %mul3A_763 = arith.mulf %get3A_762, %gather3A_417 : vector<16xf32>
        %add3A_764 = arith.constant 3 : i32
        %add3A_765 = arith.addi %mul3A_402, %add3A_764 : i32
        %swap3A_766 = arith.index_cast %rem3A_343 : i32 to index
        %swap3A_767 = arith.index_cast %add3A_765 : i32 to index
        %swap3A_768 = arith.constant 16 : index
        %swap3A_769 = tpu.vector_load %arg10[%swap3A_766, %swap3A_767, %swap3A_768] {strides = array<i32>} : memref<2x80x128xf32, #tpu.memory_space<vmem>>, vector<16xf32>,
        tpu.vector_store %arg10[%swap3A_766, %swap3A_767, %swap3A_768], %mul3A_763 {strides = array<i32>} : memref<2x80x128xf32, #tpu.memory_space<vmem>>, vector<16xf32>,
        %add3A_770 = arith.constant 3 : i32
        %add3A_771 = arith.addi %mul3A_402, %add3A_770 : i32
        %get3A_772 = arith.index_cast %rem3A_343 : i32 to index
        %get3A_773 = arith.index_cast %add3A_771 : i32 to index
        %get3A_774 = arith.constant 32 : index
        %get3A_775 = tpu.vector_load %arg10[%get3A_772, %get3A_773, %get3A_774] {strides = array<i32>} : memref<2x80x128xf32, #tpu.memory_space<vmem>>, vector<16xf32>,
        %mul3A_776 = arith.mulf %get3A_775, %gather3A_417 : vector<16xf32>
        %add3A_777 = arith.constant 3 : i32
        %add3A_778 = arith.addi %mul3A_402, %add3A_777 : i32
        %swap3A_779 = arith.index_cast %rem3A_343 : i32 to index
        %swap3A_780 = arith.index_cast %add3A_778 : i32 to index
        %swap3A_781 = arith.constant 32 : index
        %swap3A_782 = tpu.vector_load %arg10[%swap3A_779, %swap3A_780, %swap3A_781] {strides = array<i32>} : memref<2x80x128xf32, #tpu.memory_space<vmem>>, vector<16xf32>,
        tpu.vector_store %arg10[%swap3A_779, %swap3A_780, %swap3A_781], %mul3A_776 {strides = array<i32>} : memref<2x80x128xf32, #tpu.memory_space<vmem>>, vector<16xf32>,
        %add3A_783 = arith.constant 3 : i32
        %add3A_784 = arith.addi %mul3A_402, %add3A_783 : i32
        %get3A_785 = arith.index_cast %rem3A_343 : i32 to index
        %get3A_786 = arith.index_cast %add3A_784 : i32 to index
        %get3A_787 = arith.constant 48 : index
        %get3A_788 = tpu.vector_load %arg10[%get3A_785, %get3A_786, %get3A_787] {strides = array<i32>} : memref<2x80x128xf32, #tpu.memory_space<vmem>>, vector<16xf32>,
        %mul3A_789 = arith.mulf %get3A_788, %gather3A_417 : vector<16xf32>
        %add3A_790 = arith.constant 3 : i32
        %add3A_791 = arith.addi %mul3A_402, %add3A_790 : i32
        %swap3A_792 = arith.index_cast %rem3A_343 : i32 to index
        %swap3A_793 = arith.index_cast %add3A_791 : i32 to index
        %swap3A_794 = arith.constant 48 : index
        %swap3A_795 = tpu.vector_load %arg10[%swap3A_792, %swap3A_793, %swap3A_794] {strides = array<i32>} : memref<2x80x128xf32, #tpu.memory_space<vmem>>, vector<16xf32>,
        tpu.vector_store %arg10[%swap3A_792, %swap3A_793, %swap3A_794], %mul3A_789 {strides = array<i32>} : memref<2x80x128xf32, #tpu.memory_space<vmem>>, vector<16xf32>,
        %add3A_796 = arith.constant 3 : i32
        %add3A_797 = arith.addi %mul3A_402, %add3A_796 : i32
        %get3A_798 = arith.index_cast %rem3A_343 : i32 to index
        %get3A_799 = arith.index_cast %add3A_797 : i32 to index
        %get3A_800 = arith.constant 64 : index
        %get3A_801 = tpu.vector_load %arg10[%get3A_798, %get3A_799, %get3A_800] {strides = array<i32>} : memref<2x80x128xf32, #tpu.memory_space<vmem>>, vector<16xf32>,
        %mul3A_802 = arith.mulf %get3A_801, %gather3A_417 : vector<16xf32>
        %add3A_803 = arith.constant 3 : i32
        %add3A_804 = arith.addi %mul3A_402, %add3A_803 : i32
        %swap3A_805 = arith.index_cast %rem3A_343 : i32 to index
        %swap3A_806 = arith.index_cast %add3A_804 : i32 to index
        %swap3A_807 = arith.constant 64 : index
        %swap3A_808 = tpu.vector_load %arg10[%swap3A_805, %swap3A_806, %swap3A_807] {strides = array<i32>} : memref<2x80x128xf32, #tpu.memory_space<vmem>>, vector<16xf32>,
        tpu.vector_store %arg10[%swap3A_805, %swap3A_806, %swap3A_807], %mul3A_802 {strides = array<i32>} : memref<2x80x128xf32, #tpu.memory_space<vmem>>, vector<16xf32>,
        %add3A_809 = arith.constant 3 : i32
        %add3A_810 = arith.addi %mul3A_402, %add3A_809 : i32
        %get3A_811 = arith.index_cast %rem3A_343 : i32 to index
        %get3A_812 = arith.index_cast %add3A_810 : i32 to index
        %get3A_813 = arith.constant 80 : index
        %get3A_814 = tpu.vector_load %arg10[%get3A_811, %get3A_812, %get3A_813] {strides = array<i32>} : memref<2x80x128xf32, #tpu.memory_space<vmem>>, vector<16xf32>,
        %mul3A_815 = arith.mulf %get3A_814, %gather3A_417 : vector<16xf32>
        %add3A_816 = arith.constant 3 : i32
        %add3A_817 = arith.addi %mul3A_402, %add3A_816 : i32
        %swap3A_818 = arith.index_cast %rem3A_343 : i32 to index
        %swap3A_819 = arith.index_cast %add3A_817 : i32 to index
        %swap3A_820 = arith.constant 80 : index
        %swap3A_821 = tpu.vector_load %arg10[%swap3A_818, %swap3A_819, %swap3A_820] {strides = array<i32>} : memref<2x80x128xf32, #tpu.memory_space<vmem>>, vector<16xf32>,
        tpu.vector_store %arg10[%swap3A_818, %swap3A_819, %swap3A_820], %mul3A_815 {strides = array<i32>} : memref<2x80x128xf32, #tpu.memory_space<vmem>>, vector<16xf32>,
        %add3A_822 = arith.constant 3 : i32
        %add3A_823 = arith.addi %mul3A_402, %add3A_822 : i32
        %get3A_824 = arith.index_cast %rem3A_343 : i32 to index
        %get3A_825 = arith.index_cast %add3A_823 : i32 to index
        %get3A_826 = arith.constant 96 : index
        %get3A_827 = tpu.vector_load %arg10[%get3A_824, %get3A_825, %get3A_826] {strides = array<i32>} : memref<2x80x128xf32, #tpu.memory_space<vmem>>, vector<16xf32>,
        %mul3A_828 = arith.mulf %get3A_827, %gather3A_417 : vector<16xf32>
        %add3A_829 = arith.constant 3 : i32
        %add3A_830 = arith.addi %mul3A_402, %add3A_829 : i32
        %swap3A_831 = arith.index_cast %rem3A_343 : i32 to index
        %swap3A_832 = arith.index_cast %add3A_830 : i32 to index
        %swap3A_833 = arith.constant 96 : index
        %swap3A_834 = tpu.vector_load %arg10[%swap3A_831, %swap3A_832, %swap3A_833] {strides = array<i32>} : memref<2x80x128xf32, #tpu.memory_space<vmem>>, vector<16xf32>,
        tpu.vector_store %arg10[%swap3A_831, %swap3A_832, %swap3A_833], %mul3A_828 {strides = array<i32>} : memref<2x80x128xf32, #tpu.memory_space<vmem>>, vector<16xf32>,
        %add3A_835 = arith.constant 3 : i32
        %add3A_836 = arith.addi %mul3A_402, %add3A_835 : i32
        %get3A_837 = arith.index_cast %rem3A_343 : i32 to index
        %get3A_838 = arith.index_cast %add3A_836 : i32 to index
        %get3A_839 = arith.constant 112 : index
        %get3A_840 = tpu.vector_load %arg10[%get3A_837, %get3A_838, %get3A_839] {strides = array<i32>} : memref<2x80x128xf32, #tpu.memory_space<vmem>>, vector<16xf32>,
        %mul3A_841 = arith.mulf %get3A_840, %gather3A_417 : vector<16xf32>
        %add3A_842 = arith.constant 3 : i32
        %add3A_843 = arith.addi %mul3A_402, %add3A_842 : i32
        %swap3A_844 = arith.index_cast %rem3A_343 : i32 to index
        %swap3A_845 = arith.index_cast %add3A_843 : i32 to index
        %swap3A_846 = arith.constant 112 : index
        %swap3A_847 = tpu.vector_load %arg10[%swap3A_844, %swap3A_845, %swap3A_846] {strides = array<i32>} : memref<2x80x128xf32, #tpu.memory_space<vmem>>, vector<16xf32>,
        tpu.vector_store %arg10[%swap3A_844, %swap3A_845, %swap3A_846], %mul3A_841 {strides = array<i32>} : memref<2x80x128xf32, #tpu.memory_space<vmem>>, vector<16xf32>,
        %add3A_848 = arith.constant 4 : i32
        %add3A_849 = arith.addi %mul3A_402, %add3A_848 : i32
        %get3A_850 = arith.index_cast %rem3A_343 : i32 to index
        %get3A_851 = arith.index_cast %add3A_849 : i32 to index
        %get3A_852 = arith.constant 0 : index
        %get3A_853 = tpu.vector_load %arg10[%get3A_850, %get3A_851, %get3A_852] {strides = array<i32>} : memref<2x80x128xf32, #tpu.memory_space<vmem>>, vector<16xf32>,
        %mul3A_854 = arith.mulf %get3A_853, %gather3A_421 : vector<16xf32>
        %add3A_855 = arith.constant 4 : i32
        %add3A_856 = arith.addi %mul3A_402, %add3A_855 : i32
        %swap3A_857 = arith.index_cast %rem3A_343 : i32 to index
        %swap3A_858 = arith.index_cast %add3A_856 : i32 to index
        %swap3A_859 = arith.constant 0 : index
        %swap3A_860 = tpu.vector_load %arg10[%swap3A_857, %swap3A_858, %swap3A_859] {strides = array<i32>} : memref<2x80x128xf32, #tpu.memory_space<vmem>>, vector<16xf32>,
        tpu.vector_store %arg10[%swap3A_857, %swap3A_858, %swap3A_859], %mul3A_854 {strides = array<i32>} : memref<2x80x128xf32, #tpu.memory_space<vmem>>, vector<16xf32>,
        %add3A_861 = arith.constant 4 : i32
        %add3A_862 = arith.addi %mul3A_402, %add3A_861 : i32
        %get3A_863 = arith.index_cast %rem3A_343 : i32 to index
        %get3A_864 = arith.index_cast %add3A_862 : i32 to index
        %get3A_865 = arith.constant 16 : index
        %get3A_866 = tpu.vector_load %arg10[%get3A_863, %get3A_864, %get3A_865] {strides = array<i32>} : memref<2x80x128xf32, #tpu.memory_space<vmem>>, vector<16xf32>,
        %mul3A_867 = arith.mulf %get3A_866, %gather3A_421 : vector<16xf32>
        %add3A_868 = arith.constant 4 : i32
        %add3A_869 = arith.addi %mul3A_402, %add3A_868 : i32
        %swap3A_870 = arith.index_cast %rem3A_343 : i32 to index
        %swap3A_871 = arith.index_cast %add3A_869 : i32 to index
        %swap3A_872 = arith.constant 16 : index
        %swap3A_873 = tpu.vector_load %arg10[%swap3A_870, %swap3A_871, %swap3A_872] {strides = array<i32>} : memref<2x80x128xf32, #tpu.memory_space<vmem>>, vector<16xf32>,
        tpu.vector_store %arg10[%swap3A_870, %swap3A_871, %swap3A_872], %mul3A_867 {strides = array<i32>} : memref<2x80x128xf32, #tpu.memory_space<vmem>>, vector<16xf32>,
        %add3A_874 = arith.constant 4 : i32
        %add3A_875 = arith.addi %mul3A_402, %add3A_874 : i32
        %get3A_876 = arith.index_cast %rem3A_343 : i32 to index
        %get3A_877 = arith.index_cast %add3A_875 : i32 to index
        %get3A_878 = arith.constant 32 : index
        %get3A_879 = tpu.vector_load %arg10[%get3A_876, %get3A_877, %get3A_878] {strides = array<i32>} : memref<2x80x128xf32, #tpu.memory_space<vmem>>, vector<16xf32>,
        %mul3A_880 = arith.mulf %get3A_879, %gather3A_421 : vector<16xf32>
        %add3A_881 = arith.constant 4 : i32
        %add3A_882 = arith.addi %mul3A_402, %add3A_881 : i32
        %swap3A_883 = arith.index_cast %rem3A_343 : i32 to index
        %swap3A_884 = arith.index_cast %add3A_882 : i32 to index
        %swap3A_885 = arith.constant 32 : index
        %swap3A_886 = tpu.vector_load %arg10[%swap3A_883, %swap3A_884, %swap3A_885] {strides = array<i32>} : memref<2x80x128xf32, #tpu.memory_space<vmem>>, vector<16xf32>,
        tpu.vector_store %arg10[%swap3A_883, %swap3A_884, %swap3A_885], %mul3A_880 {strides = array<i32>} : memref<2x80x128xf32, #tpu.memory_space<vmem>>, vector<16xf32>,
        %add3A_887 = arith.constant 4 : i32
        %add3A_888 = arith.addi %mul3A_402, %add3A_887 : i32
        %get3A_889 = arith.index_cast %rem3A_343 : i32 to index
        %get3A_890 = arith.index_cast %add3A_888 : i32 to index
        %get3A_891 = arith.constant 48 : index
        %get3A_892 = tpu.vector_load %arg10[%get3A_889, %get3A_890, %get3A_891] {strides = array<i32>} : memref<2x80x128xf32, #tpu.memory_space<vmem>>, vector<16xf32>,
        %mul3A_893 = arith.mulf %get3A_892, %gather3A_421 : vector<16xf32>
        %add3A_894 = arith.constant 4 : i32
        %add3A_895 = arith.addi %mul3A_402, %add3A_894 : i32
        %swap3A_896 = arith.index_cast %rem3A_343 : i32 to index
        %swap3A_897 = arith.index_cast %add3A_895 : i32 to index
        %swap3A_898 = arith.constant 48 : index
        %swap3A_899 = tpu.vector_load %arg10[%swap3A_896, %swap3A_897, %swap3A_898] {strides = array<i32>} : memref<2x80x128xf32, #tpu.memory_space<vmem>>, vector<16xf32>,
        tpu.vector_store %arg10[%swap3A_896, %swap3A_897, %swap3A_898], %mul3A_893 {strides = array<i32>} : memref<2x80x128xf32, #tpu.memory_space<vmem>>, vector<16xf32>,
        %add3A_900 = arith.constant 4 : i32
        %add3A_901 = arith.addi %mul3A_402, %add3A_900 : i32
        %get3A_902 = arith.index_cast %rem3A_343 : i32 to index
        %get3A_903 = arith.index_cast %add3A_901 : i32 to index
        %get3A_904 = arith.constant 64 : index
        %get3A_905 = tpu.vector_load %arg10[%get3A_902, %get3A_903, %get3A_904] {strides = array<i32>} : memref<2x80x128xf32, #tpu.memory_space<vmem>>, vector<16xf32>,
        %mul3A_906 = arith.mulf %get3A_905, %gather3A_421 : vector<16xf32>
        %add3A_907 = arith.constant 4 : i32
        %add3A_908 = arith.addi %mul3A_402, %add3A_907 : i32
        %swap3A_909 = arith.index_cast %rem3A_343 : i32 to index
        %swap3A_910 = arith.index_cast %add3A_908 : i32 to index
        %swap3A_911 = arith.constant 64 : index
        %swap3A_912 = tpu.vector_load %arg10[%swap3A_909, %swap3A_910, %swap3A_911] {strides = array<i32>} : memref<2x80x128xf32, #tpu.memory_space<vmem>>, vector<16xf32>,
        tpu.vector_store %arg10[%swap3A_909, %swap3A_910, %swap3A_911], %mul3A_906 {strides = array<i32>} : memref<2x80x128xf32, #tpu.memory_space<vmem>>, vector<16xf32>,
        %add3A_913 = arith.constant 4 : i32
        %add3A_914 = arith.addi %mul3A_402, %add3A_913 : i32
        %get3A_915 = arith.index_cast %rem3A_343 : i32 to index
        %get3A_916 = arith.index_cast %add3A_914 : i32 to index
        %get3A_917 = arith.constant 80 : index
        %get3A_918 = tpu.vector_load %arg10[%get3A_915, %get3A_916, %get3A_917] {strides = array<i32>} : memref<2x80x128xf32, #tpu.memory_space<vmem>>, vector<16xf32>,
        %mul3A_919 = arith.mulf %get3A_918, %gather3A_421 : vector<16xf32>
        %add3A_920 = arith.constant 4 : i32
        %add3A_921 = arith.addi %mul3A_402, %add3A_920 : i32
        %swap3A_922 = arith.index_cast %rem3A_343 : i32 to index
        %swap3A_923 = arith.index_cast %add3A_921 : i32 to index
        %swap3A_924 = arith.constant 80 : index
        %swap3A_925 = tpu.vector_load %arg10[%swap3A_922, %swap3A_923, %swap3A_924] {strides = array<i32>} : memref<2x80x128xf32, #tpu.memory_space<vmem>>, vector<16xf32>,
        tpu.vector_store %arg10[%swap3A_922, %swap3A_923, %swap3A_924], %mul3A_919 {strides = array<i32>} : memref<2x80x128xf32, #tpu.memory_space<vmem>>, vector<16xf32>,
        %add3A_926 = arith.constant 4 : i32
        %add3A_927 = arith.addi %mul3A_402, %add3A_926 : i32
        %get3A_928 = arith.index_cast %rem3A_343 : i32 to index
        %get3A_929 = arith.index_cast %add3A_927 : i32 to index
        %get3A_930 = arith.constant 96 : index
        %get3A_931 = tpu.vector_load %arg10[%get3A_928, %get3A_929, %get3A_930] {strides = array<i32>} : memref<2x80x128xf32, #tpu.memory_space<vmem>>, vector<16xf32>,
        %mul3A_932 = arith.mulf %get3A_931, %gather3A_421 : vector<16xf32>
        %add3A_933 = arith.constant 4 : i32
        %add3A_934 = arith.addi %mul3A_402, %add3A_933 : i32
        %swap3A_935 = arith.index_cast %rem3A_343 : i32 to index
        %swap3A_936 = arith.index_cast %add3A_934 : i32 to index
        %swap3A_937 = arith.constant 96 : index
        %swap3A_938 = tpu.vector_load %arg10[%swap3A_935, %swap3A_936, %swap3A_937] {strides = array<i32>} : memref<2x80x128xf32, #tpu.memory_space<vmem>>, vector<16xf32>,
        tpu.vector_store %arg10[%swap3A_935, %swap3A_936, %swap3A_937], %mul3A_932 {strides = array<i32>} : memref<2x80x128xf32, #tpu.memory_space<vmem>>, vector<16xf32>,
        %add3A_939 = arith.constant 4 : i32
        %add3A_940 = arith.addi %mul3A_402, %add3A_939 : i32
        %get3A_941 = arith.index_cast %rem3A_343 : i32 to index
        %get3A_942 = arith.index_cast %add3A_940 : i32 to index
        %get3A_943 = arith.constant 112 : index
        %get3A_944 = tpu.vector_load %arg10[%get3A_941, %get3A_942, %get3A_943] {strides = array<i32>} : memref<2x80x128xf32, #tpu.memory_space<vmem>>, vector<16xf32>,
        %mul3A_945 = arith.mulf %get3A_944, %gather3A_421 : vector<16xf32>
        %add3A_946 = arith.constant 4 : i32
        %add3A_947 = arith.addi %mul3A_402, %add3A_946 : i32
        %swap3A_948 = arith.index_cast %rem3A_343 : i32 to index
        %swap3A_949 = arith.index_cast %add3A_947 : i32 to index
        %swap3A_950 = arith.constant 112 : index
        %swap3A_951 = tpu.vector_load %arg10[%swap3A_948, %swap3A_949, %swap3A_950] {strides = array<i32>} : memref<2x80x128xf32, #tpu.memory_space<vmem>>, vector<16xf32>,
        tpu.vector_store %arg10[%swap3A_948, %swap3A_949, %swap3A_950], %mul3A_945 {strides = array<i32>} : memref<2x80x128xf32, #tpu.memory_space<vmem>>, vector<16xf32>,
        %add3A_952 = arith.constant 5 : i32
        %add3A_953 = arith.addi %mul3A_402, %add3A_952 : i32
        %get3A_954 = arith.index_cast %rem3A_343 : i32 to index
        %get3A_955 = arith.index_cast %add3A_953 : i32 to index
        %get3A_956 = arith.constant 0 : index
        %get3A_957 = tpu.vector_load %arg10[%get3A_954, %get3A_955, %get3A_956] {strides = array<i32>} : memref<2x80x128xf32, #tpu.memory_space<vmem>>, vector<16xf32>,
        %mul3A_958 = arith.mulf %get3A_957, %gather3A_425 : vector<16xf32>
        %add3A_959 = arith.constant 5 : i32
        %add3A_960 = arith.addi %mul3A_402, %add3A_959 : i32
        %swap3A_961 = arith.index_cast %rem3A_343 : i32 to index
        %swap3A_962 = arith.index_cast %add3A_960 : i32 to index
        %swap3A_963 = arith.constant 0 : index
        %swap3A_964 = tpu.vector_load %arg10[%swap3A_961, %swap3A_962, %swap3A_963] {strides = array<i32>} : memref<2x80x128xf32, #tpu.memory_space<vmem>>, vector<16xf32>,
        tpu.vector_store %arg10[%swap3A_961, %swap3A_962, %swap3A_963], %mul3A_958 {strides = array<i32>} : memref<2x80x128xf32, #tpu.memory_space<vmem>>, vector<16xf32>,
        %add3A_965 = arith.constant 5 : i32
        %add3A_966 = arith.addi %mul3A_402, %add3A_965 : i32
        %get3A_967 = arith.index_cast %rem3A_343 : i32 to index
        %get3A_968 = arith.index_cast %add3A_966 : i32 to index
        %get3A_969 = arith.constant 16 : index
        %get3A_970 = tpu.vector_load %arg10[%get3A_967, %get3A_968, %get3A_969] {strides = array<i32>} : memref<2x80x128xf32, #tpu.memory_space<vmem>>, vector<16xf32>,
        %mul3A_971 = arith.mulf %get3A_970, %gather3A_425 : vector<16xf32>
        %add3A_972 = arith.constant 5 : i32
        %add3A_973 = arith.addi %mul3A_402, %add3A_972 : i32
        %swap3A_974 = arith.index_cast %rem3A_343 : i32 to index
        %swap3A_975 = arith.index_cast %add3A_973 : i32 to index
        %swap3A_976 = arith.constant 16 : index
        %swap3A_977 = tpu.vector_load %arg10[%swap3A_974, %swap3A_975, %swap3A_976] {strides = array<i32>} : memref<2x80x128xf32, #tpu.memory_space<vmem>>, vector<16xf32>,
        tpu.vector_store %arg10[%swap3A_974, %swap3A_975, %swap3A_976], %mul3A_971 {strides = array<i32>} : memref<2x80x128xf32, #tpu.memory_space<vmem>>, vector<16xf32>,
        %add3A_978 = arith.constant 5 : i32
        %add3A_979 = arith.addi %mul3A_402, %add3A_978 : i32
        %get3A_980 = arith.index_cast %rem3A_343 : i32 to index
        %get3A_981 = arith.index_cast %add3A_979 : i32 to index
        %get3A_982 = arith.constant 32 : index
        %get3A_983 = tpu.vector_load %arg10[%get3A_980, %get3A_981, %get3A_982] {strides = array<i32>} : memref<2x80x128xf32, #tpu.memory_space<vmem>>, vector<16xf32>,
        %mul3A_984 = arith.mulf %get3A_983, %gather3A_425 : vector<16xf32>
        %add3A_985 = arith.constant 5 : i32
        %add3A_986 = arith.addi %mul3A_402, %add3A_985 : i32
        %swap3A_987 = arith.index_cast %rem3A_343 : i32 to index
        %swap3A_988 = arith.index_cast %add3A_986 : i32 to index
        %swap3A_989 = arith.constant 32 : index
        %swap3A_990 = tpu.vector_load %arg10[%swap3A_987, %swap3A_988, %swap3A_989] {strides = array<i32>} : memref<2x80x128xf32, #tpu.memory_space<vmem>>, vector<16xf32>,
        tpu.vector_store %arg10[%swap3A_987, %swap3A_988, %swap3A_989], %mul3A_984 {strides = array<i32>} : memref<2x80x128xf32, #tpu.memory_space<vmem>>, vector<16xf32>,
        %add3A_991 = arith.constant 5 : i32
        %add3A_992 = arith.addi %mul3A_402, %add3A_991 : i32
        %get3A_993 = arith.index_cast %rem3A_343 : i32 to index
        %get3A_994 = arith.index_cast %add3A_992 : i32 to index
        %get3A_995 = arith.constant 48 : index
        %get3A_996 = tpu.vector_load %arg10[%get3A_993, %get3A_994, %get3A_995] {strides = array<i32>} : memref<2x80x128xf32, #tpu.memory_space<vmem>>, vector<16xf32>,
        %mul3A_997 = arith.mulf %get3A_996, %gather3A_425 : vector<16xf32>
        %add3A_998 = arith.constant 5 : i32
        %add3A_999 = arith.addi %mul3A_402, %add3A_998 : i32
        %swap3A_1000 = arith.index_cast %rem3A_343 : i32 to index
        %swap3A_1001 = arith.index_cast %add3A_999 : i32 to index
        %swap3A_1002 = arith.constant 48 : index
        %swap3A_1003 = tpu.vector_load %arg10[%swap3A_1000, %swap3A_1001, %swap3A_1002] {strides = array<i32>} : memref<2x80x128xf32, #tpu.memory_space<vmem>>, vector<16xf32>,
        tpu.vector_store %arg10[%swap3A_1000, %swap3A_1001, %swap3A_1002], %mul3A_997 {strides = array<i32>} : memref<2x80x128xf32, #tpu.memory_space<vmem>>, vector<16xf32>,
        %add3A_1004 = arith.constant 5 : i32
        %add3A_1005 = arith.addi %mul3A_402, %add3A_1004 : i32
        %get3A_1006 = arith.index_cast %rem3A_343 : i32 to index
        %get3A_1007 = arith.index_cast %add3A_1005 : i32 to index
        %get3A_1008 = arith.constant 64 : index
        %get3A_1009 = tpu.vector_load %arg10[%get3A_1006, %get3A_1007, %get3A_1008] {strides = array<i32>} : memref<2x80x128xf32, #tpu.memory_space<vmem>>, vector<16xf32>,
        %mul3A_1010 = arith.mulf %get3A_1009, %gather3A_425 : vector<16xf32>
        %add3A_1011 = arith.constant 5 : i32
        %add3A_1012 = arith.addi %mul3A_402, %add3A_1011 : i32
        %swap3A_1013 = arith.index_cast %rem3A_343 : i32 to index
        %swap3A_1014 = arith.index_cast %add3A_1012 : i32 to index
        %swap3A_1015 = arith.constant 64 : index
        %swap3A_1016 = tpu.vector_load %arg10[%swap3A_1013, %swap3A_1014, %swap3A_1015] {strides = array<i32>} : memref<2x80x128xf32, #tpu.memory_space<vmem>>, vector<16xf32>,
        tpu.vector_store %arg10[%swap3A_1013, %swap3A_1014, %swap3A_1015], %mul3A_1010 {strides = array<i32>} : memref<2x80x128xf32, #tpu.memory_space<vmem>>, vector<16xf32>,
        %add3A_1017 = arith.constant 5 : i32
        %add3A_1018 = arith.addi %mul3A_402, %add3A_1017 : i32
        %get3A_1019 = arith.index_cast %rem3A_343 : i32 to index
        %get3A_1020 = arith.index_cast %add3A_1018 : i32 to index
        %get3A_1021 = arith.constant 80 : index
        %get3A_1022 = tpu.vector_load %arg10[%get3A_1019, %get3A_1020, %get3A_1021] {strides = array<i32>} : memref<2x80x128xf32, #tpu.memory_space<vmem>>, vector<16xf32>,
        %mul3A_1023 = arith.mulf %get3A_1022, %gather3A_425 : vector<16xf32>
        %add3A_1024 = arith.constant 5 : i32
        %add3A_1025 = arith.addi %mul3A_402, %add3A_1024 : i32
        %swap3A_1026 = arith.index_cast %rem3A_343 : i32 to index
        %swap3A_1027 = arith.index_cast %add3A_1025 : i32 to index
        %swap3A_1028 = arith.constant 80 : index
        %swap3A_1029 = tpu.vector_load %arg10[%swap3A_1026, %swap3A_1027, %swap3A_1028] {strides = array<i32>} : memref<2x80x128xf32, #tpu.memory_space<vmem>>, vector<16xf32>,
        tpu.vector_store %arg10[%swap3A_1026, %swap3A_1027, %swap3A_1028], %mul3A_1023 {strides = array<i32>} : memref<2x80x128xf32, #tpu.memory_space<vmem>>, vector<16xf32>,
        %add3A_1030 = arith.constant 5 : i32
        %add3A_1031 = arith.addi %mul3A_402, %add3A_1030 : i32
        %get3A_1032 = arith.index_cast %rem3A_343 : i32 to index
        %get3A_1033 = arith.index_cast %add3A_1031 : i32 to index
        %get3A_1034 = arith.constant 96 : index
        %get3A_1035 = tpu.vector_load %arg10[%get3A_1032, %get3A_1033, %get3A_1034] {strides = array<i32>} : memref<2x80x128xf32, #tpu.memory_space<vmem>>, vector<16xf32>,
        %mul3A_1036 = arith.mulf %get3A_1035, %gather3A_425 : vector<16xf32>
        %add3A_1037 = arith.constant 5 : i32
        %add3A_1038 = arith.addi %mul3A_402, %add3A_1037 : i32
        %swap3A_1039 = arith.index_cast %rem3A_343 : i32 to index
        %swap3A_1040 = arith.index_cast %add3A_1038 : i32 to index
        %swap3A_1041 = arith.constant 96 : index
        %swap3A_1042 = tpu.vector_load %arg10[%swap3A_1039, %swap3A_1040, %swap3A_1041] {strides = array<i32>} : memref<2x80x128xf32, #tpu.memory_space<vmem>>, vector<16xf32>,
        tpu.vector_store %arg10[%swap3A_1039, %swap3A_1040, %swap3A_1041], %mul3A_1036 {strides = array<i32>} : memref<2x80x128xf32, #tpu.memory_space<vmem>>, vector<16xf32>,
        %add3A_1043 = arith.constant 5 : i32
        %add3A_1044 = arith.addi %mul3A_402, %add3A_1043 : i32
        %get3A_1045 = arith.index_cast %rem3A_343 : i32 to index
        %get3A_1046 = arith.index_cast %add3A_1044 : i32 to index
        %get3A_1047 = arith.constant 112 : index
        %get3A_1048 = tpu.vector_load %arg10[%get3A_1045, %get3A_1046, %get3A_1047] {strides = array<i32>} : memref<2x80x128xf32, #tpu.memory_space<vmem>>, vector<16xf32>,
        %mul3A_1049 = arith.mulf %get3A_1048, %gather3A_425 : vector<16xf32>
        %add3A_1050 = arith.constant 5 : i32
        %add3A_1051 = arith.addi %mul3A_402, %add3A_1050 : i32
        %swap3A_1052 = arith.index_cast %rem3A_343 : i32 to index
        %swap3A_1053 = arith.index_cast %add3A_1051 : i32 to index
        %swap3A_1054 = arith.constant 112 : index
        %swap3A_1055 = tpu.vector_load %arg10[%swap3A_1052, %swap3A_1053, %swap3A_1054] {strides = array<i32>} : memref<2x80x128xf32, #tpu.memory_space<vmem>>, vector<16xf32>,
        tpu.vector_store %arg10[%swap3A_1052, %swap3A_1053, %swap3A_1054], %mul3A_1049 {strides = array<i32>} : memref<2x80x128xf32, #tpu.memory_space<vmem>>, vector<16xf32>,
        %add3A_1056 = arith.constant 6 : i32
        %add3A_1057 = arith.addi %mul3A_402, %add3A_1056 : i32
        %get3A_1058 = arith.index_cast %rem3A_343 : i32 to index
        %get3A_1059 = arith.index_cast %add3A_1057 : i32 to index
        %get3A_1060 = arith.constant 0 : index
        %get3A_1061 = tpu.vector_load %arg10[%get3A_1058, %get3A_1059, %get3A_1060] {strides = array<i32>} : memref<2x80x128xf32, #tpu.memory_space<vmem>>, vector<16xf32>,
        %mul3A_1062 = arith.mulf %get3A_1061, %gather3A_429 : vector<16xf32>
        %add3A_1063 = arith.constant 6 : i32
        %add3A_1064 = arith.addi %mul3A_402, %add3A_1063 : i32
        %swap3A_1065 = arith.index_cast %rem3A_343 : i32 to index
        %swap3A_1066 = arith.index_cast %add3A_1064 : i32 to index
        %swap3A_1067 = arith.constant 0 : index
        %swap3A_1068 = tpu.vector_load %arg10[%swap3A_1065, %swap3A_1066, %swap3A_1067] {strides = array<i32>} : memref<2x80x128xf32, #tpu.memory_space<vmem>>, vector<16xf32>,
        tpu.vector_store %arg10[%swap3A_1065, %swap3A_1066, %swap3A_1067], %mul3A_1062 {strides = array<i32>} : memref<2x80x128xf32, #tpu.memory_space<vmem>>, vector<16xf32>,
        %add3A_1069 = arith.constant 6 : i32
        %add3A_1070 = arith.addi %mul3A_402, %add3A_1069 : i32
        %get3A_1071 = arith.index_cast %rem3A_343 : i32 to index
        %get3A_1072 = arith.index_cast %add3A_1070 : i32 to index
        %get3A_1073 = arith.constant 16 : index
        %get3A_1074 = tpu.vector_load %arg10[%get3A_1071, %get3A_1072, %get3A_1073] {strides = array<i32>} : memref<2x80x128xf32, #tpu.memory_space<vmem>>, vector<16xf32>,
        %mul3A_1075 = arith.mulf %get3A_1074, %gather3A_429 : vector<16xf32>
        %add3A_1076 = arith.constant 6 : i32
        %add3A_1077 = arith.addi %mul3A_402, %add3A_1076 : i32
        %swap3A_1078 = arith.index_cast %rem3A_343 : i32 to index
        %swap3A_1079 = arith.index_cast %add3A_1077 : i32 to index
        %swap3A_1080 = arith.constant 16 : index
        %swap3A_1081 = tpu.vector_load %arg10[%swap3A_1078, %swap3A_1079, %swap3A_1080] {strides = array<i32>} : memref<2x80x128xf32, #tpu.memory_space<vmem>>, vector<16xf32>,
        tpu.vector_store %arg10[%swap3A_1078, %swap3A_1079, %swap3A_1080], %mul3A_1075 {strides = array<i32>} : memref<2x80x128xf32, #tpu.memory_space<vmem>>, vector<16xf32>,
        %add3A_1082 = arith.constant 6 : i32
        %add3A_1083 = arith.addi %mul3A_402, %add3A_1082 : i32
        %get3A_1084 = arith.index_cast %rem3A_343 : i32 to index
        %get3A_1085 = arith.index_cast %add3A_1083 : i32 to index
        %get3A_1086 = arith.constant 32 : index
        %get3A_1087 = tpu.vector_load %arg10[%get3A_1084, %get3A_1085, %get3A_1086] {strides = array<i32>} : memref<2x80x128xf32, #tpu.memory_space<vmem>>, vector<16xf32>,
        %mul3A_1088 = arith.mulf %get3A_1087, %gather3A_429 : vector<16xf32>
        %add3A_1089 = arith.constant 6 : i32
        %add3A_1090 = arith.addi %mul3A_402, %add3A_1089 : i32
        %swap3A_1091 = arith.index_cast %rem3A_343 : i32 to index
        %swap3A_1092 = arith.index_cast %add3A_1090 : i32 to index
        %swap3A_1093 = arith.constant 32 : index
        %swap3A_1094 = tpu.vector_load %arg10[%swap3A_1091, %swap3A_1092, %swap3A_1093] {strides = array<i32>} : memref<2x80x128xf32, #tpu.memory_space<vmem>>, vector<16xf32>,
        tpu.vector_store %arg10[%swap3A_1091, %swap3A_1092, %swap3A_1093], %mul3A_1088 {strides = array<i32>} : memref<2x80x128xf32, #tpu.memory_space<vmem>>, vector<16xf32>,
        %add3A_1095 = arith.constant 6 : i32
        %add3A_1096 = arith.addi %mul3A_402, %add3A_1095 : i32
        %get3A_1097 = arith.index_cast %rem3A_343 : i32 to index
        %get3A_1098 = arith.index_cast %add3A_1096 : i32 to index
        %get3A_1099 = arith.constant 48 : index
        %get3A_1100 = tpu.vector_load %arg10[%get3A_1097, %get3A_1098, %get3A_1099] {strides = array<i32>} : memref<2x80x128xf32, #tpu.memory_space<vmem>>, vector<16xf32>,
        %mul3A_1101 = arith.mulf %get3A_1100, %gather3A_429 : vector<16xf32>
        %add3A_1102 = arith.constant 6 : i32
        %add3A_1103 = arith.addi %mul3A_402, %add3A_1102 : i32
        %swap3A_1104 = arith.index_cast %rem3A_343 : i32 to index
        %swap3A_1105 = arith.index_cast %add3A_1103 : i32 to index
        %swap3A_1106 = arith.constant 48 : index
        %swap3A_1107 = tpu.vector_load %arg10[%swap3A_1104, %swap3A_1105, %swap3A_1106] {strides = array<i32>} : memref<2x80x128xf32, #tpu.memory_space<vmem>>, vector<16xf32>,
        tpu.vector_store %arg10[%swap3A_1104, %swap3A_1105, %swap3A_1106], %mul3A_1101 {strides = array<i32>} : memref<2x80x128xf32, #tpu.memory_space<vmem>>, vector<16xf32>,
        %add3A_1108 = arith.constant 6 : i32
        %add3A_1109 = arith.addi %mul3A_402, %add3A_1108 : i32
        %get3A_1110 = arith.index_cast %rem3A_343 : i32 to index
        %get3A_1111 = arith.index_cast %add3A_1109 : i32 to index
        %get3A_1112 = arith.constant 64 : index
        %get3A_1113 = tpu.vector_load %arg10[%get3A_1110, %get3A_1111, %get3A_1112] {strides = array<i32>} : memref<2x80x128xf32, #tpu.memory_space<vmem>>, vector<16xf32>,
        %mul3A_1114 = arith.mulf %get3A_1113, %gather3A_429 : vector<16xf32>
        %add3A_1115 = arith.constant 6 : i32
        %add3A_1116 = arith.addi %mul3A_402, %add3A_1115 : i32
        %swap3A_1117 = arith.index_cast %rem3A_343 : i32 to index
        %swap3A_1118 = arith.index_cast %add3A_1116 : i32 to index
        %swap3A_1119 = arith.constant 64 : index
        %swap3A_1120 = tpu.vector_load %arg10[%swap3A_1117, %swap3A_1118, %swap3A_1119] {strides = array<i32>} : memref<2x80x128xf32, #tpu.memory_space<vmem>>, vector<16xf32>,
        tpu.vector_store %arg10[%swap3A_1117, %swap3A_1118, %swap3A_1119], %mul3A_1114 {strides = array<i32>} : memref<2x80x128xf32, #tpu.memory_space<vmem>>, vector<16xf32>,
        %add3A_1121 = arith.constant 6 : i32
        %add3A_1122 = arith.addi %mul3A_402, %add3A_1121 : i32
        %get3A_1123 = arith.index_cast %rem3A_343 : i32 to index
        %get3A_1124 = arith.index_cast %add3A_1122 : i32 to index
        %get3A_1125 = arith.constant 80 : index
        %get3A_1126 = tpu.vector_load %arg10[%get3A_1123, %get3A_1124, %get3A_1125] {strides = array<i32>} : memref<2x80x128xf32, #tpu.memory_space<vmem>>, vector<16xf32>,
        %mul3A_1127 = arith.mulf %get3A_1126, %gather3A_429 : vector<16xf32>
        %add3A_1128 = arith.constant 6 : i32
        %add3A_1129 = arith.addi %mul3A_402, %add3A_1128 : i32
        %swap3A_1130 = arith.index_cast %rem3A_343 : i32 to index
        %swap3A_1131 = arith.index_cast %add3A_1129 : i32 to index
        %swap3A_1132 = arith.constant 80 : index
        %swap3A_1133 = tpu.vector_load %arg10[%swap3A_1130, %swap3A_1131, %swap3A_1132] {strides = array<i32>} : memref<2x80x128xf32, #tpu.memory_space<vmem>>, vector<16xf32>,
        tpu.vector_store %arg10[%swap3A_1130, %swap3A_1131, %swap3A_1132], %mul3A_1127 {strides = array<i32>} : memref<2x80x128xf32, #tpu.memory_space<vmem>>, vector<16xf32>,
        %add3A_1134 = arith.constant 6 : i32
        %add3A_1135 = arith.addi %mul3A_402, %add3A_1134 : i32
        %get3A_1136 = arith.index_cast %rem3A_343 : i32 to index
        %get3A_1137 = arith.index_cast %add3A_1135 : i32 to index
        %get3A_1138 = arith.constant 96 : index
        %get3A_1139 = tpu.vector_load %arg10[%get3A_1136, %get3A_1137, %get3A_1138] {strides = array<i32>} : memref<2x80x128xf32, #tpu.memory_space<vmem>>, vector<16xf32>,
        %mul3A_1140 = arith.mulf %get3A_1139, %gather3A_429 : vector<16xf32>
        %add3A_1141 = arith.constant 6 : i32
        %add3A_1142 = arith.addi %mul3A_402, %add3A_1141 : i32
        %swap3A_1143 = arith.index_cast %rem3A_343 : i32 to index
        %swap3A_1144 = arith.index_cast %add3A_1142 : i32 to index
        %swap3A_1145 = arith.constant 96 : index
        %swap3A_1146 = tpu.vector_load %arg10[%swap3A_1143, %swap3A_1144, %swap3A_1145] {strides = array<i32>} : memref<2x80x128xf32, #tpu.memory_space<vmem>>, vector<16xf32>,
        tpu.vector_store %arg10[%swap3A_1143, %swap3A_1144, %swap3A_1145], %mul3A_1140 {strides = array<i32>} : memref<2x80x128xf32, #tpu.memory_space<vmem>>, vector<16xf32>,
        %add3A_1147 = arith.constant 6 : i32
        %add3A_1148 = arith.addi %mul3A_402, %add3A_1147 : i32
        %get3A_1149 = arith.index_cast %rem3A_343 : i32 to index
        %get3A_1150 = arith.index_cast %add3A_1148 : i32 to index
        %get3A_1151 = arith.constant 112 : index
        %get3A_1152 = tpu.vector_load %arg10[%get3A_1149, %get3A_1150, %get3A_1151] {strides = array<i32>} : memref<2x80x128xf32, #tpu.memory_space<vmem>>, vector<16xf32>,
        %mul3A_1153 = arith.mulf %get3A_1152, %gather3A_429 : vector<16xf32>
        %add3A_1154 = arith.constant 6 : i32
        %add3A_1155 = arith.addi %mul3A_402, %add3A_1154 : i32
        %swap3A_1156 = arith.index_cast %rem3A_343 : i32 to index
        %swap3A_1157 = arith.index_cast %add3A_1155 : i32 to index
        %swap3A_1158 = arith.constant 112 : index
        %swap3A_1159 = tpu.vector_load %arg10[%swap3A_1156, %swap3A_1157, %swap3A_1158] {strides = array<i32>} : memref<2x80x128xf32, #tpu.memory_space<vmem>>, vector<16xf32>,
        tpu.vector_store %arg10[%swap3A_1156, %swap3A_1157, %swap3A_1158], %mul3A_1153 {strides = array<i32>} : memref<2x80x128xf32, #tpu.memory_space<vmem>>, vector<16xf32>,
        %add3A_1160 = arith.constant 7 : i32
        %add3A_1161 = arith.addi %mul3A_402, %add3A_1160 : i32
        %get3A_1162 = arith.index_cast %rem3A_343 : i32 to index
        %get3A_1163 = arith.index_cast %add3A_1161 : i32 to index
        %get3A_1164 = arith.constant 0 : index
        %get3A_1165 = tpu.vector_load %arg10[%get3A_1162, %get3A_1163, %get3A_1164] {strides = array<i32>} : memref<2x80x128xf32, #tpu.memory_space<vmem>>, vector<16xf32>,
        %mul3A_1166 = arith.mulf %get3A_1165, %gather3A_433 : vector<16xf32>
        %add3A_1167 = arith.constant 7 : i32
        %add3A_1168 = arith.addi %mul3A_402, %add3A_1167 : i32
        %swap3A_1169 = arith.index_cast %rem3A_343 : i32 to index
        %swap3A_1170 = arith.index_cast %add3A_1168 : i32 to index
        %swap3A_1171 = arith.constant 0 : index
        %swap3A_1172 = tpu.vector_load %arg10[%swap3A_1169, %swap3A_1170, %swap3A_1171] {strides = array<i32>} : memref<2x80x128xf32, #tpu.memory_space<vmem>>, vector<16xf32>,
        tpu.vector_store %arg10[%swap3A_1169, %swap3A_1170, %swap3A_1171], %mul3A_1166 {strides = array<i32>} : memref<2x80x128xf32, #tpu.memory_space<vmem>>, vector<16xf32>,
        %add3A_1173 = arith.constant 7 : i32
        %add3A_1174 = arith.addi %mul3A_402, %add3A_1173 : i32
        %get3A_1175 = arith.index_cast %rem3A_343 : i32 to index
        %get3A_1176 = arith.index_cast %add3A_1174 : i32 to index
        %get3A_1177 = arith.constant 16 : index
        %get3A_1178 = tpu.vector_load %arg10[%get3A_1175, %get3A_1176, %get3A_1177] {strides = array<i32>} : memref<2x80x128xf32, #tpu.memory_space<vmem>>, vector<16xf32>,
        %mul3A_1179 = arith.mulf %get3A_1178, %gather3A_433 : vector<16xf32>
        %add3A_1180 = arith.constant 7 : i32
        %add3A_1181 = arith.addi %mul3A_402, %add3A_1180 : i32
        %swap3A_1182 = arith.index_cast %rem3A_343 : i32 to index
        %swap3A_1183 = arith.index_cast %add3A_1181 : i32 to index
        %swap3A_1184 = arith.constant 16 : index
        %swap3A_1185 = tpu.vector_load %arg10[%swap3A_1182, %swap3A_1183, %swap3A_1184] {strides = array<i32>} : memref<2x80x128xf32, #tpu.memory_space<vmem>>, vector<16xf32>,
        tpu.vector_store %arg10[%swap3A_1182, %swap3A_1183, %swap3A_1184], %mul3A_1179 {strides = array<i32>} : memref<2x80x128xf32, #tpu.memory_space<vmem>>, vector<16xf32>,
        %add3A_1186 = arith.constant 7 : i32
        %add3A_1187 = arith.addi %mul3A_402, %add3A_1186 : i32
        %get3A_1188 = arith.index_cast %rem3A_343 : i32 to index
        %get3A_1189 = arith.index_cast %add3A_1187 : i32 to index
        %get3A_1190 = arith.constant 32 : index
        %get3A_1191 = tpu.vector_load %arg10[%get3A_1188, %get3A_1189, %get3A_1190] {strides = array<i32>} : memref<2x80x128xf32, #tpu.memory_space<vmem>>, vector<16xf32>,
        %mul3A_1192 = arith.mulf %get3A_1191, %gather3A_433 : vector<16xf32>
        %add3A_1193 = arith.constant 7 : i32
        %add3A_1194 = arith.addi %mul3A_402, %add3A_1193 : i32
        %swap3A_1195 = arith.index_cast %rem3A_343 : i32 to index
        %swap3A_1196 = arith.index_cast %add3A_1194 : i32 to index
        %swap3A_1197 = arith.constant 32 : index
        %swap3A_1198 = tpu.vector_load %arg10[%swap3A_1195, %swap3A_1196, %swap3A_1197] {strides = array<i32>} : memref<2x80x128xf32, #tpu.memory_space<vmem>>, vector<16xf32>,
        tpu.vector_store %arg10[%swap3A_1195, %swap3A_1196, %swap3A_1197], %mul3A_1192 {strides = array<i32>} : memref<2x80x128xf32, #tpu.memory_space<vmem>>, vector<16xf32>,
        %add3A_1199 = arith.constant 7 : i32
        %add3A_1200 = arith.addi %mul3A_402, %add3A_1199 : i32
        %get3A_1201 = arith.index_cast %rem3A_343 : i32 to index
        %get3A_1202 = arith.index_cast %add3A_1200 : i32 to index
        %get3A_1203 = arith.constant 48 : index
        %get3A_1204 = tpu.vector_load %arg10[%get3A_1201, %get3A_1202, %get3A_1203] {strides = array<i32>} : memref<2x80x128xf32, #tpu.memory_space<vmem>>, vector<16xf32>,
        %mul3A_1205 = arith.mulf %get3A_1204, %gather3A_433 : vector<16xf32>
        %add3A_1206 = arith.constant 7 : i32
        %add3A_1207 = arith.addi %mul3A_402, %add3A_1206 : i32
        %swap3A_1208 = arith.index_cast %rem3A_343 : i32 to index
        %swap3A_1209 = arith.index_cast %add3A_1207 : i32 to index
        %swap3A_1210 = arith.constant 48 : index
        %swap3A_1211 = tpu.vector_load %arg10[%swap3A_1208, %swap3A_1209, %swap3A_1210] {strides = array<i32>} : memref<2x80x128xf32, #tpu.memory_space<vmem>>, vector<16xf32>,
        tpu.vector_store %arg10[%swap3A_1208, %swap3A_1209, %swap3A_1210], %mul3A_1205 {strides = array<i32>} : memref<2x80x128xf32, #tpu.memory_space<vmem>>, vector<16xf32>,
        %add3A_1212 = arith.constant 7 : i32
        %add3A_1213 = arith.addi %mul3A_402, %add3A_1212 : i32
        %get3A_1214 = arith.index_cast %rem3A_343 : i32 to index
        %get3A_1215 = arith.index_cast %add3A_1213 : i32 to index
        %get3A_1216 = arith.constant 64 : index
        %get3A_1217 = tpu.vector_load %arg10[%get3A_1214, %get3A_1215, %get3A_1216] {strides = array<i32>} : memref<2x80x128xf32, #tpu.memory_space<vmem>>, vector<16xf32>,
        %mul3A_1218 = arith.mulf %get3A_1217, %gather3A_433 : vector<16xf32>
        %add3A_1219 = arith.constant 7 : i32
        %add3A_1220 = arith.addi %mul3A_402, %add3A_1219 : i32
        %swap3A_1221 = arith.index_cast %rem3A_343 : i32 to index
        %swap3A_1222 = arith.index_cast %add3A_1220 : i32 to index
        %swap3A_1223 = arith.constant 64 : index
        %swap3A_1224 = tpu.vector_load %arg10[%swap3A_1221, %swap3A_1222, %swap3A_1223] {strides = array<i32>} : memref<2x80x128xf32, #tpu.memory_space<vmem>>, vector<16xf32>,
        tpu.vector_store %arg10[%swap3A_1221, %swap3A_1222, %swap3A_1223], %mul3A_1218 {strides = array<i32>} : memref<2x80x128xf32, #tpu.memory_space<vmem>>, vector<16xf32>,
        %add3A_1225 = arith.constant 7 : i32
        %add3A_1226 = arith.addi %mul3A_402, %add3A_1225 : i32
        %get3A_1227 = arith.index_cast %rem3A_343 : i32 to index
        %get3A_1228 = arith.index_cast %add3A_1226 : i32 to index
        %get3A_1229 = arith.constant 80 : index
        %get3A_1230 = tpu.vector_load %arg10[%get3A_1227, %get3A_1228, %get3A_1229] {strides = array<i32>} : memref<2x80x128xf32, #tpu.memory_space<vmem>>, vector<16xf32>,
        %mul3A_1231 = arith.mulf %get3A_1230, %gather3A_433 : vector<16xf32>
        %add3A_1232 = arith.constant 7 : i32
        %add3A_1233 = arith.addi %mul3A_402, %add3A_1232 : i32
        %swap3A_1234 = arith.index_cast %rem3A_343 : i32 to index
        %swap3A_1235 = arith.index_cast %add3A_1233 : i32 to index
        %swap3A_1236 = arith.constant 80 : index
        %swap3A_1237 = tpu.vector_load %arg10[%swap3A_1234, %swap3A_1235, %swap3A_1236] {strides = array<i32>} : memref<2x80x128xf32, #tpu.memory_space<vmem>>, vector<16xf32>,
        tpu.vector_store %arg10[%swap3A_1234, %swap3A_1235, %swap3A_1236], %mul3A_1231 {strides = array<i32>} : memref<2x80x128xf32, #tpu.memory_space<vmem>>, vector<16xf32>,
        %add3A_1238 = arith.constant 7 : i32
        %add3A_1239 = arith.addi %mul3A_402, %add3A_1238 : i32
        %get3A_1240 = arith.index_cast %rem3A_343 : i32 to index
        %get3A_1241 = arith.index_cast %add3A_1239 : i32 to index
        %get3A_1242 = arith.constant 96 : index
        %get3A_1243 = tpu.vector_load %arg10[%get3A_1240, %get3A_1241, %get3A_1242] {strides = array<i32>} : memref<2x80x128xf32, #tpu.memory_space<vmem>>, vector<16xf32>,
        %mul3A_1244 = arith.mulf %get3A_1243, %gather3A_433 : vector<16xf32>
        %add3A_1245 = arith.constant 7 : i32
        %add3A_1246 = arith.addi %mul3A_402, %add3A_1245 : i32
        %swap3A_1247 = arith.index_cast %rem3A_343 : i32 to index
        %swap3A_1248 = arith.index_cast %add3A_1246 : i32 to index
        %swap3A_1249 = arith.constant 96 : index
        %swap3A_1250 = tpu.vector_load %arg10[%swap3A_1247, %swap3A_1248, %swap3A_1249] {strides = array<i32>} : memref<2x80x128xf32, #tpu.memory_space<vmem>>, vector<16xf32>,
        tpu.vector_store %arg10[%swap3A_1247, %swap3A_1248, %swap3A_1249], %mul3A_1244 {strides = array<i32>} : memref<2x80x128xf32, #tpu.memory_space<vmem>>, vector<16xf32>,
        %add3A_1251 = arith.constant 7 : i32
        %add3A_1252 = arith.addi %mul3A_402, %add3A_1251 : i32
        %get3A_1253 = arith.index_cast %rem3A_343 : i32 to index
        %get3A_1254 = arith.index_cast %add3A_1252 : i32 to index
        %get3A_1255 = arith.constant 112 : index
        %get3A_1256 = tpu.vector_load %arg10[%get3A_1253, %get3A_1254, %get3A_1255] {strides = array<i32>} : memref<2x80x128xf32, #tpu.memory_space<vmem>>, vector<16xf32>,
        %mul3A_1257 = arith.mulf %get3A_1256, %gather3A_433 : vector<16xf32>
        %add3A_1258 = arith.constant 7 : i32
        %add3A_1259 = arith.addi %mul3A_402, %add3A_1258 : i32
        %swap3A_1260 = arith.index_cast %rem3A_343 : i32 to index
        %swap3A_1261 = arith.index_cast %add3A_1259 : i32 to index
        %swap3A_1262 = arith.constant 112 : index
        %swap3A_1263 = tpu.vector_load %arg10[%swap3A_1260, %swap3A_1261, %swap3A_1262] {strides = array<i32>} : memref<2x80x128xf32, #tpu.memory_space<vmem>>, vector<16xf32>,
        tpu.vector_store %arg10[%swap3A_1260, %swap3A_1261, %swap3A_1262], %mul3A_1257 {strides = array<i32>} : memref<2x80x128xf32, #tpu.memory_space<vmem>>, vector<16xf32>,
        %scan3A_1264 = arith.constant 0 : i32
        scf.yield %scan3A_1264 : i32
      }
      %scan3A_377 = arith.constant 10 : i32
      %add3A_378 = arith.constant 2 : i32
      %add3A_379 = arith.addi %scan3A_340, %add3A_378 : i32
      %lt3A_380 = arith.constant 125 : i32
      %lt3A_381 = arith.cmpi slt, %add3A_379, %lt3A_380 : i32
      %convert_element_type3A_382 = arith.extui %lt3A_381 : i1 to i32
      %cond3A_383 = arith.constant 0 : i32
      %cond3A_384 = arith.cmpi ne, %convert_element_type3A_382, %cond3A_383 : i32
      scf.if %cond3A_384 {
        %add3A_399 = arith.constant 2 : i32
        %add3A_400 = arith.addi %scan3A_340, %add3A_399 : i32
        %rem3A_401 = arith.constant 3 : i32
        %rem3A_402 = arith.remsi %add3A_400, %rem3A_401 : i32
        %add3A_403 = arith.addi %mul3A_2, %add3A_400 : i32
        %dma_start3A_404 = arith.constant 0 : i32
        %dma_start3A_405 = arith.constant 0 : i32
        %dma_start3A_406 = tpu.memref_slice %arg7[%rem3A_402, %dma_start3A_404, %dma_start3A_405] : memref<3x1x80xi32, #tpu.memory_space<vmem>> -> memref<1x1x80xi32, #tpu.memory_space<vmem>>
        %dma_start3A_407 = tpu.memref_squeeze %dma_start3A_406 : memref<1x1x80xi32, #tpu.memory_space<vmem>> -> memref<1x80xi32, #tpu.memory_space<vmem>>
        %dma_start3A_408 = arith.constant 0 : i32
        %dma_start3A_409 = arith.constant 0 : i32
        %dma_start3A_410 = tpu.memref_slice %arg3[%add3A_403, %dma_start3A_408, %dma_start3A_409] : memref<4000x1x80xi32, #tpu.memory_space<hbm>> -> memref<1x1x80xi32, #tpu.memory_space<hbm>>
        %dma_start3A_411 = tpu.memref_squeeze %dma_start3A_410 : memref<1x1x80xi32, #tpu.memory_space<hbm>> -> memref<1x80xi32, #tpu.memory_space<hbm>>
        %dma_start3A_412 = tpu.memref_slice %arg12[%rem3A_402] : memref<3x!tpu.dma_semaphore, #tpu.memory_space<semaphore_mem>> -> memref<1x!tpu.dma_semaphore, #tpu.memory_space<semaphore_mem>>
        %dma_start3A_413 = tpu.memref_squeeze %dma_start3A_412 : memref<1x!tpu.dma_semaphore, #tpu.memory_space<semaphore_mem>> -> memref<!tpu.dma_semaphore, #tpu.memory_space<semaphore_mem>>
        %dma_start3A_414 = arith.constant 0 : i32
        %dma_start3A_415 = arith.constant 0 : i32
        %dma_start3A_416 = tpu.memref_slice %arg7[%rem3A_402, %dma_start3A_414, %dma_start3A_415] : memref<3x1x80xi32, #tpu.memory_space<vmem>> -> memref<1x1x80xi32, #tpu.memory_space<vmem>>
        %dma_start3A_417 = tpu.memref_squeeze %dma_start3A_416 : memref<1x1x80xi32, #tpu.memory_space<vmem>> -> memref<1x80xi32, #tpu.memory_space<vmem>>
        %dma_start3A_418 = arith.constant 0 : i32
        %dma_start3A_419 = arith.constant 0 : i32
        %dma_start3A_420 = tpu.memref_slice %arg3[%add3A_403, %dma_start3A_418, %dma_start3A_419] : memref<4000x1x80xi32, #tpu.memory_space<hbm>> -> memref<1x1x80xi32, #tpu.memory_space<hbm>>
        %dma_start3A_421 = tpu.memref_squeeze %dma_start3A_420 : memref<1x1x80xi32, #tpu.memory_space<hbm>> -> memref<1x80xi32, #tpu.memory_space<hbm>>
        tpu.enqueue_dma source(%dma_start3A_421 : memref<1x80xi32, #tpu.memory_space<hbm>>) target(%dma_start3A_417 : memref<1x80xi32, #tpu.memory_space<vmem>>) target_semaphore(%dma_start3A_413 : memref<!tpu.dma_semaphore, #tpu.memory_space<semaphore_mem>>)
        %add3A_422 = arith.addi %mul3A_2, %add3A_400 : i32
        %dma_start3A_423 = arith.constant 0 : i32
        %dma_start3A_424 = arith.constant 0 : i32
        %dma_start3A_425 = tpu.memref_slice %arg8[%rem3A_402, %dma_start3A_423, %dma_start3A_424] : memref<3x1x80xi32, #tpu.memory_space<vmem>> -> memref<1x1x80xi32, #tpu.memory_space<vmem>>
        %dma_start3A_426 = tpu.memref_squeeze %dma_start3A_425 : memref<1x1x80xi32, #tpu.memory_space<vmem>> -> memref<1x80xi32, #tpu.memory_space<vmem>>
        %dma_start3A_427 = arith.constant 0 : i32
        %dma_start3A_428 = arith.constant 0 : i32
        %dma_start3A_429 = tpu.memref_slice %arg4[%add3A_422, %dma_start3A_427, %dma_start3A_428] : memref<4000x1x80xi32, #tpu.memory_space<hbm>> -> memref<1x1x80xi32, #tpu.memory_space<hbm>>
        %dma_start3A_430 = tpu.memref_squeeze %dma_start3A_429 : memref<1x1x80xi32, #tpu.memory_space<hbm>> -> memref<1x80xi32, #tpu.memory_space<hbm>>
        %dma_start3A_431 = tpu.memref_slice %arg12[%rem3A_402] : memref<3x!tpu.dma_semaphore, #tpu.memory_space<semaphore_mem>> -> memref<1x!tpu.dma_semaphore, #tpu.memory_space<semaphore_mem>>
        %dma_start3A_432 = tpu.memref_squeeze %dma_start3A_431 : memref<1x!tpu.dma_semaphore, #tpu.memory_space<semaphore_mem>> -> memref<!tpu.dma_semaphore, #tpu.memory_space<semaphore_mem>>
        %dma_start3A_433 = arith.constant 0 : i32
        %dma_start3A_434 = arith.constant 0 : i32
        %dma_start3A_435 = tpu.memref_slice %arg8[%rem3A_402, %dma_start3A_433, %dma_start3A_434] : memref<3x1x80xi32, #tpu.memory_space<vmem>> -> memref<1x1x80xi32, #tpu.memory_space<vmem>>
        %dma_start3A_436 = tpu.memref_squeeze %dma_start3A_435 : memref<1x1x80xi32, #tpu.memory_space<vmem>> -> memref<1x80xi32, #tpu.memory_space<vmem>>
        %dma_start3A_437 = arith.constant 0 : i32
        %dma_start3A_438 = arith.constant 0 : i32
        %dma_start3A_439 = tpu.memref_slice %arg4[%add3A_422, %dma_start3A_437, %dma_start3A_438] : memref<4000x1x80xi32, #tpu.memory_space<hbm>> -> memref<1x1x80xi32, #tpu.memory_space<hbm>>
        %dma_start3A_440 = tpu.memref_squeeze %dma_start3A_439 : memref<1x1x80xi32, #tpu.memory_space<hbm>> -> memref<1x80xi32, #tpu.memory_space<hbm>>
        tpu.enqueue_dma source(%dma_start3A_440 : memref<1x80xi32, #tpu.memory_space<hbm>>) target(%dma_start3A_436 : memref<1x80xi32, #tpu.memory_space<vmem>>) target_semaphore(%dma_start3A_432 : memref<!tpu.dma_semaphore, #tpu.memory_space<semaphore_mem>>)
        %add3A_441 = arith.addi %mul3A_2, %add3A_400 : i32
        %dma_start3A_442 = arith.constant 0 : i32
        %dma_start3A_443 = arith.constant 0 : i32
        %dma_start3A_444 = tpu.memref_slice %arg9[%rem3A_402, %dma_start3A_442, %dma_start3A_443] : memref<3x1x80xf32, #tpu.memory_space<vmem>> -> memref<1x1x80xf32, #tpu.memory_space<vmem>>
        %dma_start3A_445 = tpu.memref_squeeze %dma_start3A_444 : memref<1x1x80xf32, #tpu.memory_space<vmem>> -> memref<1x80xf32, #tpu.memory_space<vmem>>
        %dma_start3A_446 = arith.constant 0 : i32
        %dma_start3A_447 = arith.constant 0 : i32
        %dma_start3A_448 = tpu.memref_slice %arg5[%add3A_441, %dma_start3A_446, %dma_start3A_447] : memref<4000x1x80xf32, #tpu.memory_space<hbm>> -> memref<1x1x80xf32, #tpu.memory_space<hbm>>
        %dma_start3A_449 = tpu.memref_squeeze %dma_start3A_448 : memref<1x1x80xf32, #tpu.memory_space<hbm>> -> memref<1x80xf32, #tpu.memory_space<hbm>>
        %dma_start3A_450 = tpu.memref_slice %arg12[%rem3A_402] : memref<3x!tpu.dma_semaphore, #tpu.memory_space<semaphore_mem>> -> memref<1x!tpu.dma_semaphore, #tpu.memory_space<semaphore_mem>>
        %dma_start3A_451 = tpu.memref_squeeze %dma_start3A_450 : memref<1x!tpu.dma_semaphore, #tpu.memory_space<semaphore_mem>> -> memref<!tpu.dma_semaphore, #tpu.memory_space<semaphore_mem>>
        %dma_start3A_452 = arith.constant 0 : i32
        %dma_start3A_453 = arith.constant 0 : i32
        %dma_start3A_454 = tpu.memref_slice %arg9[%rem3A_402, %dma_start3A_452, %dma_start3A_453] : memref<3x1x80xf32, #tpu.memory_space<vmem>> -> memref<1x1x80xf32, #tpu.memory_space<vmem>>
        %dma_start3A_455 = tpu.memref_squeeze %dma_start3A_454 : memref<1x1x80xf32, #tpu.memory_space<vmem>> -> memref<1x80xf32, #tpu.memory_space<vmem>>
        %dma_start3A_456 = arith.constant 0 : i32
        %dma_start3A_457 = arith.constant 0 : i32
        %dma_start3A_458 = tpu.memref_slice %arg5[%add3A_441, %dma_start3A_456, %dma_start3A_457] : memref<4000x1x80xf32, #tpu.memory_space<hbm>> -> memref<1x1x80xf32, #tpu.memory_space<hbm>>
        %dma_start3A_459 = tpu.memref_squeeze %dma_start3A_458 : memref<1x1x80xf32, #tpu.memory_space<hbm>> -> memref<1x80xf32, #tpu.memory_space<hbm>>
        tpu.enqueue_dma source(%dma_start3A_459 : memref<1x80xf32, #tpu.memory_space<hbm>>) target(%dma_start3A_455 : memref<1x80xf32, #tpu.memory_space<vmem>>) target_semaphore(%dma_start3A_451 : memref<!tpu.dma_semaphore, #tpu.memory_space<semaphore_mem>>)
      } else {
      }
      %dma_start3A_385 = arith.constant 0 : i32
      %dma_start3A_386 = arith.constant 0 : i32
      %dma_start3A_387 = arith.constant 0 : i32
      %dma_start3A_388 = tpu.memref_slice %arg10[%rem3A_343, %dma_start3A_386, %dma_start3A_387] : memref<2x80x128xf32, #tpu.memory_space<vmem>> -> memref<1x80x128xf32, #tpu.memory_space<vmem>>
      %dma_start3A_389 = tpu.memref_squeeze %dma_start3A_388 : memref<1x80x128xf32, #tpu.memory_space<vmem>> -> memref<80x128xf32, #tpu.memory_space<vmem>>
      %dma_start3A_390 = arith.constant 0 : i32
      %dma_start3A_391 = tpu.memref_slice %arg8[%rem3A_346, %dma_start3A_385, %dma_start3A_390] : memref<3x1x80xi32, #tpu.memory_space<vmem>> -> memref<1x1x80xi32, #tpu.memory_space<vmem>>
      %dma_start3A_392 = tpu.memref_squeeze %dma_start3A_391 : memref<1x1x80xi32, #tpu.memory_space<vmem>> -> memref<80xi32, #tpu.memory_space<vmem>>
      %dma_start3A_393 = arith.constant 0 : i32
      %dma_start3A_394 = arith.constant 0 : i32
      %dma_start3A_395 = tpu.memref_slice %arg11[%dma_start3A_393, %dma_start3A_394] : memref<10240x128xf32, #tpu.memory_space<vmem_shared>> -> memref<10240x128xf32, #tpu.memory_space<vmem_shared>>
      %dma_start3A_396 = tpu.memref_slice %arg14[%rem3A_343] : memref<2x!tpu.dma_semaphore, #tpu.memory_space<semaphore_mem>> -> memref<1x!tpu.dma_semaphore, #tpu.memory_space<semaphore_mem>>
      %dma_start3A_397 = tpu.memref_squeeze %dma_start3A_396 : memref<1x!tpu.dma_semaphore, #tpu.memory_space<semaphore_mem>> -> memref<!tpu.dma_semaphore, #tpu.memory_space<semaphore_mem>>
      tpu.enqueue_indirect_dma source(%dma_start3A_389 : memref<80x128xf32, #tpu.memory_space<vmem>>) target(%dma_start3A_395 : memref<10240x128xf32, #tpu.memory_space<vmem_shared>>) offsets(%dma_start3A_392 : memref<80xi32, #tpu.memory_space<vmem>>) semaphore(%dma_start3A_397 : memref<!tpu.dma_semaphore, #tpu.memory_space<semaphore_mem>>) {add = true}
      %scan3A_398 = arith.constant 0 : i32
      scf.yield %scan3A_398 : i32
    }
    %scan3A_266 = arith.constant 125 : i32
    %dma_wait3A_267 = arith.constant 0 : i32
    %dma_wait3A_268 = arith.constant 1 : i32
    %dma_wait3A_269 = arith.constant 0 : i32
    %dma_wait3A_270 = arith.constant 0 : i32
    %dma_wait3A_271 = arith.constant 0 : i32
    %dma_wait3A_272 = arith.constant 0 : i32
    %dma_wait3A_273 = tpu.memref_slice %arg10[%dma_wait3A_267, %dma_wait3A_271, %dma_wait3A_272] : memref<2x80x128xf32, #tpu.memory_space<vmem>> -> memref<1x80x128xf32, #tpu.memory_space<vmem>>
    %dma_wait3A_274 = tpu.memref_squeeze %dma_wait3A_273 : memref<1x80x128xf32, #tpu.memory_space<vmem>> -> memref<80x128xf32, #tpu.memory_space<vmem>>
    %dma_wait3A_275 = arith.constant 0 : i32
    %dma_wait3A_276 = tpu.memref_slice %arg8[%dma_wait3A_268, %dma_wait3A_269, %dma_wait3A_275] : memref<3x1x80xi32, #tpu.memory_space<vmem>> -> memref<1x1x80xi32, #tpu.memory_space<vmem>>
    %dma_wait3A_277 = tpu.memref_squeeze %dma_wait3A_276 : memref<1x1x80xi32, #tpu.memory_space<vmem>> -> memref<80xi32, #tpu.memory_space<vmem>>
    %dma_wait3A_278 = arith.constant 0 : i32
    %dma_wait3A_279 = arith.constant 0 : i32
    %dma_wait3A_280 = tpu.memref_slice %arg11[%dma_wait3A_278, %dma_wait3A_279] : memref<10240x128xf32, #tpu.memory_space<vmem_shared>> -> memref<10240x128xf32, #tpu.memory_space<vmem_shared>>
    %dma_wait3A_281 = tpu.memref_slice %arg14[%dma_wait3A_270] : memref<2x!tpu.dma_semaphore, #tpu.memory_space<semaphore_mem>> -> memref<1x!tpu.dma_semaphore, #tpu.memory_space<semaphore_mem>>
    %dma_wait3A_282 = tpu.memref_squeeze %dma_wait3A_281 : memref<1x!tpu.dma_semaphore, #tpu.memory_space<semaphore_mem>> -> memref<!tpu.dma_semaphore, #tpu.memory_space<semaphore_mem>>
    tpu.wait_indirect_dma semaphore(%dma_wait3A_282 : memref<!tpu.dma_semaphore, #tpu.memory_space<semaphore_mem>>) src(%dma_wait3A_274 : memref<80x128xf32, #tpu.memory_space<vmem>>) dst(%dma_wait3A_280 : memref<10240x128xf32, #tpu.memory_space<vmem_shared>>)
    %barrier3A_283 = arith.constant 0 : index
    tpu.barrier barrier_id(%barrier3A_283)
    %mul3A_284 = arith.constant 640 : i32
    %mul3A_285 = arith.muli %arg1, %mul3A_284 : i32
    %add3A_286 = arith.constant 0 : i32
    %add3A_287 = arith.addi %mul3A_285, %add3A_286 : i32
    %multiple_of3A_288 = tpu.assume_multiple %add3A_287, 8 : i32
    %run_scoped3A_289 = arith.constant 0 : i32
    "tpu.region"() ({
      %run_scoped3A_340 = tpu.sem_alloc : memref<!tpu.dma_semaphore, #tpu.memory_space<semaphore_mem>>
      %dma_start3A_341 = arith.constant 0 : i32
      %dma_start3A_342 = arith.constant 0 : i32
      %dma_start3A_343 = tpu.memref_slice %arg10[%run_scoped3A_289, %dma_start3A_341, %dma_start3A_342] : memref<2x80x128xf32, #tpu.memory_space<vmem>> -> memref<1x80x128xf32, #tpu.memory_space<vmem>>
      %dma_start3A_344 = tpu.memref_squeeze %dma_start3A_343 : memref<1x80x128xf32, #tpu.memory_space<vmem>> -> memref<80x128xf32, #tpu.memory_space<vmem>>
      %dma_start3A_345 = arith.constant 0 : i32
      %dma_start3A_346 = tpu.memref_slice %arg11[%multiple_of3A_288, %dma_start3A_345] : memref<10240x128xf32, #tpu.memory_space<vmem_shared>> -> memref<80x128xf32, #tpu.memory_space<vmem_shared>>
      %dma_start3A_347 = arith.constant 0 : i32
      %dma_start3A_348 = arith.constant 0 : i32
      %dma_start3A_349 = tpu.memref_slice %arg10[%run_scoped3A_289, %dma_start3A_347, %dma_start3A_348] : memref<2x80x128xf32, #tpu.memory_space<vmem>> -> memref<1x80x128xf32, #tpu.memory_space<vmem>>
      %dma_start3A_350 = tpu.memref_squeeze %dma_start3A_349 : memref<1x80x128xf32, #tpu.memory_space<vmem>> -> memref<80x128xf32, #tpu.memory_space<vmem>>
      %dma_start3A_351 = arith.constant 0 : i32
      %dma_start3A_352 = tpu.memref_slice %arg11[%multiple_of3A_288, %dma_start3A_351] : memref<10240x128xf32, #tpu.memory_space<vmem_shared>> -> memref<80x128xf32, #tpu.memory_space<vmem_shared>>
      tpu.enqueue_dma source(%dma_start3A_352 : memref<80x128xf32, #tpu.memory_space<vmem_shared>>) target(%dma_start3A_350 : memref<80x128xf32, #tpu.memory_space<vmem>>) target_semaphore(%run_scoped3A_340 : memref<!tpu.dma_semaphore, #tpu.memory_space<semaphore_mem>>)
      %dma_wait3A_353 = arith.constant 0 : i32
      %dma_wait3A_354 = arith.constant 0 : i32
      %dma_wait3A_355 = tpu.memref_slice %arg10[%run_scoped3A_289, %dma_wait3A_353, %dma_wait3A_354] : memref<2x80x128xf32, #tpu.memory_space<vmem>> -> memref<1x80x128xf32, #tpu.memory_space<vmem>>
      %dma_wait3A_356 = tpu.memref_squeeze %dma_wait3A_355 : memref<1x80x128xf32, #tpu.memory_space<vmem>> -> memref<80x128xf32, #tpu.memory_space<vmem>>
      %dma_wait3A_357 = arith.constant 0 : i32
      %dma_wait3A_358 = tpu.memref_slice %arg11[%multiple_of3A_288, %dma_wait3A_357] : memref<10240x128xf32, #tpu.memory_space<vmem_shared>> -> memref<80x128xf32, #tpu.memory_space<vmem_shared>>
      %dma_wait3A_359 = arith.constant 0 : i32
      %dma_wait3A_360 = arith.constant 0 : i32
      %dma_wait3A_361 = tpu.memref_slice %arg10[%run_scoped3A_289, %dma_wait3A_359, %dma_wait3A_360] : memref<2x80x128xf32, #tpu.memory_space<vmem>> -> memref<1x80x128xf32, #tpu.memory_space<vmem>>
      %dma_wait3A_362 = tpu.memref_squeeze %dma_wait3A_361 : memref<1x80x128xf32, #tpu.memory_space<vmem>> -> memref<80x128xf32, #tpu.memory_space<vmem>>
      %dma_wait3A_363 = arith.constant 0 : i32
      %dma_wait3A_364 = tpu.memref_slice %arg11[%multiple_of3A_288, %dma_wait3A_363] : memref<10240x128xf32, #tpu.memory_space<vmem_shared>> -> memref<80x128xf32, #tpu.memory_space<vmem_shared>>
      tpu.wait_dma2 semaphore(%run_scoped3A_340 : memref<!tpu.dma_semaphore, #tpu.memory_space<semaphore_mem>>) src(%dma_wait3A_364 : memref<80x128xf32, #tpu.memory_space<vmem_shared>>) dst(%dma_wait3A_362 : memref<80x128xf32, #tpu.memory_space<vmem>>)
      tpu.yield
    }) : () -> ()
    %run_scoped3A_290 = arith.constant 0 : i32
    "tpu.region"() ({
      %run_scoped3A_340 = tpu.sem_alloc : memref<!tpu.dma_semaphore, #tpu.memory_space<semaphore_mem>>
      %dma_start3A_341 = arith.constant 0 : i32
      %dma_start3A_342 = arith.constant 0 : i32
      %dma_start3A_343 = tpu.memref_slice %arg10[%run_scoped3A_290, %dma_start3A_341, %dma_start3A_342] : memref<2x80x128xf32, #tpu.memory_space<vmem>> -> memref<1x80x128xf32, #tpu.memory_space<vmem>>
      %dma_start3A_344 = tpu.memref_squeeze %dma_start3A_343 : memref<1x80x128xf32, #tpu.memory_space<vmem>> -> memref<80x128xf32, #tpu.memory_space<vmem>>
      %dma_start3A_345 = arith.constant 0 : i32
      %dma_start3A_346 = tpu.memref_slice %arg6[%arg0, %multiple_of3A_288, %dma_start3A_345] : memref<2x10240x128xf32, #tpu.memory_space<hbm>> -> memref<1x80x128xf32, #tpu.memory_space<hbm>>
      %dma_start3A_347 = tpu.memref_squeeze %dma_start3A_346 : memref<1x80x128xf32, #tpu.memory_space<hbm>> -> memref<80x128xf32, #tpu.memory_space<hbm>>
      %dma_start3A_348 = arith.constant 0 : i32
      %dma_start3A_349 = tpu.memref_slice %arg6[%arg0, %multiple_of3A_288, %dma_start3A_348] : memref<2x10240x128xf32, #tpu.memory_space<hbm>> -> memref<1x80x128xf32, #tpu.memory_space<hbm>>
      %dma_start3A_350 = tpu.memref_squeeze %dma_start3A_349 : memref<1x80x128xf32, #tpu.memory_space<hbm>> -> memref<80x128xf32, #tpu.memory_space<hbm>>
      %dma_start3A_351 = arith.constant 0 : i32
      %dma_start3A_352 = arith.constant 0 : i32
      %dma_start3A_353 = tpu.memref_slice %arg10[%run_scoped3A_290, %dma_start3A_351, %dma_start3A_352] : memref<2x80x128xf32, #tpu.memory_space<vmem>> -> memref<1x80x128xf32, #tpu.memory_space<vmem>>
      %dma_start3A_354 = tpu.memref_squeeze %dma_start3A_353 : memref<1x80x128xf32, #tpu.memory_space<vmem>> -> memref<80x128xf32, #tpu.memory_space<vmem>>
      tpu.enqueue_dma source(%dma_start3A_354 : memref<80x128xf32, #tpu.memory_space<vmem>>) target(%dma_start3A_350 : memref<80x128xf32, #tpu.memory_space<hbm>>) target_semaphore(%run_scoped3A_340 : memref<!tpu.dma_semaphore, #tpu.memory_space<semaphore_mem>>)
      %dma_wait3A_355 = arith.constant 0 : i32
      %dma_wait3A_356 = arith.constant 0 : i32
      %dma_wait3A_357 = tpu.memref_slice %arg10[%run_scoped3A_290, %dma_wait3A_355, %dma_wait3A_356] : memref<2x80x128xf32, #tpu.memory_space<vmem>> -> memref<1x80x128xf32, #tpu.memory_space<vmem>>
      %dma_wait3A_358 = tpu.memref_squeeze %dma_wait3A_357 : memref<1x80x128xf32, #tpu.memory_space<vmem>> -> memref<80x128xf32, #tpu.memory_space<vmem>>
      %dma_wait3A_359 = arith.constant 0 : i32
      %dma_wait3A_360 = tpu.memref_slice %arg6[%arg0, %multiple_of3A_288, %dma_wait3A_359] : memref<2x10240x128xf32, #tpu.memory_space<hbm>> -> memref<1x80x128xf32, #tpu.memory_space<hbm>>
      %dma_wait3A_361 = tpu.memref_squeeze %dma_wait3A_360 : memref<1x80x128xf32, #tpu.memory_space<hbm>> -> memref<80x128xf32, #tpu.memory_space<hbm>>
      %dma_wait3A_362 = arith.constant 0 : i32
      %dma_wait3A_363 = tpu.memref_slice %arg6[%arg0, %multiple_of3A_288, %dma_wait3A_362] : memref<2x10240x128xf32, #tpu.memory_space<hbm>> -> memref<1x80x128xf32, #tpu.memory_space<hbm>>
      %dma_wait3A_364 = tpu.memref_squeeze %dma_wait3A_363 : memref<1x80x128xf32, #tpu.memory_space<hbm>> -> memref<80x128xf32, #tpu.memory_space<hbm>>
      %dma_wait3A_365 = arith.constant 0 : i32
      %dma_wait3A_366 = arith.constant 0 : i32
      %dma_wait3A_367 = tpu.memref_slice %arg10[%run_scoped3A_290, %dma_wait3A_365, %dma_wait3A_366] : memref<2x80x128xf32, #tpu.memory_space<vmem>> -> memref<1x80x128xf32, #tpu.memory_space<vmem>>
      %dma_wait3A_368 = tpu.memref_squeeze %dma_wait3A_367 : memref<1x80x128xf32, #tpu.memory_space<vmem>> -> memref<80x128xf32, #tpu.memory_space<vmem>>
      tpu.wait_dma2 semaphore(%run_scoped3A_340 : memref<!tpu.dma_semaphore, #tpu.memory_space<semaphore_mem>>) src(%dma_wait3A_368 : memref<80x128xf32, #tpu.memory_space<vmem>>) dst(%dma_wait3A_364 : memref<80x128xf32, #tpu.memory_space<hbm>>)
      tpu.yield
    }) : () -> ()
    %mul3A_291 = arith.constant 640 : i32
    %mul3A_292 = arith.muli %arg1, %mul3A_291 : i32
    %add3A_293 = arith.constant 80 : i32
    %add3A_294 = arith.addi %mul3A_292, %add3A_293 : i32
    %multiple_of3A_295 = tpu.assume_multiple %add3A_294, 8 : i32
    %run_scoped3A_296 = arith.constant 0 : i32
    "tpu.region"() ({
      %run_scoped3A_340 = tpu.sem_alloc : memref<!tpu.dma_semaphore, #tpu.memory_space<semaphore_mem>>
      %dma_start3A_341 = arith.constant 0 : i32
      %dma_start3A_342 = arith.constant 0 : i32
      %dma_start3A_343 = tpu.memref_slice %arg10[%run_scoped3A_296, %dma_start3A_341, %dma_start3A_342] : memref<2x80x128xf32, #tpu.memory_space<vmem>> -> memref<1x80x128xf32, #tpu.memory_space<vmem>>
      %dma_start3A_344 = tpu.memref_squeeze %dma_start3A_343 : memref<1x80x128xf32, #tpu.memory_space<vmem>> -> memref<80x128xf32, #tpu.memory_space<vmem>>
      %dma_start3A_345 = arith.constant 0 : i32
      %dma_start3A_346 = tpu.memref_slice %arg11[%multiple_of3A_295, %dma_start3A_345] : memref<10240x128xf32, #tpu.memory_space<vmem_shared>> -> memref<80x128xf32, #tpu.memory_space<vmem_shared>>
      %dma_start3A_347 = arith.constant 0 : i32
      %dma_start3A_348 = arith.constant 0 : i32
      %dma_start3A_349 = tpu.memref_slice %arg10[%run_scoped3A_296, %dma_start3A_347, %dma_start3A_348] : memref<2x80x128xf32, #tpu.memory_space<vmem>> -> memref<1x80x128xf32, #tpu.memory_space<vmem>>
      %dma_start3A_350 = tpu.memref_squeeze %dma_start3A_349 : memref<1x80x128xf32, #tpu.memory_space<vmem>> -> memref<80x128xf32, #tpu.memory_space<vmem>>
      %dma_start3A_351 = arith.constant 0 : i32
      %dma_start3A_352 = tpu.memref_slice %arg11[%multiple_of3A_295, %dma_start3A_351] : memref<10240x128xf32, #tpu.memory_space<vmem_shared>> -> memref<80x128xf32, #tpu.memory_space<vmem_shared>>
      tpu.enqueue_dma source(%dma_start3A_352 : memref<80x128xf32, #tpu.memory_space<vmem_shared>>) target(%dma_start3A_350 : memref<80x128xf32, #tpu.memory_space<vmem>>) target_semaphore(%run_scoped3A_340 : memref<!tpu.dma_semaphore, #tpu.memory_space<semaphore_mem>>)
      %dma_wait3A_353 = arith.constant 0 : i32
      %dma_wait3A_354 = arith.constant 0 : i32
      %dma_wait3A_355 = tpu.memref_slice %arg10[%run_scoped3A_296, %dma_wait3A_353, %dma_wait3A_354] : memref<2x80x128xf32, #tpu.memory_space<vmem>> -> memref<1x80x128xf32, #tpu.memory_space<vmem>>
      %dma_wait3A_356 = tpu.memref_squeeze %dma_wait3A_355 : memref<1x80x128xf32, #tpu.memory_space<vmem>> -> memref<80x128xf32, #tpu.memory_space<vmem>>
      %dma_wait3A_357 = arith.constant 0 : i32
      %dma_wait3A_358 = tpu.memref_slice %arg11[%multiple_of3A_295, %dma_wait3A_357] : memref<10240x128xf32, #tpu.memory_space<vmem_shared>> -> memref<80x128xf32, #tpu.memory_space<vmem_shared>>
      %dma_wait3A_359 = arith.constant 0 : i32
      %dma_wait3A_360 = arith.constant 0 : i32
      %dma_wait3A_361 = tpu.memref_slice %arg10[%run_scoped3A_296, %dma_wait3A_359, %dma_wait3A_360] : memref<2x80x128xf32, #tpu.memory_space<vmem>> -> memref<1x80x128xf32, #tpu.memory_space<vmem>>
      %dma_wait3A_362 = tpu.memref_squeeze %dma_wait3A_361 : memref<1x80x128xf32, #tpu.memory_space<vmem>> -> memref<80x128xf32, #tpu.memory_space<vmem>>
      %dma_wait3A_363 = arith.constant 0 : i32
      %dma_wait3A_364 = tpu.memref_slice %arg11[%multiple_of3A_295, %dma_wait3A_363] : memref<10240x128xf32, #tpu.memory_space<vmem_shared>> -> memref<80x128xf32, #tpu.memory_space<vmem_shared>>
      tpu.wait_dma2 semaphore(%run_scoped3A_340 : memref<!tpu.dma_semaphore, #tpu.memory_space<semaphore_mem>>) src(%dma_wait3A_364 : memref<80x128xf32, #tpu.memory_space<vmem_shared>>) dst(%dma_wait3A_362 : memref<80x128xf32, #tpu.memory_space<vmem>>)
      tpu.yield
    }) : () -> ()
    %run_scoped3A_297 = arith.constant 0 : i32
    "tpu.region"() ({
      %run_scoped3A_340 = tpu.sem_alloc : memref<!tpu.dma_semaphore, #tpu.memory_space<semaphore_mem>>
      %dma_start3A_341 = arith.constant 0 : i32
      %dma_start3A_342 = arith.constant 0 : i32
      %dma_start3A_343 = tpu.memref_slice %arg10[%run_scoped3A_297, %dma_start3A_341, %dma_start3A_342] : memref<2x80x128xf32, #tpu.memory_space<vmem>> -> memref<1x80x128xf32, #tpu.memory_space<vmem>>
      %dma_start3A_344 = tpu.memref_squeeze %dma_start3A_343 : memref<1x80x128xf32, #tpu.memory_space<vmem>> -> memref<80x128xf32, #tpu.memory_space<vmem>>
      %dma_start3A_345 = arith.constant 0 : i32
      %dma_start3A_346 = tpu.memref_slice %arg6[%arg0, %multiple_of3A_295, %dma_start3A_345] : memref<2x10240x128xf32, #tpu.memory_space<hbm>> -> memref<1x80x128xf32, #tpu.memory_space<hbm>>
      %dma_start3A_347 = tpu.memref_squeeze %dma_start3A_346 : memref<1x80x128xf32, #tpu.memory_space<hbm>> -> memref<80x128xf32, #tpu.memory_space<hbm>>
      %dma_start3A_348 = arith.constant 0 : i32
      %dma_start3A_349 = tpu.memref_slice %arg6[%arg0, %multiple_of3A_295, %dma_start3A_348] : memref<2x10240x128xf32, #tpu.memory_space<hbm>> -> memref<1x80x128xf32, #tpu.memory_space<hbm>>
      %dma_start3A_350 = tpu.memref_squeeze %dma_start3A_349 : memref<1x80x128xf32, #tpu.memory_space<hbm>> -> memref<80x128xf32, #tpu.memory_space<hbm>>
      %dma_start3A_351 = arith.constant 0 : i32
      %dma_start3A_352 = arith.constant 0 : i32
      %dma_start3A_353 = tpu.memref_slice %arg10[%run_scoped3A_297, %dma_start3A_351, %dma_start3A_352] : memref<2x80x128xf32, #tpu.memory_space<vmem>> -> memref<1x80x128xf32, #tpu.memory_space<vmem>>
      %dma_start3A_354 = tpu.memref_squeeze %dma_start3A_353 : memref<1x80x128xf32, #tpu.memory_space<vmem>> -> memref<80x128xf32, #tpu.memory_space<vmem>>
      tpu.enqueue_dma source(%dma_start3A_354 : memref<80x128xf32, #tpu.memory_space<vmem>>) target(%dma_start3A_350 : memref<80x128xf32, #tpu.memory_space<hbm>>) target_semaphore(%run_scoped3A_340 : memref<!tpu.dma_semaphore, #tpu.memory_space<semaphore_mem>>)
      %dma_wait3A_355 = arith.constant 0 : i32
      %dma_wait3A_356 = arith.constant 0 : i32
      %dma_wait3A_357 = tpu.memref_slice %arg10[%run_scoped3A_297, %dma_wait3A_355, %dma_wait3A_356] : memref<2x80x128xf32, #tpu.memory_space<vmem>> -> memref<1x80x128xf32, #tpu.memory_space<vmem>>
      %dma_wait3A_358 = tpu.memref_squeeze %dma_wait3A_357 : memref<1x80x128xf32, #tpu.memory_space<vmem>> -> memref<80x128xf32, #tpu.memory_space<vmem>>
      %dma_wait3A_359 = arith.constant 0 : i32
      %dma_wait3A_360 = tpu.memref_slice %arg6[%arg0, %multiple_of3A_295, %dma_wait3A_359] : memref<2x10240x128xf32, #tpu.memory_space<hbm>> -> memref<1x80x128xf32, #tpu.memory_space<hbm>>
      %dma_wait3A_361 = tpu.memref_squeeze %dma_wait3A_360 : memref<1x80x128xf32, #tpu.memory_space<hbm>> -> memref<80x128xf32, #tpu.memory_space<hbm>>
      %dma_wait3A_362 = arith.constant 0 : i32
      %dma_wait3A_363 = tpu.memref_slice %arg6[%arg0, %multiple_of3A_295, %dma_wait3A_362] : memref<2x10240x128xf32, #tpu.memory_space<hbm>> -> memref<1x80x128xf32, #tpu.memory_space<hbm>>
      %dma_wait3A_364 = tpu.memref_squeeze %dma_wait3A_363 : memref<1x80x128xf32, #tpu.memory_space<hbm>> -> memref<80x128xf32, #tpu.memory_space<hbm>>
      %dma_wait3A_365 = arith.constant 0 : i32
      %dma_wait3A_366 = arith.constant 0 : i32
      %dma_wait3A_367 = tpu.memref_slice %arg10[%run_scoped3A_297, %dma_wait3A_365, %dma_wait3A_366] : memref<2x80x128xf32, #tpu.memory_space<vmem>> -> memref<1x80x128xf32, #tpu.memory_space<vmem>>
      %dma_wait3A_368 = tpu.memref_squeeze %dma_wait3A_367 : memref<1x80x128xf32, #tpu.memory_space<vmem>> -> memref<80x128xf32, #tpu.memory_space<vmem>>
      tpu.wait_dma2 semaphore(%run_scoped3A_340 : memref<!tpu.dma_semaphore, #tpu.memory_space<semaphore_mem>>) src(%dma_wait3A_368 : memref<80x128xf32, #tpu.memory_space<vmem>>) dst(%dma_wait3A_364 : memref<80x128xf32, #tpu.memory_space<hbm>>)
      tpu.yield
    }) : () -> ()
    %mul3A_298 = arith.constant 640 : i32
    %mul3A_299 = arith.muli %arg1, %mul3A_298 : i32
    %add3A_300 = arith.constant 160 : i32
    %add3A_301 = arith.addi %mul3A_299, %add3A_300 : i32
    %multiple_of3A_302 = tpu.assume_multiple %add3A_301, 8 : i32
    %run_scoped3A_303 = arith.constant 0 : i32
    "tpu.region"() ({
      %run_scoped3A_340 = tpu.sem_alloc : memref<!tpu.dma_semaphore, #tpu.memory_space<semaphore_mem>>
      %dma_start3A_341 = arith.constant 0 : i32
      %dma_start3A_342 = arith.constant 0 : i32
      %dma_start3A_343 = tpu.memref_slice %arg10[%run_scoped3A_303, %dma_start3A_341, %dma_start3A_342] : memref<2x80x128xf32, #tpu.memory_space<vmem>> -> memref<1x80x128xf32, #tpu.memory_space<vmem>>
      %dma_start3A_344 = tpu.memref_squeeze %dma_start3A_343 : memref<1x80x128xf32, #tpu.memory_space<vmem>> -> memref<80x128xf32, #tpu.memory_space<vmem>>
      %dma_start3A_345 = arith.constant 0 : i32
      %dma_start3A_346 = tpu.memref_slice %arg11[%multiple_of3A_302, %dma_start3A_345] : memref<10240x128xf32, #tpu.memory_space<vmem_shared>> -> memref<80x128xf32, #tpu.memory_space<vmem_shared>>
      %dma_start3A_347 = arith.constant 0 : i32
      %dma_start3A_348 = arith.constant 0 : i32
      %dma_start3A_349 = tpu.memref_slice %arg10[%run_scoped3A_303, %dma_start3A_347, %dma_start3A_348] : memref<2x80x128xf32, #tpu.memory_space<vmem>> -> memref<1x80x128xf32, #tpu.memory_space<vmem>>
      %dma_start3A_350 = tpu.memref_squeeze %dma_start3A_349 : memref<1x80x128xf32, #tpu.memory_space<vmem>> -> memref<80x128xf32, #tpu.memory_space<vmem>>
      %dma_start3A_351 = arith.constant 0 : i32
      %dma_start3A_352 = tpu.memref_slice %arg11[%multiple_of3A_302, %dma_start3A_351] : memref<10240x128xf32, #tpu.memory_space<vmem_shared>> -> memref<80x128xf32, #tpu.memory_space<vmem_shared>>
      tpu.enqueue_dma source(%dma_start3A_352 : memref<80x128xf32, #tpu.memory_space<vmem_shared>>) target(%dma_start3A_350 : memref<80x128xf32, #tpu.memory_space<vmem>>) target_semaphore(%run_scoped3A_340 : memref<!tpu.dma_semaphore, #tpu.memory_space<semaphore_mem>>)
      %dma_wait3A_353 = arith.constant 0 : i32
      %dma_wait3A_354 = arith.constant 0 : i32
      %dma_wait3A_355 = tpu.memref_slice %arg10[%run_scoped3A_303, %dma_wait3A_353, %dma_wait3A_354] : memref<2x80x128xf32, #tpu.memory_space<vmem>> -> memref<1x80x128xf32, #tpu.memory_space<vmem>>
      %dma_wait3A_356 = tpu.memref_squeeze %dma_wait3A_355 : memref<1x80x128xf32, #tpu.memory_space<vmem>> -> memref<80x128xf32, #tpu.memory_space<vmem>>
      %dma_wait3A_357 = arith.constant 0 : i32
      %dma_wait3A_358 = tpu.memref_slice %arg11[%multiple_of3A_302, %dma_wait3A_357] : memref<10240x128xf32, #tpu.memory_space<vmem_shared>> -> memref<80x128xf32, #tpu.memory_space<vmem_shared>>
      %dma_wait3A_359 = arith.constant 0 : i32
      %dma_wait3A_360 = arith.constant 0 : i32
      %dma_wait3A_361 = tpu.memref_slice %arg10[%run_scoped3A_303, %dma_wait3A_359, %dma_wait3A_360] : memref<2x80x128xf32, #tpu.memory_space<vmem>> -> memref<1x80x128xf32, #tpu.memory_space<vmem>>
      %dma_wait3A_362 = tpu.memref_squeeze %dma_wait3A_361 : memref<1x80x128xf32, #tpu.memory_space<vmem>> -> memref<80x128xf32, #tpu.memory_space<vmem>>
      %dma_wait3A_363 = arith.constant 0 : i32
      %dma_wait3A_364 = tpu.memref_slice %arg11[%multiple_of3A_302, %dma_wait3A_363] : memref<10240x128xf32, #tpu.memory_space<vmem_shared>> -> memref<80x128xf32, #tpu.memory_space<vmem_shared>>
      tpu.wait_dma2 semaphore(%run_scoped3A_340 : memref<!tpu.dma_semaphore, #tpu.memory_space<semaphore_mem>>) src(%dma_wait3A_364 : memref<80x128xf32, #tpu.memory_space<vmem_shared>>) dst(%dma_wait3A_362 : memref<80x128xf32, #tpu.memory_space<vmem>>)
      tpu.yield
    }) : () -> ()
    %run_scoped3A_304 = arith.constant 0 : i32
    "tpu.region"() ({
      %run_scoped3A_340 = tpu.sem_alloc : memref<!tpu.dma_semaphore, #tpu.memory_space<semaphore_mem>>
      %dma_start3A_341 = arith.constant 0 : i32
      %dma_start3A_342 = arith.constant 0 : i32
      %dma_start3A_343 = tpu.memref_slice %arg10[%run_scoped3A_304, %dma_start3A_341, %dma_start3A_342] : memref<2x80x128xf32, #tpu.memory_space<vmem>> -> memref<1x80x128xf32, #tpu.memory_space<vmem>>
      %dma_start3A_344 = tpu.memref_squeeze %dma_start3A_343 : memref<1x80x128xf32, #tpu.memory_space<vmem>> -> memref<80x128xf32, #tpu.memory_space<vmem>>
      %dma_start3A_345 = arith.constant 0 : i32
      %dma_start3A_346 = tpu.memref_slice %arg6[%arg0, %multiple_of3A_302, %dma_start3A_345] : memref<2x10240x128xf32, #tpu.memory_space<hbm>> -> memref<1x80x128xf32, #tpu.memory_space<hbm>>
      %dma_start3A_347 = tpu.memref_squeeze %dma_start3A_346 : memref<1x80x128xf32, #tpu.memory_space<hbm>> -> memref<80x128xf32, #tpu.memory_space<hbm>>
      %dma_start3A_348 = arith.constant 0 : i32
      %dma_start3A_349 = tpu.memref_slice %arg6[%arg0, %multiple_of3A_302, %dma_start3A_348] : memref<2x10240x128xf32, #tpu.memory_space<hbm>> -> memref<1x80x128xf32, #tpu.memory_space<hbm>>
      %dma_start3A_350 = tpu.memref_squeeze %dma_start3A_349 : memref<1x80x128xf32, #tpu.memory_space<hbm>> -> memref<80x128xf32, #tpu.memory_space<hbm>>
      %dma_start3A_351 = arith.constant 0 : i32
      %dma_start3A_352 = arith.constant 0 : i32
      %dma_start3A_353 = tpu.memref_slice %arg10[%run_scoped3A_304, %dma_start3A_351, %dma_start3A_352] : memref<2x80x128xf32, #tpu.memory_space<vmem>> -> memref<1x80x128xf32, #tpu.memory_space<vmem>>
      %dma_start3A_354 = tpu.memref_squeeze %dma_start3A_353 : memref<1x80x128xf32, #tpu.memory_space<vmem>> -> memref<80x128xf32, #tpu.memory_space<vmem>>
      tpu.enqueue_dma source(%dma_start3A_354 : memref<80x128xf32, #tpu.memory_space<vmem>>) target(%dma_start3A_350 : memref<80x128xf32, #tpu.memory_space<hbm>>) target_semaphore(%run_scoped3A_340 : memref<!tpu.dma_semaphore, #tpu.memory_space<semaphore_mem>>)
      %dma_wait3A_355 = arith.constant 0 : i32
      %dma_wait3A_356 = arith.constant 0 : i32
      %dma_wait3A_357 = tpu.memref_slice %arg10[%run_scoped3A_304, %dma_wait3A_355, %dma_wait3A_356] : memref<2x80x128xf32, #tpu.memory_space<vmem>> -> memref<1x80x128xf32, #tpu.memory_space<vmem>>
      %dma_wait3A_358 = tpu.memref_squeeze %dma_wait3A_357 : memref<1x80x128xf32, #tpu.memory_space<vmem>> -> memref<80x128xf32, #tpu.memory_space<vmem>>
      %dma_wait3A_359 = arith.constant 0 : i32
      %dma_wait3A_360 = tpu.memref_slice %arg6[%arg0, %multiple_of3A_302, %dma_wait3A_359] : memref<2x10240x128xf32, #tpu.memory_space<hbm>> -> memref<1x80x128xf32, #tpu.memory_space<hbm>>
      %dma_wait3A_361 = tpu.memref_squeeze %dma_wait3A_360 : memref<1x80x128xf32, #tpu.memory_space<hbm>> -> memref<80x128xf32, #tpu.memory_space<hbm>>
      %dma_wait3A_362 = arith.constant 0 : i32
      %dma_wait3A_363 = tpu.memref_slice %arg6[%arg0, %multiple_of3A_302, %dma_wait3A_362] : memref<2x10240x128xf32, #tpu.memory_space<hbm>> -> memref<1x80x128xf32, #tpu.memory_space<hbm>>
      %dma_wait3A_364 = tpu.memref_squeeze %dma_wait3A_363 : memref<1x80x128xf32, #tpu.memory_space<hbm>> -> memref<80x128xf32, #tpu.memory_space<hbm>>
      %dma_wait3A_365 = arith.constant 0 : i32
      %dma_wait3A_366 = arith.constant 0 : i32
      %dma_wait3A_367 = tpu.memref_slice %arg10[%run_scoped3A_304, %dma_wait3A_365, %dma_wait3A_366] : memref<2x80x128xf32, #tpu.memory_space<vmem>> -> memref<1x80x128xf32, #tpu.memory_space<vmem>>
      %dma_wait3A_368 = tpu.memref_squeeze %dma_wait3A_367 : memref<1x80x128xf32, #tpu.memory_space<vmem>> -> memref<80x128xf32, #tpu.memory_space<vmem>>
      tpu.wait_dma2 semaphore(%run_scoped3A_340 : memref<!tpu.dma_semaphore, #tpu.memory_space<semaphore_mem>>) src(%dma_wait3A_368 : memref<80x128xf32, #tpu.memory_space<vmem>>) dst(%dma_wait3A_364 : memref<80x128xf32, #tpu.memory_space<hbm>>)
      tpu.yield
    }) : () -> ()
    %mul3A_305 = arith.constant 640 : i32
    %mul3A_306 = arith.muli %arg1, %mul3A_305 : i32
    %add3A_307 = arith.constant 240 : i32
    %add3A_308 = arith.addi %mul3A_306, %add3A_307 : i32
    %multiple_of3A_309 = tpu.assume_multiple %add3A_308, 8 : i32
    %run_scoped3A_310 = arith.constant 0 : i32
    "tpu.region"() ({
      %run_scoped3A_340 = tpu.sem_alloc : memref<!tpu.dma_semaphore, #tpu.memory_space<semaphore_mem>>
      %dma_start3A_341 = arith.constant 0 : i32
      %dma_start3A_342 = arith.constant 0 : i32
      %dma_start3A_343 = tpu.memref_slice %arg10[%run_scoped3A_310, %dma_start3A_341, %dma_start3A_342] : memref<2x80x128xf32, #tpu.memory_space<vmem>> -> memref<1x80x128xf32, #tpu.memory_space<vmem>>
      %dma_start3A_344 = tpu.memref_squeeze %dma_start3A_343 : memref<1x80x128xf32, #tpu.memory_space<vmem>> -> memref<80x128xf32, #tpu.memory_space<vmem>>
      %dma_start3A_345 = arith.constant 0 : i32
      %dma_start3A_346 = tpu.memref_slice %arg11[%multiple_of3A_309, %dma_start3A_345] : memref<10240x128xf32, #tpu.memory_space<vmem_shared>> -> memref<80x128xf32, #tpu.memory_space<vmem_shared>>
      %dma_start3A_347 = arith.constant 0 : i32
      %dma_start3A_348 = arith.constant 0 : i32
      %dma_start3A_349 = tpu.memref_slice %arg10[%run_scoped3A_310, %dma_start3A_347, %dma_start3A_348] : memref<2x80x128xf32, #tpu.memory_space<vmem>> -> memref<1x80x128xf32, #tpu.memory_space<vmem>>
      %dma_start3A_350 = tpu.memref_squeeze %dma_start3A_349 : memref<1x80x128xf32, #tpu.memory_space<vmem>> -> memref<80x128xf32, #tpu.memory_space<vmem>>
      %dma_start3A_351 = arith.constant 0 : i32
      %dma_start3A_352 = tpu.memref_slice %arg11[%multiple_of3A_309, %dma_start3A_351] : memref<10240x128xf32, #tpu.memory_space<vmem_shared>> -> memref<80x128xf32, #tpu.memory_space<vmem_shared>>
      tpu.enqueue_dma source(%dma_start3A_352 : memref<80x128xf32, #tpu.memory_space<vmem_shared>>) target(%dma_start3A_350 : memref<80x128xf32, #tpu.memory_space<vmem>>) target_semaphore(%run_scoped3A_340 : memref<!tpu.dma_semaphore, #tpu.memory_space<semaphore_mem>>)
      %dma_wait3A_353 = arith.constant 0 : i32
      %dma_wait3A_354 = arith.constant 0 : i32
      %dma_wait3A_355 = tpu.memref_slice %arg10[%run_scoped3A_310, %dma_wait3A_353, %dma_wait3A_354] : memref<2x80x128xf32, #tpu.memory_space<vmem>> -> memref<1x80x128xf32, #tpu.memory_space<vmem>>
      %dma_wait3A_356 = tpu.memref_squeeze %dma_wait3A_355 : memref<1x80x128xf32, #tpu.memory_space<vmem>> -> memref<80x128xf32, #tpu.memory_space<vmem>>
      %dma_wait3A_357 = arith.constant 0 : i32
      %dma_wait3A_358 = tpu.memref_slice %arg11[%multiple_of3A_309, %dma_wait3A_357] : memref<10240x128xf32, #tpu.memory_space<vmem_shared>> -> memref<80x128xf32, #tpu.memory_space<vmem_shared>>
      %dma_wait3A_359 = arith.constant 0 : i32
      %dma_wait3A_360 = arith.constant 0 : i32
      %dma_wait3A_361 = tpu.memref_slice %arg10[%run_scoped3A_310, %dma_wait3A_359, %dma_wait3A_360] : memref<2x80x128xf32, #tpu.memory_space<vmem>> -> memref<1x80x128xf32, #tpu.memory_space<vmem>>
      %dma_wait3A_362 = tpu.memref_squeeze %dma_wait3A_361 : memref<1x80x128xf32, #tpu.memory_space<vmem>> -> memref<80x128xf32, #tpu.memory_space<vmem>>
      %dma_wait3A_363 = arith.constant 0 : i32
      %dma_wait3A_364 = tpu.memref_slice %arg11[%multiple_of3A_309, %dma_wait3A_363] : memref<10240x128xf32, #tpu.memory_space<vmem_shared>> -> memref<80x128xf32, #tpu.memory_space<vmem_shared>>
      tpu.wait_dma2 semaphore(%run_scoped3A_340 : memref<!tpu.dma_semaphore, #tpu.memory_space<semaphore_mem>>) src(%dma_wait3A_364 : memref<80x128xf32, #tpu.memory_space<vmem_shared>>) dst(%dma_wait3A_362 : memref<80x128xf32, #tpu.memory_space<vmem>>)
      tpu.yield
    }) : () -> ()
    %run_scoped3A_311 = arith.constant 0 : i32
    "tpu.region"() ({
      %run_scoped3A_340 = tpu.sem_alloc : memref<!tpu.dma_semaphore, #tpu.memory_space<semaphore_mem>>
      %dma_start3A_341 = arith.constant 0 : i32
      %dma_start3A_342 = arith.constant 0 : i32
      %dma_start3A_343 = tpu.memref_slice %arg10[%run_scoped3A_311, %dma_start3A_341, %dma_start3A_342] : memref<2x80x128xf32, #tpu.memory_space<vmem>> -> memref<1x80x128xf32, #tpu.memory_space<vmem>>
      %dma_start3A_344 = tpu.memref_squeeze %dma_start3A_343 : memref<1x80x128xf32, #tpu.memory_space<vmem>> -> memref<80x128xf32, #tpu.memory_space<vmem>>
      %dma_start3A_345 = arith.constant 0 : i32
      %dma_start3A_346 = tpu.memref_slice %arg6[%arg0, %multiple_of3A_309, %dma_start3A_345] : memref<2x10240x128xf32, #tpu.memory_space<hbm>> -> memref<1x80x128xf32, #tpu.memory_space<hbm>>
      %dma_start3A_347 = tpu.memref_squeeze %dma_start3A_346 : memref<1x80x128xf32, #tpu.memory_space<hbm>> -> memref<80x128xf32, #tpu.memory_space<hbm>>
      %dma_start3A_348 = arith.constant 0 : i32
      %dma_start3A_349 = tpu.memref_slice %arg6[%arg0, %multiple_of3A_309, %dma_start3A_348] : memref<2x10240x128xf32, #tpu.memory_space<hbm>> -> memref<1x80x128xf32, #tpu.memory_space<hbm>>
      %dma_start3A_350 = tpu.memref_squeeze %dma_start3A_349 : memref<1x80x128xf32, #tpu.memory_space<hbm>> -> memref<80x128xf32, #tpu.memory_space<hbm>>
      %dma_start3A_351 = arith.constant 0 : i32
      %dma_start3A_352 = arith.constant 0 : i32
      %dma_start3A_353 = tpu.memref_slice %arg10[%run_scoped3A_311, %dma_start3A_351, %dma_start3A_352] : memref<2x80x128xf32, #tpu.memory_space<vmem>> -> memref<1x80x128xf32, #tpu.memory_space<vmem>>
      %dma_start3A_354 = tpu.memref_squeeze %dma_start3A_353 : memref<1x80x128xf32, #tpu.memory_space<vmem>> -> memref<80x128xf32, #tpu.memory_space<vmem>>
      tpu.enqueue_dma source(%dma_start3A_354 : memref<80x128xf32, #tpu.memory_space<vmem>>) target(%dma_start3A_350 : memref<80x128xf32, #tpu.memory_space<hbm>>) target_semaphore(%run_scoped3A_340 : memref<!tpu.dma_semaphore, #tpu.memory_space<semaphore_mem>>)
      %dma_wait3A_355 = arith.constant 0 : i32
      %dma_wait3A_356 = arith.constant 0 : i32
      %dma_wait3A_357 = tpu.memref_slice %arg10[%run_scoped3A_311, %dma_wait3A_355, %dma_wait3A_356] : memref<2x80x128xf32, #tpu.memory_space<vmem>> -> memref<1x80x128xf32, #tpu.memory_space<vmem>>
      %dma_wait3A_358 = tpu.memref_squeeze %dma_wait3A_357 : memref<1x80x128xf32, #tpu.memory_space<vmem>> -> memref<80x128xf32, #tpu.memory_space<vmem>>
      %dma_wait3A_359 = arith.constant 0 : i32
      %dma_wait3A_360 = tpu.memref_slice %arg6[%arg0, %multiple_of3A_309, %dma_wait3A_359] : memref<2x10240x128xf32, #tpu.memory_space<hbm>> -> memref<1x80x128xf32, #tpu.memory_space<hbm>>
      %dma_wait3A_361 = tpu.memref_squeeze %dma_wait3A_360 : memref<1x80x128xf32, #tpu.memory_space<hbm>> -> memref<80x128xf32, #tpu.memory_space<hbm>>
      %dma_wait3A_362 = arith.constant 0 : i32
      %dma_wait3A_363 = tpu.memref_slice %arg6[%arg0, %multiple_of3A_309, %dma_wait3A_362] : memref<2x10240x128xf32, #tpu.memory_space<hbm>> -> memref<1x80x128xf32, #tpu.memory_space<hbm>>
      %dma_wait3A_364 = tpu.memref_squeeze %dma_wait3A_363 : memref<1x80x128xf32, #tpu.memory_space<hbm>> -> memref<80x128xf32, #tpu.memory_space<hbm>>
      %dma_wait3A_365 = arith.constant 0 : i32
      %dma_wait3A_366 = arith.constant 0 : i32
      %dma_wait3A_367 = tpu.memref_slice %arg10[%run_scoped3A_311, %dma_wait3A_365, %dma_wait3A_366] : memref<2x80x128xf32, #tpu.memory_space<vmem>> -> memref<1x80x128xf32, #tpu.memory_space<vmem>>
      %dma_wait3A_368 = tpu.memref_squeeze %dma_wait3A_367 : memref<1x80x128xf32, #tpu.memory_space<vmem>> -> memref<80x128xf32, #tpu.memory_space<vmem>>
      tpu.wait_dma2 semaphore(%run_scoped3A_340 : memref<!tpu.dma_semaphore, #tpu.memory_space<semaphore_mem>>) src(%dma_wait3A_368 : memref<80x128xf32, #tpu.memory_space<vmem>>) dst(%dma_wait3A_364 : memref<80x128xf32, #tpu.memory_space<hbm>>)
      tpu.yield
    }) : () -> ()
    %mul3A_312 = arith.constant 640 : i32
    %mul3A_313 = arith.muli %arg1, %mul3A_312 : i32
    %add3A_314 = arith.constant 320 : i32
    %add3A_315 = arith.addi %mul3A_313, %add3A_314 : i32
    %multiple_of3A_316 = tpu.assume_multiple %add3A_315, 8 : i32
    %run_scoped3A_317 = arith.constant 0 : i32
    "tpu.region"() ({
      %run_scoped3A_340 = tpu.sem_alloc : memref<!tpu.dma_semaphore, #tpu.memory_space<semaphore_mem>>
      %dma_start3A_341 = arith.constant 0 : i32
      %dma_start3A_342 = arith.constant 0 : i32
      %dma_start3A_343 = tpu.memref_slice %arg10[%run_scoped3A_317, %dma_start3A_341, %dma_start3A_342] : memref<2x80x128xf32, #tpu.memory_space<vmem>> -> memref<1x80x128xf32, #tpu.memory_space<vmem>>
      %dma_start3A_344 = tpu.memref_squeeze %dma_start3A_343 : memref<1x80x128xf32, #tpu.memory_space<vmem>> -> memref<80x128xf32, #tpu.memory_space<vmem>>
      %dma_start3A_345 = arith.constant 0 : i32
      %dma_start3A_346 = tpu.memref_slice %arg11[%multiple_of3A_316, %dma_start3A_345] : memref<10240x128xf32, #tpu.memory_space<vmem_shared>> -> memref<80x128xf32, #tpu.memory_space<vmem_shared>>
      %dma_start3A_347 = arith.constant 0 : i32
      %dma_start3A_348 = arith.constant 0 : i32
      %dma_start3A_349 = tpu.memref_slice %arg10[%run_scoped3A_317, %dma_start3A_347, %dma_start3A_348] : memref<2x80x128xf32, #tpu.memory_space<vmem>> -> memref<1x80x128xf32, #tpu.memory_space<vmem>>
      %dma_start3A_350 = tpu.memref_squeeze %dma_start3A_349 : memref<1x80x128xf32, #tpu.memory_space<vmem>> -> memref<80x128xf32, #tpu.memory_space<vmem>>
      %dma_start3A_351 = arith.constant 0 : i32
      %dma_start3A_352 = tpu.memref_slice %arg11[%multiple_of3A_316, %dma_start3A_351] : memref<10240x128xf32, #tpu.memory_space<vmem_shared>> -> memref<80x128xf32, #tpu.memory_space<vmem_shared>>
      tpu.enqueue_dma source(%dma_start3A_352 : memref<80x128xf32, #tpu.memory_space<vmem_shared>>) target(%dma_start3A_350 : memref<80x128xf32, #tpu.memory_space<vmem>>) target_semaphore(%run_scoped3A_340 : memref<!tpu.dma_semaphore, #tpu.memory_space<semaphore_mem>>)
      %dma_wait3A_353 = arith.constant 0 : i32
      %dma_wait3A_354 = arith.constant 0 : i32
      %dma_wait3A_355 = tpu.memref_slice %arg10[%run_scoped3A_317, %dma_wait3A_353, %dma_wait3A_354] : memref<2x80x128xf32, #tpu.memory_space<vmem>> -> memref<1x80x128xf32, #tpu.memory_space<vmem>>
      %dma_wait3A_356 = tpu.memref_squeeze %dma_wait3A_355 : memref<1x80x128xf32, #tpu.memory_space<vmem>> -> memref<80x128xf32, #tpu.memory_space<vmem>>
      %dma_wait3A_357 = arith.constant 0 : i32
      %dma_wait3A_358 = tpu.memref_slice %arg11[%multiple_of3A_316, %dma_wait3A_357] : memref<10240x128xf32, #tpu.memory_space<vmem_shared>> -> memref<80x128xf32, #tpu.memory_space<vmem_shared>>
      %dma_wait3A_359 = arith.constant 0 : i32
      %dma_wait3A_360 = arith.constant 0 : i32
      %dma_wait3A_361 = tpu.memref_slice %arg10[%run_scoped3A_317, %dma_wait3A_359, %dma_wait3A_360] : memref<2x80x128xf32, #tpu.memory_space<vmem>> -> memref<1x80x128xf32, #tpu.memory_space<vmem>>
      %dma_wait3A_362 = tpu.memref_squeeze %dma_wait3A_361 : memref<1x80x128xf32, #tpu.memory_space<vmem>> -> memref<80x128xf32, #tpu.memory_space<vmem>>
      %dma_wait3A_363 = arith.constant 0 : i32
      %dma_wait3A_364 = tpu.memref_slice %arg11[%multiple_of3A_316, %dma_wait3A_363] : memref<10240x128xf32, #tpu.memory_space<vmem_shared>> -> memref<80x128xf32, #tpu.memory_space<vmem_shared>>
      tpu.wait_dma2 semaphore(%run_scoped3A_340 : memref<!tpu.dma_semaphore, #tpu.memory_space<semaphore_mem>>) src(%dma_wait3A_364 : memref<80x128xf32, #tpu.memory_space<vmem_shared>>) dst(%dma_wait3A_362 : memref<80x128xf32, #tpu.memory_space<vmem>>)
      tpu.yield
    }) : () -> ()
    %run_scoped3A_318 = arith.constant 0 : i32
    "tpu.region"() ({
      %run_scoped3A_340 = tpu.sem_alloc : memref<!tpu.dma_semaphore, #tpu.memory_space<semaphore_mem>>
      %dma_start3A_341 = arith.constant 0 : i32
      %dma_start3A_342 = arith.constant 0 : i32
      %dma_start3A_343 = tpu.memref_slice %arg10[%run_scoped3A_318, %dma_start3A_341, %dma_start3A_342] : memref<2x80x128xf32, #tpu.memory_space<vmem>> -> memref<1x80x128xf32, #tpu.memory_space<vmem>>
      %dma_start3A_344 = tpu.memref_squeeze %dma_start3A_343 : memref<1x80x128xf32, #tpu.memory_space<vmem>> -> memref<80x128xf32, #tpu.memory_space<vmem>>
      %dma_start3A_345 = arith.constant 0 : i32
      %dma_start3A_346 = tpu.memref_slice %arg6[%arg0, %multiple_of3A_316, %dma_start3A_345] : memref<2x10240x128xf32, #tpu.memory_space<hbm>> -> memref<1x80x128xf32, #tpu.memory_space<hbm>>
      %dma_start3A_347 = tpu.memref_squeeze %dma_start3A_346 : memref<1x80x128xf32, #tpu.memory_space<hbm>> -> memref<80x128xf32, #tpu.memory_space<hbm>>
      %dma_start3A_348 = arith.constant 0 : i32
      %dma_start3A_349 = tpu.memref_slice %arg6[%arg0, %multiple_of3A_316, %dma_start3A_348] : memref<2x10240x128xf32, #tpu.memory_space<hbm>> -> memref<1x80x128xf32, #tpu.memory_space<hbm>>
      %dma_start3A_350 = tpu.memref_squeeze %dma_start3A_349 : memref<1x80x128xf32, #tpu.memory_space<hbm>> -> memref<80x128xf32, #tpu.memory_space<hbm>>
      %dma_start3A_351 = arith.constant 0 : i32
      %dma_start3A_352 = arith.constant 0 : i32
      %dma_start3A_353 = tpu.memref_slice %arg10[%run_scoped3A_318, %dma_start3A_351, %dma_start3A_352] : memref<2x80x128xf32, #tpu.memory_space<vmem>> -> memref<1x80x128xf32, #tpu.memory_space<vmem>>
      %dma_start3A_354 = tpu.memref_squeeze %dma_start3A_353 : memref<1x80x128xf32, #tpu.memory_space<vmem>> -> memref<80x128xf32, #tpu.memory_space<vmem>>
      tpu.enqueue_dma source(%dma_start3A_354 : memref<80x128xf32, #tpu.memory_space<vmem>>) target(%dma_start3A_350 : memref<80x128xf32, #tpu.memory_space<hbm>>) target_semaphore(%run_scoped3A_340 : memref<!tpu.dma_semaphore, #tpu.memory_space<semaphore_mem>>)
      %dma_wait3A_355 = arith.constant 0 : i32
      %dma_wait3A_356 = arith.constant 0 : i32
      %dma_wait3A_357 = tpu.memref_slice %arg10[%run_scoped3A_318, %dma_wait3A_355, %dma_wait3A_356] : memref<2x80x128xf32, #tpu.memory_space<vmem>> -> memref<1x80x128xf32, #tpu.memory_space<vmem>>
      %dma_wait3A_358 = tpu.memref_squeeze %dma_wait3A_357 : memref<1x80x128xf32, #tpu.memory_space<vmem>> -> memref<80x128xf32, #tpu.memory_space<vmem>>
      %dma_wait3A_359 = arith.constant 0 : i32
      %dma_wait3A_360 = tpu.memref_slice %arg6[%arg0, %multiple_of3A_316, %dma_wait3A_359] : memref<2x10240x128xf32, #tpu.memory_space<hbm>> -> memref<1x80x128xf32, #tpu.memory_space<hbm>>
      %dma_wait3A_361 = tpu.memref_squeeze %dma_wait3A_360 : memref<1x80x128xf32, #tpu.memory_space<hbm>> -> memref<80x128xf32, #tpu.memory_space<hbm>>
      %dma_wait3A_362 = arith.constant 0 : i32
      %dma_wait3A_363 = tpu.memref_slice %arg6[%arg0, %multiple_of3A_316, %dma_wait3A_362] : memref<2x10240x128xf32, #tpu.memory_space<hbm>> -> memref<1x80x128xf32, #tpu.memory_space<hbm>>
      %dma_wait3A_364 = tpu.memref_squeeze %dma_wait3A_363 : memref<1x80x128xf32, #tpu.memory_space<hbm>> -> memref<80x128xf32, #tpu.memory_space<hbm>>
      %dma_wait3A_365 = arith.constant 0 : i32
      %dma_wait3A_366 = arith.constant 0 : i32
      %dma_wait3A_367 = tpu.memref_slice %arg10[%run_scoped3A_318, %dma_wait3A_365, %dma_wait3A_366] : memref<2x80x128xf32, #tpu.memory_space<vmem>> -> memref<1x80x128xf32, #tpu.memory_space<vmem>>
      %dma_wait3A_368 = tpu.memref_squeeze %dma_wait3A_367 : memref<1x80x128xf32, #tpu.memory_space<vmem>> -> memref<80x128xf32, #tpu.memory_space<vmem>>
      tpu.wait_dma2 semaphore(%run_scoped3A_340 : memref<!tpu.dma_semaphore, #tpu.memory_space<semaphore_mem>>) src(%dma_wait3A_368 : memref<80x128xf32, #tpu.memory_space<vmem>>) dst(%dma_wait3A_364 : memref<80x128xf32, #tpu.memory_space<hbm>>)
      tpu.yield
    }) : () -> ()
    %mul3A_319 = arith.constant 640 : i32
    %mul3A_320 = arith.muli %arg1, %mul3A_319 : i32
    %add3A_321 = arith.constant 400 : i32
    %add3A_322 = arith.addi %mul3A_320, %add3A_321 : i32
    %multiple_of3A_323 = tpu.assume_multiple %add3A_322, 8 : i32
    %run_scoped3A_324 = arith.constant 0 : i32
    "tpu.region"() ({
      %run_scoped3A_340 = tpu.sem_alloc : memref<!tpu.dma_semaphore, #tpu.memory_space<semaphore_mem>>
      %dma_start3A_341 = arith.constant 0 : i32
      %dma_start3A_342 = arith.constant 0 : i32
      %dma_start3A_343 = tpu.memref_slice %arg10[%run_scoped3A_324, %dma_start3A_341, %dma_start3A_342] : memref<2x80x128xf32, #tpu.memory_space<vmem>> -> memref<1x80x128xf32, #tpu.memory_space<vmem>>
      %dma_start3A_344 = tpu.memref_squeeze %dma_start3A_343 : memref<1x80x128xf32, #tpu.memory_space<vmem>> -> memref<80x128xf32, #tpu.memory_space<vmem>>
      %dma_start3A_345 = arith.constant 0 : i32
      %dma_start3A_346 = tpu.memref_slice %arg11[%multiple_of3A_323, %dma_start3A_345] : memref<10240x128xf32, #tpu.memory_space<vmem_shared>> -> memref<80x128xf32, #tpu.memory_space<vmem_shared>>
      %dma_start3A_347 = arith.constant 0 : i32
      %dma_start3A_348 = arith.constant 0 : i32
      %dma_start3A_349 = tpu.memref_slice %arg10[%run_scoped3A_324, %dma_start3A_347, %dma_start3A_348] : memref<2x80x128xf32, #tpu.memory_space<vmem>> -> memref<1x80x128xf32, #tpu.memory_space<vmem>>
      %dma_start3A_350 = tpu.memref_squeeze %dma_start3A_349 : memref<1x80x128xf32, #tpu.memory_space<vmem>> -> memref<80x128xf32, #tpu.memory_space<vmem>>
      %dma_start3A_351 = arith.constant 0 : i32
      %dma_start3A_352 = tpu.memref_slice %arg11[%multiple_of3A_323, %dma_start3A_351] : memref<10240x128xf32, #tpu.memory_space<vmem_shared>> -> memref<80x128xf32, #tpu.memory_space<vmem_shared>>
      tpu.enqueue_dma source(%dma_start3A_352 : memref<80x128xf32, #tpu.memory_space<vmem_shared>>) target(%dma_start3A_350 : memref<80x128xf32, #tpu.memory_space<vmem>>) target_semaphore(%run_scoped3A_340 : memref<!tpu.dma_semaphore, #tpu.memory_space<semaphore_mem>>)
      %dma_wait3A_353 = arith.constant 0 : i32
      %dma_wait3A_354 = arith.constant 0 : i32
      %dma_wait3A_355 = tpu.memref_slice %arg10[%run_scoped3A_324, %dma_wait3A_353, %dma_wait3A_354] : memref<2x80x128xf32, #tpu.memory_space<vmem>> -> memref<1x80x128xf32, #tpu.memory_space<vmem>>
      %dma_wait3A_356 = tpu.memref_squeeze %dma_wait3A_355 : memref<1x80x128xf32, #tpu.memory_space<vmem>> -> memref<80x128xf32, #tpu.memory_space<vmem>>
      %dma_wait3A_357 = arith.constant 0 : i32
      %dma_wait3A_358 = tpu.memref_slice %arg11[%multiple_of3A_323, %dma_wait3A_357] : memref<10240x128xf32, #tpu.memory_space<vmem_shared>> -> memref<80x128xf32, #tpu.memory_space<vmem_shared>>
      %dma_wait3A_359 = arith.constant 0 : i32
      %dma_wait3A_360 = arith.constant 0 : i32
      %dma_wait3A_361 = tpu.memref_slice %arg10[%run_scoped3A_324, %dma_wait3A_359, %dma_wait3A_360] : memref<2x80x128xf32, #tpu.memory_space<vmem>> -> memref<1x80x128xf32, #tpu.memory_space<vmem>>
      %dma_wait3A_362 = tpu.memref_squeeze %dma_wait3A_361 : memref<1x80x128xf32, #tpu.memory_space<vmem>> -> memref<80x128xf32, #tpu.memory_space<vmem>>
      %dma_wait3A_363 = arith.constant 0 : i32
      %dma_wait3A_364 = tpu.memref_slice %arg11[%multiple_of3A_323, %dma_wait3A_363] : memref<10240x128xf32, #tpu.memory_space<vmem_shared>> -> memref<80x128xf32, #tpu.memory_space<vmem_shared>>
      tpu.wait_dma2 semaphore(%run_scoped3A_340 : memref<!tpu.dma_semaphore, #tpu.memory_space<semaphore_mem>>) src(%dma_wait3A_364 : memref<80x128xf32, #tpu.memory_space<vmem_shared>>) dst(%dma_wait3A_362 : memref<80x128xf32, #tpu.memory_space<vmem>>)
      tpu.yield
    }) : () -> ()
    %run_scoped3A_325 = arith.constant 0 : i32
    "tpu.region"() ({
      %run_scoped3A_340 = tpu.sem_alloc : memref<!tpu.dma_semaphore, #tpu.memory_space<semaphore_mem>>
      %dma_start3A_341 = arith.constant 0 : i32
      %dma_start3A_342 = arith.constant 0 : i32
      %dma_start3A_343 = tpu.memref_slice %arg10[%run_scoped3A_325, %dma_start3A_341, %dma_start3A_342] : memref<2x80x128xf32, #tpu.memory_space<vmem>> -> memref<1x80x128xf32, #tpu.memory_space<vmem>>
      %dma_start3A_344 = tpu.memref_squeeze %dma_start3A_343 : memref<1x80x128xf32, #tpu.memory_space<vmem>> -> memref<80x128xf32, #tpu.memory_space<vmem>>
      %dma_start3A_345 = arith.constant 0 : i32
      %dma_start3A_346 = tpu.memref_slice %arg6[%arg0, %multiple_of3A_323, %dma_start3A_345] : memref<2x10240x128xf32, #tpu.memory_space<hbm>> -> memref<1x80x128xf32, #tpu.memory_space<hbm>>
      %dma_start3A_347 = tpu.memref_squeeze %dma_start3A_346 : memref<1x80x128xf32, #tpu.memory_space<hbm>> -> memref<80x128xf32, #tpu.memory_space<hbm>>
      %dma_start3A_348 = arith.constant 0 : i32
      %dma_start3A_349 = tpu.memref_slice %arg6[%arg0, %multiple_of3A_323, %dma_start3A_348] : memref<2x10240x128xf32, #tpu.memory_space<hbm>> -> memref<1x80x128xf32, #tpu.memory_space<hbm>>
      %dma_start3A_350 = tpu.memref_squeeze %dma_start3A_349 : memref<1x80x128xf32, #tpu.memory_space<hbm>> -> memref<80x128xf32, #tpu.memory_space<hbm>>
      %dma_start3A_351 = arith.constant 0 : i32
      %dma_start3A_352 = arith.constant 0 : i32
      %dma_start3A_353 = tpu.memref_slice %arg10[%run_scoped3A_325, %dma_start3A_351, %dma_start3A_352] : memref<2x80x128xf32, #tpu.memory_space<vmem>> -> memref<1x80x128xf32, #tpu.memory_space<vmem>>
      %dma_start3A_354 = tpu.memref_squeeze %dma_start3A_353 : memref<1x80x128xf32, #tpu.memory_space<vmem>> -> memref<80x128xf32, #tpu.memory_space<vmem>>
      tpu.enqueue_dma source(%dma_start3A_354 : memref<80x128xf32, #tpu.memory_space<vmem>>) target(%dma_start3A_350 : memref<80x128xf32, #tpu.memory_space<hbm>>) target_semaphore(%run_scoped3A_340 : memref<!tpu.dma_semaphore, #tpu.memory_space<semaphore_mem>>)
      %dma_wait3A_355 = arith.constant 0 : i32
      %dma_wait3A_356 = arith.constant 0 : i32
      %dma_wait3A_357 = tpu.memref_slice %arg10[%run_scoped3A_325, %dma_wait3A_355, %dma_wait3A_356] : memref<2x80x128xf32, #tpu.memory_space<vmem>> -> memref<1x80x128xf32, #tpu.memory_space<vmem>>
      %dma_wait3A_358 = tpu.memref_squeeze %dma_wait3A_357 : memref<1x80x128xf32, #tpu.memory_space<vmem>> -> memref<80x128xf32, #tpu.memory_space<vmem>>
      %dma_wait3A_359 = arith.constant 0 : i32
      %dma_wait3A_360 = tpu.memref_slice %arg6[%arg0, %multiple_of3A_323, %dma_wait3A_359] : memref<2x10240x128xf32, #tpu.memory_space<hbm>> -> memref<1x80x128xf32, #tpu.memory_space<hbm>>
      %dma_wait3A_361 = tpu.memref_squeeze %dma_wait3A_360 : memref<1x80x128xf32, #tpu.memory_space<hbm>> -> memref<80x128xf32, #tpu.memory_space<hbm>>
      %dma_wait3A_362 = arith.constant 0 : i32
      %dma_wait3A_363 = tpu.memref_slice %arg6[%arg0, %multiple_of3A_323, %dma_wait3A_362] : memref<2x10240x128xf32, #tpu.memory_space<hbm>> -> memref<1x80x128xf32, #tpu.memory_space<hbm>>
      %dma_wait3A_364 = tpu.memref_squeeze %dma_wait3A_363 : memref<1x80x128xf32, #tpu.memory_space<hbm>> -> memref<80x128xf32, #tpu.memory_space<hbm>>
      %dma_wait3A_365 = arith.constant 0 : i32
      %dma_wait3A_366 = arith.constant 0 : i32
      %dma_wait3A_367 = tpu.memref_slice %arg10[%run_scoped3A_325, %dma_wait3A_365, %dma_wait3A_366] : memref<2x80x128xf32, #tpu.memory_space<vmem>> -> memref<1x80x128xf32, #tpu.memory_space<vmem>>
      %dma_wait3A_368 = tpu.memref_squeeze %dma_wait3A_367 : memref<1x80x128xf32, #tpu.memory_space<vmem>> -> memref<80x128xf32, #tpu.memory_space<vmem>>
      tpu.wait_dma2 semaphore(%run_scoped3A_340 : memref<!tpu.dma_semaphore, #tpu.memory_space<semaphore_mem>>) src(%dma_wait3A_368 : memref<80x128xf32, #tpu.memory_space<vmem>>) dst(%dma_wait3A_364 : memref<80x128xf32, #tpu.memory_space<hbm>>)
      tpu.yield
    }) : () -> ()
    %mul3A_326 = arith.constant 640 : i32
    %mul3A_327 = arith.muli %arg1, %mul3A_326 : i32
    %add3A_328 = arith.constant 480 : i32
    %add3A_329 = arith.addi %mul3A_327, %add3A_328 : i32
    %multiple_of3A_330 = tpu.assume_multiple %add3A_329, 8 : i32
    %run_scoped3A_331 = arith.constant 0 : i32
    "tpu.region"() ({
      %run_scoped3A_340 = tpu.sem_alloc : memref<!tpu.dma_semaphore, #tpu.memory_space<semaphore_mem>>
      %dma_start3A_341 = arith.constant 0 : i32
      %dma_start3A_342 = arith.constant 0 : i32
      %dma_start3A_343 = tpu.memref_slice %arg10[%run_scoped3A_331, %dma_start3A_341, %dma_start3A_342] : memref<2x80x128xf32, #tpu.memory_space<vmem>> -> memref<1x80x128xf32, #tpu.memory_space<vmem>>
      %dma_start3A_344 = tpu.memref_squeeze %dma_start3A_343 : memref<1x80x128xf32, #tpu.memory_space<vmem>> -> memref<80x128xf32, #tpu.memory_space<vmem>>
      %dma_start3A_345 = arith.constant 0 : i32
      %dma_start3A_346 = tpu.memref_slice %arg11[%multiple_of3A_330, %dma_start3A_345] : memref<10240x128xf32, #tpu.memory_space<vmem_shared>> -> memref<80x128xf32, #tpu.memory_space<vmem_shared>>
      %dma_start3A_347 = arith.constant 0 : i32
      %dma_start3A_348 = arith.constant 0 : i32
      %dma_start3A_349 = tpu.memref_slice %arg10[%run_scoped3A_331, %dma_start3A_347, %dma_start3A_348] : memref<2x80x128xf32, #tpu.memory_space<vmem>> -> memref<1x80x128xf32, #tpu.memory_space<vmem>>
      %dma_start3A_350 = tpu.memref_squeeze %dma_start3A_349 : memref<1x80x128xf32, #tpu.memory_space<vmem>> -> memref<80x128xf32, #tpu.memory_space<vmem>>
      %dma_start3A_351 = arith.constant 0 : i32
      %dma_start3A_352 = tpu.memref_slice %arg11[%multiple_of3A_330, %dma_start3A_351] : memref<10240x128xf32, #tpu.memory_space<vmem_shared>> -> memref<80x128xf32, #tpu.memory_space<vmem_shared>>
      tpu.enqueue_dma source(%dma_start3A_352 : memref<80x128xf32, #tpu.memory_space<vmem_shared>>) target(%dma_start3A_350 : memref<80x128xf32, #tpu.memory_space<vmem>>) target_semaphore(%run_scoped3A_340 : memref<!tpu.dma_semaphore, #tpu.memory_space<semaphore_mem>>)
      %dma_wait3A_353 = arith.constant 0 : i32
      %dma_wait3A_354 = arith.constant 0 : i32
      %dma_wait3A_355 = tpu.memref_slice %arg10[%run_scoped3A_331, %dma_wait3A_353, %dma_wait3A_354] : memref<2x80x128xf32, #tpu.memory_space<vmem>> -> memref<1x80x128xf32, #tpu.memory_space<vmem>>
      %dma_wait3A_356 = tpu.memref_squeeze %dma_wait3A_355 : memref<1x80x128xf32, #tpu.memory_space<vmem>> -> memref<80x128xf32, #tpu.memory_space<vmem>>
      %dma_wait3A_357 = arith.constant 0 : i32
      %dma_wait3A_358 = tpu.memref_slice %arg11[%multiple_of3A_330, %dma_wait3A_357] : memref<10240x128xf32, #tpu.memory_space<vmem_shared>> -> memref<80x128xf32, #tpu.memory_space<vmem_shared>>
      %dma_wait3A_359 = arith.constant 0 : i32
      %dma_wait3A_360 = arith.constant 0 : i32
      %dma_wait3A_361 = tpu.memref_slice %arg10[%run_scoped3A_331, %dma_wait3A_359, %dma_wait3A_360] : memref<2x80x128xf32, #tpu.memory_space<vmem>> -> memref<1x80x128xf32, #tpu.memory_space<vmem>>
      %dma_wait3A_362 = tpu.memref_squeeze %dma_wait3A_361 : memref<1x80x128xf32, #tpu.memory_space<vmem>> -> memref<80x128xf32, #tpu.memory_space<vmem>>
      %dma_wait3A_363 = arith.constant 0 : i32
      %dma_wait3A_364 = tpu.memref_slice %arg11[%multiple_of3A_330, %dma_wait3A_363] : memref<10240x128xf32, #tpu.memory_space<vmem_shared>> -> memref<80x128xf32, #tpu.memory_space<vmem_shared>>
      tpu.wait_dma2 semaphore(%run_scoped3A_340 : memref<!tpu.dma_semaphore, #tpu.memory_space<semaphore_mem>>) src(%dma_wait3A_364 : memref<80x128xf32, #tpu.memory_space<vmem_shared>>) dst(%dma_wait3A_362 : memref<80x128xf32, #tpu.memory_space<vmem>>)
      tpu.yield
    }) : () -> ()
    %run_scoped3A_332 = arith.constant 0 : i32
    "tpu.region"() ({
      %run_scoped3A_340 = tpu.sem_alloc : memref<!tpu.dma_semaphore, #tpu.memory_space<semaphore_mem>>
      %dma_start3A_341 = arith.constant 0 : i32
      %dma_start3A_342 = arith.constant 0 : i32
      %dma_start3A_343 = tpu.memref_slice %arg10[%run_scoped3A_332, %dma_start3A_341, %dma_start3A_342] : memref<2x80x128xf32, #tpu.memory_space<vmem>> -> memref<1x80x128xf32, #tpu.memory_space<vmem>>
      %dma_start3A_344 = tpu.memref_squeeze %dma_start3A_343 : memref<1x80x128xf32, #tpu.memory_space<vmem>> -> memref<80x128xf32, #tpu.memory_space<vmem>>
      %dma_start3A_345 = arith.constant 0 : i32
      %dma_start3A_346 = tpu.memref_slice %arg6[%arg0, %multiple_of3A_330, %dma_start3A_345] : memref<2x10240x128xf32, #tpu.memory_space<hbm>> -> memref<1x80x128xf32, #tpu.memory_space<hbm>>
      %dma_start3A_347 = tpu.memref_squeeze %dma_start3A_346 : memref<1x80x128xf32, #tpu.memory_space<hbm>> -> memref<80x128xf32, #tpu.memory_space<hbm>>
      %dma_start3A_348 = arith.constant 0 : i32
      %dma_start3A_349 = tpu.memref_slice %arg6[%arg0, %multiple_of3A_330, %dma_start3A_348] : memref<2x10240x128xf32, #tpu.memory_space<hbm>> -> memref<1x80x128xf32, #tpu.memory_space<hbm>>
      %dma_start3A_350 = tpu.memref_squeeze %dma_start3A_349 : memref<1x80x128xf32, #tpu.memory_space<hbm>> -> memref<80x128xf32, #tpu.memory_space<hbm>>
      %dma_start3A_351 = arith.constant 0 : i32
      %dma_start3A_352 = arith.constant 0 : i32
      %dma_start3A_353 = tpu.memref_slice %arg10[%run_scoped3A_332, %dma_start3A_351, %dma_start3A_352] : memref<2x80x128xf32, #tpu.memory_space<vmem>> -> memref<1x80x128xf32, #tpu.memory_space<vmem>>
      %dma_start3A_354 = tpu.memref_squeeze %dma_start3A_353 : memref<1x80x128xf32, #tpu.memory_space<vmem>> -> memref<80x128xf32, #tpu.memory_space<vmem>>
      tpu.enqueue_dma source(%dma_start3A_354 : memref<80x128xf32, #tpu.memory_space<vmem>>) target(%dma_start3A_350 : memref<80x128xf32, #tpu.memory_space<hbm>>) target_semaphore(%run_scoped3A_340 : memref<!tpu.dma_semaphore, #tpu.memory_space<semaphore_mem>>)
      %dma_wait3A_355 = arith.constant 0 : i32
      %dma_wait3A_356 = arith.constant 0 : i32
      %dma_wait3A_357 = tpu.memref_slice %arg10[%run_scoped3A_332, %dma_wait3A_355, %dma_wait3A_356] : memref<2x80x128xf32, #tpu.memory_space<vmem>> -> memref<1x80x128xf32, #tpu.memory_space<vmem>>
      %dma_wait3A_358 = tpu.memref_squeeze %dma_wait3A_357 : memref<1x80x128xf32, #tpu.memory_space<vmem>> -> memref<80x128xf32, #tpu.memory_space<vmem>>
      %dma_wait3A_359 = arith.constant 0 : i32
      %dma_wait3A_360 = tpu.memref_slice %arg6[%arg0, %multiple_of3A_330, %dma_wait3A_359] : memref<2x10240x128xf32, #tpu.memory_space<hbm>> -> memref<1x80x128xf32, #tpu.memory_space<hbm>>
      %dma_wait3A_361 = tpu.memref_squeeze %dma_wait3A_360 : memref<1x80x128xf32, #tpu.memory_space<hbm>> -> memref<80x128xf32, #tpu.memory_space<hbm>>
      %dma_wait3A_362 = arith.constant 0 : i32
      %dma_wait3A_363 = tpu.memref_slice %arg6[%arg0, %multiple_of3A_330, %dma_wait3A_362] : memref<2x10240x128xf32, #tpu.memory_space<hbm>> -> memref<1x80x128xf32, #tpu.memory_space<hbm>>
      %dma_wait3A_364 = tpu.memref_squeeze %dma_wait3A_363 : memref<1x80x128xf32, #tpu.memory_space<hbm>> -> memref<80x128xf32, #tpu.memory_space<hbm>>
      %dma_wait3A_365 = arith.constant 0 : i32
      %dma_wait3A_366 = arith.constant 0 : i32
      %dma_wait3A_367 = tpu.memref_slice %arg10[%run_scoped3A_332, %dma_wait3A_365, %dma_wait3A_366] : memref<2x80x128xf32, #tpu.memory_space<vmem>> -> memref<1x80x128xf32, #tpu.memory_space<vmem>>
      %dma_wait3A_368 = tpu.memref_squeeze %dma_wait3A_367 : memref<1x80x128xf32, #tpu.memory_space<vmem>> -> memref<80x128xf32, #tpu.memory_space<vmem>>
      tpu.wait_dma2 semaphore(%run_scoped3A_340 : memref<!tpu.dma_semaphore, #tpu.memory_space<semaphore_mem>>) src(%dma_wait3A_368 : memref<80x128xf32, #tpu.memory_space<vmem>>) dst(%dma_wait3A_364 : memref<80x128xf32, #tpu.memory_space<hbm>>)
      tpu.yield
    }) : () -> ()
    %mul3A_333 = arith.constant 640 : i32
    %mul3A_334 = arith.muli %arg1, %mul3A_333 : i32
    %add3A_335 = arith.constant 560 : i32
    %add3A_336 = arith.addi %mul3A_334, %add3A_335 : i32
    %multiple_of3A_337 = tpu.assume_multiple %add3A_336, 8 : i32
    %run_scoped3A_338 = arith.constant 0 : i32
    "tpu.region"() ({
      %run_scoped3A_340 = tpu.sem_alloc : memref<!tpu.dma_semaphore, #tpu.memory_space<semaphore_mem>>
      %dma_start3A_341 = arith.constant 0 : i32
      %dma_start3A_342 = arith.constant 0 : i32
      %dma_start3A_343 = tpu.memref_slice %arg10[%run_scoped3A_338, %dma_start3A_341, %dma_start3A_342] : memref<2x80x128xf32, #tpu.memory_space<vmem>> -> memref<1x80x128xf32, #tpu.memory_space<vmem>>
      %dma_start3A_344 = tpu.memref_squeeze %dma_start3A_343 : memref<1x80x128xf32, #tpu.memory_space<vmem>> -> memref<80x128xf32, #tpu.memory_space<vmem>>
      %dma_start3A_345 = arith.constant 0 : i32
      %dma_start3A_346 = tpu.memref_slice %arg11[%multiple_of3A_337, %dma_start3A_345] : memref<10240x128xf32, #tpu.memory_space<vmem_shared>> -> memref<80x128xf32, #tpu.memory_space<vmem_shared>>
      %dma_start3A_347 = arith.constant 0 : i32
      %dma_start3A_348 = arith.constant 0 : i32
      %dma_start3A_349 = tpu.memref_slice %arg10[%run_scoped3A_338, %dma_start3A_347, %dma_start3A_348] : memref<2x80x128xf32, #tpu.memory_space<vmem>> -> memref<1x80x128xf32, #tpu.memory_space<vmem>>
      %dma_start3A_350 = tpu.memref_squeeze %dma_start3A_349 : memref<1x80x128xf32, #tpu.memory_space<vmem>> -> memref<80x128xf32, #tpu.memory_space<vmem>>
      %dma_start3A_351 = arith.constant 0 : i32
      %dma_start3A_352 = tpu.memref_slice %arg11[%multiple_of3A_337, %dma_start3A_351] : memref<10240x128xf32, #tpu.memory_space<vmem_shared>> -> memref<80x128xf32, #tpu.memory_space<vmem_shared>>
      tpu.enqueue_dma source(%dma_start3A_352 : memref<80x128xf32, #tpu.memory_space<vmem_shared>>) target(%dma_start3A_350 : memref<80x128xf32, #tpu.memory_space<vmem>>) target_semaphore(%run_scoped3A_340 : memref<!tpu.dma_semaphore, #tpu.memory_space<semaphore_mem>>)
      %dma_wait3A_353 = arith.constant 0 : i32
      %dma_wait3A_354 = arith.constant 0 : i32
      %dma_wait3A_355 = tpu.memref_slice %arg10[%run_scoped3A_338, %dma_wait3A_353, %dma_wait3A_354] : memref<2x80x128xf32, #tpu.memory_space<vmem>> -> memref<1x80x128xf32, #tpu.memory_space<vmem>>
      %dma_wait3A_356 = tpu.memref_squeeze %dma_wait3A_355 : memref<1x80x128xf32, #tpu.memory_space<vmem>> -> memref<80x128xf32, #tpu.memory_space<vmem>>
      %dma_wait3A_357 = arith.constant 0 : i32
      %dma_wait3A_358 = tpu.memref_slice %arg11[%multiple_of3A_337, %dma_wait3A_357] : memref<10240x128xf32, #tpu.memory_space<vmem_shared>> -> memref<80x128xf32, #tpu.memory_space<vmem_shared>>
      %dma_wait3A_359 = arith.constant 0 : i32
      %dma_wait3A_360 = arith.constant 0 : i32
      %dma_wait3A_361 = tpu.memref_slice %arg10[%run_scoped3A_338, %dma_wait3A_359, %dma_wait3A_360] : memref<2x80x128xf32, #tpu.memory_space<vmem>> -> memref<1x80x128xf32, #tpu.memory_space<vmem>>
      %dma_wait3A_362 = tpu.memref_squeeze %dma_wait3A_361 : memref<1x80x128xf32, #tpu.memory_space<vmem>> -> memref<80x128xf32, #tpu.memory_space<vmem>>
      %dma_wait3A_363 = arith.constant 0 : i32
      %dma_wait3A_364 = tpu.memref_slice %arg11[%multiple_of3A_337, %dma_wait3A_363] : memref<10240x128xf32, #tpu.memory_space<vmem_shared>> -> memref<80x128xf32, #tpu.memory_space<vmem_shared>>
      tpu.wait_dma2 semaphore(%run_scoped3A_340 : memref<!tpu.dma_semaphore, #tpu.memory_space<semaphore_mem>>) src(%dma_wait3A_364 : memref<80x128xf32, #tpu.memory_space<vmem_shared>>) dst(%dma_wait3A_362 : memref<80x128xf32, #tpu.memory_space<vmem>>)
      tpu.yield
    }) : () -> ()
    %run_scoped3A_339 = arith.constant 0 : i32
    "tpu.region"() ({
      %run_scoped3A_340 = tpu.sem_alloc : memref<!tpu.dma_semaphore, #tpu.memory_space<semaphore_mem>>
      %dma_start3A_341 = arith.constant 0 : i32
      %dma_start3A_342 = arith.constant 0 : i32
      %dma_start3A_343 = tpu.memref_slice %arg10[%run_scoped3A_339, %dma_start3A_341, %dma_start3A_342] : memref<2x80x128xf32, #tpu.memory_space<vmem>> -> memref<1x80x128xf32, #tpu.memory_space<vmem>>
      %dma_start3A_344 = tpu.memref_squeeze %dma_start3A_343 : memref<1x80x128xf32, #tpu.memory_space<vmem>> -> memref<80x128xf32, #tpu.memory_space<vmem>>
      %dma_start3A_345 = arith.constant 0 : i32
      %dma_start3A_346 = tpu.memref_slice %arg6[%arg0, %multiple_of3A_337, %dma_start3A_345] : memref<2x10240x128xf32, #tpu.memory_space<hbm>> -> memref<1x80x128xf32, #tpu.memory_space<hbm>>
      %dma_start3A_347 = tpu.memref_squeeze %dma_start3A_346 : memref<1x80x128xf32, #tpu.memory_space<hbm>> -> memref<80x128xf32, #tpu.memory_space<hbm>>
      %dma_start3A_348 = arith.constant 0 : i32
      %dma_start3A_349 = tpu.memref_slice %arg6[%arg0, %multiple_of3A_337, %dma_start3A_348] : memref<2x10240x128xf32, #tpu.memory_space<hbm>> -> memref<1x80x128xf32, #tpu.memory_space<hbm>>
      %dma_start3A_350 = tpu.memref_squeeze %dma_start3A_349 : memref<1x80x128xf32, #tpu.memory_space<hbm>> -> memref<80x128xf32, #tpu.memory_space<hbm>>
      %dma_start3A_351 = arith.constant 0 : i32
      %dma_start3A_352 = arith.constant 0 : i32
      %dma_start3A_353 = tpu.memref_slice %arg10[%run_scoped3A_339, %dma_start3A_351, %dma_start3A_352] : memref<2x80x128xf32, #tpu.memory_space<vmem>> -> memref<1x80x128xf32, #tpu.memory_space<vmem>>
      %dma_start3A_354 = tpu.memref_squeeze %dma_start3A_353 : memref<1x80x128xf32, #tpu.memory_space<vmem>> -> memref<80x128xf32, #tpu.memory_space<vmem>>
      tpu.enqueue_dma source(%dma_start3A_354 : memref<80x128xf32, #tpu.memory_space<vmem>>) target(%dma_start3A_350 : memref<80x128xf32, #tpu.memory_space<hbm>>) target_semaphore(%run_scoped3A_340 : memref<!tpu.dma_semaphore, #tpu.memory_space<semaphore_mem>>)
      %dma_wait3A_355 = arith.constant 0 : i32
      %dma_wait3A_356 = arith.constant 0 : i32
      %dma_wait3A_357 = tpu.memref_slice %arg10[%run_scoped3A_339, %dma_wait3A_355, %dma_wait3A_356] : memref<2x80x128xf32, #tpu.memory_space<vmem>> -> memref<1x80x128xf32, #tpu.memory_space<vmem>>
      %dma_wait3A_358 = tpu.memref_squeeze %dma_wait3A_357 : memref<1x80x128xf32, #tpu.memory_space<vmem>> -> memref<80x128xf32, #tpu.memory_space<vmem>>
      %dma_wait3A_359 = arith.constant 0 : i32
      %dma_wait3A_360 = tpu.memref_slice %arg6[%arg0, %multiple_of3A_337, %dma_wait3A_359] : memref<2x10240x128xf32, #tpu.memory_space<hbm>> -> memref<1x80x128xf32, #tpu.memory_space<hbm>>
      %dma_wait3A_361 = tpu.memref_squeeze %dma_wait3A_360 : memref<1x80x128xf32, #tpu.memory_space<hbm>> -> memref<80x128xf32, #tpu.memory_space<hbm>>
      %dma_wait3A_362 = arith.constant 0 : i32
      %dma_wait3A_363 = tpu.memref_slice %arg6[%arg0, %multiple_of3A_337, %dma_wait3A_362] : memref<2x10240x128xf32, #tpu.memory_space<hbm>> -> memref<1x80x128xf32, #tpu.memory_space<hbm>>
      %dma_wait3A_364 = tpu.memref_squeeze %dma_wait3A_363 : memref<1x80x128xf32, #tpu.memory_space<hbm>> -> memref<80x128xf32, #tpu.memory_space<hbm>>
      %dma_wait3A_365 = arith.constant 0 : i32
      %dma_wait3A_366 = arith.constant 0 : i32
      %dma_wait3A_367 = tpu.memref_slice %arg10[%run_scoped3A_339, %dma_wait3A_365, %dma_wait3A_366] : memref<2x80x128xf32, #tpu.memory_space<vmem>> -> memref<1x80x128xf32, #tpu.memory_space<vmem>>
      %dma_wait3A_368 = tpu.memref_squeeze %dma_wait3A_367 : memref<1x80x128xf32, #tpu.memory_space<vmem>> -> memref<80x128xf32, #tpu.memory_space<vmem>>
      tpu.wait_dma2 semaphore(%run_scoped3A_340 : memref<!tpu.dma_semaphore, #tpu.memory_space<semaphore_mem>>) src(%dma_wait3A_368 : memref<80x128xf32, #tpu.memory_space<vmem>>) dst(%dma_wait3A_364 : memref<80x128xf32, #tpu.memory_space<hbm>>)
      tpu.yield
    }) : () -> ()
    return
  }
}

module attributes {stable_mosaic.version = 14 : i64} {
  func.func @_comb_body(%arg0: i32, %arg1: memref<2x400x128xf32, #tpu.memory_space<vmem>>, %arg2: memref<400x128xf32, #tpu.memory_space<vmem>>, %arg3: memref<400x1xf32, #tpu.memory_space<vmem>>, %arg4: memref<400x128xf32, #tpu.memory_space<vmem>>) attributes {dimension_semantics = [#tpu.dimension_semantics<arbitrary>], iteration_bounds = array<i64: 25>, scalar_prefetch = 0 : i64, scratch_operands = 0 : i64, tpu.core_type = #tpu.core_type<tc>, window_params = [{transform_indices = @transform_0, window_bounds = array<i64: 2, 400, 128>}, {transform_indices = @transform_1, window_bounds = array<i64: 400, 128>}, {transform_indices = @transform_2, window_bounds = array<i64: 400, 1>}, {transform_indices = @transform_3, window_bounds = array<i64: 400, 128>}]} {
    %get3A = arith.constant 0 : index
    %get3A_0 = arith.constant 0 : index
    %get3A_1 = arith.constant 0 : index
    %get3A_2 = vector.load %arg1[%get3A, %get3A_0, %get3A_1] : memref<2x400x128xf32, #tpu.memory_space<vmem>>, vector<2x400x128xf32>
    %slice3A = vector.extract_strided_slice %get3A_2 {offsets = [0, 0, 0], sizes = [1, 400, 128], strides = [1, 1, 1]} : vector<2x400x128xf32> to vector<1x400x128xf32>
    %squeeze3A = vector.shape_cast %slice3A : vector<1x400x128xf32> to vector<400x128xf32>
    %slice3A_3 = vector.extract_strided_slice %get3A_2 {offsets = [1, 0, 0], sizes = [1, 400, 128], strides = [1, 1, 1]} : vector<2x400x128xf32> to vector<1x400x128xf32>
    %squeeze3A_4 = vector.shape_cast %slice3A_3 : vector<1x400x128xf32> to vector<400x128xf32>
    %add3A = arith.addf %squeeze3A, %squeeze3A_4 : vector<400x128xf32>
    %get3A_5 = arith.constant 0 : index
    %get3A_6 = arith.constant 0 : index
    %get3A_7 = vector.load %arg2[%get3A_5, %get3A_6] : memref<400x128xf32, #tpu.memory_space<vmem>>, vector<400x128xf32>
    %add3A_8 = arith.addf %add3A, %get3A_7 : vector<400x128xf32>
    %get3A_9 = arith.constant 0 : index
    %get3A_10 = arith.constant 0 : index
    %get3A_11 = vector.load %arg3[%get3A_9, %get3A_10] : memref<400x1xf32, #tpu.memory_space<vmem>>, vector<400x1xf32>
    %mul3A = vector.broadcast %get3A_11 : vector<400x1xf32> to vector<400x128xf32>
    %mul3A_12 = arith.mulf %add3A_8, %mul3A : vector<400x128xf32>
    %swap3A = arith.constant 0 : index
    %swap3A_13 = arith.constant 0 : index
    %swap3A_14 = vector.load %arg4[%swap3A, %swap3A_13] : memref<400x128xf32, #tpu.memory_space<vmem>>, vector<400x128xf32>
    tpu.vector_store %arg4[%swap3A, %swap3A_13], %mul3A_12 {strides = array<i32>} : memref<400x128xf32, #tpu.memory_space<vmem>>, vector<400x128xf32>,
    return
  }
  func.func @transform_0(%arg0: i32) -> (i32, i32, i32) {
    %c0_i32 = arith.constant 0 : i32
    %c0_i32_0 = arith.constant 0 : i32
    %c0_i32_1 = arith.constant 0 : i32
    return %c0_i32, %arg0, %c0_i32_0 : i32, i32, i32
  }
  func.func @transform_1(%arg0: i32) -> (i32, i32) {
    %c0_i32 = arith.constant 0 : i32
    %c0_i32_0 = arith.constant 0 : i32
    return %arg0, %c0_i32 : i32, i32
  }
  func.func @transform_2(%arg0: i32) -> (i32, i32) {
    %c0_i32 = arith.constant 0 : i32
    %c0_i32_0 = arith.constant 0 : i32
    return %arg0, %c0_i32 : i32, i32
  }
  func.func @transform_3(%arg0: i32) -> (i32, i32) {
    %c0_i32 = arith.constant 0 : i32
    %c0_i32_0 = arith.constant 0 : i32
    return %arg0, %c0_i32 : i32, i32
  }
}

module attributes {stable_mosaic.version = 14 : i64} {
  func.func @_dense_body(%arg0: memref<10240x128xf32, #tpu.memory_space<vmem>>, %arg1: memref<1x128xf32, #tpu.memory_space<vmem>>, %arg2: memref<128x128xf32, #tpu.memory_space<vmem>>, %arg3: memref<384x128xf32, #tpu.memory_space<vmem>>, %arg4: memref<384x128xf32, #tpu.memory_space<vmem>>, %arg5: memref<1x384xf32, #tpu.memory_space<vmem>>, %arg6: memref<1x384xf32, #tpu.memory_space<vmem>>, %arg7: memref<10240x2xf32, #tpu.memory_space<vmem>>, %arg8: memref<10240x128xf32, #tpu.memory_space<vmem>>, %arg9: memref<10240x1xf32, #tpu.memory_space<vmem>>, %arg10: memref<8x1280xf32, #tpu.memory_space<vmem>>, %arg11: memref<128x10240xf32, #tpu.memory_space<vmem>>) attributes {dimension_semantics = [], scalar_prefetch = 0 : i64, scratch_operands = 2 : i64, tpu.core_type = #tpu.core_type<tc>} {
    %get3A = arith.constant 0 : index
    %get3A_0 = arith.constant 0 : index
    %get3A_1 = vector.load %arg1[%get3A, %get3A_0] : memref<1x128xf32, #tpu.memory_space<vmem>>, vector<1x128xf32>
    %mul3A = arith.mulf %get3A_1, %get3A_1 : vector<1x128xf32>
    %reduce_sum3A = arith.constant dense<0.000000e+00> : vector<1xf32>
    %reduce_sum3A_2 = vector.multi_reduction <add>, %mul3A, %reduce_sum3A [1] : vector<1x128xf32> to vector<1xf32>
    %broadcast_in_dim3A = vector.shape_cast %reduce_sum3A_2 : vector<1xf32> to vector<1x1xf32>
    %sqrt3A = math.sqrt %broadcast_in_dim3A : vector<1x1xf32>
    %get3A_3 = arith.constant 0 : index
    %get3A_4 = arith.constant 0 : index
    %get3A_5 = vector.load %arg0[%get3A_3, %get3A_4] : memref<10240x128xf32, #tpu.memory_space<vmem>>, vector<10240x128xf32>
    %dot_general3A = arith.constant dense<0.000000e+00> : vector<1x10240xf32>
    %dot_general3A_6 = tpu.matmul %get3A_1, %get3A_5, %dot_general3A {dimension_numbers = #tpu.dot_dimension_numbers<[1], [1], [0], [0], [0, 0, 1, 0], [], []>, transpose_lhs_hint = false} : vector<1x128xf32>, vector<10240x128xf32>, vector<1x10240xf32> -> vector<1x10240xf32>
    %iota3A = tpu.iota {dimensions = array<i32: 1>} : vector<1x10240xi32>
    %lt3A = arith.constant 10000 : i32
    %lt3A_7 = vector.broadcast %lt3A : i32 to vector<1x10240xi32>
    %lt3A_8 = arith.cmpi slt, %iota3A, %lt3A_7 : vector<1x10240xi32>
    %div3A = vector.broadcast %sqrt3A : vector<1x1xf32> to vector<1x10240xf32>
    %div3A_9 = arith.divf %dot_general3A_6, %div3A : vector<1x10240xf32>
    %jit3A = arith.constant 0xFF800000 : f32
    %broadcast_in_dim3A_10 = vector.broadcast %jit3A : f32 to vector<1x10240xf32>
    %select_n3A = arith.select %lt3A_8, %div3A_9, %broadcast_in_dim3A_10 : vector<1x10240xi1>, vector<1x10240xf32>
    %slice3A = vector.extract_strided_slice %select_n3A {offsets = [0, 0], sizes = [1, 1280], strides = [1, 1]} : vector<1x10240xf32> to vector<1x1280xf32>
    %swap3A = arith.constant 0 : index
    %swap3A_11 = arith.constant 0 : index
    %swap3A_12 = vector.load %arg10[%swap3A, %swap3A_11] : memref<8x1280xf32, #tpu.memory_space<vmem>>, vector<1x1280xf32>
    tpu.vector_store %arg10[%swap3A, %swap3A_11], %slice3A {strides = array<i32>} : memref<8x1280xf32, #tpu.memory_space<vmem>>, vector<1x1280xf32>,
    %slice3A_13 = vector.extract_strided_slice %select_n3A {offsets = [0, 1280], sizes = [1, 1280], strides = [1, 1]} : vector<1x10240xf32> to vector<1x1280xf32>
    %swap3A_14 = arith.constant 1 : index
    %swap3A_15 = arith.constant 0 : index
    %swap3A_16 = vector.load %arg10[%swap3A_14, %swap3A_15] : memref<8x1280xf32, #tpu.memory_space<vmem>>, vector<1x1280xf32>
    tpu.vector_store %arg10[%swap3A_14, %swap3A_15], %slice3A_13 {strides = array<i32>} : memref<8x1280xf32, #tpu.memory_space<vmem>>, vector<1x1280xf32>,
    %slice3A_17 = vector.extract_strided_slice %select_n3A {offsets = [0, 2560], sizes = [1, 1280], strides = [1, 1]} : vector<1x10240xf32> to vector<1x1280xf32>
    %swap3A_18 = arith.constant 2 : index
    %swap3A_19 = arith.constant 0 : index
    %swap3A_20 = vector.load %arg10[%swap3A_18, %swap3A_19] : memref<8x1280xf32, #tpu.memory_space<vmem>>, vector<1x1280xf32>
    tpu.vector_store %arg10[%swap3A_18, %swap3A_19], %slice3A_17 {strides = array<i32>} : memref<8x1280xf32, #tpu.memory_space<vmem>>, vector<1x1280xf32>,
    %slice3A_21 = vector.extract_strided_slice %select_n3A {offsets = [0, 3840], sizes = [1, 1280], strides = [1, 1]} : vector<1x10240xf32> to vector<1x1280xf32>
    %swap3A_22 = arith.constant 3 : index
    %swap3A_23 = arith.constant 0 : index
    %swap3A_24 = vector.load %arg10[%swap3A_22, %swap3A_23] : memref<8x1280xf32, #tpu.memory_space<vmem>>, vector<1x1280xf32>
    tpu.vector_store %arg10[%swap3A_22, %swap3A_23], %slice3A_21 {strides = array<i32>} : memref<8x1280xf32, #tpu.memory_space<vmem>>, vector<1x1280xf32>,
    %slice3A_25 = vector.extract_strided_slice %select_n3A {offsets = [0, 5120], sizes = [1, 1280], strides = [1, 1]} : vector<1x10240xf32> to vector<1x1280xf32>
    %swap3A_26 = arith.constant 4 : index
    %swap3A_27 = arith.constant 0 : index
    %swap3A_28 = vector.load %arg10[%swap3A_26, %swap3A_27] : memref<8x1280xf32, #tpu.memory_space<vmem>>, vector<1x1280xf32>
    tpu.vector_store %arg10[%swap3A_26, %swap3A_27], %slice3A_25 {strides = array<i32>} : memref<8x1280xf32, #tpu.memory_space<vmem>>, vector<1x1280xf32>,
    %slice3A_29 = vector.extract_strided_slice %select_n3A {offsets = [0, 6400], sizes = [1, 1280], strides = [1, 1]} : vector<1x10240xf32> to vector<1x1280xf32>
    %swap3A_30 = arith.constant 5 : index
    %swap3A_31 = arith.constant 0 : index
    %swap3A_32 = vector.load %arg10[%swap3A_30, %swap3A_31] : memref<8x1280xf32, #tpu.memory_space<vmem>>, vector<1x1280xf32>
    tpu.vector_store %arg10[%swap3A_30, %swap3A_31], %slice3A_29 {strides = array<i32>} : memref<8x1280xf32, #tpu.memory_space<vmem>>, vector<1x1280xf32>,
    %slice3A_33 = vector.extract_strided_slice %select_n3A {offsets = [0, 7680], sizes = [1, 1280], strides = [1, 1]} : vector<1x10240xf32> to vector<1x1280xf32>
    %swap3A_34 = arith.constant 6 : index
    %swap3A_35 = arith.constant 0 : index
    %swap3A_36 = vector.load %arg10[%swap3A_34, %swap3A_35] : memref<8x1280xf32, #tpu.memory_space<vmem>>, vector<1x1280xf32>
    tpu.vector_store %arg10[%swap3A_34, %swap3A_35], %slice3A_33 {strides = array<i32>} : memref<8x1280xf32, #tpu.memory_space<vmem>>, vector<1x1280xf32>,
    %slice3A_37 = vector.extract_strided_slice %select_n3A {offsets = [0, 8960], sizes = [1, 1280], strides = [1, 1]} : vector<1x10240xf32> to vector<1x1280xf32>
    %swap3A_38 = arith.constant 7 : index
    %swap3A_39 = arith.constant 0 : index
    %swap3A_40 = vector.load %arg10[%swap3A_38, %swap3A_39] : memref<8x1280xf32, #tpu.memory_space<vmem>>, vector<1x1280xf32>
    tpu.vector_store %arg10[%swap3A_38, %swap3A_39], %slice3A_37 {strides = array<i32>} : memref<8x1280xf32, #tpu.memory_space<vmem>>, vector<1x1280xf32>,
    %iota3A_41 = tpu.iota {dimensions = array<i32: 0>} : vector<8x1280xi32>
    %mul3A_42 = arith.constant 1280 : i32
    %mul3A_43 = vector.broadcast %mul3A_42 : i32 to vector<8x1280xi32>
    %mul3A_44 = arith.muli %iota3A_41, %mul3A_43 : vector<8x1280xi32>
    %iota3A_45 = tpu.iota {dimensions = array<i32: 1>} : vector<8x1280xi32>
    %add3A = arith.addi %mul3A_44, %iota3A_45 : vector<8x1280xi32>
    %scan3A = arith.constant 0 : i32
    %scan3A_46 = arith.constant 128 : i32
    %scan3A_47 = arith.addi %scan3A, %scan3A_46 : i32
    %scan3A_48 = arith.constant 1 : i32
    scf.for %scan3A_126 = %scan3A to %scan3A_47 step %scan3A_48  : i32 {
      %get3A_127 = arith.constant 0 : index
      %get3A_128 = arith.constant 0 : index
      %get3A_129 = vector.load %arg10[%get3A_127, %get3A_128] : memref<8x1280xf32, #tpu.memory_space<vmem>>, vector<8x1280xf32>
      %reduce_max3A = arith.constant dense<0xFF800000> : vector<8xf32>
      %reduce_max3A_130 = vector.multi_reduction <maximumf>, %get3A_129, %reduce_max3A [1] : vector<8x1280xf32> to vector<8xf32>
      %broadcast_in_dim3A_131 = vector.shape_cast %reduce_max3A_130 : vector<8xf32> to vector<8x1xf32>
      %reduce_max3A_132 = arith.constant dense<0xFF800000> : vector<1xf32>
      %reduce_max3A_133 = vector.multi_reduction <maximumf>, %broadcast_in_dim3A_131, %reduce_max3A_132 [0] : vector<8x1xf32> to vector<1xf32>
      %broadcast_in_dim3A_134 = vector.shape_cast %reduce_max3A_133 : vector<1xf32> to vector<1x1xf32>
      %eq3A = vector.broadcast %broadcast_in_dim3A_134 : vector<1x1xf32> to vector<8x1280xf32>
      %eq3A_135 = arith.cmpf oeq, %get3A_129, %eq3A : vector<8x1280xf32>
      %jit3A_136 = arith.constant 10240 : i32
      %broadcast_in_dim3A_137 = vector.broadcast %jit3A_136 : i32 to vector<8x1280xi32>
      %select_n3A_138 = arith.select %eq3A_135, %add3A, %broadcast_in_dim3A_137 : vector<8x1280xi1>, vector<8x1280xi32>
      %reduce_min3A = arith.constant dense<2147483647> : vector<8xi32>
      %reduce_min3A_139 = vector.multi_reduction <minsi>, %select_n3A_138, %reduce_min3A [1] : vector<8x1280xi32> to vector<8xi32>
      %broadcast_in_dim3A_140 = vector.shape_cast %reduce_min3A_139 : vector<8xi32> to vector<8x1xi32>
      %reduce_min3A_141 = arith.constant dense<2147483647> : vector<1xi32>
      %reduce_min3A_142 = vector.multi_reduction <minsi>, %broadcast_in_dim3A_140, %reduce_min3A_141 [0] : vector<8x1xi32> to vector<1xi32>
      %broadcast_in_dim3A_143 = vector.shape_cast %reduce_min3A_142 : vector<1xi32> to vector<1x1xi32>
      %eq3A_144 = vector.broadcast %broadcast_in_dim3A_143 : vector<1x1xi32> to vector<8x1280xi32>
      %eq3A_145 = arith.cmpi eq, %add3A, %eq3A_144 : vector<8x1280xi32>
      %tanh3A_146 = math.tanh %broadcast_in_dim3A_134 : vector<1x1xf32>
      %jit3A_147 = arith.constant 0.000000e+00 : f32
      %broadcast_in_dim3A_148 = vector.shape_cast %tanh3A_146 : vector<1x1xf32> to vector<1x1xf32>
      %broadcast_in_dim3A_149 = vector.broadcast %broadcast_in_dim3A_148 : vector<1x1xf32> to vector<8x1280xf32>
      %broadcast_in_dim3A_150 = vector.broadcast %jit3A_147 : f32 to vector<8x1280xf32>
      %select_n3A_151 = arith.select %eq3A_145, %broadcast_in_dim3A_149, %broadcast_in_dim3A_150 : vector<8x1280xi1>, vector<8x1280xf32>
      %slice3A_152 = vector.extract_strided_slice %select_n3A_151 {offsets = [0, 0], sizes = [1, 1280], strides = [1, 1]} : vector<8x1280xf32> to vector<1x1280xf32>
      %swap3A_153 = arith.index_cast %scan3A_126 : i32 to index
      %swap3A_154 = arith.constant 0 : index
      %swap3A_155 = vector.load %arg11[%swap3A_153, %swap3A_154] : memref<128x10240xf32, #tpu.memory_space<vmem>>, vector<1x1280xf32>
      tpu.vector_store %arg11[%swap3A_153, %swap3A_154], %slice3A_152 {strides = array<i32>} : memref<128x10240xf32, #tpu.memory_space<vmem>>, vector<1x1280xf32>,
      %slice3A_156 = vector.extract_strided_slice %select_n3A_151 {offsets = [1, 0], sizes = [1, 1280], strides = [1, 1]} : vector<8x1280xf32> to vector<1x1280xf32>
      %swap3A_157 = arith.index_cast %scan3A_126 : i32 to index
      %swap3A_158 = arith.constant 1280 : index
      %swap3A_159 = vector.load %arg11[%swap3A_157, %swap3A_158] : memref<128x10240xf32, #tpu.memory_space<vmem>>, vector<1x1280xf32>
      tpu.vector_store %arg11[%swap3A_157, %swap3A_158], %slice3A_156 {strides = array<i32>} : memref<128x10240xf32, #tpu.memory_space<vmem>>, vector<1x1280xf32>,
      %slice3A_160 = vector.extract_strided_slice %select_n3A_151 {offsets = [2, 0], sizes = [1, 1280], strides = [1, 1]} : vector<8x1280xf32> to vector<1x1280xf32>
      %swap3A_161 = arith.index_cast %scan3A_126 : i32 to index
      %swap3A_162 = arith.constant 2560 : index
      %swap3A_163 = vector.load %arg11[%swap3A_161, %swap3A_162] : memref<128x10240xf32, #tpu.memory_space<vmem>>, vector<1x1280xf32>
      tpu.vector_store %arg11[%swap3A_161, %swap3A_162], %slice3A_160 {strides = array<i32>} : memref<128x10240xf32, #tpu.memory_space<vmem>>, vector<1x1280xf32>,
      %slice3A_164 = vector.extract_strided_slice %select_n3A_151 {offsets = [3, 0], sizes = [1, 1280], strides = [1, 1]} : vector<8x1280xf32> to vector<1x1280xf32>
      %swap3A_165 = arith.index_cast %scan3A_126 : i32 to index
      %swap3A_166 = arith.constant 3840 : index
      %swap3A_167 = vector.load %arg11[%swap3A_165, %swap3A_166] : memref<128x10240xf32, #tpu.memory_space<vmem>>, vector<1x1280xf32>
      tpu.vector_store %arg11[%swap3A_165, %swap3A_166], %slice3A_164 {strides = array<i32>} : memref<128x10240xf32, #tpu.memory_space<vmem>>, vector<1x1280xf32>,
      %slice3A_168 = vector.extract_strided_slice %select_n3A_151 {offsets = [4, 0], sizes = [1, 1280], strides = [1, 1]} : vector<8x1280xf32> to vector<1x1280xf32>
      %swap3A_169 = arith.index_cast %scan3A_126 : i32 to index
      %swap3A_170 = arith.constant 5120 : index
      %swap3A_171 = vector.load %arg11[%swap3A_169, %swap3A_170] : memref<128x10240xf32, #tpu.memory_space<vmem>>, vector<1x1280xf32>
      tpu.vector_store %arg11[%swap3A_169, %swap3A_170], %slice3A_168 {strides = array<i32>} : memref<128x10240xf32, #tpu.memory_space<vmem>>, vector<1x1280xf32>,
      %slice3A_172 = vector.extract_strided_slice %select_n3A_151 {offsets = [5, 0], sizes = [1, 1280], strides = [1, 1]} : vector<8x1280xf32> to vector<1x1280xf32>
      %swap3A_173 = arith.index_cast %scan3A_126 : i32 to index
      %swap3A_174 = arith.constant 6400 : index
      %swap3A_175 = vector.load %arg11[%swap3A_173, %swap3A_174] : memref<128x10240xf32, #tpu.memory_space<vmem>>, vector<1x1280xf32>
      tpu.vector_store %arg11[%swap3A_173, %swap3A_174], %slice3A_172 {strides = array<i32>} : memref<128x10240xf32, #tpu.memory_space<vmem>>, vector<1x1280xf32>,
      %slice3A_176 = vector.extract_strided_slice %select_n3A_151 {offsets = [6, 0], sizes = [1, 1280], strides = [1, 1]} : vector<8x1280xf32> to vector<1x1280xf32>
      %swap3A_177 = arith.index_cast %scan3A_126 : i32 to index
      %swap3A_178 = arith.constant 7680 : index
      %swap3A_179 = vector.load %arg11[%swap3A_177, %swap3A_178] : memref<128x10240xf32, #tpu.memory_space<vmem>>, vector<1x1280xf32>
      tpu.vector_store %arg11[%swap3A_177, %swap3A_178], %slice3A_176 {strides = array<i32>} : memref<128x10240xf32, #tpu.memory_space<vmem>>, vector<1x1280xf32>,
      %slice3A_180 = vector.extract_strided_slice %select_n3A_151 {offsets = [7, 0], sizes = [1, 1280], strides = [1, 1]} : vector<8x1280xf32> to vector<1x1280xf32>
      %swap3A_181 = arith.index_cast %scan3A_126 : i32 to index
      %swap3A_182 = arith.constant 8960 : index
      %swap3A_183 = vector.load %arg11[%swap3A_181, %swap3A_182] : memref<128x10240xf32, #tpu.memory_space<vmem>>, vector<1x1280xf32>
      tpu.vector_store %arg11[%swap3A_181, %swap3A_182], %slice3A_180 {strides = array<i32>} : memref<128x10240xf32, #tpu.memory_space<vmem>>, vector<1x1280xf32>,
      %jit3A_184 = arith.constant 0xFF800000 : f32
      %broadcast_in_dim3A_185 = vector.broadcast %jit3A_184 : f32 to vector<8x1280xf32>
      %select_n3A_186 = arith.select %eq3A_145, %broadcast_in_dim3A_185, %get3A_129 : vector<8x1280xi1>, vector<8x1280xf32>
      %swap3A_187 = arith.constant 0 : index
      %swap3A_188 = arith.constant 0 : index
      %swap3A_189 = vector.load %arg10[%swap3A_187, %swap3A_188] : memref<8x1280xf32, #tpu.memory_space<vmem>>, vector<8x1280xf32>
      tpu.vector_store %arg10[%swap3A_187, %swap3A_188], %select_n3A_186 {strides = array<i32>} : memref<8x1280xf32, #tpu.memory_space<vmem>>, vector<8x1280xf32>,
    }
    %scan3A_49 = arith.constant 128 : i32
    %get3A_50 = arith.constant 0 : index
    %get3A_51 = arith.constant 0 : index
    %get3A_52 = vector.load %arg11[%get3A_50, %get3A_51] : memref<128x10240xf32, #tpu.memory_space<vmem>>, vector<128x10240xf32>
    %dot_general3A_53 = arith.constant dense<0.000000e+00> : vector<128x128xf32>
    %dot_general3A_54 = tpu.matmul %get3A_52, %get3A_5, %dot_general3A_53 {dimension_numbers = #tpu.dot_dimension_numbers<[1], [0], [0], [1], [0, 0, 1, 1], [], []>, transpose_lhs_hint = false} : vector<128x10240xf32>, vector<10240x128xf32>, vector<128x128xf32> -> vector<128x128xf32>
    %get3A_55 = arith.constant 0 : index
    %get3A_56 = arith.constant 0 : index
    %get3A_57 = vector.load %arg3[%get3A_55, %get3A_56] : memref<384x128xf32, #tpu.memory_space<vmem>>, vector<384x128xf32>
    %dot_general3A_58 = arith.constant dense<0.000000e+00> : vector<128x384xf32>
    %dot_general3A_59 = tpu.matmul %dot_general3A_54, %get3A_57, %dot_general3A_58 {dimension_numbers = #tpu.dot_dimension_numbers<[1], [1], [0], [0], [0, 0, 1, 0], [], []>, transpose_lhs_hint = false} : vector<128x128xf32>, vector<384x128xf32>, vector<128x384xf32> -> vector<128x384xf32>
    %get3A_60 = arith.constant 0 : index
    %get3A_61 = arith.constant 0 : index
    %get3A_62 = vector.load %arg5[%get3A_60, %get3A_61] : memref<1x384xf32, #tpu.memory_space<vmem>>, vector<1x384xf32>
    %add3A_63 = vector.broadcast %get3A_62 : vector<1x384xf32> to vector<128x384xf32>
    %add3A_64 = arith.addf %dot_general3A_59, %add3A_63 : vector<128x384xf32>
    %get3A_65 = arith.constant 0 : index
    %get3A_66 = arith.constant 0 : index
    %get3A_67 = vector.load %arg2[%get3A_65, %get3A_66] : memref<128x128xf32, #tpu.memory_space<vmem>>, vector<128x128xf32>
    %get3A_68 = arith.constant 0 : index
    %get3A_69 = arith.constant 0 : index
    %get3A_70 = vector.load %arg4[%get3A_68, %get3A_69] : memref<384x128xf32, #tpu.memory_space<vmem>>, vector<384x128xf32>
    %dot_general3A_71 = arith.constant dense<0.000000e+00> : vector<128x384xf32>
    %dot_general3A_72 = tpu.matmul %get3A_67, %get3A_70, %dot_general3A_71 {dimension_numbers = #tpu.dot_dimension_numbers<[1], [1], [0], [0], [0, 0, 1, 0], [], []>, transpose_lhs_hint = false} : vector<128x128xf32>, vector<384x128xf32>, vector<128x384xf32> -> vector<128x384xf32>
    %get3A_73 = arith.constant 0 : index
    %get3A_74 = arith.constant 0 : index
    %get3A_75 = vector.load %arg6[%get3A_73, %get3A_74] : memref<1x384xf32, #tpu.memory_space<vmem>>, vector<1x384xf32>
    %add3A_76 = vector.broadcast %get3A_75 : vector<1x384xf32> to vector<128x384xf32>
    %add3A_77 = arith.addf %dot_general3A_72, %add3A_76 : vector<128x384xf32>
    %slice3A_78 = vector.extract_strided_slice %add3A_64 {offsets = [0, 0], sizes = [128, 128], strides = [1, 1]} : vector<128x384xf32> to vector<128x128xf32>
    %slice3A_79 = vector.extract_strided_slice %add3A_64 {offsets = [0, 128], sizes = [128, 128], strides = [1, 1]} : vector<128x384xf32> to vector<128x128xf32>
    %slice3A_80 = vector.extract_strided_slice %add3A_64 {offsets = [0, 256], sizes = [128, 128], strides = [1, 1]} : vector<128x384xf32> to vector<128x128xf32>
    %slice3A_81 = vector.extract_strided_slice %add3A_77 {offsets = [0, 0], sizes = [128, 128], strides = [1, 1]} : vector<128x384xf32> to vector<128x128xf32>
    %slice3A_82 = vector.extract_strided_slice %add3A_77 {offsets = [0, 128], sizes = [128, 128], strides = [1, 1]} : vector<128x384xf32> to vector<128x128xf32>
    %slice3A_83 = vector.extract_strided_slice %add3A_77 {offsets = [0, 256], sizes = [128, 128], strides = [1, 1]} : vector<128x384xf32> to vector<128x128xf32>
    %add3A_84 = arith.addf %slice3A_78, %slice3A_81 : vector<128x128xf32>
    %logistic3A = arith.negf %add3A_84 : vector<128x128xf32>
    %logistic3A_85 = math.exp %logistic3A : vector<128x128xf32>
    %logistic3A_86 = arith.constant 1.000000e+00 : f32
    %logistic3A_87 = vector.broadcast %logistic3A_86 : f32 to vector<128x128xf32>
    %logistic3A_88 = arith.addf %logistic3A_87, %logistic3A_85 : vector<128x128xf32>
    %logistic3A_89 = arith.divf %logistic3A_87, %logistic3A_88 : vector<128x128xf32>
    %add3A_90 = arith.addf %slice3A_79, %slice3A_82 : vector<128x128xf32>
    %logistic3A_91 = arith.negf %add3A_90 : vector<128x128xf32>
    %logistic3A_92 = math.exp %logistic3A_91 : vector<128x128xf32>
    %logistic3A_93 = arith.constant 1.000000e+00 : f32
    %logistic3A_94 = vector.broadcast %logistic3A_93 : f32 to vector<128x128xf32>
    %logistic3A_95 = arith.addf %logistic3A_94, %logistic3A_92 : vector<128x128xf32>
    %logistic3A_96 = arith.divf %logistic3A_94, %logistic3A_95 : vector<128x128xf32>
    %mul3A_97 = arith.mulf %logistic3A_89, %slice3A_83 : vector<128x128xf32>
    %add3A_98 = arith.addf %slice3A_80, %mul3A_97 : vector<128x128xf32>
    %tanh3A = math.tanh %add3A_98 : vector<128x128xf32>
    %sub3A = arith.constant 1.000000e+00 : f32
    %sub3A_99 = vector.broadcast %sub3A : f32 to vector<128x128xf32>
    %sub3A_100 = arith.subf %sub3A_99, %logistic3A_96 : vector<128x128xf32>
    %mul3A_101 = arith.mulf %sub3A_100, %tanh3A : vector<128x128xf32>
    %get3A_102 = arith.constant 0 : index
    %get3A_103 = arith.constant 0 : index
    %get3A_104 = vector.load %arg2[%get3A_102, %get3A_103] : memref<128x128xf32, #tpu.memory_space<vmem>>, vector<128x128xf32>
    %mul3A_105 = arith.mulf %logistic3A_96, %get3A_104 : vector<128x128xf32>
    %add3A_106 = arith.addf %mul3A_101, %mul3A_105 : vector<128x128xf32>
    %dot_general3A_107 = arith.constant dense<0.000000e+00> : vector<10240x128xf32>
    %dot_general3A_108 = tpu.matmul %get3A_5, %add3A_106, %dot_general3A_107 {dimension_numbers = #tpu.dot_dimension_numbers<[1], [0], [0], [1], [0, 0, 1, 1], [], []>, transpose_lhs_hint = false} : vector<10240x128xf32>, vector<128x128xf32>, vector<10240x128xf32> -> vector<10240x128xf32>
    %get3A_109 = arith.constant 0 : index
    %get3A_110 = arith.constant 0 : index
    %get3A_111 = vector.load %arg7[%get3A_109, %get3A_110] : memref<10240x2xf32, #tpu.memory_space<vmem>>, vector<10240x2xf32>
    %slice3A_112 = vector.extract_strided_slice %get3A_111 {offsets = [0, 0], sizes = [10240, 1], strides = [1, 1]} : vector<10240x2xf32> to vector<10240x1xf32>
    %add3A_113 = arith.constant 1.000000e+00 : f32
    %add3A_114 = vector.broadcast %add3A_113 : f32 to vector<10240x1xf32>
    %add3A_115 = arith.addf %add3A_114, %slice3A_112 : vector<10240x1xf32>
    %slice3A_116 = vector.extract_strided_slice %get3A_111 {offsets = [0, 1], sizes = [10240, 1], strides = [1, 1]} : vector<10240x2xf32> to vector<10240x1xf32>
    %add3A_117 = arith.addf %add3A_115, %slice3A_116 : vector<10240x1xf32>
    %rsqrt3A = math.rsqrt %add3A_117 : vector<10240x1xf32>
    %swap3A_118 = arith.constant 0 : index
    %swap3A_119 = arith.constant 0 : index
    %swap3A_120 = vector.load %arg9[%swap3A_118, %swap3A_119] : memref<10240x1xf32, #tpu.memory_space<vmem>>, vector<10240x1xf32>
    tpu.vector_store %arg9[%swap3A_118, %swap3A_119], %rsqrt3A {strides = array<i32>} : memref<10240x1xf32, #tpu.memory_space<vmem>>, vector<10240x1xf32>,
    %mul3A_121 = vector.broadcast %rsqrt3A : vector<10240x1xf32> to vector<10240x128xf32>
    %mul3A_122 = arith.mulf %dot_general3A_108, %mul3A_121 : vector<10240x128xf32>
    %swap3A_123 = arith.constant 0 : index
    %swap3A_124 = arith.constant 0 : index
    %swap3A_125 = vector.load %arg8[%swap3A_123, %swap3A_124] : memref<10240x128xf32, #tpu.memory_space<vmem>>, vector<10240x128xf32>
    tpu.vector_store %arg8[%swap3A_123, %swap3A_124], %mul3A_122 {strides = array<i32>} : memref<10240x128xf32, #tpu.memory_space<vmem>>, vector<10240x128xf32>,
    return
  }
}

</mosaic_0001>

<sc_bundles>
// kernel: kernel.6.cloned.1.call-start
scs
__scs_entry_jumppad:
0x0: {  	(pc) =	sbr.rel $0x88, $3  }
0x1: {  	(tag) =	ssettag $0x0;
	lr =	simm.s32 $0x1  }
0x2: {  	[smem:$0x3F98] =	sst lr;
	_ =	strace $0xD0000000  }
0x3: {  	_ = 	snop  }
0x4: {  	_ = 	snop  }
0x5: {  	_ = 	snop  }
0x6: {  	_ = 	snop  }
0x7: {  	_ = 	snop  }
__scs_overlays_trampoline_lowered:
0x8: {  	[smem:$0x3FA7] =	sst s0  }
0x9: {  	[smem:$0x3FA8] =	sst s1  }
0xa: {  	[smem:$0x3FA9] =	sst s2  }
0xb: {  	[smem:$0x3FAA] =	sst s3  }
0xc: {  	[smem:$0x3FAB] =	sst s4  }
0xd: {  	[smem:$0x3FAC] =	sst s5  }
0xe: {  	[smem:$0x3FAD] =	sst s6  }
0xf: {  	[smem:$0x3FAE] =	sst s7  }
0x10: {  	[smem:$0x3FAF] =	sst s8  }
0x11: {  	[smem:$0x3FB0] =	sst s9;
	s0 =	simm.s32 @!p0 $0x0  }
0x12: {  	s1 =	sld [smem:$0x3F96];
	s0 =	simm.s32 @p0 $0x1  }
0x13: {  	[smem:$0x3FB1] =	sst s0;
	s0 =	simm.s32 @!p1 $0x0  }
0x14: {  	s2 =	sld [smem:$0x3F95];
	s0 =	simm.s32 @p1 $0x1  }
0x15: {  	[smem:$0x3FB2] =	sst s0;
	s0 =	simm.s32 @!p2 $0x0  }
0x16: {  	s3 =	sld [smem:$0x3FDB];
	s0 =	simm.s32 @p2 $0x1  }
0x17: {  	s4 =	simm.s32 $0x1BF5;
	[smem:$0x3FB4] =	sst s0  }
0x18: {  	s0 =	sld [smem:$0x3F97];
	_ =	swait.ge [sflag:s4], $0x0  }
0x19: {  	s7 =	sld [smem:$0x3F98]  }
0x1a: {  	s8 =	sadd.s32 $0xFFFFE003, lr  }
0x1b: {  	s9 =	sadd.s32 $0xFFFFFEF7, lr;
	s5 =	simm.s32 $0xFFFFFFFF;
	p2 =	slt.u32 s8, $0xFFFFF086  }
0x1c: {  	p1 =	slt.u32 s9, $0xF7A;
	s5 =	simm.s32 @!p2 $0x0  }
0x1d: {  	s5 =	simm.s32 @p1 $0x1;
	p0 =	seq.s32 s7, s2  }
0x1e: {  	s7 =	smul.u32 @!p0 $0xF7A, s2;
	p2 =	seq.s32 @!p0 s5, $0x0  }
0x1f: {  	s9 =	smul.u32 $0xF7A, s1;
	s8 =	simm.s32 @!p0 $0x1BF5;
	p2 =	por !p2, p0  }
0x20: {  	[sflag:s8] =	ssyncset.s32 @!p0 $0xFFFFF086;
	s6 =	sadd.s32 @!p0 s3, s7;
	s7 =	simm.s32 @!p0 $0x108  }
0x21: {  	s3 =	sadd.s32 s3, s9;
	s6 =	sadd.s32 @!p0 $0x88, s6;
	s7 =	simm.s32 @p2 $0x1082  }
0x22: {  	[simem:s7], [sflag:s8] =	dma.local @!p0 [hbm:s6], $0xF7A  }
0x23: {  	s9 =	sor.u32 $0xD0000000, s2;
	s6 =	simm.s32 $0x108;
	_ =	swait.ge @!p0 [sflag:s8], $0x0  }
0x24: {  	s3 =	sadd.s32 $0x88, s3;
	s6 =	simm.s32 @!p1 $0x1082;
	[sflag:s4] =	ssyncset.s32 $0xFFFFF086  }
0x25: {  	[simem:s6], [sflag:s4] =	dma.local [hbm:s3], $0xF7A  }
0x26: {  	[smem:$0x3F98] =	sst s1;
	(tag) =	ssettag s2;
	_ =	strace s9  }
0x27: {  	s1 =	sld [smem:$0x3FA8]  }
0x28: {  	s2 =	sld [smem:$0x3FA9]  }
0x29: {  	s4 =	sld [smem:$0x3FAB]  }
0x2a: {  	p0 =	seq.s32 s5, $0x0;
	s5 =	sld [smem:$0x3FAC]  }
0x2b: {  	s6 =	sld [smem:$0x3FAD]  }
0x2c: {  	s7 =	sld [smem:$0x3FAE]  }
0x2d: {  	s3 =	simm.s32 $0x108;
	s8 =	sld [smem:$0x3FAF]  }
0x2e: {  	s3 =	simm.s32 @!p0 $0x1082;
	s9 =	sld [smem:$0x3FB0]  }
0x2f: {  	lr =	sadd.s32 s0, s3;
	s0 =	sld [smem:$0x3FA7]  }
0x30: {  	s3 =	sld [smem:$0x3FAA]  }
0x31: {  	[smem:$0x3FB3] =	sst s10  }
0x32: {  	s10 =	sld [smem:$0x3FB1];
	_ =	sdelay $0x3  }
0x33: {  	p0 =	seq.s32 s10, $0x1;
	s10 =	sld [smem:$0x3FB3];
	_ =	sdelay $0x3  }
0x34: {  	[smem:$0x3FB3] =	sst s10  }
0x35: {  	s10 =	sld [smem:$0x3FB2];
	_ =	sdelay $0x3  }
0x36: {  	p1 =	seq.s32 s10, $0x1;
	s10 =	sld [smem:$0x3FB3];
	_ =	sdelay $0x3  }
0x37: {  	[smem:$0x3FB3] =	sst s10  }
0x38: {  	s10 =	sld [smem:$0x3FB4]  }
0x39: {  	_ = 	snop;
	(pc) =	sbr.ind lr, $3  }
0x3a: {  	_ = 	snop  }
0x3b: {  	_ = 	snop  }
0x3c: {  	p2 =	seq.s32 s10, $0x1;
	s10 =	sld [smem:$0x3FB3]  }
0x3d: {  	_ =	shalt  }
0x3e: {  	_ =	shalt  }
0x3f: {  	_ =	shalt  }
0x40: {  	_ =	shalt  }
0x41: {  	_ =	shalt  }
0x42: {  	_ =	shalt  }
0x43: {  	_ =	shalt  }
0x44: {  	_ =	shalt  }
0x45: {  	_ =	shalt  }
0x46: {  	_ =	shalt  }
0x47: {  	_ =	shalt  }
0x48: {  	_ =	shalt  }
0x49: {  	_ =	shalt  }
0x4a: {  	_ =	shalt  }
0x4b: {  	_ =	shalt  }
0x4c: {  	_ =	shalt  }
0x4d: {  	_ =	shalt  }
0x4e: {  	_ =	shalt  }
0x4f: {  	_ =	shalt  }
0x50: {  	_ =	shalt  }
0x51: {  	_ =	shalt  }
0x52: {  	_ =	shalt  }
0x53: {  	_ =	shalt  }
0x54: {  	_ =	shalt  }
0x55: {  	_ =	shalt  }
0x56: {  	_ =	shalt  }
0x57: {  	_ =	shalt  }
0x58: {  	_ =	shalt  }
0x59: {  	_ =	shalt  }
0x5a: {  	_ =	shalt  }
0x5b: {  	_ =	shalt  }
0x5c: {  	_ =	shalt  }
0x5d: {  	_ =	shalt  }
0x5e: {  	_ =	shalt  }
0x5f: {  	_ =	shalt  }
0x60: {  	_ =	shalt  }
0x61: {  	_ =	shalt  }
0x62: {  	_ =	shalt  }
0x63: {  	_ =	shalt  }
0x64: {  	_ =	shalt  }
0x65: {  	_ =	shalt  }
0x66: {  	_ =	shalt  }
0x67: {  	_ =	shalt  }
0x68: {  	_ =	shalt  }
0x69: {  	_ =	shalt  }
0x6a: {  	_ =	shalt  }
0x6b: {  	_ =	shalt  }
0x6c: {  	_ =	shalt  }
0x6d: {  	_ =	shalt  }
0x6e: {  	_ =	shalt  }
0x6f: {  	_ =	shalt  }
0x70: {  	_ =	shalt  }
0x71: {  	_ =	shalt  }
0x72: {  	_ =	shalt  }
0x73: {  	_ =	shalt  }
0x74: {  	_ =	shalt  }
0x75: {  	_ =	shalt  }
0x76: {  	_ =	shalt  }
0x77: {  	_ =	shalt  }
0x78: {  	_ =	shalt  }
0x79: {  	_ =	shalt  }
0x7a: {  	_ =	shalt  }
0x7b: {  	_ =	shalt  }
0x7c: {  	_ =	shalt  }
0x7d: {  	_ =	shalt  }
0x7e: {  	_ =	shalt  }
0x7f: {  	_ =	shalt  }
0x80: {  	_ =	shalt  }
0x81: {  	_ =	shalt  }
0x82: {  	_ =	shalt  }
0x83: {  	_ =	shalt  }
0x84: {  	_ =	shalt  }
0x85: {  	_ =	shalt  }
0x86: {  	_ =	shalt  }
0x87: {  	_ =	shalt  }
.Lfunc_end0:
.L_simem_size_0:
called_computation_lowered:
.L_overlay_start_0:
0x88: {  	s2 =	sld [smem:$0x3FD9]  }
0x89: {  	s3 =	sld [smem:$0x3FFE];
	_ =	sdelay $0x1  }
0x8a: {  	s1 =	srdreg.scid  }
0x8b: {  	s0 =	sand.u32 $0x1, s1  }
0x8c: {  	s16 =	sshll.u32 s0, $0xA;
	s2 =	sadd.s32 s3, s2  }
0x8d: {  	s2 =	sadd.s32 s2, s16  }
0x8e: {  	[smem:$0x3FBF] =	sst s2  }
0x8f: {  	_ = 	snop  }
0x90: {  	(tm) =	ssettm $0x1  }
0x91: {  	s17 =	sld [smem:$0x3FFB];
	_ =	sdelay $0x3  }
0x92: {  	_ =	strace s17  }
0x93: {  	s2 =	sld [smem:$0x3FFC];
	_ =	sdelay $0x3  }
0x94: {  	_ =	strace s2  }
0x95: {  	s2 =	sld [smem:$0x3FFD];
	_ =	sdelay $0x3  }
0x96: {  	_ =	strace s2  }
0x97: {  	_ =	strace $0x8FFFFFFF  }
0x98: {  	s18 =	sld [smem:$0x3FDB];
	_ =	sdelay $0x1  }
0x99: {  	s19 =	simm.s32 $_scs_section_size  }
0x9a: {  	s4 =	simm.s32 $_size__tile_overlayer_lowered;
	s5 =	simm.s32 $_tile_overlayer_lowered  }
0x9b: {  	s22 =	simm.s32 $0x1BFF;
	s21 =	sshll.u32 s5, $0x1;
	s2 =	sadd.s32 s19, s18  }
0x9c: {  	s6 =	simm.s32 $0x0;
	s20 =	sshll.u32 s4, $0x1;
	s4 =	sadd.s32 s21, s2  }
0x9d: {  	[timem:s6], [sflag:s22] =	dma.local [hbm:s4], s20  }
0x9e: {  	_ =	swait.ge [sflag:s22], s20  }
0x9f: {  	s3 =	ssub.s32 $0x0, s20;
	[sflag:s22] =	ssyncset.done $0x0  }
0xa0: {  	[sflag:s22] =	ssyncadd.s32 s3;
	_ =	sdelay $0x1  }
0xa1: {  	s23 =	simm.s32 $0x1B8B  }
0xa2: {  	_ =	swait.ge [sflag:s23], $0x1  }
0xa3: {  	[sflag:s23] =	ssyncset.done $0x0  }
0xa4: {  	s25 =	simm.s32 $0x1B8E;
	s24 =	sld [smem:$0x3FFE];
	[sflag:s23] =	ssyncadd.s32 $0xFFFFFFFF  }
0xa5: {  	s26 =	simm.s32 $execute0_lowered;
	[smem:$0x3FD2] =	sst s25  }
0xa6: {  	s4 =	sshll.u32 s26, $0x1;
	_ =	strace $0x80000046;
	[dreg:$0x1] =	wrdreg $0xFFFFFFFF  }
0xa7: {  	s28 =	simm.s32 $_size_execute0_lowered;
	s2 =	sadd.s32 s2, s4;
	[dreg:$0x0] =	wrdreg $0x0  }
0xa8: {  	s4 =	sshll.u32 s28, $0x1;
	[dreg:$0x2] =	wrdreg s2  }
0xa9: {  	[dreg:$0x3] =	wrdreg s4  }
0xaa: {  	[dreg:$0x4] =	wrdreg $0xC0  }
0xab: {  	_ =	task [dreg:s6], $0x5FFFF  }
0xac: {  	[dreg:$0x1] =	wrdreg $0xFFFFFFFF  }
0xad: {  	[dreg:$0x0] =	wrdreg $0x60  }
0xae: {  	[dreg:$0x2] =	wrdreg s24  }
0xaf: {  	[dreg:$0x3] =	wrdreg $0x2C000  }
0xb0: {  	[dreg:$0x4] =	wrdreg $0x9  }
0xb1: {  	_ =	task.clear_ibuf [dreg:s6], $0x5FFFF;
	_ =	strace $0x90000046  }
0xb2: {  	s29 =	simm.s32 $0x9;
	_ =	strace $0x80000048  }
0xb3: {  	_ =	swait.ge [sflag:s29], $0x1  }
0xb4: {  	[sflag:s29] =	ssyncadd.s32 $0xFFFFFFFF  }
0xb5: {  	_ =	strace $0x90000048  }
0xb6: {  	_ =	sfence  }
0xb7: {  	s30 =	sld [smem:$0x0];
	_ =	sdelay $0x2  }
0xb8: {  	s31 =	sshll.u32 s1, $0xD;
	s1 =	sshrl.u32 s1, $0x2  }
0xb9: {  	s3 =	sand.u32 $0x4000, s31;
	s1 =	sadd.s32 s1, s30  }
0xba: {  	s0 =	sor.u32 s3, s0;
	s1 =	sshll.u32 s1, $0x11  }
0xbb: {  	s0 =	sor.u32 s1, s0  }
0xbc: {  	s0 =	sadd.s32 $0x8F2B, s0  }
0xbd: {  	[sflag:s0] =	ssyncadd.remote.s32 $0x1  }
0xbe: {  	_ =	sfence.sel $0xFFFF  }
0xbf: {  	[dreg:$0x0] =	wrdreg $0xFFFFFFFF;
	(pc) =	sbr.abs _section_cstart, $3  }
0xc0: {  	[dreg:$0x1] =	wrdreg $0xFFFFFFFF  }
0xc1: {  	_ =	task.clear_ibuf [dreg:s6], $0x2FFFF;
	_ =	strace $0x9FFFFFFF  }
0xc2: {  	(tm) =	ssettm $0x7FFFFFFF  }
0xc3: {  	_ =	shalt  }
tec
execute0_lowered:
.L_overlay_start_1:
0x0: {  	(tag) =	ssettag $0x1  }
0x1: {  	s0 =	srdreg.scid;
	s1 =	rddreg [dreg:$0x0]  }
0x2: {  	s12 =	stileid.u32;
	s2 =	rddreg [dreg:$0x1]  }
0x3: {  	s13 =	simm.s32 $0x7;
	s14 =	simm.s32 $0x2980;
	s15 =	simm.s32 $0x2780  }
0x4: {  	s16 =	simm.s32 $0x2800;
	s17 =	simm.s32 $0x1;
	s19 =	simm.s32 $0x80  }
0x5: {  	s20 =	simm.s32 $0x2;
	s22 =	simm.s32 $0x6;
	s5 =	smul.u32 $0x500, s12  }
0x6: {  	s23 =	simm.s32 $0x5;
	s0 =	sand.u32 $0x1, s0;
	s24 =	smul.u32 $0xA00, s12  }
0x7: {  	s11 =	sadd.s32 $0xC200, s1;
	s28 =	smul.u32 $0x4F, s12;
	s3 =	sshll.u32 s0, $0x4  }
0x8: {  	s7 =	sshll.u32 s0, $0x7;
	s9 =	ssub.s32 $0x2, s0;
	s0 =	smul.u32 $0x4F0, s0  }
0x9: {  	s4 =	sor.u32 s12, s3;
	s3 =	simm.s32 $0x0;
	s5 =	sor.u32 s7, s5  }
0xa: {  	s25 =	sshrl.u32 s9, $0x1;
	s26 =	sshrl.u32 s24, $0x2;
	s6 =	smul.u32 $0x4F0, s4  }
0xb: {  	[smem:$0x7FF] =	sst s3;
	s5 =	sshrl.u32 s5, $0x3;
	s10 =	smul.u32 $0x2780, s4  }
0xc: {  	s9 =	ssub.s32 s9, s25;
	s0 =	sadd.s32 s28, s0;
	s25 =	simm.s32 $0x0  }
0xd: {  	_ =	strace $0x80000047;
	s0 =	sshll.u32 s0, $0x4;
	s9 =	smax.u32 s9, $0x1  }
0xe: {  	s8 =	sadd.s32 s6, s1;
	s1 =	sadd.s32 s5, s1;
	s5 =	sadd.s32 s26, s2  }
0xf: {  	s30 =	sshrl.u32 s10, $0x3;
	s6 =	sadd.s32 s11, s6;
	s0 =	sadd.s32 s11, s0  }
0x10: {  	s29 =	sadd.s32 $0x2400, s8;
	s8 =	sadd.s32 s11, s30;
	s10 =	sadd.s32 $0x20, s6  }
0x11: {  	s11 =	sadd.s32 $0x30, s6;
	[dreg:$0x3] =	wrdreg s29;
	s31 =	sadd.s32 $0x10, s8  }
0x12: {  	v0 =	vimm.f32 $0.0e+00;
	s12 =	sadd.s32 $0x40, s0;
	s8 =	sadd.s32 $0x16000, s1;
	[dreg:$0x4] =	wrdreg s31  }
.LBB2_1:
0x13: {  	s0 =	rddreg [dreg:$0x3]  }
0x14: {  	[tilespmem:s3], [sflag:$0x7] =	stream.linear.gather [hbm4b:s0+s3], $0x2780, $0x38;
	[tilespmem:$0x2E80] =	vst v63  }
0x15: {  	_ =	swait.ge [sflag:s13], $0x2780  }
0x16: {  	[sflag:s13] =	ssyncset.done $0x0  }
0x17: {  	[sflag:s13] =	ssyncadd.s32 $0xFFFFD880  }
0x18: {  	[tilespmem:$0x2980] =	vst v0  }
0x19: {  	[tilespmem:$0x2990] =	vst v0  }
0x1a: {  	[tilespmem:$0x29A0] =	vst v0  }
0x1b: {  	[tilespmem:$0x29B0] =	vst v0  }
0x1c: {  	[tilespmem:$0x29C0] =	vst v0  }
0x1d: {  	[tilespmem:$0x29D0] =	vst v0  }
0x1e: {  	[tilespmem:$0x29E0] =	vst v0  }
0x1f: {  	[tilespmem:$0x29F0] =	vst v0  }
0x20: {  	[tilespmem:$0x2A00] =	vst v0  }
0x21: {  	[tilespmem:$0x2A10] =	vst v0  }
0x22: {  	[tilespmem:$0x2A20] =	vst v0  }
0x23: {  	[tilespmem:$0x2A30] =	vst v0  }
0x24: {  	[tilespmem:$0x2A40] =	vst v0  }
0x25: {  	[tilespmem:$0x2A50] =	vst v0  }
0x26: {  	[tilespmem:$0x2A60] =	vst v0  }
0x27: {  	[tilespmem:$0x2A70] =	vst v0  }
0x28: {  	[tilespmem:$0x2A80] =	vst v0  }
0x29: {  	[tilespmem:$0x2A90] =	vst v0  }
0x2a: {  	[tilespmem:$0x2AA0] =	vst v0  }
0x2b: {  	[tilespmem:$0x2AB0] =	vst v0  }
0x2c: {  	[tilespmem:$0x2AC0] =	vst v0  }
0x2d: {  	[tilespmem:$0x2AD0] =	vst v0  }
0x2e: {  	[tilespmem:$0x2AE0] =	vst v0  }
0x2f: {  	[tilespmem:$0x2AF0] =	vst v0  }
0x30: {  	[tilespmem:$0x2B00] =	vst v0  }
0x31: {  	[tilespmem:$0x2B10] =	vst v0  }
0x32: {  	[tilespmem:$0x2B20] =	vst v0  }
0x33: {  	[tilespmem:$0x2B30] =	vst v0  }
0x34: {  	[tilespmem:$0x2B40] =	vst v0  }
0x35: {  	[tilespmem:$0x2B50] =	vst v0  }
0x36: {  	[tilespmem:$0x2B60] =	vst v0  }
0x37: {  	[tilespmem:$0x2B70] =	vst v0  }
0x38: {  	[tilespmem:$0x2B80] =	vst v0  }
0x39: {  	[tilespmem:$0x2B90] =	vst v0  }
0x3a: {  	[tilespmem:$0x2BA0] =	vst v0  }
0x3b: {  	[tilespmem:$0x2BB0] =	vst v0  }
0x3c: {  	[tilespmem:$0x2BC0] =	vst v0  }
0x3d: {  	[tilespmem:$0x2BD0] =	vst v0  }
0x3e: {  	[tilespmem:$0x2BE0] =	vst v0  }
0x3f: {  	[tilespmem:$0x2BF0] =	vst v0  }
0x40: {  	[spmem:s5] =	stream.linear.scatter [tilespmem:s14], [sflag:$0x7], $0x280, $0x38;
	[tilespmem:$0x2E80] =	vst v63  }
0x41: {  	_ =	swait.ge [sflag:s13], $0x280  }
0x42: {  	[sflag:s13] =	ssyncset.done $0x0  }
0x43: {  	[sflag:s13] =	ssyncadd.s32 $0xFFFFFD80  }
0x44: {  	[bflag:$0x0] =	sbarrier.arrive $0xFFFF  }
0x45: {  	[tilespmem:s15], [sflag:$0x1] =	stream.linear.gather [hbm4b:s6+s3], $0x80, $0x38;
	[tilespmem:$0x2E80] =	vst v63  }
0x46: {  	s26 =	rddreg [dreg:$0x4]  }
0x47: {  	[tilespmem:s16], [sflag:$0x2] =	stream.linear.gather [hbm4b:s26+s3], $0x80, $0x38;
	[tilespmem:$0x2E80] =	vst v63  }
0x48: {  	_ =	swait.ge [sflag:s17], $0x80  }
0x49: {  	[sflag:s17] =	ssyncset.done $0x0  }
0x4a: {  	s1 =	simm.s32 $0x2880;
	[sflag:s17] =	ssyncadd.s32 $0xFFFFFF80  }
0x4b: {  	[tilespmem:s1], [sflag:$0x3] =	stream.linear.gather [hbm4b:s10+s3], $0x80, $0x38;
	[tilespmem:$0x2E80] =	vst v63  }
0x4c: {  	_ = 	snop  }
0x4d: {  	[spmem:s2] =	stream.indirect.scatter.add.f32 [tilespmem:s3], [sflag:$0x5], $0x1, s15, s19, $0xb8;
	[tilespmem:$0x2E80] =	vst v63  }
0x4e: {  	_ =	swait.ge [sflag:s20], $0x80  }
0x4f: {  	s4 =	simm.s32 $0x2900;
	s7 =	simm.s32 $0x2;
	[sflag:s20] =	ssyncset.done $0x0  }
0x50: {  	s21 =	simm.s32 $0x4;
	s1 =	sand.u32 $0x3, s7;
	[sflag:s20] =	ssyncadd.s32 $0xFFFFFF80  }
0x51: {  	[tilespmem:s4], [sflag:$0x4] =	stream.linear.gather [hbm4b:s11+s3], $0x80, $0x38;
	[tilespmem:$0x2E80] =	vst v63  }
0x52: {  	s28 =	simm.s32 $0x3;
	p0 =	por $0x0, $0x0;
	s18 =	sadd.s32 $0x1, s1  }
0x53: {  	[spmem:s2] =	stream.indirect.scatter.add.f32 [tilespmem:s19], [sflag:$0x6], $0x1, s16, s19, $0xb8;
	[tilespmem:$0x2E80] =	vst v63  }
0x54: {  	s30 =	sadd.s32 $0x10, s12;
	s0 =	sand.u32 $0x1, s7;
	_ =	swait.ge [sflag:s18], $0x80  }
0x55: {  	s29 =	simm.s32 @!p0 $0x0;
	s31 =	sand.u32 $0x1, s28;
	[sflag:s18] =	ssyncset.done $0x0  }
0x56: {  	s0 =	sadd.s32 $0x5, s0;
	s26 =	simm.s32 $0x5;
	[sflag:s18] =	ssyncadd.s32 $0xFFFFFF80  }
0x57: {  	s24 =	sshll.u32 s1, $0x7;
	s1 =	sand.u32 @!p0 $0x3, s21;
	_ =	swait.ge [sflag:s0], $0x80  }
0x58: {  	s21 =	sshll.u32 @!p0 s1, $0x7;
	s1 =	sadd.s32 @!p0 $0x1, s1;
	[sflag:s0] =	ssyncset.done $0x0  }
0x59: {  	s21 =	sadd.s32 @!p0 $0x2780, s21;
	s18 =	simm.s32 $0x100;
	[sflag:s0] =	ssyncadd.s32 $0xFFFFFF80  }
0x5a: {  	[tilespmem:s21], [sflag:s1] =	stream.linear.gather @!p0 [hbm4b:s12+s29], $0x80, $0x38;
	[tilespmem:$0x2E80] =	vst v63  }
0x5b: {  	s1 =	simm.s32 $0x6;
	s21 =	sadd.s32 $0x2780, s24;
	s29 =	simm.s32 $0x180  }
.LBB2_2:
0x5c: {  	[spmem:s2] =	stream.indirect.scatter.add.f32 [tilespmem:s18], [sflag:s0], $0x1, s21, s19, $0xb8;
	[tilespmem:$0x2E80] =	vst v63  }
0x5d: {  	s21 =	smov.u32 s28;
	s24 =	smov.u32 s26;
	s26 =	smov.u32 s1  }
0x5e: {  	s1 =	sadd.s32 $0x1, s1;
	s28 =	sadd.s32 $0xFFFFFFFE, s26;
	s0 =	sand.u32 $0x3, s21  }
0x5f: {  	s18 =	sand.u32 $0x1, s28;
	s4 =	sadd.s32 $0x1, s0;
	s7 =	sshll.u32 s0, $0x7  }
0x60: {  	p0 =	sne.s32 s1, $0x51;
	s0 =	smov.u32 s31;
	_ =	swait.ge [sflag:s4], $0x80  }
0x61: {  	s31 =	smov.u32 s18;
	s18 =	smov.u32 s29;
	[sflag:s4] =	ssyncset.done $0x0  }
0x62: {  	p1 =	sgt.u32 s21, $0x4C;
	s0 =	sadd.s32 $0x5, s0;
	[sflag:s4] =	ssyncadd.s32 $0xFFFFFF80  }
.Ltmp0:
0x63: {  	s4 =	sand.u32 @!p1 $0x3, s24;
	_ =	swait.ge [sflag:s0], $0x80;
	(pc) =	sbr.rel @p0 .LBB2_2-.Ltmp0, $4  }
0x64: {  	s24 =	simm.s32 @!p1 $0x0;
	s21 =	sshll.u32 @!p1 s4, $0x7;
	[sflag:s0] =	ssyncset.done $0x0  }
0x65: {  	s4 =	sadd.s32 @!p1 $0x1, s4;
	s21 =	sadd.s32 @!p1 $0x2780, s21;
	[sflag:s0] =	ssyncadd.s32 $0xFFFFFF80  }
0x66: {  	[tilespmem:s21], [sflag:s4] =	stream.linear.gather @!p1 [hbm4b:s30+s24], $0x80, $0x38;
	[tilespmem:$0x2E80] =	vst v63  }
0x67: {  	s29 =	sadd.s32 $0x80, s29;
	s21 =	sadd.s32 $0x2780, s7;
	s30 =	sadd.s32 $0x10, s30  }
0x68: {  	[spmem:s2] =	stream.indirect.scatter.add.f32 [tilespmem:s18], [sflag:s0], $0x1, s21, s19, $0xb8;
	[tilespmem:$0x2E80] =	vst v63  }
0x69: {  	s21 =	sand.u32 $0x3, s28  }
0x6a: {  	s1 =	sadd.s32 $0x1, s21  }
0x6b: {  	_ =	swait.ge [sflag:s1], $0x80  }
0x6c: {  	[sflag:s1] =	ssyncset.done $0x0  }
0x6d: {  	s24 =	sadd.s32 $0x5, s31;
	p0 =	sgt.u32 s28, $0x4C;
	[sflag:s1] =	ssyncadd.s32 $0xFFFFFF80  }
0x6e: {  	s0 =	sshll.u32 s21, $0x7;
	s4 =	sand.u32 @!p0 $0x3, s26;
	_ =	swait.ge [sflag:s24], $0x80  }
0x6f: {  	s18 =	simm.s32 @!p0 $0x0;
	s7 =	sshll.u32 @!p0 s4, $0x7;
	[sflag:s24] =	ssyncset.done $0x0  }
0x70: {  	s4 =	sadd.s32 @!p0 $0x1, s4;
	s7 =	sadd.s32 @!p0 $0x2780, s7;
	[sflag:s24] =	ssyncadd.s32 $0xFFFFFF80  }
0x71: {  	[tilespmem:s7], [sflag:s4] =	stream.linear.gather @!p0 [hbm4b:s30+s18], $0x80, $0x38;
	[tilespmem:$0x2E80] =	vst v63  }
0x72: {  	s0 =	sadd.s32 $0x2780, s0  }
0x73: {  	[spmem:s2] =	stream.indirect.scatter.add.f32 [tilespmem:s29], [sflag:s24], $0x1, s0, s19, $0xb8;
	[tilespmem:$0x2E80] =	vst v63  }
0x74: {  	_ =	swait.ge [sflag:s22], $0x80  }
0x75: {  	[sflag:s22] =	ssyncset.done $0x0  }
0x76: {  	[sflag:s22] =	ssyncadd.s32 $0xFFFFFF80  }
0x77: {  	_ =	swait.ge [sflag:s23], $0x80  }
0x78: {  	[sflag:s23] =	ssyncset.done $0x0  }
0x79: {  	[sflag:s23] =	ssyncadd.s32 $0xFFFFFF80  }
0x7a: {  	[bflag:$0x0] =	sbarrier.arrive $0xFFFF  }
0x7b: {  	[tilespmem:s14], [sflag:$0x7] =	stream.linear.gather [spmem:s5], $0x280, $0x38;
	[tilespmem:$0x2E80] =	vst v63  }
0x7c: {  	s25 =	sadd.s32 $0x1, s25;
	_ =	swait.ge [sflag:s13], $0x280  }
0x7d: {  	p0 =	sne.s32 s25, s9;
	[sflag:s13] =	ssyncset.done $0x0  }
.Ltmp1:
0x7e: {  	s31 =	simm.s32 $0x100;
	[sflag:s13] =	ssyncadd.s32 $0xFFFFFD80;
	(pc) =	sbr.rel @p0 .LBB2_1-.Ltmp1, $4  }
0x7f: {  	[hbm4b:s8+s19] =	stream.strided.scatter [tilespmem:s14], [sflag:$0x7], $0x280, s31, s19, $0x38;
	[tilespmem:$0x2E80] =	vst v63  }
0x80: {  	_ =	swait.ge [sflag:s13], $0x280  }
0x81: {  	[sflag:s13] =	ssyncset.done $0x0  }
0x82: {  	[sflag:s13] =	ssyncadd.s32 $0xFFFFFD80  }
0x83: {  	_ =	sfence.sel $0x180000  }
0x84: {  	[bflag:$0x0] =	sbarrier.arrive $0xFFFF  }
0x85: {  	_ =	strace $0x90000047  }
0x86: {  	s0 =	stileid.u32;
	[bflag:$0x2] =	sbarrier.arrive $0xFFFF  }
0x87: {  	p0 =	sne.s32 s0, $0x0;
	s0 =	rddreg [dreg:$0x2]  }
0x88: {  	s0 =	sadd.s32 @!p0 $0x100000, s0  }
0x89: {  	[sflag:s0] =	ssyncadd.tile.s32 @!p0 $0x1;
	_ =	shalt  }
.Lfunc_end2:
_tile_overlayer_lowered:
.L_overlay_start_2:
0x8a: {  	(tag) =	ssettag $0x2  }
0x8b: {  	s0 =	rddreg [dreg:$0x0];
	s2 =	stileid.u32  }
0x8c: {  	s1 =	rddreg [dreg:$0x1];
	p0 =	sne.s32 s2, $0x0  }
0x8d: {  	s3 =	rddreg [dreg:$0x2];
	[bflag:$0x3] =	sbarrier.arrive $0xFFFF;
	s2 =	simm.s32 @!p0 $0x1C07  }
0x8e: {  	[timem:s3], [sflag:s2] =	dma.local @!p0 [hbm:s0], s1  }
0x8f: {  	s0 =	simm.s32 @!p0 $0x7  }
0x90: {  	_ =	swait.ge @!p0 [sflag:s0], s1  }
0x91: {  	s1 =	ssub.s32 @!p0 $0x0, s1;
	[sflag:s0] =	ssyncset.done @!p0 $0x0  }
0x92: {  	[sflag:s0] =	ssyncadd.s32 @!p0 s1  }
0x93: {  	[bflag:$0x3] =	sbarrier.arrive $0xFFFF  }
0x94: {  	_ =	shalt  }

// kernel: kernel.9.cloned.1.call-start
scs
__scs_entry_jumppad:
0x0: {  	(pc) =	sbr.rel $0x88, $3  }
0x1: {  	(tag) =	ssettag $0x0;
	lr =	simm.s32 $0x1  }
0x2: {  	[smem:$0x3F98] =	sst lr;
	_ =	strace $0xD0000000  }
0x3: {  	_ = 	snop  }
0x4: {  	_ = 	snop  }
0x5: {  	_ = 	snop  }
0x6: {  	_ = 	snop  }
0x7: {  	_ = 	snop  }
__scs_overlays_trampoline_lowered:
0x8: {  	[smem:$0x3FA7] =	sst s0  }
0x9: {  	[smem:$0x3FA8] =	sst s1  }
0xa: {  	[smem:$0x3FA9] =	sst s2  }
0xb: {  	[smem:$0x3FAA] =	sst s3  }
0xc: {  	[smem:$0x3FAB] =	sst s4  }
0xd: {  	[smem:$0x3FAC] =	sst s5  }
0xe: {  	[smem:$0x3FAD] =	sst s6  }
0xf: {  	[smem:$0x3FAE] =	sst s7  }
0x10: {  	[smem:$0x3FAF] =	sst s8  }
0x11: {  	[smem:$0x3FB0] =	sst s9;
	s0 =	simm.s32 @!p0 $0x0  }
0x12: {  	s1 =	sld [smem:$0x3F96];
	s0 =	simm.s32 @p0 $0x1  }
0x13: {  	[smem:$0x3FB1] =	sst s0;
	s0 =	simm.s32 @!p1 $0x0  }
0x14: {  	s2 =	sld [smem:$0x3F95];
	s0 =	simm.s32 @p1 $0x1  }
0x15: {  	[smem:$0x3FB2] =	sst s0;
	s0 =	simm.s32 @!p2 $0x0  }
0x16: {  	s3 =	sld [smem:$0x3FDB];
	s0 =	simm.s32 @p2 $0x1  }
0x17: {  	s4 =	simm.s32 $0x1BF5;
	[smem:$0x3FB4] =	sst s0  }
0x18: {  	s0 =	sld [smem:$0x3F97];
	_ =	swait.ge [sflag:s4], $0x0  }
0x19: {  	s7 =	sld [smem:$0x3F98]  }
0x1a: {  	s8 =	sadd.s32 $0xFFFFE003, lr  }
0x1b: {  	s9 =	sadd.s32 $0xFFFFFEF7, lr;
	s5 =	simm.s32 $0xFFFFFFFF;
	p2 =	slt.u32 s8, $0xFFFFF086  }
0x1c: {  	p1 =	slt.u32 s9, $0xF7A;
	s5 =	simm.s32 @!p2 $0x0  }
0x1d: {  	s5 =	simm.s32 @p1 $0x1;
	p0 =	seq.s32 s7, s2  }
0x1e: {  	s7 =	smul.u32 @!p0 $0xF7A, s2;
	p2 =	seq.s32 @!p0 s5, $0x0  }
0x1f: {  	s9 =	smul.u32 $0xF7A, s1;
	s8 =	simm.s32 @!p0 $0x1BF5;
	p2 =	por !p2, p0  }
0x20: {  	[sflag:s8] =	ssyncset.s32 @!p0 $0xFFFFF086;
	s6 =	sadd.s32 @!p0 s3, s7;
	s7 =	simm.s32 @!p0 $0x108  }
0x21: {  	s3 =	sadd.s32 s3, s9;
	s6 =	sadd.s32 @!p0 $0x88, s6;
	s7 =	simm.s32 @p2 $0x1082  }
0x22: {  	[simem:s7], [sflag:s8] =	dma.local @!p0 [hbm:s6], $0xF7A  }
0x23: {  	s9 =	sor.u32 $0xD0000000, s2;
	s6 =	simm.s32 $0x108;
	_ =	swait.ge @!p0 [sflag:s8], $0x0  }
0x24: {  	s3 =	sadd.s32 $0x88, s3;
	s6 =	simm.s32 @!p1 $0x1082;
	[sflag:s4] =	ssyncset.s32 $0xFFFFF086  }
0x25: {  	[simem:s6], [sflag:s4] =	dma.local [hbm:s3], $0xF7A  }
0x26: {  	[smem:$0x3F98] =	sst s1;
	(tag) =	ssettag s2;
	_ =	strace s9  }
0x27: {  	s1 =	sld [smem:$0x3FA8]  }
0x28: {  	s2 =	sld [smem:$0x3FA9]  }
0x29: {  	s4 =	sld [smem:$0x3FAB]  }
0x2a: {  	p0 =	seq.s32 s5, $0x0;
	s5 =	sld [smem:$0x3FAC]  }
0x2b: {  	s6 =	sld [smem:$0x3FAD]  }
0x2c: {  	s7 =	sld [smem:$0x3FAE]  }
0x2d: {  	s3 =	simm.s32 $0x108;
	s8 =	sld [smem:$0x3FAF]  }
0x2e: {  	s3 =	simm.s32 @!p0 $0x1082;
	s9 =	sld [smem:$0x3FB0]  }
0x2f: {  	lr =	sadd.s32 s0, s3;
	s0 =	sld [smem:$0x3FA7]  }
0x30: {  	s3 =	sld [smem:$0x3FAA]  }
0x31: {  	[smem:$0x3FB3] =	sst s10  }
0x32: {  	s10 =	sld [smem:$0x3FB1];
	_ =	sdelay $0x3  }
0x33: {  	p0 =	seq.s32 s10, $0x1;
	s10 =	sld [smem:$0x3FB3];
	_ =	sdelay $0x3  }
0x34: {  	[smem:$0x3FB3] =	sst s10  }
0x35: {  	s10 =	sld [smem:$0x3FB2];
	_ =	sdelay $0x3  }
0x36: {  	p1 =	seq.s32 s10, $0x1;
	s10 =	sld [smem:$0x3FB3];
	_ =	sdelay $0x3  }
0x37: {  	[smem:$0x3FB3] =	sst s10  }
0x38: {  	s10 =	sld [smem:$0x3FB4]  }
0x39: {  	_ = 	snop;
	(pc) =	sbr.ind lr, $3  }
0x3a: {  	_ = 	snop  }
0x3b: {  	_ = 	snop  }
0x3c: {  	p2 =	seq.s32 s10, $0x1;
	s10 =	sld [smem:$0x3FB3]  }
0x3d: {  	_ =	shalt  }
0x3e: {  	_ =	shalt  }
0x3f: {  	_ =	shalt  }
0x40: {  	_ =	shalt  }
0x41: {  	_ =	shalt  }
0x42: {  	_ =	shalt  }
0x43: {  	_ =	shalt  }
0x44: {  	_ =	shalt  }
0x45: {  	_ =	shalt  }
0x46: {  	_ =	shalt  }
0x47: {  	_ =	shalt  }
0x48: {  	_ =	shalt  }
0x49: {  	_ =	shalt  }
0x4a: {  	_ =	shalt  }
0x4b: {  	_ =	shalt  }
0x4c: {  	_ =	shalt  }
0x4d: {  	_ =	shalt  }
0x4e: {  	_ =	shalt  }
0x4f: {  	_ =	shalt  }
0x50: {  	_ =	shalt  }
0x51: {  	_ =	shalt  }
0x52: {  	_ =	shalt  }
0x53: {  	_ =	shalt  }
0x54: {  	_ =	shalt  }
0x55: {  	_ =	shalt  }
0x56: {  	_ =	shalt  }
0x57: {  	_ =	shalt  }
0x58: {  	_ =	shalt  }
0x59: {  	_ =	shalt  }
0x5a: {  	_ =	shalt  }
0x5b: {  	_ =	shalt  }
0x5c: {  	_ =	shalt  }
0x5d: {  	_ =	shalt  }
0x5e: {  	_ =	shalt  }
0x5f: {  	_ =	shalt  }
0x60: {  	_ =	shalt  }
0x61: {  	_ =	shalt  }
0x62: {  	_ =	shalt  }
0x63: {  	_ =	shalt  }
0x64: {  	_ =	shalt  }
0x65: {  	_ =	shalt  }
0x66: {  	_ =	shalt  }
0x67: {  	_ =	shalt  }
0x68: {  	_ =	shalt  }
0x69: {  	_ =	shalt  }
0x6a: {  	_ =	shalt  }
0x6b: {  	_ =	shalt  }
0x6c: {  	_ =	shalt  }
0x6d: {  	_ =	shalt  }
0x6e: {  	_ =	shalt  }
0x6f: {  	_ =	shalt  }
0x70: {  	_ =	shalt  }
0x71: {  	_ =	shalt  }
0x72: {  	_ =	shalt  }
0x73: {  	_ =	shalt  }
0x74: {  	_ =	shalt  }
0x75: {  	_ =	shalt  }
0x76: {  	_ =	shalt  }
0x77: {  	_ =	shalt  }
0x78: {  	_ =	shalt  }
0x79: {  	_ =	shalt  }
0x7a: {  	_ =	shalt  }
0x7b: {  	_ =	shalt  }
0x7c: {  	_ =	shalt  }
0x7d: {  	_ =	shalt  }
0x7e: {  	_ =	shalt  }
0x7f: {  	_ =	shalt  }
0x80: {  	_ =	shalt  }
0x81: {  	_ =	shalt  }
0x82: {  	_ =	shalt  }
0x83: {  	_ =	shalt  }
0x84: {  	_ =	shalt  }
0x85: {  	_ =	shalt  }
0x86: {  	_ =	shalt  }
0x87: {  	_ =	shalt  }
.Lfunc_end0:
.L_simem_size_0:
called_computation.1_lowered:
.L_overlay_start_0:
0x88: {  	s2 =	sld [smem:$0x3FD9]  }
0x89: {  	s3 =	sld [smem:$0x3FFE];
	_ =	sdelay $0x1  }
0x8a: {  	s1 =	srdreg.scid  }
0x8b: {  	s0 =	sand.u32 $0x1, s1  }
0x8c: {  	s17 =	sshll.u32 s0, $0xA;
	s2 =	sadd.s32 s3, s2  }
0x8d: {  	s2 =	sadd.s32 s2, s17  }
0x8e: {  	[smem:$0x3FBF] =	sst s2  }
0x8f: {  	_ = 	snop  }
0x90: {  	s2 =	sld [smem:$0x3FD0];
	(tm) =	ssettm $0x1  }
0x91: {  	s18 =	sld [smem:$0x3FFB];
	_ =	sdelay $0x3  }
0x92: {  	_ =	strace s18  }
0x93: {  	s3 =	sld [smem:$0x3FFC];
	_ =	sdelay $0x3  }
0x94: {  	_ =	strace s3  }
0x95: {  	s3 =	sld [smem:$0x3FFD];
	_ =	sdelay $0x3  }
0x96: {  	_ =	strace s3  }
0x97: {  	_ =	strace $0x8FFFFFFF  }
0x98: {  	s19 =	sld [smem:$0x3FDB];
	_ =	sdelay $0x1  }
0x99: {  	s4 =	simm.s32 $_scs_section_size  }
0x9a: {  	s5 =	simm.s32 $_size__tile_overlayer_lowered;
	s6 =	simm.s32 $_tile_overlayer_lowered  }
0x9b: {  	s22 =	simm.s32 $0x1BFF;
	s21 =	sshll.u32 s6, $0x1;
	s3 =	sadd.s32 s4, s19  }
0x9c: {  	s7 =	simm.s32 $0x0;
	s20 =	sshll.u32 s5, $0x1;
	s5 =	sadd.s32 s21, s3  }
0x9d: {  	[timem:s7], [sflag:s22] =	dma.local [hbm:s5], s20  }
0x9e: {  	_ =	swait.ge [sflag:s22], s20  }
0x9f: {  	s4 =	ssub.s32 $0x0, s20;
	[sflag:s22] =	ssyncset.done $0x0  }
0xa0: {  	[sflag:s22] =	ssyncadd.s32 s4;
	_ =	sdelay $0x1  }
0xa1: {  	s23 =	simm.s32 $0x1B8B  }
0xa2: {  	_ =	swait.ge [sflag:s23], $0x1  }
0xa3: {  	[sflag:s23] =	ssyncset.done $0x0  }
0xa4: {  	s25 =	simm.s32 $0x1B8E;
	s24 =	sld [smem:$0x3FFE];
	[sflag:s23] =	ssyncadd.s32 $0xFFFFFFFF  }
0xa5: {  	s26 =	simm.s32 $execute0_lowered;
	[smem:$0x3FD2] =	sst s25  }
0xa6: {  	s5 =	sshll.u32 s26, $0x1;
	_ =	strace $0x80000049;
	[dreg:$0x1] =	wrdreg $0xFFFFFFFF  }
0xa7: {  	s28 =	simm.s32 $_size_execute0_lowered;
	s3 =	sadd.s32 s3, s5;
	[dreg:$0x0] =	wrdreg $0x0  }
0xa8: {  	s5 =	sshll.u32 s28, $0x1;
	[dreg:$0x2] =	wrdreg s3  }
0xa9: {  	[dreg:$0x3] =	wrdreg s5  }
0xaa: {  	[dreg:$0x4] =	wrdreg $0xC0  }
0xab: {  	_ =	task [dreg:s7], $0x5FFFF  }
0xac: {  	[dreg:$0x1] =	wrdreg $0xFFFFFFFF  }
0xad: {  	[dreg:$0x0] =	wrdreg $0x60  }
0xae: {  	[dreg:$0x2] =	wrdreg s24  }
0xaf: {  	[dreg:$0x3] =	wrdreg s2  }
0xb0: {  	[dreg:$0x4] =	wrdreg $0x54800  }
0xb1: {  	[dreg:$0x5] =	wrdreg $0x9  }
0xb2: {  	_ =	task.clear_ibuf [dreg:s7], $0x6FFFF;
	_ =	strace $0x90000049  }
0xb3: {  	s29 =	simm.s32 $0x9;
	_ =	strace $0x8000004B  }
0xb4: {  	_ =	swait.ge [sflag:s29], $0x1  }
0xb5: {  	[sflag:s29] =	ssyncadd.s32 $0xFFFFFFFF  }
0xb6: {  	_ =	strace $0x9000004B  }
0xb7: {  	_ =	sfence  }
0xb8: {  	s30 =	sld [smem:$0x0];
	_ =	sdelay $0x2  }
0xb9: {  	s31 =	sshll.u32 s1, $0xD;
	s1 =	sshrl.u32 s1, $0x2  }
0xba: {  	s3 =	sand.u32 $0x4000, s31;
	s1 =	sadd.s32 s1, s30  }
0xbb: {  	s0 =	sor.u32 s3, s0;
	s1 =	sshll.u32 s1, $0x11  }
0xbc: {  	s0 =	sor.u32 s1, s0  }
0xbd: {  	s0 =	sadd.s32 $0x8F2B, s0  }
0xbe: {  	[sflag:s0] =	ssyncadd.remote.s32 $0x1  }
0xbf: {  	_ =	sfence.sel $0xFFFF  }
0xc0: {  	[dreg:$0x0] =	wrdreg $0xFFFFFFFF;
	(pc) =	sbr.abs _section_cstart, $3  }
0xc1: {  	[dreg:$0x1] =	wrdreg $0xFFFFFFFF  }
0xc2: {  	_ =	task.clear_ibuf [dreg:s7], $0x2FFFF;
	_ =	strace $0x9FFFFFFF  }
0xc3: {  	(tm) =	ssettm $0x7FFFFFFF  }
tec
execute0_lowered:
.L_overlay_start_1:
0x0: {  	(tag) =	ssettag $0x1  }
0x1: {  	s0 =	rddreg [dreg:$0x0]  }
0x2: {  	s1 =	rddreg [dreg:$0x1]  }
0x3: {  	s2 =	rddreg [dreg:$0x2];
	s4 =	simm.s32 $0x0;
	s3 =	srdreg.scid  }
0x4: {  	s17 =	stileid.u32;
	[smem:$0x7FF] =	sst s4  }
0x5: {  	s3 =	sand.u32 $0x1, s3;
	s5 =	sadd.s32 $0x35E00, s0;
	s7 =	smul.u32 $0x50000, s17  }
0x6: {  	s8 =	sadd.s32 $0x5DE00, s0;
	s10 =	smul.u32 $0x14000, s17;
	_ =	strace $0x8000004A  }
0x7: {  	s6 =	ssub.s32 $0x2, s3;
	s19 =	sshll.u32 s3, $0x4;
	s3 =	smul.u32 $0x140000, s3  }
0x8: {  	s9 =	sshrl.u32 s6, $0x1;
	s11 =	sor.u32 $0x2800, s10;
	s12 =	sadd.s32 $0x5000, s10  }
0x9: {  	s13 =	sadd.s32 $0x7800, s10;
	s21 =	sadd.s32 $0xA000, s10;
	s22 =	sadd.s32 $0xC800, s10  }
0xa: {  	s23 =	sadd.s32 $0xF000, s10;
	s6 =	ssub.s32 s6, s9;
	s14 =	sadd.s32 s10, s3  }
0xb: {  	s15 =	sadd.s32 s3, s11;
	s10 =	sadd.s32 $0x11800, s10;
	s24 =	sadd.s32 s3, s12  }
0xc: {  	s25 =	sadd.s32 s3, s13;
	s16 =	sadd.s32 s3, s21;
	s29 =	sadd.s32 s3, s22  }
0xd: {  	s30 =	sadd.s32 s3, s23;
	s9 =	sor.u32 s17, s19;
	s18 =	sadd.s32 s11, s2  }
0xe: {  	s19 =	sadd.s32 s12, s2;
	s21 =	sadd.s32 s21, s2;
	s22 =	sadd.s32 s22, s2  }
0xf: {  	s23 =	sadd.s32 s23, s2;
	s11 =	simm.s32 $0x0;
	s14 =	sshrl.u32 s14, $0x3  }
0x10: {  	s20 =	sshrl.u32 s15, $0x3;
	s28 =	sshrl.u32 s16, $0x3;
	s16 =	smul.u32 $0x7D, s9  }
0x11: {  	s15 =	sshrl.u32 s25, $0x3;
	s3 =	sadd.s32 s3, s10;
	s25 =	smul.u32 $0x7D0, s9  }
0x12: {  	s14 =	sadd.s32 s8, s14;
	s26 =	sadd.s32 s8, s15;
	s15 =	sshrl.u32 s30, $0x3  }
0x13: {  	s3 =	sshrl.u32 s3, $0x3;
	[dreg:$0x4] =	wrdreg s14;
	s14 =	sadd.s32 s8, s20  }
0x14: {  	[dreg:$0x7] =	wrdreg s26;
	s31 =	sadd.s32 s8, s15;
	s3 =	sadd.s32 s8, s3  }
0x15: {  	s15 =	sadd.s32 $0x16A00, s0;
	s20 =	sadd.s32 s13, s2;
	[dreg:$0x5] =	wrdreg s14  }
0x16: {  	s26 =	sadd.s32 s1, s25;
	s14 =	sshrl.u32 s24, $0x3;
	[dreg:$0xa] =	wrdreg s31  }
0x17: {  	[dreg:$0xb] =	wrdreg s3;
	s24 =	sshrl.u32 s7, $0x2;
	s3 =	smul.u32 $0x3E80, s9  }
0x18: {  	[dreg:$0xc] =	wrdreg s26;
	s31 =	smax.u32 s6, $0x1;
	s14 =	sadd.s32 s8, s14  }
0x19: {  	s6 =	simm.s32 $0x8;
	[dreg:$0x6] =	wrdreg s14;
	s14 =	sadd.s32 s8, s28  }
0x1a: {  	s3 =	sshrl.u32 s3, $0x3;
	[dreg:$0x8] =	wrdreg s14;
	s14 =	sshrl.u32 s29, $0x3  }
0x1b: {  	[dreg:$0x12] =	wrdreg s31;
	s29 =	sadd.s32 $0x10, s3;
	s14 =	sadd.s32 s8, s14  }
0x1c: {  	s7 =	simm.s32 $0x300;
	s3 =	sadd.s32 s1, s29;
	[dreg:$0x9] =	wrdreg s14  }
0x1d: {  	s14 =	sadd.s32 $0x26400, s0;
	s0 =	sadd.s32 s15, s25;
	[dreg:$0xf] =	wrdreg s3  }
0x1e: {  	s9 =	simm.s32 $0x50;
	s28 =	sadd.s32 s14, s25;
	[dreg:$0xe] =	wrdreg s0  }
0x1f: {  	s17 =	sadd.s32 s24, s2;
	s30 =	sadd.s32 s14, s29;
	[dreg:$0xd] =	wrdreg s28  }
0x20: {  	s24 =	sadd.s32 s10, s2;
	s0 =	sadd.s32 s15, s29;
	[dreg:$0x10] =	wrdreg s30  }
0x21: {  	v0 =	vimm.f32 $0.0e+00;
	s8 =	simm.s32 $0x1;
	s3 =	simm.s32 $0x480;
	[dreg:$0x11] =	wrdreg s0  }
.LBB2_1:
0x22: {  	s12 =	simm.s32 $0x0;
	s13 =	simm.s32 $0x200  }
.LBB2_2:
0x23: {  	p0 =	sne.s32 s13, $0x9E00;
	[tilespmem:s12+$0x4F0] =	vst v0  }
0x24: {  	[tilespmem:s12+$0x480] =	vst v0  }
0x25: {  	[tilespmem:s12+$0x490] =	vst v0  }
.Ltmp0:
0x26: {  	[tilespmem:s12+$0x4A0] =	vst v0;
	(pc) =	sbr.rel @p0 .LBB2_2-.Ltmp0, $4  }
0x27: {  	[tilespmem:s12+$0x4B0] =	vst v0  }
0x28: {  	[tilespmem:s12+$0x4C0] =	vst v0  }
0x29: {  	[tilespmem:s12+$0x4D0] =	vst v0  }
0x2a: {  	[tilespmem:s12+$0x4E0] =	vst v0;
	s12 =	sshra.s32 s13, $0x2;
	s13 =	sadd.s32 $0x200, s13  }
0x2b: {  	[tilespmem:s12+$0x4F0] =	vst v0  }
0x2c: {  	[tilespmem:s12+$0x480] =	vst v0  }
0x2d: {  	[tilespmem:s12+$0x490] =	vst v0  }
0x2e: {  	[tilespmem:s12+$0x4A0] =	vst v0  }
0x2f: {  	[tilespmem:s12+$0x4B0] =	vst v0  }
0x30: {  	[tilespmem:s12+$0x4C0] =	vst v0  }
0x31: {  	[tilespmem:s12+$0x4D0] =	vst v0  }
0x32: {  	[tilespmem:s12+$0x4E0] =	vst v0  }
0x33: {  	[spmem:s17] =	stream.linear.scatter [tilespmem:s3], [sflag:$0x8], $0x2800, $0x38;
	[tilespmem:$0x19480] =	vst v63  }
0x34: {  	_ =	swait.ge [sflag:s6], $0x2800  }
0x35: {  	[sflag:s6] =	ssyncset.done $0x0  }
0x36: {  	[sflag:s6] =	ssyncadd.s32 $0xFFFFD800  }
0x37: {  	[spmem:s18] =	stream.linear.scatter [tilespmem:s3], [sflag:$0x8], $0x2800, $0x38;
	[tilespmem:$0x19480] =	vst v63  }
0x38: {  	_ =	swait.ge [sflag:s6], $0x2800  }
0x39: {  	[sflag:s6] =	ssyncset.done $0x0  }
0x3a: {  	[sflag:s6] =	ssyncadd.s32 $0xFFFFD800  }
0x3b: {  	[spmem:s19] =	stream.linear.scatter [tilespmem:s3], [sflag:$0x8], $0x2800, $0x38;
	[tilespmem:$0x19480] =	vst v63  }
0x3c: {  	_ =	swait.ge [sflag:s6], $0x2800  }
0x3d: {  	[sflag:s6] =	ssyncset.done $0x0  }
0x3e: {  	[sflag:s6] =	ssyncadd.s32 $0xFFFFD800  }
0x3f: {  	[spmem:s20] =	stream.linear.scatter [tilespmem:s3], [sflag:$0x8], $0x2800, $0x38;
	[tilespmem:$0x19480] =	vst v63  }
0x40: {  	_ =	swait.ge [sflag:s6], $0x2800  }
0x41: {  	[sflag:s6] =	ssyncset.done $0x0  }
0x42: {  	[sflag:s6] =	ssyncadd.s32 $0xFFFFD800  }
0x43: {  	[spmem:s21] =	stream.linear.scatter [tilespmem:s3], [sflag:$0x8], $0x2800, $0x38;
	[tilespmem:$0x19480] =	vst v63  }
0x44: {  	_ =	swait.ge [sflag:s6], $0x2800  }
0x45: {  	[sflag:s6] =	ssyncset.done $0x0  }
0x46: {  	[sflag:s6] =	ssyncadd.s32 $0xFFFFD800  }
0x47: {  	[spmem:s22] =	stream.linear.scatter [tilespmem:s3], [sflag:$0x8], $0x2800, $0x38;
	[tilespmem:$0x19480] =	vst v63  }
0x48: {  	_ =	swait.ge [sflag:s6], $0x2800  }
0x49: {  	[sflag:s6] =	ssyncset.done $0x0  }
0x4a: {  	[sflag:s6] =	ssyncadd.s32 $0xFFFFD800  }
0x4b: {  	[spmem:s23] =	stream.linear.scatter [tilespmem:s3], [sflag:$0x8], $0x2800, $0x38;
	[tilespmem:$0x19480] =	vst v63  }
0x4c: {  	_ =	swait.ge [sflag:s6], $0x2800  }
0x4d: {  	[sflag:s6] =	ssyncset.done $0x0  }
0x4e: {  	[sflag:s6] =	ssyncadd.s32 $0xFFFFD800  }
0x4f: {  	[spmem:s24] =	stream.linear.scatter [tilespmem:s3], [sflag:$0x8], $0x2800, $0x38;
	[tilespmem:$0x19480] =	vst v63  }
0x50: {  	_ =	swait.ge [sflag:s6], $0x2800  }
0x51: {  	[sflag:s6] =	ssyncset.done $0x0  }
0x52: {  	[sflag:s6] =	ssyncadd.s32 $0xFFFFD800  }
0x53: {  	[bflag:$0x0] =	sbarrier.arrive $0xFFFF  }
0x54: {  	s13 =	simm.s32 $0x0;
	s0 =	rddreg [dreg:$0xc]  }
0x55: {  	[tilespmem:s13], [sflag:$0x1] =	stream.linear.gather [hbm4b:s0+s13], $0x80, $0x38;
	[tilespmem:$0x19480] =	vst v63  }
0x56: {  	s10 =	simm.s32 $0x180;
	s31 =	rddreg [dreg:$0xd]  }
0x57: {  	[tilespmem:s10], [sflag:$0x1] =	stream.linear.gather [hbm4b:s31+s13], $0x80, $0x38;
	[tilespmem:$0x19480] =	vst v63  }
0x58: {  	s12 =	rddreg [dreg:$0xe]  }
0x59: {  	[tilespmem:s7], [sflag:$0x1] =	stream.linear.gather [hbm4b:s12+s13], $0x80, $0x38;
	[tilespmem:$0x19480] =	vst v63  }
0x5a: {  	s26 =	simm.s32 $0x80;
	s25 =	rddreg [dreg:$0xf]  }
0x5b: {  	[tilespmem:s26], [sflag:$0x2] =	stream.linear.gather [hbm4b:s25+s13], $0x80, $0x38;
	[tilespmem:$0x19480] =	vst v63  }
0x5c: {  	s29 =	simm.s32 $0x200;
	s28 =	rddreg [dreg:$0x10]  }
0x5d: {  	[tilespmem:s29], [sflag:$0x2] =	stream.linear.gather [hbm4b:s28+s13], $0x80, $0x38;
	[tilespmem:$0x19480] =	vst v63  }
0x5e: {  	s30 =	rddreg [dreg:$0x11];
	s31 =	simm.s32 $0x380  }
0x5f: {  	[tilespmem:s31], [sflag:$0x2] =	stream.linear.gather [hbm4b:s30+s13], $0x80, $0x38;
	[tilespmem:$0x19480] =	vst v63  }
0x60: {  	_ =	swait.ge [sflag:s8], $0x80  }
0x61: {  	[sflag:s8] =	ssyncset.done $0x0  }
0x62: {  	[sflag:s8] =	ssyncadd.s32 $0xFFFFFF80  }
0x63: {  	_ =	swait.ge [sflag:s8], $0x80  }
0x64: {  	[sflag:s8] =	ssyncset.done $0x0  }
0x65: {  	[sflag:s8] =	ssyncadd.s32 $0xFFFFFF80  }
0x66: {  	_ =	swait.ge [sflag:s8], $0x80  }
0x67: {  	[sflag:s8] =	ssyncset.done $0x0  }
0x68: {  	[sflag:s8] =	ssyncadd.s32 $0xFFFFFF80  }
0x69: {  	[tilespmem:s3], [sflag:$0x4] =	stream.indirect.gather [hbm4b:s5+s9], $0x80, s13, s9, $0xb8;
	[tilespmem:$0x19480] =	vst v63  }
.LBB2_4:
0x6a: {  	p0 =	seq.s32 s13, $0x0  }
0x6b: {  	p1 =	seq.s32 @!p0 s13, $0x7C  }
0x6c: {  	s12 =	sand.u32 $0x1, s13;
	p1 =	por p0, !p1  }
.Ltmp1:
0x6d: {  	s26 =	sxor.u32 $0x1, s12;
	(pc) =	sbr.rel @!p1 .LBB2_6-.Ltmp1, $4  }
0x6e: {  	s25 =	sor.u32 @!p0 $0x6, s26  }
0x6f: {  	_ =	swait.ge @!p0 [sflag:s25], $0x2800  }
0x70: {  	[sflag:s25] =	ssyncset.done @!p0 $0x0  }
0x71: {  	[sflag:s25] =	ssyncadd.s32 @!p0 $0xFFFFD800;
	s25 =	simm.s32 @!p0 $0x7D  }
0x72: {  	s25 =	sadd.s32 @!p0 $0x1, s13  }
0x73: {  	s25 =	simm.s32 @p0 $0x1  }
0x74: {  	s28 =	smul.u32 $0xAB, s25;
	_ =	sdelay $0x1  }
0x75: {  	s28 =	sshrl.u32 s28, $0x9  }
0x76: {  	s28 =	sand.u32 $0x7F, s28  }
0x77: {  	s28 =	smul.u32 $0x3, s28;
	_ =	sdelay $0x1  }
0x78: {  	s28 =	ssub.s32 s25, s28  }
0x79: {  	s28 =	sand.u32 $0xFF, s28  }
0x7a: {  	s29 =	sadd.s32 $0x1, s28  }
0x7b: {  	_ =	swait.ge [sflag:s29], $0x80  }
0x7c: {  	[sflag:s29] =	ssyncset.done $0x0  }
0x7d: {  	[sflag:s29] =	ssyncadd.s32 $0xFFFFFF80  }
0x7e: {  	_ =	swait.ge [sflag:s29], $0x80  }
0x7f: {  	[sflag:s29] =	ssyncset.done $0x0  }
0x80: {  	s30 =	smul.u32 $0xA000, s26;
	[sflag:s29] =	ssyncadd.s32 $0xFFFFFF80  }
0x81: {  	_ =	swait.ge [sflag:s29], $0x80  }
0x82: {  	s31 =	sor.u32 $0x4, s26;
	s30 =	sshrl.u32 s30, $0x2;
	[sflag:s29] =	ssyncset.done $0x0  }
0x83: {  	s28 =	sshll.u32 s28, $0x7;
	[sflag:s29] =	ssyncadd.s32 $0xFFFFFF80;
	s29 =	sor.u32 $0x480, s30  }
0x84: {  	[tilespmem:s29], [sflag:s31] =	stream.indirect.gather [hbm4b:s5+s9], $0x80, s28, s9, $0xb8;
	[tilespmem:$0x19480] =	vst v63  }
.LBB2_6:
0x85: {  	s26 =	smul.u32 $0xAB, s13;
	_ =	sdelay $0x1  }
0x86: {  	s26 =	sshrl.u32 s26, $0x9  }
0x87: {  	s26 =	sand.u32 $0x7F, s26  }
0x88: {  	s26 =	smul.u32 $0x3, s26;
	_ =	sdelay $0x1  }
0x89: {  	s28 =	sor.u32 $0x4, s12;
	s29 =	smul.u32 $0xA000, s12;
	s26 =	ssub.s32 s13, s26  }
0x8a: {  	s30 =	simm.s32 $0x7;
	_ =	swait.ge [sflag:s28], $0x2800;
	s26 =	sand.u32 $0xFF, s26  }
0x8b: {  	[sflag:s28] =	ssyncset.done $0x0;
	s29 =	sshrl.u32 s29, $0x2;
	s26 =	sshll.u32 s26, $0x7  }
0x8c: {  	[sflag:s28] =	ssyncadd.s32 $0xFFFFD800;
	s28 =	sor.u32 $0x480, s29;
	s29 =	sor.u32 $0x680, s29;
	v1 =	vmov s26  }
.LBB2_7:
0x8d: {  	s31 =	sadd.s32 $0xFFFFFFF9, s30  }
0x8e: {  	v2 =	vmov s31  }
0x8f: {  	s0 =	sadd.s32 $0xFFFFFFFA, s30;
	v2 =	vand.u32 $0x78, v2  }
0x90: {  	s10 =	sadd.s32 $0xFFFFFFFB, s30;
	v9 =	vmov s30;
	v3 =	vmov s0;
	v2 =	vor.u32 v1, v2  }
0x91: {  	v4 =	vmov s10;
	s0 =	sadd.s32 $0xFFFFFFFC, s30;
	v56 =	vand.u32 $0x7F, v9;
	v2 =	vbroadcast v2, $0x0  }
0x92: {  	s10 =	sadd.s32 $0xFFFFFFFD, s30;
	v3 =	vand.u32 $0x79, v3;
	v4 =	vand.u32 $0x7A, v4;
	v5 =	vmov s0  }
0x93: {  	v6 =	vmov s10;
	s0 =	sadd.s32 $0xFFFFFFFE, s30;
	v3 =	vor.u32 v1, v3;
	v4 =	vor.u32 v1, v4  }
0x94: {  	v5 =	vand.u32 $0x7B, v5;
	v7 =	vmov s0;
	v3 =	vbroadcast v3, $0x0  }
0x95: {  	v61 =	vld [tilespmem:s29+$0xFFFFFE10];
	v4 =	vbroadcast v4, $0x0;
	v5 =	vor.u32 v1, v5;
	v7 =	vand.u32 $0x7D, v7  }
0x96: {  	v62 =	vld [tilespmem:s29+$0xFFFFFE20];
	s10 =	sadd.s32 $0xFFFFFFFF, s30;
	v58 =	vor.u32 v1, v56;
	v5 =	vbroadcast v5, $0x0;
	v7 =	vor.u32 v1, v7  }
0x97: {  	v6 =	vand.u32 $0x7C, v6;
	v8 =	vmov s10;
	v10 =	vld.idx.msk [tilespmem:v2+s7+$0x0], $0xffff;
	v2 =	vbroadcast v7, $0x0  }
0x98: {  	v63 =	vld [tilespmem:s29+$0xFFFFFE30];
	v6 =	vor.u32 v1, v6;
	v8 =	vand.u32 $0x7E, v8;
	v7 =	vbroadcast v58, $0x0  }
0x99: {  	v12 =	vld [tilespmem:s29+$0xFFFFFE40];
	v6 =	vbroadcast v6, $0x0;
	v55 =	vor.u32 v1, v8  }
0x9a: {  	v57 =	vld.idx.msk [tilespmem:v3+s7+$0x0], $0xffff;
	v3 =	vbroadcast v55, $0x0  }
0x9b: {  	v11 =	vld.idx.msk [tilespmem:v4+s7+$0x0], $0xffff  }
0x9c: {  	v5 =	vld.idx.msk [tilespmem:v5+s7+$0x0], $0xffff  }
0x9d: {  	v60 =	vld.idx.msk [tilespmem:v2+s7+$0x0], $0xffff  }
0x9e: {  	v2 =	vld.idx.msk [tilespmem:v7+s7+$0x0], $0xffff;
	v7 =	vmul.f32 v61, v10  }
0x9f: {  	v6 =	vld.idx.msk [tilespmem:v6+s7+$0x0], $0xffff  }
0xa0: {  	v3 =	vld.idx.msk [tilespmem:v3+s7+$0x0], $0xffff;
	[tilespmem:s29+$0xFFFFFE10] =	vst v7;
	v7 =	vmul.f32 v62, v10  }
0xa1: {  	v13 =	vld [tilespmem:s29+$0xFFFFFE50]  }
0xa2: {  	[tilespmem:s29+$0xFFFFFE20] =	vst v7;
	v7 =	vmul.f32 v63, v10  }
0xa3: {  	v14 =	vld [tilespmem:s29+$0xFFFFFE60]  }
0xa4: {  	[tilespmem:s29+$0xFFFFFE30] =	vst v7;
	v7 =	vmul.f32 v12, v10  }
0xa5: {  	v15 =	vld [tilespmem:s29+$0xFFFFFE70]  }
0xa6: {  	[tilespmem:s29+$0xFFFFFE40] =	vst v7;
	v7 =	vmul.f32 v13, v10  }
0xa7: {  	v16 =	vld [tilespmem:s29+$0xFFFFFE80]  }
0xa8: {  	[tilespmem:s29+$0xFFFFFE50] =	vst v7;
	v7 =	vmul.f32 v14, v10  }
0xa9: {  	v17 =	vld [tilespmem:s29+$0xFFFFFE90]  }
0xaa: {  	[tilespmem:s29+$0xFFFFFE60] =	vst v7;
	v7 =	vmul.f32 v15, v10  }
0xab: {  	v18 =	vld [tilespmem:s29+$0xFFFFFEA0]  }
0xac: {  	[tilespmem:s29+$0xFFFFFE70] =	vst v7;
	v7 =	vmul.f32 v16, v57  }
0xad: {  	v19 =	vld [tilespmem:s29+$0xFFFFFEB0]  }
0xae: {  	[tilespmem:s29+$0xFFFFFE80] =	vst v7;
	v7 =	vmul.f32 v17, v57  }
0xaf: {  	v20 =	vld [tilespmem:s29+$0xFFFFFEC0]  }
0xb0: {  	[tilespmem:s29+$0xFFFFFE90] =	vst v7;
	v7 =	vmul.f32 v18, v57  }
0xb1: {  	v21 =	vld [tilespmem:s29+$0xFFFFFED0]  }
0xb2: {  	[tilespmem:s29+$0xFFFFFEA0] =	vst v7;
	v7 =	vmul.f32 v19, v57  }
0xb3: {  	v22 =	vld [tilespmem:s29+$0xFFFFFEE0]  }
0xb4: {  	[tilespmem:s29+$0xFFFFFEB0] =	vst v7;
	v7 =	vmul.f32 v20, v57  }
0xb5: {  	v23 =	vld [tilespmem:s29+$0xFFFFFEF0]  }
0xb6: {  	[tilespmem:s29+$0xFFFFFEC0] =	vst v7;
	v7 =	vmul.f32 v21, v57  }
0xb7: {  	v24 =	vld [tilespmem:s29+$0xFFFFFF00]  }
0xb8: {  	[tilespmem:s29+$0xFFFFFED0] =	vst v7;
	v7 =	vmul.f32 v22, v57  }
0xb9: {  	v25 =	vld [tilespmem:s29+$0xFFFFFF10]  }
0xba: {  	[tilespmem:s29+$0xFFFFFEE0] =	vst v7;
	v7 =	vmul.f32 v23, v57  }
0xbb: {  	v26 =	vld [tilespmem:s29+$0xFFFFFF20]  }
0xbc: {  	[tilespmem:s29+$0xFFFFFEF0] =	vst v7;
	v7 =	vmul.f32 v24, v11  }
0xbd: {  	v27 =	vld [tilespmem:s29+$0xFFFFFF30]  }
0xbe: {  	[tilespmem:s29+$0xFFFFFF00] =	vst v7;
	v7 =	vmul.f32 v25, v11  }
0xbf: {  	v28 =	vld [tilespmem:s29+$0xFFFFFF40]  }
0xc0: {  	[tilespmem:s29+$0xFFFFFF10] =	vst v7;
	v7 =	vmul.f32 v26, v11  }
0xc1: {  	v29 =	vld [tilespmem:s29+$0xFFFFFF50]  }
0xc2: {  	[tilespmem:s29+$0xFFFFFF20] =	vst v7;
	v7 =	vmul.f32 v27, v11  }
0xc3: {  	v30 =	vld [tilespmem:s29+$0xFFFFFF60]  }
0xc4: {  	[tilespmem:s29+$0xFFFFFF30] =	vst v7;
	v7 =	vmul.f32 v28, v11  }
0xc5: {  	v31 =	vld [tilespmem:s29+$0xFFFFFF70]  }
0xc6: {  	[tilespmem:s29+$0xFFFFFF40] =	vst v7;
	v7 =	vmul.f32 v29, v11  }
0xc7: {  	v32 =	vld [tilespmem:s29+$0xFFFFFF80]  }
0xc8: {  	[tilespmem:s29+$0xFFFFFF50] =	vst v7;
	v7 =	vmul.f32 v30, v11  }
0xc9: {  	v33 =	vld [tilespmem:s29+$0xFFFFFF90]  }
0xca: {  	[tilespmem:s29+$0xFFFFFF60] =	vst v7;
	v7 =	vmul.f32 v31, v11  }
0xcb: {  	v34 =	vld [tilespmem:s29+$0xFFFFFFA0]  }
0xcc: {  	[tilespmem:s29+$0xFFFFFF70] =	vst v7;
	v7 =	vmul.f32 v32, v5  }
0xcd: {  	v35 =	vld [tilespmem:s29+$0xFFFFFFB0]  }
0xce: {  	[tilespmem:s29+$0xFFFFFF80] =	vst v7;
	v7 =	vmul.f32 v33, v5  }
0xcf: {  	v36 =	vld [tilespmem:s29+$0xFFFFFFC0]  }
0xd0: {  	[tilespmem:s29+$0xFFFFFF90] =	vst v7;
	v7 =	vmul.f32 v34, v5  }
0xd1: {  	v37 =	vld [tilespmem:s29+$0xFFFFFFD0]  }
0xd2: {  	v38 =	vld [tilespmem:s29+$0xFFFFFFE0];
	[tilespmem:s29+$0xFFFFFFA0] =	vst v7;
	v7 =	vmul.f32 v35, v5  }
0xd3: {  	v39 =	vld [tilespmem:s29+$0xFFFFFFF0]  }
0xd4: {  	[tilespmem:s29+$0xFFFFFFB0] =	vst v7;
	v7 =	vmul.f32 v36, v5  }
0xd5: {  	v40 =	vld [tilespmem:s29+$0x0]  }
0xd6: {  	[tilespmem:s29+$0xFFFFFFC0] =	vst v7;
	v7 =	vmul.f32 v37, v5  }
0xd7: {  	v41 =	vld [tilespmem:s29+$0x10]  }
0xd8: {  	[tilespmem:s29+$0xFFFFFFD0] =	vst v7;
	v7 =	vmul.f32 v38, v5;
	v5 =	vmul.f32 v39, v5  }
0xd9: {  	v42 =	vld [tilespmem:s29+$0x20]  }
0xda: {  	[tilespmem:s29+$0xFFFFFFF0] =	vst v5;
	v5 =	vmul.f32 v40, v6  }
0xdb: {  	v43 =	vld [tilespmem:s29+$0x30]  }
0xdc: {  	[tilespmem:s29+$0x0] =	vst v5;
	v5 =	vmul.f32 v41, v6  }
0xdd: {  	v44 =	vld [tilespmem:s29+$0x40]  }
0xde: {  	[tilespmem:s29+$0x10] =	vst v5;
	v5 =	vmul.f32 v42, v6  }
0xdf: {  	v45 =	vld [tilespmem:s29+$0x50]  }
0xe0: {  	[tilespmem:s29+$0x20] =	vst v5;
	v5 =	vmul.f32 v43, v6  }
0xe1: {  	v46 =	vld [tilespmem:s29+$0x60]  }
0xe2: {  	[tilespmem:s29+$0x30] =	vst v5;
	v5 =	vmul.f32 v44, v6  }
0xe3: {  	v47 =	vld [tilespmem:s29+$0x70]  }
0xe4: {  	[tilespmem:s29+$0x40] =	vst v5;
	v5 =	vmul.f32 v45, v6  }
0xe5: {  	v48 =	vld [tilespmem:s29+$0x80]  }
0xe6: {  	[tilespmem:s29+$0x50] =	vst v5;
	v5 =	vmul.f32 v46, v6  }
0xe7: {  	v49 =	vld [tilespmem:s29+$0x90]  }
0xe8: {  	[tilespmem:s29+$0x60] =	vst v5;
	v5 =	vmul.f32 v47, v6  }
0xe9: {  	v50 =	vld [tilespmem:s29+$0xA0]  }
0xea: {  	v59 =	vld [tilespmem:s29+$0xFFFFFE00];
	[tilespmem:s29+$0x70] =	vst v5;
	v5 =	vmul.f32 v48, v60  }
0xeb: {  	v51 =	vld [tilespmem:s29+$0xB0]  }
0xec: {  	v55 =	vld [tilespmem:s29+$0xF0];
	[tilespmem:s29+$0x80] =	vst v5;
	v5 =	vmul.f32 v49, v60  }
0xed: {  	v52 =	vld [tilespmem:s29+$0xC0]  }
0xee: {  	v56 =	vld [tilespmem:s29+$0x100];
	[tilespmem:s29+$0x90] =	vst v5;
	v5 =	vmul.f32 v50, v60  }
0xef: {  	v53 =	vld [tilespmem:s29+$0xD0]  }
0xf0: {  	v57 =	vld [tilespmem:s29+$0x110];
	[tilespmem:s29+$0xA0] =	vst v5;
	v5 =	vmul.f32 v51, v60  }
0xf1: {  	v54 =	vld [tilespmem:s29+$0xE0];
	v4 =	vmul.f32 v55, v60  }
0xf2: {  	v58 =	vld [tilespmem:s29+$0x120];
	[tilespmem:s29+$0xB0] =	vst v5;
	v5 =	vmul.f32 v52, v60  }
0xf3: {  	[tilespmem:s29+$0xF0] =	vst v4;
	v4 =	vmul.f32 v56, v3  }
0xf4: {  	v8 =	vmul.f32 v59, v10;
	v59 =	vld [tilespmem:s29+$0x130];
	[tilespmem:s29+$0xC0] =	vst v5;
	v5 =	vmul.f32 v53, v60  }
0xf5: {  	[tilespmem:s29+$0x100] =	vst v4;
	v4 =	vmul.f32 v57, v3  }
0xf6: {  	[tilespmem:s29+$0xD0] =	vst v5;
	v5 =	vmul.f32 v54, v60;
	v60 =	vld [tilespmem:s29+$0x140]  }
0xf7: {  	[tilespmem:s29+$0x110] =	vst v4;
	v4 =	vmul.f32 v58, v3  }
0xf8: {  	v61 =	vld [tilespmem:s29+$0x150]  }
0xf9: {  	v62 =	vld [tilespmem:s29+$0x160];
	[tilespmem:s29+$0x120] =	vst v4;
	v4 =	vmul.f32 v59, v3  }
0xfa: {  	v63 =	vld [tilespmem:s29+$0x170]  }
0xfb: {  	[tilespmem:s29+$0x130] =	vst v4;
	v4 =	vmul.f32 v60, v3;
	_ =	sdelay $0x1  }
0xfc: {  	[tilespmem:s29+$0x140] =	vst v4;
	v4 =	vmul.f32 v61, v3;
	_ =	sdelay $0x1  }
0xfd: {  	[tilespmem:s29+$0x150] =	vst v4;
	v4 =	vmul.f32 v62, v3;
	v3 =	vmul.f32 v63, v3;
	_ =	sdelay $0x1  }
0xfe: {  	[tilespmem:s29+$0x170] =	vst v3;
	v3 =	vld [tilespmem:s29+$0x180];
	_ =	sdelay $0x4  }
0xff: {  	v3 =	vmul.f32 v3, v2;
	_ =	sdelay $0x1  }
0x100: {  	[tilespmem:s29+$0x180] =	vst v3;
	v3 =	vld [tilespmem:s29+$0x190];
	_ =	sdelay $0x4  }
0x101: {  	v3 =	vmul.f32 v3, v2;
	_ =	sdelay $0x1  }
0x102: {  	[tilespmem:s29+$0x190] =	vst v3;
	v3 =	vld [tilespmem:s29+$0x1A0];
	_ =	sdelay $0x4  }
0x103: {  	v3 =	vmul.f32 v3, v2;
	_ =	sdelay $0x1  }
0x104: {  	[tilespmem:s29+$0x1A0] =	vst v3;
	v3 =	vld [tilespmem:s29+$0x1B0];
	_ =	sdelay $0x4  }
0x105: {  	v3 =	vmul.f32 v3, v2;
	_ =	sdelay $0x1  }
0x106: {  	[tilespmem:s29+$0x1B0] =	vst v3;
	v3 =	vld [tilespmem:s29+$0x1C0];
	_ =	sdelay $0x4  }
0x107: {  	v3 =	vmul.f32 v3, v2;
	_ =	sdelay $0x1  }
0x108: {  	[tilespmem:s29+$0x1C0] =	vst v3;
	v3 =	vld [tilespmem:s29+$0x1D0];
	_ =	sdelay $0x4  }
0x109: {  	v3 =	vmul.f32 v3, v2;
	_ =	sdelay $0x1  }
0x10a: {  	[tilespmem:s29+$0x1D0] =	vst v3;
	v3 =	vld [tilespmem:s29+$0x1E0];
	_ =	sdelay $0x4  }
0x10b: {  	v3 =	vmul.f32 v3, v2;
	_ =	sdelay $0x1  }
0x10c: {  	[tilespmem:s29+$0x1E0] =	vst v3;
	v3 =	vld [tilespmem:s29+$0x1F0];
	_ =	sdelay $0x1  }
0x10d: {  	p0 =	sne.s32 s30, $0x4F  }
.Ltmp2:
0x10e: {  	[tilespmem:s29+$0xFFFFFE00] =	vst v8;
	(pc) =	sbr.rel @p0 .LBB2_7-.Ltmp2, $4  }
0x10f: {  	[tilespmem:s29+$0xFFFFFFE0] =	vst v7  }
0x110: {  	[tilespmem:s29+$0xE0] =	vst v5;
	v2 =	vmul.f32 v3, v2  }
0x111: {  	[tilespmem:s29+$0x160] =	vst v4  }
0x112: {  	s30 =	sadd.s32 $0x8, s30;
	[tilespmem:s29+$0x1F0] =	vst v2;
	s29 =	sadd.s32 $0x400, s29  }
0x113: {  	p0 =	sgt.u32 s13, $0x7A  }
0x114: {  	s13 =	sadd.s32 @!p0 $0x2, s13  }
0x115: {  	s29 =	smul.u32 @!p0 $0xAB, s13;
	_ =	sdelay $0x1  }
0x116: {  	s29 =	sshrl.u32 @!p0 s29, $0x9  }
0x117: {  	s29 =	sand.u32 @!p0 $0x7F, s29  }
0x118: {  	s29 =	smul.u32 @!p0 $0x3, s29;
	_ =	sdelay $0x1  }
0x119: {  	s29 =	ssub.s32 @!p0 s13, s29;
	s13 =	sadd.s32 @!p0 s16, s13  }
0x11a: {  	s13 =	sshll.u32 @!p0 s13, $0x4  }
0x11b: {  	s0 =	simm.s32 @!p0 $0x0;
	s29 =	sand.u32 @!p0 $0xFF, s29;
	s13 =	sand.u32 @!p0 $0x1FFFFFF0, s13  }
0x11c: {  	s30 =	sadd.s32 @!p0 $0x1, s29;
	s29 =	sshll.u32 @!p0 s29, $0x7;
	s31 =	sadd.s32 @!p0 s1, s13  }
0x11d: {  	[tilespmem:s29], [sflag:s30] =	stream.linear.gather @!p0 [hbm4b:s31+s0], $0x80, $0x38;
	[tilespmem:$0x19480] =	vst v63  }
0x11e: {  	s10 =	sadd.s32 @!p0 s14, s13;
	s31 =	sadd.s32 @!p0 $0x180, s29  }
0x11f: {  	[tilespmem:s31], [sflag:s30] =	stream.linear.gather @!p0 [hbm4b:s10+s0], $0x80, $0x38;
	[tilespmem:$0x19480] =	vst v63  }
0x120: {  	s13 =	sadd.s32 @!p0 s15, s13;
	s10 =	sadd.s32 @!p0 $0x300, s29  }
0x121: {  	[tilespmem:s10], [sflag:s30] =	stream.linear.gather @!p0 [hbm4b:s13+s0], $0x80, $0x38;
	[tilespmem:$0x19480] =	vst v63  }
0x122: {  	p0 =	slt.u32 s25, $0x7D  }
.Ltmp3:
0x123: {  	_ = 	snop;
	(pc) =	sbr.rel @p0 .LBB2_4-.Ltmp3, $3  }
0x124: {  	_ =	sdelay $0x1  }
0x125: {  	s31 =	sor.u32 $0x6, s12;
	s30 =	sadd.s32 $0x180, s26;
	s13 =	smov.u32 s25  }
0x126: {  	[spmem:s2] =	stream.indirect.scatter.add.f32 [tilespmem:s28], [sflag:s31], $0x80, s30, s9, $0xb8;
	[tilespmem:$0x19480] =	vst v63  }
0x127: {  	s0 =	simm.s32 $0x6  }
0x128: {  	_ =	swait.ge [sflag:s0], $0x2800  }
0x129: {  	[sflag:s0] =	ssyncset.done $0x0  }
0x12a: {  	[sflag:s0] =	ssyncadd.s32 $0xFFFFD800  }
0x12b: {  	[bflag:$0x0] =	sbarrier.arrive $0xFFFF  }
0x12c: {  	[tilespmem:s3], [sflag:$0x8] =	stream.linear.gather [spmem:s17], $0x2800, $0x38;
	[tilespmem:$0x19480] =	vst v63  }
0x12d: {  	_ =	swait.ge [sflag:s6], $0x2800  }
0x12e: {  	[sflag:s6] =	ssyncset.done $0x0  }
0x12f: {  	s10 =	rddreg [dreg:$0x4];
	[sflag:s6] =	ssyncadd.s32 $0xFFFFD800  }
0x130: {  	[hbm4b:s10+s4] =	stream.linear.scatter [tilespmem:s3], [sflag:$0x8], $0x2800, $0x38;
	[tilespmem:$0x19480] =	vst v63  }
0x131: {  	_ =	swait.ge [sflag:s6], $0x2800  }
0x132: {  	[sflag:s6] =	ssyncset.done $0x0  }
0x133: {  	[sflag:s6] =	ssyncadd.s32 $0xFFFFD800  }
0x134: {  	[tilespmem:s3], [sflag:$0x8] =	stream.linear.gather [spmem:s18], $0x2800, $0x38;
	[tilespmem:$0x19480] =	vst v63  }
0x135: {  	_ =	swait.ge [sflag:s6], $0x2800  }
0x136: {  	[sflag:s6] =	ssyncset.done $0x0  }
0x137: {  	s12 =	rddreg [dreg:$0x5];
	[sflag:s6] =	ssyncadd.s32 $0xFFFFD800  }
0x138: {  	[hbm4b:s12+s4] =	stream.linear.scatter [tilespmem:s3], [sflag:$0x8], $0x2800, $0x38;
	[tilespmem:$0x19480] =	vst v63  }
0x139: {  	_ =	swait.ge [sflag:s6], $0x2800  }
0x13a: {  	[sflag:s6] =	ssyncset.done $0x0  }
0x13b: {  	[sflag:s6] =	ssyncadd.s32 $0xFFFFD800  }
0x13c: {  	[tilespmem:s3], [sflag:$0x8] =	stream.linear.gather [spmem:s19], $0x2800, $0x38;
	[tilespmem:$0x19480] =	vst v63  }
0x13d: {  	_ =	swait.ge [sflag:s6], $0x2800  }
0x13e: {  	[sflag:s6] =	ssyncset.done $0x0  }
0x13f: {  	s13 =	rddreg [dreg:$0x6];
	[sflag:s6] =	ssyncadd.s32 $0xFFFFD800  }
0x140: {  	[hbm4b:s13+s4] =	stream.linear.scatter [tilespmem:s3], [sflag:$0x8], $0x2800, $0x38;
	[tilespmem:$0x19480] =	vst v63  }
0x141: {  	_ =	swait.ge [sflag:s6], $0x2800  }
0x142: {  	[sflag:s6] =	ssyncset.done $0x0  }
0x143: {  	[sflag:s6] =	ssyncadd.s32 $0xFFFFD800  }
0x144: {  	[tilespmem:s3], [sflag:$0x8] =	stream.linear.gather [spmem:s20], $0x2800, $0x38;
	[tilespmem:$0x19480] =	vst v63  }
0x145: {  	_ =	swait.ge [sflag:s6], $0x2800  }
0x146: {  	[sflag:s6] =	ssyncset.done $0x0  }
0x147: {  	s25 =	rddreg [dreg:$0x7];
	[sflag:s6] =	ssyncadd.s32 $0xFFFFD800  }
0x148: {  	[hbm4b:s25+s4] =	stream.linear.scatter [tilespmem:s3], [sflag:$0x8], $0x2800, $0x38;
	[tilespmem:$0x19480] =	vst v63  }
0x149: {  	_ =	swait.ge [sflag:s6], $0x2800  }
0x14a: {  	[sflag:s6] =	ssyncset.done $0x0  }
0x14b: {  	[sflag:s6] =	ssyncadd.s32 $0xFFFFD800  }
0x14c: {  	[tilespmem:s3], [sflag:$0x8] =	stream.linear.gather [spmem:s21], $0x2800, $0x38;
	[tilespmem:$0x19480] =	vst v63  }
0x14d: {  	_ =	swait.ge [sflag:s6], $0x2800  }
0x14e: {  	[sflag:s6] =	ssyncset.done $0x0  }
0x14f: {  	s26 =	rddreg [dreg:$0x8];
	[sflag:s6] =	ssyncadd.s32 $0xFFFFD800  }
0x150: {  	[hbm4b:s26+s4] =	stream.linear.scatter [tilespmem:s3], [sflag:$0x8], $0x2800, $0x38;
	[tilespmem:$0x19480] =	vst v63  }
0x151: {  	_ =	swait.ge [sflag:s6], $0x2800  }
0x152: {  	[sflag:s6] =	ssyncset.done $0x0  }
0x153: {  	[sflag:s6] =	ssyncadd.s32 $0xFFFFD800  }
0x154: {  	[tilespmem:s3], [sflag:$0x8] =	stream.linear.gather [spmem:s22], $0x2800, $0x38;
	[tilespmem:$0x19480] =	vst v63  }
0x155: {  	_ =	swait.ge [sflag:s6], $0x2800  }
0x156: {  	[sflag:s6] =	ssyncset.done $0x0  }
0x157: {  	s28 =	rddreg [dreg:$0x9];
	[sflag:s6] =	ssyncadd.s32 $0xFFFFD800  }
0x158: {  	[hbm4b:s28+s4] =	stream.linear.scatter [tilespmem:s3], [sflag:$0x8], $0x2800, $0x38;
	[tilespmem:$0x19480] =	vst v63  }
0x159: {  	_ =	swait.ge [sflag:s6], $0x2800  }
0x15a: {  	[sflag:s6] =	ssyncset.done $0x0  }
0x15b: {  	[sflag:s6] =	ssyncadd.s32 $0xFFFFD800  }
0x15c: {  	[tilespmem:s3], [sflag:$0x8] =	stream.linear.gather [spmem:s23], $0x2800, $0x38;
	[tilespmem:$0x19480] =	vst v63  }
0x15d: {  	_ =	swait.ge [sflag:s6], $0x2800  }
0x15e: {  	[sflag:s6] =	ssyncset.done $0x0  }
0x15f: {  	s29 =	rddreg [dreg:$0xa];
	[sflag:s6] =	ssyncadd.s32 $0xFFFFD800  }
0x160: {  	[hbm4b:s29+s4] =	stream.linear.scatter [tilespmem:s3], [sflag:$0x8], $0x2800, $0x38;
	[tilespmem:$0x19480] =	vst v63  }
0x161: {  	_ =	swait.ge [sflag:s6], $0x2800  }
0x162: {  	[sflag:s6] =	ssyncset.done $0x0  }
0x163: {  	[sflag:s6] =	ssyncadd.s32 $0xFFFFD800  }
0x164: {  	[tilespmem:s3], [sflag:$0x8] =	stream.linear.gather [spmem:s24], $0x2800, $0x38;
	[tilespmem:$0x19480] =	vst v63  }
0x165: {  	_ =	swait.ge [sflag:s6], $0x2800  }
0x166: {  	[sflag:s6] =	ssyncset.done $0x0  }
0x167: {  	s30 =	rddreg [dreg:$0xb];
	[sflag:s6] =	ssyncadd.s32 $0xFFFFD800  }
0x168: {  	[hbm4b:s30+s4] =	stream.linear.scatter [tilespmem:s3], [sflag:$0x8], $0x2800, $0x38;
	[tilespmem:$0x19480] =	vst v63  }
0x169: {  	_ =	swait.ge [sflag:s6], $0x2800  }
0x16a: {  	s11 =	sadd.s32 $0x1, s11;
	s31 =	rddreg [dreg:$0x12]  }
0x16b: {  	p0 =	sne.s32 s11, s31  }
.Ltmp4:
0x16c: {  	_ = 	snop;
	(pc) =	sbr.rel @p0 .LBB2_1-.Ltmp4, $3  }
0x16d: {  	_ =	sdelay $0x1  }
0x16e: {  	[sflag:s6] =	ssyncset.done $0x0  }
0x16f: {  	[sflag:s6] =	ssyncadd.s32 $0xFFFFD800  }
0x170: {  	_ =	sfence.sel $0x180000  }
0x171: {  	[bflag:$0x0] =	sbarrier.arrive $0xFFFF  }
0x172: {  	_ =	strace $0x9000004A  }
0x173: {  	s0 =	stileid.u32;
	[bflag:$0x2] =	sbarrier.arrive $0xFFFF  }
0x174: {  	p0 =	sne.s32 s0, $0x0;
	s0 =	rddreg [dreg:$0x3]  }
0x175: {  	s0 =	sadd.s32 @!p0 $0x100000, s0  }
0x176: {  	[sflag:s0] =	ssyncadd.tile.s32 @!p0 $0x1;
	_ =	shalt  }
.Lfunc_end2:
_tile_overlayer_lowered:
.L_overlay_start_2:
0x177: {  	(tag) =	ssettag $0x2  }
0x178: {  	s0 =	rddreg [dreg:$0x0];
	s2 =	stileid.u32  }
0x179: {  	s1 =	rddreg [dreg:$0x1];
	p0 =	sne.s32 s2, $0x0  }
0x17a: {  	s3 =	rddreg [dreg:$0x2];
	[bflag:$0x3] =	sbarrier.arrive $0xFFFF;
	s2 =	simm.s32 @!p0 $0x1C08  }
0x17b: {  	[timem:s3], [sflag:s2] =	dma.local @!p0 [hbm:s0], s1  }
0x17c: {  	s0 =	simm.s32 @!p0 $0x8  }
0x17d: {  	_ =	swait.ge @!p0 [sflag:s0], s1  }
0x17e: {  	s1 =	ssub.s32 @!p0 $0x0, s1;
	[sflag:s0] =	ssyncset.done @!p0 $0x0  }
0x17f: {  	[sflag:s0] =	ssyncadd.s32 @!p0 s1  }
0x180: {  	[bflag:$0x3] =	sbarrier.arrive $0xFFFF  }
0x181: {  	_ =	shalt  }

</sc_bundles>
